<compile_context>
chip_gen: v7x
topology: tpu7x:2x2x1
jax: 0.10.2.dev20260603
libtpu: 0.0.44.dev20260713+nightly
codegen_flags: <defaults>
</compile_context>

<pallas_src>
import functools

import jax
import jax.numpy as jnp
from jax import lax
from jax.experimental import pallas as pl
from jax.experimental.pallas import tpu as pltpu
from jax.experimental.pallas import tpu_sc as plsc

N = 10000
E = 160000
D = 256
H = 256
C = 64

NP = 10240
EP = 163840
K = 64
NSUB = 16
NCORE = 2
ROWS_PER_SUB = NP // NSUB

_f32 = jnp.float32
_i32 = jnp.int32


def _sc_mesh():
    return plsc.VectorSubcoreMesh(core_axis_name="c", subcore_axis_name="s")


KD = 128
GD = EP // (NSUB * NCORE) // KD


def _deg_body(src_hbm, dst_hbm, ones_hbm, zeros_hbm, outs_hbm, outd_hbm,
              srci, dsti, ones_v, accs_sh, accd_sh, a0, a1, b0, b1):
    c = lax.axis_index("c")
    s = lax.axis_index("s")
    row0 = s * ROWS_PER_SUB
    wid = s * NCORE + c
    pltpu.sync_copy(src_hbm.at[wid], srci)
    pltpu.sync_copy(dst_hbm.at[wid], dsti)
    pltpu.sync_copy(ones_hbm, ones_v)
    pltpu.sync_copy(zeros_hbm.at[pl.ds(row0, ROWS_PER_SUB)],
                    accs_sh.at[pl.ds(row0, ROWS_PER_SUB)])
    pltpu.sync_copy(zeros_hbm.at[pl.ds(row0, ROWS_PER_SUB)],
                    accd_sh.at[pl.ds(row0, ROWS_PER_SUB)])
    plsc.subcore_barrier()

    asem = [a0, a1]
    bsem = [b0, b1]

    def a_start(i, b):
        pltpu.async_copy(ones_v, accs_sh.at[srci.at[i]], asem[b], add=True)

    def a_wait(i, b):
        pltpu.make_async_copy(ones_v, accs_sh.at[srci.at[i]],
                              asem[b]).wait()

    def b_start(i, b):
        pltpu.async_copy(ones_v, accd_sh.at[dsti.at[i]], bsem[b], add=True)

    def b_wait(i, b):
        pltpu.make_async_copy(ones_v, accd_sh.at[dsti.at[i]],
                              bsem[b]).wait()

    def body(g, carry):
        for b in range(2):
            i = 2 * g + b

            @pl.when(i >= 2)
            def _w():
                a_wait(i - 2, b)
                b_wait(i - 2, b)

            a_start(i, b)
            b_start(i, b)
        return carry

    lax.fori_loop(0, GD // 2, body, 0)
    a_wait(GD - 2, 0)
    b_wait(GD - 2, 0)
    a_wait(GD - 1, 1)
    b_wait(GD - 1, 1)

    plsc.subcore_barrier()
    out_row0 = c * NP + row0
    pltpu.sync_copy(accs_sh.at[pl.ds(row0, ROWS_PER_SUB)],
                    outs_hbm.at[pl.ds(out_row0, ROWS_PER_SUB)])
    pltpu.sync_copy(accd_sh.at[pl.ds(row0, ROWS_PER_SUB)],
                    outd_hbm.at[pl.ds(out_row0, ROWS_PER_SUB)])


@functools.cache
def _get_deg_kernel():
  return pl.kernel(
    _deg_body,
    out_type=(jax.ShapeDtypeStruct((2 * NP, 8), _f32),
              jax.ShapeDtypeStruct((2 * NP, 8), _f32)),
    mesh=_sc_mesh(),
    compiler_params=pltpu.CompilerParams(use_tc_tiling_on_sc=False),
    scratch_types=[
        pltpu.VMEM((GD, KD), _i32),
        pltpu.VMEM((GD, KD), _i32),
        pltpu.VMEM((KD, 8), _f32),
        pltpu.VMEM_SHARED((NP, 8), _f32),
        pltpu.VMEM_SHARED((NP, 8), _f32),
        pltpu.SemaphoreType.DMA,
        pltpu.SemaphoreType.DMA,
        pltpu.SemaphoreType.DMA,
        pltpu.SemaphoreType.DMA,
    ],
  )


GN = EP // (NSUB * NCORE) // K


def _pipelined_agg(src_ref, acc_sh, src_all, dst_all, rows, gsem, ssem, G):
    def g_start(i, b):
        pltpu.async_copy(src_ref.at[src_all.at[i]], rows[b], gsem[b])

    def g_wait(i, b):
        pltpu.make_async_copy(src_ref.at[src_all.at[i]], rows[b],
                              gsem[b]).wait()

    def s_start(i, b):
        pltpu.async_copy(rows[b], acc_sh.at[dst_all.at[i]], ssem[b],
                         add=True)

    def s_wait(i, b):
        pltpu.make_async_copy(rows[b], acc_sh.at[dst_all.at[i]],
                              ssem[b]).wait()

    g_start(0, 0)
    g_start(1, 1)

    def body(g, carry):
        for b in range(4):
            i = 4 * g + b
            bpre = (b + 2) % 4

            @pl.when(i + 2 < G)
            def _pre():
                @pl.when(i >= 2)
                def _w():
                    s_wait(i - 2, bpre)

                g_start(i + 2, bpre)

            g_wait(i, b)
            s_start(i, b)
        return carry

    lax.fori_loop(0, G // 4, body, 0)
    for b in range(4):
        s_wait(G - 4 + b, b)


GQ = EP // NSUB // K


def _agg_wideq_body(y_hbm, src_hbm, dst_hbm, zeros_hbm, out_hbm,
                    src_all, dst_all, r0, r1, r2, r3, y_sh, acc_sh,
                    g0, g1, g2, g3, s0, s1, s2, s3):
    c = lax.axis_index("c")
    s = lax.axis_index("s")
    row0 = s * ROWS_PER_SUB
    pltpu.sync_copy(src_hbm.at[s], src_all)
    pltpu.sync_copy(dst_hbm.at[s], dst_all)

    for qi in range(2):
        q = c * 2 + qi
        pltpu.sync_copy(y_hbm.at[pl.ds(q * NP + row0, ROWS_PER_SUB)],
                        y_sh.at[pl.ds(row0, ROWS_PER_SUB)])
        pltpu.sync_copy(zeros_hbm.at[pl.ds(row0, ROWS_PER_SUB)],
                        acc_sh.at[pl.ds(row0, ROWS_PER_SUB)])
        plsc.subcore_barrier()

        _pipelined_agg(y_sh, acc_sh, src_all, dst_all,
                       [r0, r1, r2, r3], [g0, g1, g2, g3],
                       [s0, s1, s2, s3], GQ)

        plsc.subcore_barrier()
        pltpu.sync_copy(acc_sh.at[pl.ds(row0, ROWS_PER_SUB)],
                        out_hbm.at[pl.ds(q * NP + row0, ROWS_PER_SUB)])
        plsc.subcore_barrier()


@functools.cache
def _get_agg_wideq():
  return pl.kernel(
    _agg_wideq_body,
    out_type=jax.ShapeDtypeStruct((4 * NP, C), _f32),
    mesh=_sc_mesh(),
    compiler_params=pltpu.CompilerParams(use_tc_tiling_on_sc=False),
    scratch_types=[
        pltpu.VMEM((GQ, K), _i32),
        pltpu.VMEM((GQ, K), _i32),
        pltpu.VMEM((K, C), _f32),
        pltpu.VMEM((K, C), _f32),
        pltpu.VMEM((K, C), _f32),
        pltpu.VMEM((K, C), _f32),
        pltpu.VMEM_SHARED((NP, C), _f32),
        pltpu.VMEM_SHARED((NP, C), _f32),
        pltpu.SemaphoreType.DMA,
        pltpu.SemaphoreType.DMA,
        pltpu.SemaphoreType.DMA,
        pltpu.SemaphoreType.DMA,
        pltpu.SemaphoreType.DMA,
        pltpu.SemaphoreType.DMA,
        pltpu.SemaphoreType.DMA,
        pltpu.SemaphoreType.DMA,
    ],
  )


def _agg_narrow_body(y_hbm, src_hbm, dst_hbm, zeros_hbm, out_hbm,
                     src_all, dst_all, r0, r1, r2, r3, y_sh, acc_sh,
                     g0, g1, g2, g3, s0, s1, s2, s3):
    c = lax.axis_index("c")
    s = lax.axis_index("s")
    row0 = s * ROWS_PER_SUB
    wid = s * NCORE + c
    pltpu.sync_copy(src_hbm.at[wid], src_all)
    pltpu.sync_copy(dst_hbm.at[wid], dst_all)
    pltpu.sync_copy(zeros_hbm.at[pl.ds(row0, ROWS_PER_SUB)],
                    acc_sh.at[pl.ds(row0, ROWS_PER_SUB)])
    pltpu.sync_copy(y_hbm.at[pl.ds(row0, ROWS_PER_SUB)],
                    y_sh.at[pl.ds(row0, ROWS_PER_SUB)])
    plsc.subcore_barrier()

    _pipelined_agg(y_sh, acc_sh, src_all, dst_all,
                   [r0, r1, r2, r3], [g0, g1, g2, g3],
                   [s0, s1, s2, s3], GN)

    plsc.subcore_barrier()
    pltpu.sync_copy(acc_sh.at[pl.ds(row0, ROWS_PER_SUB)],
                    out_hbm.at[pl.ds(c * NP + row0, ROWS_PER_SUB)])


@functools.cache
def _get_agg_narrow():
  return pl.kernel(
    _agg_narrow_body,
    out_type=jax.ShapeDtypeStruct((2 * NP, C), _f32),
    mesh=_sc_mesh(),
    compiler_params=pltpu.CompilerParams(use_tc_tiling_on_sc=False),
    scratch_types=[
        pltpu.VMEM((GN, K), _i32),
        pltpu.VMEM((GN, K), _i32),
        pltpu.VMEM((K, C), _f32),
        pltpu.VMEM((K, C), _f32),
        pltpu.VMEM((K, C), _f32),
        pltpu.VMEM((K, C), _f32),
        pltpu.VMEM_SHARED((NP, C), _f32),
        pltpu.VMEM_SHARED((NP, C), _f32),
        pltpu.SemaphoreType.DMA,
        pltpu.SemaphoreType.DMA,
        pltpu.SemaphoreType.DMA,
        pltpu.SemaphoreType.DMA,
        pltpu.SemaphoreType.DMA,
        pltpu.SemaphoreType.DMA,
        pltpu.SemaphoreType.DMA,
        pltpu.SemaphoreType.DMA,
    ],
  )


BM = 2048


def _inv_sqrt_deg(d0, d1):
    deg = d0[:, 0:1] + d1[:, 0:1]
    return jnp.where(deg > 0.0, lax.rsqrt(deg), 0.0)


def _tc0_body(x_ref, ds0_ref, ds1_ref, w_ref, o_ref):
    cs = _inv_sqrt_deg(ds0_ref[...], ds1_ref[...])
    o_ref[...] = jnp.dot(x_ref[...], w_ref[0],
                         preferred_element_type=_f32) * cs


def _tc0(x, deg_s, w0):
    nb = NP // BM
    return pl.pallas_call(
        _tc0_body,
        grid=(4, nb),
        in_specs=[
            pl.BlockSpec((BM, D), lambda h, r: (r, 0)),
            pl.BlockSpec((BM, 8), lambda h, r: (r, 0)),
            pl.BlockSpec((BM, 8), lambda h, r: (NP // BM + r, 0)),
            pl.BlockSpec((1, D, C), lambda h, r: (h, 0, 0)),
        ],
        out_specs=pl.BlockSpec((BM, C), lambda h, r: (h * nb + r, 0)),
        out_shape=jax.ShapeDtypeStruct((4 * NP, C), _f32),
    )(x, deg_s, deg_s, w0)


def _tc_mid_body(a0_ref, a1_ref, a2_ref, a3_ref,
                 ds0_ref, ds1_ref, dd0_ref, dd1_ref,
                 w0_ref, w1_ref, w2_ref, w3_ref, o_ref):
    cs = _inv_sqrt_deg(ds0_ref[...], ds1_ref[...])
    cd = _inv_sqrt_deg(dd0_ref[...], dd1_ref[...])
    acc = jnp.zeros(o_ref.shape, _f32)
    for a_ref, w_ref in ((a0_ref, w0_ref), (a1_ref, w1_ref),
                         (a2_ref, w2_ref), (a3_ref, w3_ref)):
        hq = jax.nn.relu(a_ref[...] * cd)
        acc = acc + jnp.dot(hq, w_ref[0, 0], preferred_element_type=_f32)
    o_ref[...] = acc * cs


def _tc_mid(agg, deg_s, deg_d, w, out_quarters):
    nb = NP // BM
    return pl.pallas_call(
        _tc_mid_body,
        grid=(out_quarters, nb),
        in_specs=[
            pl.BlockSpec((BM, C), lambda h, r: (0 * nb + r, 0)),
            pl.BlockSpec((BM, C), lambda h, r: (1 * nb + r, 0)),
            pl.BlockSpec((BM, C), lambda h, r: (2 * nb + r, 0)),
            pl.BlockSpec((BM, C), lambda h, r: (3 * nb + r, 0)),
            pl.BlockSpec((BM, 8), lambda h, r: (r, 0)),
            pl.BlockSpec((BM, 8), lambda h, r: (nb + r, 0)),
            pl.BlockSpec((BM, 8), lambda h, r: (r, 0)),
            pl.BlockSpec((BM, 8), lambda h, r: (nb + r, 0)),
            pl.BlockSpec((1, 1, C, C), lambda h, r: (0, h, 0, 0)),
            pl.BlockSpec((1, 1, C, C), lambda h, r: (1, h, 0, 0)),
            pl.BlockSpec((1, 1, C, C), lambda h, r: (2, h, 0, 0)),
            pl.BlockSpec((1, 1, C, C), lambda h, r: (3, h, 0, 0)),
        ],
        out_specs=pl.BlockSpec((BM, C), lambda h, r: (h * nb + r, 0)),
        out_shape=jax.ShapeDtypeStruct((out_quarters * NP, C), _f32),
    )(agg, agg, agg, agg, deg_s, deg_s, deg_d, deg_d, w, w, w, w)


def _tc_final_body(p0_ref, p1_ref, dd0_ref, dd1_ref, o_ref):
    cd = _inv_sqrt_deg(dd0_ref[...], dd1_ref[...])
    o_ref[...] = (p0_ref[...] + p1_ref[...]) * cd


def _tc_final(p0, p1, dd0, dd1):
    bm = 2000
    return pl.pallas_call(
        _tc_final_body,
        grid=(N // bm,),
        in_specs=[
            pl.BlockSpec((bm, C), lambda r: (r, 0)),
            pl.BlockSpec((bm, C), lambda r: (r, 0)),
            pl.BlockSpec((bm, 8), lambda r: (r, 0)),
            pl.BlockSpec((bm, 8), lambda r: (r, 0)),
        ],
        out_specs=pl.BlockSpec((bm, C), lambda r: (r, 0)),
        out_shape=jax.ShapeDtypeStruct((N, C), _f32),
    )(p0, p1, dd0, dd1)


def kernel(x, edge_index, W0, W1, W2):
    pad = jnp.full((EP - E,), NP - 1, _i32)
    srcp = jnp.concatenate([edge_index[0], pad])
    dstp = jnp.concatenate([edge_index[1], pad])

    ones8 = jnp.zeros((KD, 8), _f32).at[:, 0].set(1.0)
    zeros8 = jnp.zeros((NP, 8), _f32)
    zeros64 = jnp.zeros((NP, C), _f32)

    src_q = srcp.reshape(NSUB, GQ, K)
    dst_q = dstp.reshape(NSUB, GQ, K)
    src_n = srcp.reshape(NSUB * NCORE, GN, K)
    dst_n = dstp.reshape(NSUB * NCORE, GN, K)
    src_d = srcp.reshape(NSUB * NCORE, GD, KD)
    dst_d = dstp.reshape(NSUB * NCORE, GD, KD)

    w0q = W0.reshape(D, 4, C).transpose(1, 0, 2)
    w1q = W1.reshape(4, C, 4, C).transpose(0, 2, 1, 3)
    w2q = W2.reshape(4, C, 1, C).transpose(0, 2, 1, 3)

    deg_s, deg_d = _get_deg_kernel()(src_d, dst_d, ones8, zeros8)

    y0 = _tc0(x, deg_s, w0q)
    agg0 = _get_agg_wideq()(y0, src_q, dst_q, zeros64)
    y1 = _tc_mid(agg0, deg_s, deg_d, w1q, 4)
    agg1 = _get_agg_wideq()(y1, src_q, dst_q, zeros64)
    y2 = _tc_mid(agg1, deg_s, deg_d, w2q, 1)
    agg2 = _get_agg_narrow()(y2, src_n, dst_n, zeros64)

    return _tc_final(agg2[:N], agg2[NP:NP + N], deg_d[:N], deg_d[NP:NP + N])

# --- scband reference (transcript-rebuilt; emitter-appended) ---
"""Pipeline reference for scband-gcndglnet-75419625717995 (READ-ONLY COPY).

The authoritative reference and input builder live on the scoring server;
editing this copy changes nothing except your own understanding.
"""

import jax, jax.numpy as jnp
import numpy as np

N = 10000
E = 160000
D = 256
H = 256
C = 64

def setup_inputs(seed: int = 0) -> dict:
    key = jax.random.key(seed)
    k1, k2, k3, k4, k5 = jax.random.split(key, 5)
    x = jax.random.normal(k1, (N, D), dtype=jnp.float32)
    edge_index = jax.random.randint(k2, (2, E), 0, N, dtype=jnp.int32)
    # Glorot-ish initialized weights for the 3 GraphConv layers (bias=False)
    W0 = jax.random.normal(k3, (D, H), dtype=jnp.float32) * (1.0 / np.sqrt(D))
    W1 = jax.random.normal(k4, (H, H), dtype=jnp.float32) * (1.0 / np.sqrt(H))
    W2 = jax.random.normal(k5, (H, C), dtype=jnp.float32) * (1.0 / np.sqrt(H))
    return {"x": x, "edge_index": edge_index, "W0": W0, "W1": W1, "W2": W2}

def reference(x, edge_index, W0, W1, W2):
    # DGL GraphConv with norm='both': h_i = sum_j 1/sqrt(d_out(j) d_in(i)) * (x_j @ W)
    src = edge_index[0]
    dst = edge_index[1]
    out_deg = jnp.bincount(src, length=N).astype(jnp.float32)
    in_deg = jnp.bincount(dst, length=N).astype(jnp.float32)
    cs = jnp.where(out_deg > 0, out_deg ** -0.5, 0.0)
    cd = jnp.where(in_deg > 0, in_deg ** -0.5, 0.0)
    h = x
    for W, act in ((W0, True), (W1, True), (W2, False)):
        hn = h * cs[:, None]
        msg = jnp.take(hn, src, axis=0)
        agg = jax.ops.segment_sum(msg, dst, num_segments=N)
        agg = agg * cd[:, None]
        h = agg @ W
        if act:
            h = jax.nn.relu(h)
    return h

if __name__ == "__main__":
    import jax
    _d = setup_inputs()
    print(jax.jit(kernel)(*tuple(_d.values())))

</pallas_src>

<mosaic_0001>
#map = affine_map<(d0, d1) -> (0, 0, 0)>
#map1 = affine_map<(d0, d1) -> (0, 0)>
module attributes {stable_mosaic.version = 14 : i64} {
  func.func @_deg_body(%arg0: i32, %arg1: i32, %arg2: memref<32x40x128xi32, #tpu.memory_space<hbm>>, %arg3: memref<32x40x128xi32, #tpu.memory_space<hbm>>, %arg4: memref<128x8xf32, #tpu.memory_space<hbm>>, %arg5: memref<10240x8xf32, #tpu.memory_space<hbm>>, %arg6: memref<20480x8xf32, #tpu.memory_space<hbm>>, %arg7: memref<20480x8xf32, #tpu.memory_space<hbm>>, %arg8: memref<40x128xi32, #tpu.memory_space<vmem>>, %arg9: memref<40x128xi32, #tpu.memory_space<vmem>>, %arg10: memref<128x8xf32, #tpu.memory_space<vmem>>, %arg11: memref<10240x8xf32, #tpu.memory_space<vmem_shared>>, %arg12: memref<10240x8xf32, #tpu.memory_space<vmem_shared>>, %arg13: memref<!tpu.dma_semaphore, #tpu.memory_space<semaphore_mem>>, %arg14: memref<!tpu.dma_semaphore, #tpu.memory_space<semaphore_mem>>, %arg15: memref<!tpu.dma_semaphore, #tpu.memory_space<semaphore_mem>>, %arg16: memref<!tpu.dma_semaphore, #tpu.memory_space<semaphore_mem>>) attributes {dimension_semantics = [#tpu.dimension_semantics<core_parallel>, #tpu.dimension_semantics<subcore_parallel>], iteration_bounds = array<i64: 2, 16>, scalar_prefetch = 0 : i64, scratch_operands = 9 : i64, tpu.core_type = #tpu.core_type<sc_vector_subcore>, window_params = [{transform_indices = #map}, {transform_indices = #map}, {transform_indices = #map1}, {transform_indices = #map1}, {transform_indices = #map1}, {transform_indices = #map1}]} {
    %mul3A = arith.constant 640 : i32
    %mul3A_0 = arith.muli %arg1, %mul3A : i32
    %mul3A_1 = arith.constant 2 : i32
    %mul3A_2 = arith.muli %arg1, %mul3A_1 : i32
    %add3A = arith.addi %mul3A_2, %arg0 : i32
    "tpu.region"() ({
      %run_scoped3A = tpu.sem_alloc : memref<!tpu.dma_semaphore, #tpu.memory_space<semaphore_mem>>
      %dma_start3A = arith.constant 0 : i32
      %dma_start3A_39 = arith.constant 0 : i32
      %dma_start3A_40 = tpu.memref_slice %arg2[%add3A, %dma_start3A, %dma_start3A_39] : memref<32x40x128xi32, #tpu.memory_space<hbm>> -> memref<1x40x128xi32, #tpu.memory_space<hbm>>
      %dma_start3A_41 = tpu.memref_squeeze %dma_start3A_40 : memref<1x40x128xi32, #tpu.memory_space<hbm>> -> memref<40x128xi32, #tpu.memory_space<hbm>>
      %dma_start3A_42 = arith.constant 0 : i32
      %dma_start3A_43 = arith.constant 0 : i32
      %dma_start3A_44 = tpu.memref_slice %arg2[%add3A, %dma_start3A_42, %dma_start3A_43] : memref<32x40x128xi32, #tpu.memory_space<hbm>> -> memref<1x40x128xi32, #tpu.memory_space<hbm>>
      %dma_start3A_45 = tpu.memref_squeeze %dma_start3A_44 : memref<1x40x128xi32, #tpu.memory_space<hbm>> -> memref<40x128xi32, #tpu.memory_space<hbm>>
      tpu.enqueue_dma source(%dma_start3A_45 : memref<40x128xi32, #tpu.memory_space<hbm>>) target(%arg8 : memref<40x128xi32, #tpu.memory_space<vmem>>) target_semaphore(%run_scoped3A : memref<!tpu.dma_semaphore, #tpu.memory_space<semaphore_mem>>)
      %dma_wait3A_46 = arith.constant 0 : i32
      %dma_wait3A_47 = arith.constant 0 : i32
      %dma_wait3A_48 = tpu.memref_slice %arg2[%add3A, %dma_wait3A_46, %dma_wait3A_47] : memref<32x40x128xi32, #tpu.memory_space<hbm>> -> memref<1x40x128xi32, #tpu.memory_space<hbm>>
      %dma_wait3A_49 = tpu.memref_squeeze %dma_wait3A_48 : memref<1x40x128xi32, #tpu.memory_space<hbm>> -> memref<40x128xi32, #tpu.memory_space<hbm>>
      %dma_wait3A_50 = arith.constant 0 : i32
      %dma_wait3A_51 = arith.constant 0 : i32
      %dma_wait3A_52 = tpu.memref_slice %arg2[%add3A, %dma_wait3A_50, %dma_wait3A_51] : memref<32x40x128xi32, #tpu.memory_space<hbm>> -> memref<1x40x128xi32, #tpu.memory_space<hbm>>
      %dma_wait3A_53 = tpu.memref_squeeze %dma_wait3A_52 : memref<1x40x128xi32, #tpu.memory_space<hbm>> -> memref<40x128xi32, #tpu.memory_space<hbm>>
      tpu.wait_dma2 semaphore(%run_scoped3A : memref<!tpu.dma_semaphore, #tpu.memory_space<semaphore_mem>>) src(%dma_wait3A_53 : memref<40x128xi32, #tpu.memory_space<hbm>>) dst(%arg8 : memref<40x128xi32, #tpu.memory_space<vmem>>)
      tpu.yield
    }) : () -> ()
    "tpu.region"() ({
      %run_scoped3A = tpu.sem_alloc : memref<!tpu.dma_semaphore, #tpu.memory_space<semaphore_mem>>
      %dma_start3A = arith.constant 0 : i32
      %dma_start3A_39 = arith.constant 0 : i32
      %dma_start3A_40 = tpu.memref_slice %arg3[%add3A, %dma_start3A, %dma_start3A_39] : memref<32x40x128xi32, #tpu.memory_space<hbm>> -> memref<1x40x128xi32, #tpu.memory_space<hbm>>
      %dma_start3A_41 = tpu.memref_squeeze %dma_start3A_40 : memref<1x40x128xi32, #tpu.memory_space<hbm>> -> memref<40x128xi32, #tpu.memory_space<hbm>>
      %dma_start3A_42 = arith.constant 0 : i32
      %dma_start3A_43 = arith.constant 0 : i32
      %dma_start3A_44 = tpu.memref_slice %arg3[%add3A, %dma_start3A_42, %dma_start3A_43] : memref<32x40x128xi32, #tpu.memory_space<hbm>> -> memref<1x40x128xi32, #tpu.memory_space<hbm>>
      %dma_start3A_45 = tpu.memref_squeeze %dma_start3A_44 : memref<1x40x128xi32, #tpu.memory_space<hbm>> -> memref<40x128xi32, #tpu.memory_space<hbm>>
      tpu.enqueue_dma source(%dma_start3A_45 : memref<40x128xi32, #tpu.memory_space<hbm>>) target(%arg9 : memref<40x128xi32, #tpu.memory_space<vmem>>) target_semaphore(%run_scoped3A : memref<!tpu.dma_semaphore, #tpu.memory_space<semaphore_mem>>)
      %dma_wait3A_46 = arith.constant 0 : i32
      %dma_wait3A_47 = arith.constant 0 : i32
      %dma_wait3A_48 = tpu.memref_slice %arg3[%add3A, %dma_wait3A_46, %dma_wait3A_47] : memref<32x40x128xi32, #tpu.memory_space<hbm>> -> memref<1x40x128xi32, #tpu.memory_space<hbm>>
      %dma_wait3A_49 = tpu.memref_squeeze %dma_wait3A_48 : memref<1x40x128xi32, #tpu.memory_space<hbm>> -> memref<40x128xi32, #tpu.memory_space<hbm>>
      %dma_wait3A_50 = arith.constant 0 : i32
      %dma_wait3A_51 = arith.constant 0 : i32
      %dma_wait3A_52 = tpu.memref_slice %arg3[%add3A, %dma_wait3A_50, %dma_wait3A_51] : memref<32x40x128xi32, #tpu.memory_space<hbm>> -> memref<1x40x128xi32, #tpu.memory_space<hbm>>
      %dma_wait3A_53 = tpu.memref_squeeze %dma_wait3A_52 : memref<1x40x128xi32, #tpu.memory_space<hbm>> -> memref<40x128xi32, #tpu.memory_space<hbm>>
      tpu.wait_dma2 semaphore(%run_scoped3A : memref<!tpu.dma_semaphore, #tpu.memory_space<semaphore_mem>>) src(%dma_wait3A_53 : memref<40x128xi32, #tpu.memory_space<hbm>>) dst(%arg9 : memref<40x128xi32, #tpu.memory_space<vmem>>)
      tpu.yield
    }) : () -> ()
    "tpu.region"() ({
      %run_scoped3A = tpu.sem_alloc : memref<!tpu.dma_semaphore, #tpu.memory_space<semaphore_mem>>
      tpu.enqueue_dma source(%arg4 : memref<128x8xf32, #tpu.memory_space<hbm>>) target(%arg10 : memref<128x8xf32, #tpu.memory_space<vmem>>) target_semaphore(%run_scoped3A : memref<!tpu.dma_semaphore, #tpu.memory_space<semaphore_mem>>)
      tpu.wait_dma2 semaphore(%run_scoped3A : memref<!tpu.dma_semaphore, #tpu.memory_space<semaphore_mem>>) src(%arg4 : memref<128x8xf32, #tpu.memory_space<hbm>>) dst(%arg10 : memref<128x8xf32, #tpu.memory_space<vmem>>)
      tpu.yield
    }) : () -> ()
    "tpu.region"() ({
      %run_scoped3A = tpu.sem_alloc : memref<!tpu.dma_semaphore, #tpu.memory_space<semaphore_mem>>
      %dma_start3A = arith.constant 0 : i32
      %dma_start3A_39 = tpu.memref_slice %arg11[%mul3A_0, %dma_start3A] : memref<10240x8xf32, #tpu.memory_space<vmem_shared>> -> memref<640x8xf32, #tpu.memory_space<vmem_shared>>
      %dma_start3A_40 = arith.constant 0 : i32
      %dma_start3A_41 = tpu.memref_slice %arg5[%mul3A_0, %dma_start3A_40] : memref<10240x8xf32, #tpu.memory_space<hbm>> -> memref<640x8xf32, #tpu.memory_space<hbm>>
      tpu.enqueue_dma source(%dma_start3A_41 : memref<640x8xf32, #tpu.memory_space<hbm>>) target(%dma_start3A_39 : memref<640x8xf32, #tpu.memory_space<vmem_shared>>) target_semaphore(%run_scoped3A : memref<!tpu.dma_semaphore, #tpu.memory_space<semaphore_mem>>)
      %dma_wait3A_42 = arith.constant 0 : i32
      %dma_wait3A_43 = tpu.memref_slice %arg11[%mul3A_0, %dma_wait3A_42] : memref<10240x8xf32, #tpu.memory_space<vmem_shared>> -> memref<640x8xf32, #tpu.memory_space<vmem_shared>>
      %dma_wait3A_44 = arith.constant 0 : i32
      %dma_wait3A_45 = tpu.memref_slice %arg5[%mul3A_0, %dma_wait3A_44] : memref<10240x8xf32, #tpu.memory_space<hbm>> -> memref<640x8xf32, #tpu.memory_space<hbm>>
      tpu.wait_dma2 semaphore(%run_scoped3A : memref<!tpu.dma_semaphore, #tpu.memory_space<semaphore_mem>>) src(%dma_wait3A_45 : memref<640x8xf32, #tpu.memory_space<hbm>>) dst(%dma_wait3A_43 : memref<640x8xf32, #tpu.memory_space<vmem_shared>>)
      tpu.yield
    }) : () -> ()
    "tpu.region"() ({
      %run_scoped3A = tpu.sem_alloc : memref<!tpu.dma_semaphore, #tpu.memory_space<semaphore_mem>>
      %dma_start3A = arith.constant 0 : i32
      %dma_start3A_39 = tpu.memref_slice %arg12[%mul3A_0, %dma_start3A] : memref<10240x8xf32, #tpu.memory_space<vmem_shared>> -> memref<640x8xf32, #tpu.memory_space<vmem_shared>>
      %dma_start3A_40 = arith.constant 0 : i32
      %dma_start3A_41 = tpu.memref_slice %arg5[%mul3A_0, %dma_start3A_40] : memref<10240x8xf32, #tpu.memory_space<hbm>> -> memref<640x8xf32, #tpu.memory_space<hbm>>
      tpu.enqueue_dma source(%dma_start3A_41 : memref<640x8xf32, #tpu.memory_space<hbm>>) target(%dma_start3A_39 : memref<640x8xf32, #tpu.memory_space<vmem_shared>>) target_semaphore(%run_scoped3A : memref<!tpu.dma_semaphore, #tpu.memory_space<semaphore_mem>>)
      %dma_wait3A_42 = arith.constant 0 : i32
      %dma_wait3A_43 = tpu.memref_slice %arg12[%mul3A_0, %dma_wait3A_42] : memref<10240x8xf32, #tpu.memory_space<vmem_shared>> -> memref<640x8xf32, #tpu.memory_space<vmem_shared>>
      %dma_wait3A_44 = arith.constant 0 : i32
      %dma_wait3A_45 = tpu.memref_slice %arg5[%mul3A_0, %dma_wait3A_44] : memref<10240x8xf32, #tpu.memory_space<hbm>> -> memref<640x8xf32, #tpu.memory_space<hbm>>
      tpu.wait_dma2 semaphore(%run_scoped3A : memref<!tpu.dma_semaphore, #tpu.memory_space<semaphore_mem>>) src(%dma_wait3A_45 : memref<640x8xf32, #tpu.memory_space<hbm>>) dst(%dma_wait3A_43 : memref<640x8xf32, #tpu.memory_space<vmem_shared>>)
      tpu.yield
    }) : () -> ()
    %barrier3A = arith.constant 0 : index
    tpu.barrier barrier_id(%barrier3A)
    %scan3A = arith.constant 0 : i32
    %scan3A_3 = arith.constant 0 : i32
    %scan3A_4 = arith.constant 20 : i32
    %scan3A_5 = arith.addi %scan3A_3, %scan3A_4 : i32
    %scan3A_6 = arith.constant 1 : i32
    scf.for %scan3A_39 = %scan3A_3 to %scan3A_5 step %scan3A_6  : i32 {
      %mul3A_40 = arith.constant 2 : i32
      %mul3A_41 = arith.muli %mul3A_40, %scan3A_39 : i32
      %add3A_42 = arith.constant 0 : i32
      %add3A_43 = arith.addi %mul3A_41, %add3A_42 : i32
      %ge3A = arith.constant 2 : i32
      %ge3A_44 = arith.cmpi sge, %add3A_43, %ge3A : i32
      %convert_element_type3A = arith.extui %ge3A_44 : i1 to i32
      %cond3A = arith.constant 0 : i32
      %cond3A_45 = arith.cmpi ne, %convert_element_type3A, %cond3A : i32
      scf.if %cond3A_45 {
        %sub3A = arith.constant 2 : i32
        %sub3A_78 = arith.subi %add3A_43, %sub3A : i32
        %dma_wait3A_79 = arith.constant 0 : i32
        %dma_wait3A_80 = tpu.memref_slice %arg8[%sub3A_78, %dma_wait3A_79] : memref<40x128xi32, #tpu.memory_space<vmem>> -> memref<1x128xi32, #tpu.memory_space<vmem>>
        %dma_wait3A_81 = tpu.memref_squeeze %dma_wait3A_80 : memref<1x128xi32, #tpu.memory_space<vmem>> -> memref<128xi32, #tpu.memory_space<vmem>>
        %dma_wait3A_82 = arith.constant 0 : i32
        %dma_wait3A_83 = arith.constant 0 : i32
        %dma_wait3A_84 = tpu.memref_slice %arg11[%dma_wait3A_82, %dma_wait3A_83] : memref<10240x8xf32, #tpu.memory_space<vmem_shared>> -> memref<10240x8xf32, #tpu.memory_space<vmem_shared>>
        tpu.wait_indirect_dma semaphore(%arg13 : memref<!tpu.dma_semaphore, #tpu.memory_space<semaphore_mem>>) src(%arg10 : memref<128x8xf32, #tpu.memory_space<vmem>>) dst(%dma_wait3A_84 : memref<10240x8xf32, #tpu.memory_space<vmem_shared>>)
        %sub3A_85 = arith.constant 2 : i32
        %sub3A_86 = arith.subi %add3A_43, %sub3A_85 : i32
        %dma_wait3A_87 = arith.constant 0 : i32
        %dma_wait3A_88 = tpu.memref_slice %arg9[%sub3A_86, %dma_wait3A_87] : memref<40x128xi32, #tpu.memory_space<vmem>> -> memref<1x128xi32, #tpu.memory_space<vmem>>
        %dma_wait3A_89 = tpu.memref_squeeze %dma_wait3A_88 : memref<1x128xi32, #tpu.memory_space<vmem>> -> memref<128xi32, #tpu.memory_space<vmem>>
        %dma_wait3A_90 = arith.constant 0 : i32
        %dma_wait3A_91 = arith.constant 0 : i32
        %dma_wait3A_92 = tpu.memref_slice %arg12[%dma_wait3A_90, %dma_wait3A_91] : memref<10240x8xf32, #tpu.memory_space<vmem_shared>> -> memref<10240x8xf32, #tpu.memory_space<vmem_shared>>
        tpu.wait_indirect_dma semaphore(%arg15 : memref<!tpu.dma_semaphore, #tpu.memory_space<semaphore_mem>>) src(%arg10 : memref<128x8xf32, #tpu.memory_space<vmem>>) dst(%dma_wait3A_92 : memref<10240x8xf32, #tpu.memory_space<vmem_shared>>)
      } else {
      }
      %dma_start3A = arith.constant 0 : i32
      %dma_start3A_46 = tpu.memref_slice %arg8[%add3A_43, %dma_start3A] : memref<40x128xi32, #tpu.memory_space<vmem>> -> memref<1x128xi32, #tpu.memory_space<vmem>>
      %dma_start3A_47 = tpu.memref_squeeze %dma_start3A_46 : memref<1x128xi32, #tpu.memory_space<vmem>> -> memref<128xi32, #tpu.memory_space<vmem>>
      %dma_start3A_48 = arith.constant 0 : i32
      %dma_start3A_49 = arith.constant 0 : i32
      %dma_start3A_50 = tpu.memref_slice %arg11[%dma_start3A_48, %dma_start3A_49] : memref<10240x8xf32, #tpu.memory_space<vmem_shared>> -> memref<10240x8xf32, #tpu.memory_space<vmem_shared>>
      tpu.enqueue_indirect_dma source(%arg10 : memref<128x8xf32, #tpu.memory_space<vmem>>) target(%dma_start3A_50 : memref<10240x8xf32, #tpu.memory_space<vmem_shared>>) offsets(%dma_start3A_47 : memref<128xi32, #tpu.memory_space<vmem>>) semaphore(%arg13 : memref<!tpu.dma_semaphore, #tpu.memory_space<semaphore_mem>>) {add = true}
      %dma_start3A_51 = arith.constant 0 : i32
      %dma_start3A_52 = tpu.memref_slice %arg9[%add3A_43, %dma_start3A_51] : memref<40x128xi32, #tpu.memory_space<vmem>> -> memref<1x128xi32, #tpu.memory_space<vmem>>
      %dma_start3A_53 = tpu.memref_squeeze %dma_start3A_52 : memref<1x128xi32, #tpu.memory_space<vmem>> -> memref<128xi32, #tpu.memory_space<vmem>>
      %dma_start3A_54 = arith.constant 0 : i32
      %dma_start3A_55 = arith.constant 0 : i32
      %dma_start3A_56 = tpu.memref_slice %arg12[%dma_start3A_54, %dma_start3A_55] : memref<10240x8xf32, #tpu.memory_space<vmem_shared>> -> memref<10240x8xf32, #tpu.memory_space<vmem_shared>>
      tpu.enqueue_indirect_dma source(%arg10 : memref<128x8xf32, #tpu.memory_space<vmem>>) target(%dma_start3A_56 : memref<10240x8xf32, #tpu.memory_space<vmem_shared>>) offsets(%dma_start3A_53 : memref<128xi32, #tpu.memory_space<vmem>>) semaphore(%arg15 : memref<!tpu.dma_semaphore, #tpu.memory_space<semaphore_mem>>) {add = true}
      %mul3A_57 = arith.constant 2 : i32
      %mul3A_58 = arith.muli %mul3A_57, %scan3A_39 : i32
      %add3A_59 = arith.constant 1 : i32
      %add3A_60 = arith.addi %mul3A_58, %add3A_59 : i32
      %ge3A_61 = arith.constant 2 : i32
      %ge3A_62 = arith.cmpi sge, %add3A_60, %ge3A_61 : i32
      %convert_element_type3A_63 = arith.extui %ge3A_62 : i1 to i32
      %cond3A_64 = arith.constant 0 : i32
      %cond3A_65 = arith.cmpi ne, %convert_element_type3A_63, %cond3A_64 : i32
      scf.if %cond3A_65 {
        %sub3A = arith.constant 2 : i32
        %sub3A_78 = arith.subi %add3A_60, %sub3A : i32
        %dma_wait3A_79 = arith.constant 0 : i32
        %dma_wait3A_80 = tpu.memref_slice %arg8[%sub3A_78, %dma_wait3A_79] : memref<40x128xi32, #tpu.memory_space<vmem>> -> memref<1x128xi32, #tpu.memory_space<vmem>>
        %dma_wait3A_81 = tpu.memref_squeeze %dma_wait3A_80 : memref<1x128xi32, #tpu.memory_space<vmem>> -> memref<128xi32, #tpu.memory_space<vmem>>
        %dma_wait3A_82 = arith.constant 0 : i32
        %dma_wait3A_83 = arith.constant 0 : i32
        %dma_wait3A_84 = tpu.memref_slice %arg11[%dma_wait3A_82, %dma_wait3A_83] : memref<10240x8xf32, #tpu.memory_space<vmem_shared>> -> memref<10240x8xf32, #tpu.memory_space<vmem_shared>>
        tpu.wait_indirect_dma semaphore(%arg14 : memref<!tpu.dma_semaphore, #tpu.memory_space<semaphore_mem>>) src(%arg10 : memref<128x8xf32, #tpu.memory_space<vmem>>) dst(%dma_wait3A_84 : memref<10240x8xf32, #tpu.memory_space<vmem_shared>>)
        %sub3A_85 = arith.constant 2 : i32
        %sub3A_86 = arith.subi %add3A_60, %sub3A_85 : i32
        %dma_wait3A_87 = arith.constant 0 : i32
        %dma_wait3A_88 = tpu.memref_slice %arg9[%sub3A_86, %dma_wait3A_87] : memref<40x128xi32, #tpu.memory_space<vmem>> -> memref<1x128xi32, #tpu.memory_space<vmem>>
        %dma_wait3A_89 = tpu.memref_squeeze %dma_wait3A_88 : memref<1x128xi32, #tpu.memory_space<vmem>> -> memref<128xi32, #tpu.memory_space<vmem>>
        %dma_wait3A_90 = arith.constant 0 : i32
        %dma_wait3A_91 = arith.constant 0 : i32
        %dma_wait3A_92 = tpu.memref_slice %arg12[%dma_wait3A_90, %dma_wait3A_91] : memref<10240x8xf32, #tpu.memory_space<vmem_shared>> -> memref<10240x8xf32, #tpu.memory_space<vmem_shared>>
        tpu.wait_indirect_dma semaphore(%arg16 : memref<!tpu.dma_semaphore, #tpu.memory_space<semaphore_mem>>) src(%arg10 : memref<128x8xf32, #tpu.memory_space<vmem>>) dst(%dma_wait3A_92 : memref<10240x8xf32, #tpu.memory_space<vmem_shared>>)
      } else {
      }
      %dma_start3A_66 = arith.constant 0 : i32
      %dma_start3A_67 = tpu.memref_slice %arg8[%add3A_60, %dma_start3A_66] : memref<40x128xi32, #tpu.memory_space<vmem>> -> memref<1x128xi32, #tpu.memory_space<vmem>>
      %dma_start3A_68 = tpu.memref_squeeze %dma_start3A_67 : memref<1x128xi32, #tpu.memory_space<vmem>> -> memref<128xi32, #tpu.memory_space<vmem>>
      %dma_start3A_69 = arith.constant 0 : i32
      %dma_start3A_70 = arith.constant 0 : i32
      %dma_start3A_71 = tpu.memref_slice %arg11[%dma_start3A_69, %dma_start3A_70] : memref<10240x8xf32, #tpu.memory_space<vmem_shared>> -> memref<10240x8xf32, #tpu.memory_space<vmem_shared>>
      tpu.enqueue_indirect_dma source(%arg10 : memref<128x8xf32, #tpu.memory_space<vmem>>) target(%dma_start3A_71 : memref<10240x8xf32, #tpu.memory_space<vmem_shared>>) offsets(%dma_start3A_68 : memref<128xi32, #tpu.memory_space<vmem>>) semaphore(%arg14 : memref<!tpu.dma_semaphore, #tpu.memory_space<semaphore_mem>>) {add = true}
      %dma_start3A_72 = arith.constant 0 : i32
      %dma_start3A_73 = tpu.memref_slice %arg9[%add3A_60, %dma_start3A_72] : memref<40x128xi32, #tpu.memory_space<vmem>> -> memref<1x128xi32, #tpu.memory_space<vmem>>
      %dma_start3A_74 = tpu.memref_squeeze %dma_start3A_73 : memref<1x128xi32, #tpu.memory_space<vmem>> -> memref<128xi32, #tpu.memory_space<vmem>>
      %dma_start3A_75 = arith.constant 0 : i32
      %dma_start3A_76 = arith.constant 0 : i32
      %dma_start3A_77 = tpu.memref_slice %arg12[%dma_start3A_75, %dma_start3A_76] : memref<10240x8xf32, #tpu.memory_space<vmem_shared>> -> memref<10240x8xf32, #tpu.memory_space<vmem_shared>>
      tpu.enqueue_indirect_dma source(%arg10 : memref<128x8xf32, #tpu.memory_space<vmem>>) target(%dma_start3A_77 : memref<10240x8xf32, #tpu.memory_space<vmem_shared>>) offsets(%dma_start3A_74 : memref<128xi32, #tpu.memory_space<vmem>>) semaphore(%arg16 : memref<!tpu.dma_semaphore, #tpu.memory_space<semaphore_mem>>) {add = true}
    }
    %scan3A_7 = arith.constant 20 : i32
    %dma_wait3A = arith.constant 38 : i32
    %dma_wait3A_8 = arith.constant 0 : i32
    %dma_wait3A_9 = tpu.memref_slice %arg8[%dma_wait3A, %dma_wait3A_8] : memref<40x128xi32, #tpu.memory_space<vmem>> -> memref<1x128xi32, #tpu.memory_space<vmem>>
    %dma_wait3A_10 = tpu.memref_squeeze %dma_wait3A_9 : memref<1x128xi32, #tpu.memory_space<vmem>> -> memref<128xi32, #tpu.memory_space<vmem>>
    %dma_wait3A_11 = arith.constant 0 : i32
    %dma_wait3A_12 = arith.constant 0 : i32
    %dma_wait3A_13 = tpu.memref_slice %arg11[%dma_wait3A_11, %dma_wait3A_12] : memref<10240x8xf32, #tpu.memory_space<vmem_shared>> -> memref<10240x8xf32, #tpu.memory_space<vmem_shared>>
    tpu.wait_indirect_dma semaphore(%arg13 : memref<!tpu.dma_semaphore, #tpu.memory_space<semaphore_mem>>) src(%arg10 : memref<128x8xf32, #tpu.memory_space<vmem>>) dst(%dma_wait3A_13 : memref<10240x8xf32, #tpu.memory_space<vmem_shared>>)
    %dma_wait3A_14 = arith.constant 38 : i32
    %dma_wait3A_15 = arith.constant 0 : i32
    %dma_wait3A_16 = tpu.memref_slice %arg9[%dma_wait3A_14, %dma_wait3A_15] : memref<40x128xi32, #tpu.memory_space<vmem>> -> memref<1x128xi32, #tpu.memory_space<vmem>>
    %dma_wait3A_17 = tpu.memref_squeeze %dma_wait3A_16 : memref<1x128xi32, #tpu.memory_space<vmem>> -> memref<128xi32, #tpu.memory_space<vmem>>
    %dma_wait3A_18 = arith.constant 0 : i32
    %dma_wait3A_19 = arith.constant 0 : i32
    %dma_wait3A_20 = tpu.memref_slice %arg12[%dma_wait3A_18, %dma_wait3A_19] : memref<10240x8xf32, #tpu.memory_space<vmem_shared>> -> memref<10240x8xf32, #tpu.memory_space<vmem_shared>>
    tpu.wait_indirect_dma semaphore(%arg15 : memref<!tpu.dma_semaphore, #tpu.memory_space<semaphore_mem>>) src(%arg10 : memref<128x8xf32, #tpu.memory_space<vmem>>) dst(%dma_wait3A_20 : memref<10240x8xf32, #tpu.memory_space<vmem_shared>>)
    %dma_wait3A_21 = arith.constant 39 : i32
    %dma_wait3A_22 = arith.constant 0 : i32
    %dma_wait3A_23 = tpu.memref_slice %arg8[%dma_wait3A_21, %dma_wait3A_22] : memref<40x128xi32, #tpu.memory_space<vmem>> -> memref<1x128xi32, #tpu.memory_space<vmem>>
    %dma_wait3A_24 = tpu.memref_squeeze %dma_wait3A_23 : memref<1x128xi32, #tpu.memory_space<vmem>> -> memref<128xi32, #tpu.memory_space<vmem>>
    %dma_wait3A_25 = arith.constant 0 : i32
    %dma_wait3A_26 = arith.constant 0 : i32
    %dma_wait3A_27 = tpu.memref_slice %arg11[%dma_wait3A_25, %dma_wait3A_26] : memref<10240x8xf32, #tpu.memory_space<vmem_shared>> -> memref<10240x8xf32, #tpu.memory_space<vmem_shared>>
    tpu.wait_indirect_dma semaphore(%arg14 : memref<!tpu.dma_semaphore, #tpu.memory_space<semaphore_mem>>) src(%arg10 : memref<128x8xf32, #tpu.memory_space<vmem>>) dst(%dma_wait3A_27 : memref<10240x8xf32, #tpu.memory_space<vmem_shared>>)
    %dma_wait3A_28 = arith.constant 39 : i32
    %dma_wait3A_29 = arith.constant 0 : i32
    %dma_wait3A_30 = tpu.memref_slice %arg9[%dma_wait3A_28, %dma_wait3A_29] : memref<40x128xi32, #tpu.memory_space<vmem>> -> memref<1x128xi32, #tpu.memory_space<vmem>>
    %dma_wait3A_31 = tpu.memref_squeeze %dma_wait3A_30 : memref<1x128xi32, #tpu.memory_space<vmem>> -> memref<128xi32, #tpu.memory_space<vmem>>
    %dma_wait3A_32 = arith.constant 0 : i32
    %dma_wait3A_33 = arith.constant 0 : i32
    %dma_wait3A_34 = tpu.memref_slice %arg12[%dma_wait3A_32, %dma_wait3A_33] : memref<10240x8xf32, #tpu.memory_space<vmem_shared>> -> memref<10240x8xf32, #tpu.memory_space<vmem_shared>>
    tpu.wait_indirect_dma semaphore(%arg16 : memref<!tpu.dma_semaphore, #tpu.memory_space<semaphore_mem>>) src(%arg10 : memref<128x8xf32, #tpu.memory_space<vmem>>) dst(%dma_wait3A_34 : memref<10240x8xf32, #tpu.memory_space<vmem_shared>>)
    %barrier3A_35 = arith.constant 0 : index
    tpu.barrier barrier_id(%barrier3A_35)
    %mul3A_36 = arith.constant 10240 : i32
    %mul3A_37 = arith.muli %arg0, %mul3A_36 : i32
    %add3A_38 = arith.addi %mul3A_37, %mul3A_0 : i32
    "tpu.region"() ({
      %run_scoped3A = tpu.sem_alloc : memref<!tpu.dma_semaphore, #tpu.memory_space<semaphore_mem>>
      %dma_start3A = arith.constant 0 : i32
      %dma_start3A_39 = tpu.memref_slice %arg6[%add3A_38, %dma_start3A] : memref<20480x8xf32, #tpu.memory_space<hbm>> -> memref<640x8xf32, #tpu.memory_space<hbm>>
      %dma_start3A_40 = arith.constant 0 : i32
      %dma_start3A_41 = tpu.memref_slice %arg11[%mul3A_0, %dma_start3A_40] : memref<10240x8xf32, #tpu.memory_space<vmem_shared>> -> memref<640x8xf32, #tpu.memory_space<vmem_shared>>
      tpu.enqueue_dma source(%dma_start3A_41 : memref<640x8xf32, #tpu.memory_space<vmem_shared>>) target(%dma_start3A_39 : memref<640x8xf32, #tpu.memory_space<hbm>>) target_semaphore(%run_scoped3A : memref<!tpu.dma_semaphore, #tpu.memory_space<semaphore_mem>>)
      %dma_wait3A_42 = arith.constant 0 : i32
      %dma_wait3A_43 = tpu.memref_slice %arg6[%add3A_38, %dma_wait3A_42] : memref<20480x8xf32, #tpu.memory_space<hbm>> -> memref<640x8xf32, #tpu.memory_space<hbm>>
      %dma_wait3A_44 = arith.constant 0 : i32
      %dma_wait3A_45 = tpu.memref_slice %arg11[%mul3A_0, %dma_wait3A_44] : memref<10240x8xf32, #tpu.memory_space<vmem_shared>> -> memref<640x8xf32, #tpu.memory_space<vmem_shared>>
      tpu.wait_dma2 semaphore(%run_scoped3A : memref<!tpu.dma_semaphore, #tpu.memory_space<semaphore_mem>>) src(%dma_wait3A_45 : memref<640x8xf32, #tpu.memory_space<vmem_shared>>) dst(%dma_wait3A_43 : memref<640x8xf32, #tpu.memory_space<hbm>>)
      tpu.yield
    }) : () -> ()
    "tpu.region"() ({
      %run_scoped3A = tpu.sem_alloc : memref<!tpu.dma_semaphore, #tpu.memory_space<semaphore_mem>>
      %dma_start3A = arith.constant 0 : i32
      %dma_start3A_39 = tpu.memref_slice %arg7[%add3A_38, %dma_start3A] : memref<20480x8xf32, #tpu.memory_space<hbm>> -> memref<640x8xf32, #tpu.memory_space<hbm>>
      %dma_start3A_40 = arith.constant 0 : i32
      %dma_start3A_41 = tpu.memref_slice %arg12[%mul3A_0, %dma_start3A_40] : memref<10240x8xf32, #tpu.memory_space<vmem_shared>> -> memref<640x8xf32, #tpu.memory_space<vmem_shared>>
      tpu.enqueue_dma source(%dma_start3A_41 : memref<640x8xf32, #tpu.memory_space<vmem_shared>>) target(%dma_start3A_39 : memref<640x8xf32, #tpu.memory_space<hbm>>) target_semaphore(%run_scoped3A : memref<!tpu.dma_semaphore, #tpu.memory_space<semaphore_mem>>)
      %dma_wait3A_42 = arith.constant 0 : i32
      %dma_wait3A_43 = tpu.memref_slice %arg7[%add3A_38, %dma_wait3A_42] : memref<20480x8xf32, #tpu.memory_space<hbm>> -> memref<640x8xf32, #tpu.memory_space<hbm>>
      %dma_wait3A_44 = arith.constant 0 : i32
      %dma_wait3A_45 = tpu.memref_slice %arg12[%mul3A_0, %dma_wait3A_44] : memref<10240x8xf32, #tpu.memory_space<vmem_shared>> -> memref<640x8xf32, #tpu.memory_space<vmem_shared>>
      tpu.wait_dma2 semaphore(%run_scoped3A : memref<!tpu.dma_semaphore, #tpu.memory_space<semaphore_mem>>) src(%dma_wait3A_45 : memref<640x8xf32, #tpu.memory_space<vmem_shared>>) dst(%dma_wait3A_43 : memref<640x8xf32, #tpu.memory_space<hbm>>)
      tpu.yield
    }) : () -> ()
    return
  }
}

#map = affine_map<(d0, d1) -> (0, 0)>
#map1 = affine_map<(d0, d1) -> (0, 0, 0)>
module attributes {stable_mosaic.version = 14 : i64} {
  func.func @_agg_wideq_body(%arg0: i32, %arg1: i32, %arg2: memref<40960x64xf32, #tpu.memory_space<hbm>>, %arg3: memref<16x160x64xi32, #tpu.memory_space<hbm>>, %arg4: memref<16x160x64xi32, #tpu.memory_space<hbm>>, %arg5: memref<10240x64xf32, #tpu.memory_space<hbm>>, %arg6: memref<40960x64xf32, #tpu.memory_space<hbm>>, %arg7: memref<160x64xi32, #tpu.memory_space<vmem>>, %arg8: memref<160x64xi32, #tpu.memory_space<vmem>>, %arg9: memref<64x64xf32, #tpu.memory_space<vmem>>, %arg10: memref<64x64xf32, #tpu.memory_space<vmem>>, %arg11: memref<64x64xf32, #tpu.memory_space<vmem>>, %arg12: memref<64x64xf32, #tpu.memory_space<vmem>>, %arg13: memref<10240x64xf32, #tpu.memory_space<vmem_shared>>, %arg14: memref<10240x64xf32, #tpu.memory_space<vmem_shared>>, %arg15: memref<!tpu.dma_semaphore, #tpu.memory_space<semaphore_mem>>, %arg16: memref<!tpu.dma_semaphore, #tpu.memory_space<semaphore_mem>>, %arg17: memref<!tpu.dma_semaphore, #tpu.memory_space<semaphore_mem>>, %arg18: memref<!tpu.dma_semaphore, #tpu.memory_space<semaphore_mem>>, %arg19: memref<!tpu.dma_semaphore, #tpu.memory_space<semaphore_mem>>, %arg20: memref<!tpu.dma_semaphore, #tpu.memory_space<semaphore_mem>>, %arg21: memref<!tpu.dma_semaphore, #tpu.memory_space<semaphore_mem>>, %arg22: memref<!tpu.dma_semaphore, #tpu.memory_space<semaphore_mem>>) attributes {dimension_semantics = [#tpu.dimension_semantics<core_parallel>, #tpu.dimension_semantics<subcore_parallel>], iteration_bounds = array<i64: 2, 16>, scalar_prefetch = 0 : i64, scratch_operands = 16 : i64, tpu.core_type = #tpu.core_type<sc_vector_subcore>, window_params = [{transform_indices = #map}, {transform_indices = #map1}, {transform_indices = #map1}, {transform_indices = #map}, {transform_indices = #map}]} {
    %mul3A = arith.constant 640 : i32
    %mul3A_0 = arith.muli %arg1, %mul3A : i32
    "tpu.region"() ({
      %run_scoped3A = tpu.sem_alloc : memref<!tpu.dma_semaphore, #tpu.memory_space<semaphore_mem>>
      %dma_start3A_118 = arith.constant 0 : i32
      %dma_start3A_119 = arith.constant 0 : i32
      %dma_start3A_120 = tpu.memref_slice %arg3[%arg1, %dma_start3A_118, %dma_start3A_119] : memref<16x160x64xi32, #tpu.memory_space<hbm>> -> memref<1x160x64xi32, #tpu.memory_space<hbm>>
      %dma_start3A_121 = tpu.memref_squeeze %dma_start3A_120 : memref<1x160x64xi32, #tpu.memory_space<hbm>> -> memref<160x64xi32, #tpu.memory_space<hbm>>
      %dma_start3A_122 = arith.constant 0 : i32
      %dma_start3A_123 = arith.constant 0 : i32
      %dma_start3A_124 = tpu.memref_slice %arg3[%arg1, %dma_start3A_122, %dma_start3A_123] : memref<16x160x64xi32, #tpu.memory_space<hbm>> -> memref<1x160x64xi32, #tpu.memory_space<hbm>>
      %dma_start3A_125 = tpu.memref_squeeze %dma_start3A_124 : memref<1x160x64xi32, #tpu.memory_space<hbm>> -> memref<160x64xi32, #tpu.memory_space<hbm>>
      tpu.enqueue_dma source(%dma_start3A_125 : memref<160x64xi32, #tpu.memory_space<hbm>>) target(%arg7 : memref<160x64xi32, #tpu.memory_space<vmem>>) target_semaphore(%run_scoped3A : memref<!tpu.dma_semaphore, #tpu.memory_space<semaphore_mem>>)
      %dma_wait3A_126 = arith.constant 0 : i32
      %dma_wait3A_127 = arith.constant 0 : i32
      %dma_wait3A_128 = tpu.memref_slice %arg3[%arg1, %dma_wait3A_126, %dma_wait3A_127] : memref<16x160x64xi32, #tpu.memory_space<hbm>> -> memref<1x160x64xi32, #tpu.memory_space<hbm>>
      %dma_wait3A_129 = tpu.memref_squeeze %dma_wait3A_128 : memref<1x160x64xi32, #tpu.memory_space<hbm>> -> memref<160x64xi32, #tpu.memory_space<hbm>>
      %dma_wait3A_130 = arith.constant 0 : i32
      %dma_wait3A_131 = arith.constant 0 : i32
      %dma_wait3A_132 = tpu.memref_slice %arg3[%arg1, %dma_wait3A_130, %dma_wait3A_131] : memref<16x160x64xi32, #tpu.memory_space<hbm>> -> memref<1x160x64xi32, #tpu.memory_space<hbm>>
      %dma_wait3A_133 = tpu.memref_squeeze %dma_wait3A_132 : memref<1x160x64xi32, #tpu.memory_space<hbm>> -> memref<160x64xi32, #tpu.memory_space<hbm>>
      tpu.wait_dma2 semaphore(%run_scoped3A : memref<!tpu.dma_semaphore, #tpu.memory_space<semaphore_mem>>) src(%dma_wait3A_133 : memref<160x64xi32, #tpu.memory_space<hbm>>) dst(%arg7 : memref<160x64xi32, #tpu.memory_space<vmem>>)
      tpu.yield
    }) : () -> ()
    "tpu.region"() ({
      %run_scoped3A = tpu.sem_alloc : memref<!tpu.dma_semaphore, #tpu.memory_space<semaphore_mem>>
      %dma_start3A_118 = arith.constant 0 : i32
      %dma_start3A_119 = arith.constant 0 : i32
      %dma_start3A_120 = tpu.memref_slice %arg4[%arg1, %dma_start3A_118, %dma_start3A_119] : memref<16x160x64xi32, #tpu.memory_space<hbm>> -> memref<1x160x64xi32, #tpu.memory_space<hbm>>
      %dma_start3A_121 = tpu.memref_squeeze %dma_start3A_120 : memref<1x160x64xi32, #tpu.memory_space<hbm>> -> memref<160x64xi32, #tpu.memory_space<hbm>>
      %dma_start3A_122 = arith.constant 0 : i32
      %dma_start3A_123 = arith.constant 0 : i32
      %dma_start3A_124 = tpu.memref_slice %arg4[%arg1, %dma_start3A_122, %dma_start3A_123] : memref<16x160x64xi32, #tpu.memory_space<hbm>> -> memref<1x160x64xi32, #tpu.memory_space<hbm>>
      %dma_start3A_125 = tpu.memref_squeeze %dma_start3A_124 : memref<1x160x64xi32, #tpu.memory_space<hbm>> -> memref<160x64xi32, #tpu.memory_space<hbm>>
      tpu.enqueue_dma source(%dma_start3A_125 : memref<160x64xi32, #tpu.memory_space<hbm>>) target(%arg8 : memref<160x64xi32, #tpu.memory_space<vmem>>) target_semaphore(%run_scoped3A : memref<!tpu.dma_semaphore, #tpu.memory_space<semaphore_mem>>)
      %dma_wait3A_126 = arith.constant 0 : i32
      %dma_wait3A_127 = arith.constant 0 : i32
      %dma_wait3A_128 = tpu.memref_slice %arg4[%arg1, %dma_wait3A_126, %dma_wait3A_127] : memref<16x160x64xi32, #tpu.memory_space<hbm>> -> memref<1x160x64xi32, #tpu.memory_space<hbm>>
      %dma_wait3A_129 = tpu.memref_squeeze %dma_wait3A_128 : memref<1x160x64xi32, #tpu.memory_space<hbm>> -> memref<160x64xi32, #tpu.memory_space<hbm>>
      %dma_wait3A_130 = arith.constant 0 : i32
      %dma_wait3A_131 = arith.constant 0 : i32
      %dma_wait3A_132 = tpu.memref_slice %arg4[%arg1, %dma_wait3A_130, %dma_wait3A_131] : memref<16x160x64xi32, #tpu.memory_space<hbm>> -> memref<1x160x64xi32, #tpu.memory_space<hbm>>
      %dma_wait3A_133 = tpu.memref_squeeze %dma_wait3A_132 : memref<1x160x64xi32, #tpu.memory_space<hbm>> -> memref<160x64xi32, #tpu.memory_space<hbm>>
      tpu.wait_dma2 semaphore(%run_scoped3A : memref<!tpu.dma_semaphore, #tpu.memory_space<semaphore_mem>>) src(%dma_wait3A_133 : memref<160x64xi32, #tpu.memory_space<hbm>>) dst(%arg8 : memref<160x64xi32, #tpu.memory_space<vmem>>)
      tpu.yield
    }) : () -> ()
    %mul3A_1 = arith.constant 2 : i32
    %mul3A_2 = arith.muli %arg0, %mul3A_1 : i32
    %add3A = arith.constant 0 : i32
    %add3A_3 = arith.addi %mul3A_2, %add3A : i32
    %mul3A_4 = arith.constant 10240 : i32
    %mul3A_5 = arith.muli %add3A_3, %mul3A_4 : i32
    %add3A_6 = arith.addi %mul3A_5, %mul3A_0 : i32
    "tpu.region"() ({
      %run_scoped3A = tpu.sem_alloc : memref<!tpu.dma_semaphore, #tpu.memory_space<semaphore_mem>>
      %dma_start3A_118 = arith.constant 0 : i32
      %dma_start3A_119 = tpu.memref_slice %arg13[%mul3A_0, %dma_start3A_118] : memref<10240x64xf32, #tpu.memory_space<vmem_shared>> -> memref<640x64xf32, #tpu.memory_space<vmem_shared>>
      %dma_start3A_120 = arith.constant 0 : i32
      %dma_start3A_121 = tpu.memref_slice %arg2[%add3A_6, %dma_start3A_120] : memref<40960x64xf32, #tpu.memory_space<hbm>> -> memref<640x64xf32, #tpu.memory_space<hbm>>
      tpu.enqueue_dma source(%dma_start3A_121 : memref<640x64xf32, #tpu.memory_space<hbm>>) target(%dma_start3A_119 : memref<640x64xf32, #tpu.memory_space<vmem_shared>>) target_semaphore(%run_scoped3A : memref<!tpu.dma_semaphore, #tpu.memory_space<semaphore_mem>>)
      %dma_wait3A_122 = arith.constant 0 : i32
      %dma_wait3A_123 = tpu.memref_slice %arg13[%mul3A_0, %dma_wait3A_122] : memref<10240x64xf32, #tpu.memory_space<vmem_shared>> -> memref<640x64xf32, #tpu.memory_space<vmem_shared>>
      %dma_wait3A_124 = arith.constant 0 : i32
      %dma_wait3A_125 = tpu.memref_slice %arg2[%add3A_6, %dma_wait3A_124] : memref<40960x64xf32, #tpu.memory_space<hbm>> -> memref<640x64xf32, #tpu.memory_space<hbm>>
      tpu.wait_dma2 semaphore(%run_scoped3A : memref<!tpu.dma_semaphore, #tpu.memory_space<semaphore_mem>>) src(%dma_wait3A_125 : memref<640x64xf32, #tpu.memory_space<hbm>>) dst(%dma_wait3A_123 : memref<640x64xf32, #tpu.memory_space<vmem_shared>>)
      tpu.yield
    }) : () -> ()
    "tpu.region"() ({
      %run_scoped3A = tpu.sem_alloc : memref<!tpu.dma_semaphore, #tpu.memory_space<semaphore_mem>>
      %dma_start3A_118 = arith.constant 0 : i32
      %dma_start3A_119 = tpu.memref_slice %arg14[%mul3A_0, %dma_start3A_118] : memref<10240x64xf32, #tpu.memory_space<vmem_shared>> -> memref<640x64xf32, #tpu.memory_space<vmem_shared>>
      %dma_start3A_120 = arith.constant 0 : i32
      %dma_start3A_121 = tpu.memref_slice %arg5[%mul3A_0, %dma_start3A_120] : memref<10240x64xf32, #tpu.memory_space<hbm>> -> memref<640x64xf32, #tpu.memory_space<hbm>>
      tpu.enqueue_dma source(%dma_start3A_121 : memref<640x64xf32, #tpu.memory_space<hbm>>) target(%dma_start3A_119 : memref<640x64xf32, #tpu.memory_space<vmem_shared>>) target_semaphore(%run_scoped3A : memref<!tpu.dma_semaphore, #tpu.memory_space<semaphore_mem>>)
      %dma_wait3A_122 = arith.constant 0 : i32
      %dma_wait3A_123 = tpu.memref_slice %arg14[%mul3A_0, %dma_wait3A_122] : memref<10240x64xf32, #tpu.memory_space<vmem_shared>> -> memref<640x64xf32, #tpu.memory_space<vmem_shared>>
      %dma_wait3A_124 = arith.constant 0 : i32
      %dma_wait3A_125 = tpu.memref_slice %arg5[%mul3A_0, %dma_wait3A_124] : memref<10240x64xf32, #tpu.memory_space<hbm>> -> memref<640x64xf32, #tpu.memory_space<hbm>>
      tpu.wait_dma2 semaphore(%run_scoped3A : memref<!tpu.dma_semaphore, #tpu.memory_space<semaphore_mem>>) src(%dma_wait3A_125 : memref<640x64xf32, #tpu.memory_space<hbm>>) dst(%dma_wait3A_123 : memref<640x64xf32, #tpu.memory_space<vmem_shared>>)
      tpu.yield
    }) : () -> ()
    %barrier3A = arith.constant 0 : index
    tpu.barrier barrier_id(%barrier3A)
    %dma_start3A = arith.constant 0 : i32
    %dma_start3A_7 = arith.constant 0 : i32
    %dma_start3A_8 = tpu.memref_slice %arg7[%dma_start3A, %dma_start3A_7] : memref<160x64xi32, #tpu.memory_space<vmem>> -> memref<1x64xi32, #tpu.memory_space<vmem>>
    %dma_start3A_9 = tpu.memref_squeeze %dma_start3A_8 : memref<1x64xi32, #tpu.memory_space<vmem>> -> memref<64xi32, #tpu.memory_space<vmem>>
    %dma_start3A_10 = arith.constant 0 : i32
    %dma_start3A_11 = arith.constant 0 : i32
    %dma_start3A_12 = tpu.memref_slice %arg13[%dma_start3A_10, %dma_start3A_11] : memref<10240x64xf32, #tpu.memory_space<vmem_shared>> -> memref<10240x64xf32, #tpu.memory_space<vmem_shared>>
    tpu.enqueue_indirect_dma source(%dma_start3A_12 : memref<10240x64xf32, #tpu.memory_space<vmem_shared>>) target(%arg9 : memref<64x64xf32, #tpu.memory_space<vmem>>) offsets(%dma_start3A_9 : memref<64xi32, #tpu.memory_space<vmem>>) semaphore(%arg15 : memref<!tpu.dma_semaphore, #tpu.memory_space<semaphore_mem>>)
    %dma_start3A_13 = arith.constant 1 : i32
    %dma_start3A_14 = arith.constant 0 : i32
    %dma_start3A_15 = tpu.memref_slice %arg7[%dma_start3A_13, %dma_start3A_14] : memref<160x64xi32, #tpu.memory_space<vmem>> -> memref<1x64xi32, #tpu.memory_space<vmem>>
    %dma_start3A_16 = tpu.memref_squeeze %dma_start3A_15 : memref<1x64xi32, #tpu.memory_space<vmem>> -> memref<64xi32, #tpu.memory_space<vmem>>
    %dma_start3A_17 = arith.constant 0 : i32
    %dma_start3A_18 = arith.constant 0 : i32
    %dma_start3A_19 = tpu.memref_slice %arg13[%dma_start3A_17, %dma_start3A_18] : memref<10240x64xf32, #tpu.memory_space<vmem_shared>> -> memref<10240x64xf32, #tpu.memory_space<vmem_shared>>
    tpu.enqueue_indirect_dma source(%dma_start3A_19 : memref<10240x64xf32, #tpu.memory_space<vmem_shared>>) target(%arg10 : memref<64x64xf32, #tpu.memory_space<vmem>>) offsets(%dma_start3A_16 : memref<64xi32, #tpu.memory_space<vmem>>) semaphore(%arg16 : memref<!tpu.dma_semaphore, #tpu.memory_space<semaphore_mem>>)
    %scan3A = arith.constant 0 : i32
    %scan3A_20 = arith.constant 0 : i32
    %scan3A_21 = arith.constant 40 : i32
    %scan3A_22 = arith.addi %scan3A_20, %scan3A_21 : i32
    %scan3A_23 = arith.constant 1 : i32
    scf.for %scan3A_118 = %scan3A_20 to %scan3A_22 step %scan3A_23  : i32 {
      %mul3A_119 = arith.constant 4 : i32
      %mul3A_120 = arith.muli %mul3A_119, %scan3A_118 : i32
      %add3A_121 = arith.constant 0 : i32
      %add3A_122 = arith.addi %mul3A_120, %add3A_121 : i32
      %add3A_123 = arith.constant 2 : i32
      %add3A_124 = arith.addi %add3A_122, %add3A_123 : i32
      %lt3A = arith.constant 160 : i32
      %lt3A_125 = arith.cmpi slt, %add3A_124, %lt3A : i32
      %convert_element_type3A = arith.extui %lt3A_125 : i1 to i32
      %cond3A = arith.constant 0 : i32
      %cond3A_126 = arith.cmpi ne, %convert_element_type3A, %cond3A : i32
      scf.if %cond3A_126 {
        %ge3A = arith.constant 2 : i32
        %ge3A_208 = arith.cmpi sge, %add3A_122, %ge3A : i32
        %convert_element_type3A_209 = arith.extui %ge3A_208 : i1 to i32
        %cond3A_210 = arith.constant 0 : i32
        %cond3A_211 = arith.cmpi ne, %convert_element_type3A_209, %cond3A_210 : i32
        scf.if %cond3A_211 {
          %sub3A = arith.constant 2 : i32
          %sub3A_220 = arith.subi %add3A_122, %sub3A : i32
          %dma_wait3A_221 = arith.constant 0 : i32
          %dma_wait3A_222 = tpu.memref_slice %arg8[%sub3A_220, %dma_wait3A_221] : memref<160x64xi32, #tpu.memory_space<vmem>> -> memref<1x64xi32, #tpu.memory_space<vmem>>
          %dma_wait3A_223 = tpu.memref_squeeze %dma_wait3A_222 : memref<1x64xi32, #tpu.memory_space<vmem>> -> memref<64xi32, #tpu.memory_space<vmem>>
          %dma_wait3A_224 = arith.constant 0 : i32
          %dma_wait3A_225 = arith.constant 0 : i32
          %dma_wait3A_226 = tpu.memref_slice %arg14[%dma_wait3A_224, %dma_wait3A_225] : memref<10240x64xf32, #tpu.memory_space<vmem_shared>> -> memref<10240x64xf32, #tpu.memory_space<vmem_shared>>
          tpu.wait_indirect_dma semaphore(%arg21 : memref<!tpu.dma_semaphore, #tpu.memory_space<semaphore_mem>>) src(%arg11 : memref<64x64xf32, #tpu.memory_space<vmem>>) dst(%dma_wait3A_226 : memref<10240x64xf32, #tpu.memory_space<vmem_shared>>)
        } else {
        }
        %add3A_212 = arith.constant 2 : i32
        %add3A_213 = arith.addi %add3A_122, %add3A_212 : i32
        %dma_start3A_214 = arith.constant 0 : i32
        %dma_start3A_215 = tpu.memref_slice %arg7[%add3A_213, %dma_start3A_214] : memref<160x64xi32, #tpu.memory_space<vmem>> -> memref<1x64xi32, #tpu.memory_space<vmem>>
        %dma_start3A_216 = tpu.memref_squeeze %dma_start3A_215 : memref<1x64xi32, #tpu.memory_space<vmem>> -> memref<64xi32, #tpu.memory_space<vmem>>
        %dma_start3A_217 = arith.constant 0 : i32
        %dma_start3A_218 = arith.constant 0 : i32
        %dma_start3A_219 = tpu.memref_slice %arg13[%dma_start3A_217, %dma_start3A_218] : memref<10240x64xf32, #tpu.memory_space<vmem_shared>> -> memref<10240x64xf32, #tpu.memory_space<vmem_shared>>
        tpu.enqueue_indirect_dma source(%dma_start3A_219 : memref<10240x64xf32, #tpu.memory_space<vmem_shared>>) target(%arg11 : memref<64x64xf32, #tpu.memory_space<vmem>>) offsets(%dma_start3A_216 : memref<64xi32, #tpu.memory_space<vmem>>) semaphore(%arg17 : memref<!tpu.dma_semaphore, #tpu.memory_space<semaphore_mem>>)
      } else {
      }
      %dma_wait3A_127 = arith.constant 0 : i32
      %dma_wait3A_128 = tpu.memref_slice %arg7[%add3A_122, %dma_wait3A_127] : memref<160x64xi32, #tpu.memory_space<vmem>> -> memref<1x64xi32, #tpu.memory_space<vmem>>
      %dma_wait3A_129 = tpu.memref_squeeze %dma_wait3A_128 : memref<1x64xi32, #tpu.memory_space<vmem>> -> memref<64xi32, #tpu.memory_space<vmem>>
      %dma_wait3A_130 = arith.constant 0 : i32
      %dma_wait3A_131 = arith.constant 0 : i32
      %dma_wait3A_132 = tpu.memref_slice %arg13[%dma_wait3A_130, %dma_wait3A_131] : memref<10240x64xf32, #tpu.memory_space<vmem_shared>> -> memref<10240x64xf32, #tpu.memory_space<vmem_shared>>
      tpu.wait_indirect_dma semaphore(%arg15 : memref<!tpu.dma_semaphore, #tpu.memory_space<semaphore_mem>>) src(%dma_wait3A_132 : memref<10240x64xf32, #tpu.memory_space<vmem_shared>>) dst(%arg9 : memref<64x64xf32, #tpu.memory_space<vmem>>)
      %dma_start3A_133 = arith.constant 0 : i32
      %dma_start3A_134 = tpu.memref_slice %arg8[%add3A_122, %dma_start3A_133] : memref<160x64xi32, #tpu.memory_space<vmem>> -> memref<1x64xi32, #tpu.memory_space<vmem>>
      %dma_start3A_135 = tpu.memref_squeeze %dma_start3A_134 : memref<1x64xi32, #tpu.memory_space<vmem>> -> memref<64xi32, #tpu.memory_space<vmem>>
      %dma_start3A_136 = arith.constant 0 : i32
      %dma_start3A_137 = arith.constant 0 : i32
      %dma_start3A_138 = tpu.memref_slice %arg14[%dma_start3A_136, %dma_start3A_137] : memref<10240x64xf32, #tpu.memory_space<vmem_shared>> -> memref<10240x64xf32, #tpu.memory_space<vmem_shared>>
      tpu.enqueue_indirect_dma source(%arg9 : memref<64x64xf32, #tpu.memory_space<vmem>>) target(%dma_start3A_138 : memref<10240x64xf32, #tpu.memory_space<vmem_shared>>) offsets(%dma_start3A_135 : memref<64xi32, #tpu.memory_space<vmem>>) semaphore(%arg19 : memref<!tpu.dma_semaphore, #tpu.memory_space<semaphore_mem>>) {add = true}
      %mul3A_139 = arith.constant 4 : i32
      %mul3A_140 = arith.muli %mul3A_139, %scan3A_118 : i32
      %add3A_141 = arith.constant 1 : i32
      %add3A_142 = arith.addi %mul3A_140, %add3A_141 : i32
      %add3A_143 = arith.constant 2 : i32
      %add3A_144 = arith.addi %add3A_142, %add3A_143 : i32
      %lt3A_145 = arith.constant 160 : i32
      %lt3A_146 = arith.cmpi slt, %add3A_144, %lt3A_145 : i32
      %convert_element_type3A_147 = arith.extui %lt3A_146 : i1 to i32
      %cond3A_148 = arith.constant 0 : i32
      %cond3A_149 = arith.cmpi ne, %convert_element_type3A_147, %cond3A_148 : i32
      scf.if %cond3A_149 {
        %ge3A = arith.constant 2 : i32
        %ge3A_208 = arith.cmpi sge, %add3A_142, %ge3A : i32
        %convert_element_type3A_209 = arith.extui %ge3A_208 : i1 to i32
        %cond3A_210 = arith.constant 0 : i32
        %cond3A_211 = arith.cmpi ne, %convert_element_type3A_209, %cond3A_210 : i32
        scf.if %cond3A_211 {
          %sub3A = arith.constant 2 : i32
          %sub3A_220 = arith.subi %add3A_142, %sub3A : i32
          %dma_wait3A_221 = arith.constant 0 : i32
          %dma_wait3A_222 = tpu.memref_slice %arg8[%sub3A_220, %dma_wait3A_221] : memref<160x64xi32, #tpu.memory_space<vmem>> -> memref<1x64xi32, #tpu.memory_space<vmem>>
          %dma_wait3A_223 = tpu.memref_squeeze %dma_wait3A_222 : memref<1x64xi32, #tpu.memory_space<vmem>> -> memref<64xi32, #tpu.memory_space<vmem>>
          %dma_wait3A_224 = arith.constant 0 : i32
          %dma_wait3A_225 = arith.constant 0 : i32
          %dma_wait3A_226 = tpu.memref_slice %arg14[%dma_wait3A_224, %dma_wait3A_225] : memref<10240x64xf32, #tpu.memory_space<vmem_shared>> -> memref<10240x64xf32, #tpu.memory_space<vmem_shared>>
          tpu.wait_indirect_dma semaphore(%arg22 : memref<!tpu.dma_semaphore, #tpu.memory_space<semaphore_mem>>) src(%arg12 : memref<64x64xf32, #tpu.memory_space<vmem>>) dst(%dma_wait3A_226 : memref<10240x64xf32, #tpu.memory_space<vmem_shared>>)
        } else {
        }
        %add3A_212 = arith.constant 2 : i32
        %add3A_213 = arith.addi %add3A_142, %add3A_212 : i32
        %dma_start3A_214 = arith.constant 0 : i32
        %dma_start3A_215 = tpu.memref_slice %arg7[%add3A_213, %dma_start3A_214] : memref<160x64xi32, #tpu.memory_space<vmem>> -> memref<1x64xi32, #tpu.memory_space<vmem>>
        %dma_start3A_216 = tpu.memref_squeeze %dma_start3A_215 : memref<1x64xi32, #tpu.memory_space<vmem>> -> memref<64xi32, #tpu.memory_space<vmem>>
        %dma_start3A_217 = arith.constant 0 : i32
        %dma_start3A_218 = arith.constant 0 : i32
        %dma_start3A_219 = tpu.memref_slice %arg13[%dma_start3A_217, %dma_start3A_218] : memref<10240x64xf32, #tpu.memory_space<vmem_shared>> -> memref<10240x64xf32, #tpu.memory_space<vmem_shared>>
        tpu.enqueue_indirect_dma source(%dma_start3A_219 : memref<10240x64xf32, #tpu.memory_space<vmem_shared>>) target(%arg12 : memref<64x64xf32, #tpu.memory_space<vmem>>) offsets(%dma_start3A_216 : memref<64xi32, #tpu.memory_space<vmem>>) semaphore(%arg18 : memref<!tpu.dma_semaphore, #tpu.memory_space<semaphore_mem>>)
      } else {
      }
      %dma_wait3A_150 = arith.constant 0 : i32
      %dma_wait3A_151 = tpu.memref_slice %arg7[%add3A_142, %dma_wait3A_150] : memref<160x64xi32, #tpu.memory_space<vmem>> -> memref<1x64xi32, #tpu.memory_space<vmem>>
      %dma_wait3A_152 = tpu.memref_squeeze %dma_wait3A_151 : memref<1x64xi32, #tpu.memory_space<vmem>> -> memref<64xi32, #tpu.memory_space<vmem>>
      %dma_wait3A_153 = arith.constant 0 : i32
      %dma_wait3A_154 = arith.constant 0 : i32
      %dma_wait3A_155 = tpu.memref_slice %arg13[%dma_wait3A_153, %dma_wait3A_154] : memref<10240x64xf32, #tpu.memory_space<vmem_shared>> -> memref<10240x64xf32, #tpu.memory_space<vmem_shared>>
      tpu.wait_indirect_dma semaphore(%arg16 : memref<!tpu.dma_semaphore, #tpu.memory_space<semaphore_mem>>) src(%dma_wait3A_155 : memref<10240x64xf32, #tpu.memory_space<vmem_shared>>) dst(%arg10 : memref<64x64xf32, #tpu.memory_space<vmem>>)
      %dma_start3A_156 = arith.constant 0 : i32
      %dma_start3A_157 = tpu.memref_slice %arg8[%add3A_142, %dma_start3A_156] : memref<160x64xi32, #tpu.memory_space<vmem>> -> memref<1x64xi32, #tpu.memory_space<vmem>>
      %dma_start3A_158 = tpu.memref_squeeze %dma_start3A_157 : memref<1x64xi32, #tpu.memory_space<vmem>> -> memref<64xi32, #tpu.memory_space<vmem>>
      %dma_start3A_159 = arith.constant 0 : i32
      %dma_start3A_160 = arith.constant 0 : i32
      %dma_start3A_161 = tpu.memref_slice %arg14[%dma_start3A_159, %dma_start3A_160] : memref<10240x64xf32, #tpu.memory_space<vmem_shared>> -> memref<10240x64xf32, #tpu.memory_space<vmem_shared>>
      tpu.enqueue_indirect_dma source(%arg10 : memref<64x64xf32, #tpu.memory_space<vmem>>) target(%dma_start3A_161 : memref<10240x64xf32, #tpu.memory_space<vmem_shared>>) offsets(%dma_start3A_158 : memref<64xi32, #tpu.memory_space<vmem>>) semaphore(%arg20 : memref<!tpu.dma_semaphore, #tpu.memory_space<semaphore_mem>>) {add = true}
      %mul3A_162 = arith.constant 4 : i32
      %mul3A_163 = arith.muli %mul3A_162, %scan3A_118 : i32
      %add3A_164 = arith.constant 2 : i32
      %add3A_165 = arith.addi %mul3A_163, %add3A_164 : i32
      %add3A_166 = arith.constant 2 : i32
      %add3A_167 = arith.addi %add3A_165, %add3A_166 : i32
      %lt3A_168 = arith.constant 160 : i32
      %lt3A_169 = arith.cmpi slt, %add3A_167, %lt3A_168 : i32
      %convert_element_type3A_170 = arith.extui %lt3A_169 : i1 to i32
      %cond3A_171 = arith.constant 0 : i32
      %cond3A_172 = arith.cmpi ne, %convert_element_type3A_170, %cond3A_171 : i32
      scf.if %cond3A_172 {
        %ge3A = arith.constant 2 : i32
        %ge3A_208 = arith.cmpi sge, %add3A_165, %ge3A : i32
        %convert_element_type3A_209 = arith.extui %ge3A_208 : i1 to i32
        %cond3A_210 = arith.constant 0 : i32
        %cond3A_211 = arith.cmpi ne, %convert_element_type3A_209, %cond3A_210 : i32
        scf.if %cond3A_211 {
          %sub3A = arith.constant 2 : i32
          %sub3A_220 = arith.subi %add3A_165, %sub3A : i32
          %dma_wait3A_221 = arith.constant 0 : i32
          %dma_wait3A_222 = tpu.memref_slice %arg8[%sub3A_220, %dma_wait3A_221] : memref<160x64xi32, #tpu.memory_space<vmem>> -> memref<1x64xi32, #tpu.memory_space<vmem>>
          %dma_wait3A_223 = tpu.memref_squeeze %dma_wait3A_222 : memref<1x64xi32, #tpu.memory_space<vmem>> -> memref<64xi32, #tpu.memory_space<vmem>>
          %dma_wait3A_224 = arith.constant 0 : i32
          %dma_wait3A_225 = arith.constant 0 : i32
          %dma_wait3A_226 = tpu.memref_slice %arg14[%dma_wait3A_224, %dma_wait3A_225] : memref<10240x64xf32, #tpu.memory_space<vmem_shared>> -> memref<10240x64xf32, #tpu.memory_space<vmem_shared>>
          tpu.wait_indirect_dma semaphore(%arg19 : memref<!tpu.dma_semaphore, #tpu.memory_space<semaphore_mem>>) src(%arg9 : memref<64x64xf32, #tpu.memory_space<vmem>>) dst(%dma_wait3A_226 : memref<10240x64xf32, #tpu.memory_space<vmem_shared>>)
        } else {
        }
        %add3A_212 = arith.constant 2 : i32
        %add3A_213 = arith.addi %add3A_165, %add3A_212 : i32
        %dma_start3A_214 = arith.constant 0 : i32
        %dma_start3A_215 = tpu.memref_slice %arg7[%add3A_213, %dma_start3A_214] : memref<160x64xi32, #tpu.memory_space<vmem>> -> memref<1x64xi32, #tpu.memory_space<vmem>>
        %dma_start3A_216 = tpu.memref_squeeze %dma_start3A_215 : memref<1x64xi32, #tpu.memory_space<vmem>> -> memref<64xi32, #tpu.memory_space<vmem>>
        %dma_start3A_217 = arith.constant 0 : i32
        %dma_start3A_218 = arith.constant 0 : i32
        %dma_start3A_219 = tpu.memref_slice %arg13[%dma_start3A_217, %dma_start3A_218] : memref<10240x64xf32, #tpu.memory_space<vmem_shared>> -> memref<10240x64xf32, #tpu.memory_space<vmem_shared>>
        tpu.enqueue_indirect_dma source(%dma_start3A_219 : memref<10240x64xf32, #tpu.memory_space<vmem_shared>>) target(%arg9 : memref<64x64xf32, #tpu.memory_space<vmem>>) offsets(%dma_start3A_216 : memref<64xi32, #tpu.memory_space<vmem>>) semaphore(%arg15 : memref<!tpu.dma_semaphore, #tpu.memory_space<semaphore_mem>>)
      } else {
      }
      %dma_wait3A_173 = arith.constant 0 : i32
      %dma_wait3A_174 = tpu.memref_slice %arg7[%add3A_165, %dma_wait3A_173] : memref<160x64xi32, #tpu.memory_space<vmem>> -> memref<1x64xi32, #tpu.memory_space<vmem>>
      %dma_wait3A_175 = tpu.memref_squeeze %dma_wait3A_174 : memref<1x64xi32, #tpu.memory_space<vmem>> -> memref<64xi32, #tpu.memory_space<vmem>>
      %dma_wait3A_176 = arith.constant 0 : i32
      %dma_wait3A_177 = arith.constant 0 : i32
      %dma_wait3A_178 = tpu.memref_slice %arg13[%dma_wait3A_176, %dma_wait3A_177] : memref<10240x64xf32, #tpu.memory_space<vmem_shared>> -> memref<10240x64xf32, #tpu.memory_space<vmem_shared>>
      tpu.wait_indirect_dma semaphore(%arg17 : memref<!tpu.dma_semaphore, #tpu.memory_space<semaphore_mem>>) src(%dma_wait3A_178 : memref<10240x64xf32, #tpu.memory_space<vmem_shared>>) dst(%arg11 : memref<64x64xf32, #tpu.memory_space<vmem>>)
      %dma_start3A_179 = arith.constant 0 : i32
      %dma_start3A_180 = tpu.memref_slice %arg8[%add3A_165, %dma_start3A_179] : memref<160x64xi32, #tpu.memory_space<vmem>> -> memref<1x64xi32, #tpu.memory_space<vmem>>
      %dma_start3A_181 = tpu.memref_squeeze %dma_start3A_180 : memref<1x64xi32, #tpu.memory_space<vmem>> -> memref<64xi32, #tpu.memory_space<vmem>>
      %dma_start3A_182 = arith.constant 0 : i32
      %dma_start3A_183 = arith.constant 0 : i32
      %dma_start3A_184 = tpu.memref_slice %arg14[%dma_start3A_182, %dma_start3A_183] : memref<10240x64xf32, #tpu.memory_space<vmem_shared>> -> memref<10240x64xf32, #tpu.memory_space<vmem_shared>>
      tpu.enqueue_indirect_dma source(%arg11 : memref<64x64xf32, #tpu.memory_space<vmem>>) target(%dma_start3A_184 : memref<10240x64xf32, #tpu.memory_space<vmem_shared>>) offsets(%dma_start3A_181 : memref<64xi32, #tpu.memory_space<vmem>>) semaphore(%arg21 : memref<!tpu.dma_semaphore, #tpu.memory_space<semaphore_mem>>) {add = true}
      %mul3A_185 = arith.constant 4 : i32
      %mul3A_186 = arith.muli %mul3A_185, %scan3A_118 : i32
      %add3A_187 = arith.constant 3 : i32
      %add3A_188 = arith.addi %mul3A_186, %add3A_187 : i32
      %add3A_189 = arith.constant 2 : i32
      %add3A_190 = arith.addi %add3A_188, %add3A_189 : i32
      %lt3A_191 = arith.constant 160 : i32
      %lt3A_192 = arith.cmpi slt, %add3A_190, %lt3A_191 : i32
      %convert_element_type3A_193 = arith.extui %lt3A_192 : i1 to i32
      %cond3A_194 = arith.constant 0 : i32
      %cond3A_195 = arith.cmpi ne, %convert_element_type3A_193, %cond3A_194 : i32
      scf.if %cond3A_195 {
        %ge3A = arith.constant 2 : i32
        %ge3A_208 = arith.cmpi sge, %add3A_188, %ge3A : i32
        %convert_element_type3A_209 = arith.extui %ge3A_208 : i1 to i32
        %cond3A_210 = arith.constant 0 : i32
        %cond3A_211 = arith.cmpi ne, %convert_element_type3A_209, %cond3A_210 : i32
        scf.if %cond3A_211 {
          %sub3A = arith.constant 2 : i32
          %sub3A_220 = arith.subi %add3A_188, %sub3A : i32
          %dma_wait3A_221 = arith.constant 0 : i32
          %dma_wait3A_222 = tpu.memref_slice %arg8[%sub3A_220, %dma_wait3A_221] : memref<160x64xi32, #tpu.memory_space<vmem>> -> memref<1x64xi32, #tpu.memory_space<vmem>>
          %dma_wait3A_223 = tpu.memref_squeeze %dma_wait3A_222 : memref<1x64xi32, #tpu.memory_space<vmem>> -> memref<64xi32, #tpu.memory_space<vmem>>
          %dma_wait3A_224 = arith.constant 0 : i32
          %dma_wait3A_225 = arith.constant 0 : i32
          %dma_wait3A_226 = tpu.memref_slice %arg14[%dma_wait3A_224, %dma_wait3A_225] : memref<10240x64xf32, #tpu.memory_space<vmem_shared>> -> memref<10240x64xf32, #tpu.memory_space<vmem_shared>>
          tpu.wait_indirect_dma semaphore(%arg20 : memref<!tpu.dma_semaphore, #tpu.memory_space<semaphore_mem>>) src(%arg10 : memref<64x64xf32, #tpu.memory_space<vmem>>) dst(%dma_wait3A_226 : memref<10240x64xf32, #tpu.memory_space<vmem_shared>>)
        } else {
        }
        %add3A_212 = arith.constant 2 : i32
        %add3A_213 = arith.addi %add3A_188, %add3A_212 : i32
        %dma_start3A_214 = arith.constant 0 : i32
        %dma_start3A_215 = tpu.memref_slice %arg7[%add3A_213, %dma_start3A_214] : memref<160x64xi32, #tpu.memory_space<vmem>> -> memref<1x64xi32, #tpu.memory_space<vmem>>
        %dma_start3A_216 = tpu.memref_squeeze %dma_start3A_215 : memref<1x64xi32, #tpu.memory_space<vmem>> -> memref<64xi32, #tpu.memory_space<vmem>>
        %dma_start3A_217 = arith.constant 0 : i32
        %dma_start3A_218 = arith.constant 0 : i32
        %dma_start3A_219 = tpu.memref_slice %arg13[%dma_start3A_217, %dma_start3A_218] : memref<10240x64xf32, #tpu.memory_space<vmem_shared>> -> memref<10240x64xf32, #tpu.memory_space<vmem_shared>>
        tpu.enqueue_indirect_dma source(%dma_start3A_219 : memref<10240x64xf32, #tpu.memory_space<vmem_shared>>) target(%arg10 : memref<64x64xf32, #tpu.memory_space<vmem>>) offsets(%dma_start3A_216 : memref<64xi32, #tpu.memory_space<vmem>>) semaphore(%arg16 : memref<!tpu.dma_semaphore, #tpu.memory_space<semaphore_mem>>)
      } else {
      }
      %dma_wait3A_196 = arith.constant 0 : i32
      %dma_wait3A_197 = tpu.memref_slice %arg7[%add3A_188, %dma_wait3A_196] : memref<160x64xi32, #tpu.memory_space<vmem>> -> memref<1x64xi32, #tpu.memory_space<vmem>>
      %dma_wait3A_198 = tpu.memref_squeeze %dma_wait3A_197 : memref<1x64xi32, #tpu.memory_space<vmem>> -> memref<64xi32, #tpu.memory_space<vmem>>
      %dma_wait3A_199 = arith.constant 0 : i32
      %dma_wait3A_200 = arith.constant 0 : i32
      %dma_wait3A_201 = tpu.memref_slice %arg13[%dma_wait3A_199, %dma_wait3A_200] : memref<10240x64xf32, #tpu.memory_space<vmem_shared>> -> memref<10240x64xf32, #tpu.memory_space<vmem_shared>>
      tpu.wait_indirect_dma semaphore(%arg18 : memref<!tpu.dma_semaphore, #tpu.memory_space<semaphore_mem>>) src(%dma_wait3A_201 : memref<10240x64xf32, #tpu.memory_space<vmem_shared>>) dst(%arg12 : memref<64x64xf32, #tpu.memory_space<vmem>>)
      %dma_start3A_202 = arith.constant 0 : i32
      %dma_start3A_203 = tpu.memref_slice %arg8[%add3A_188, %dma_start3A_202] : memref<160x64xi32, #tpu.memory_space<vmem>> -> memref<1x64xi32, #tpu.memory_space<vmem>>
      %dma_start3A_204 = tpu.memref_squeeze %dma_start3A_203 : memref<1x64xi32, #tpu.memory_space<vmem>> -> memref<64xi32, #tpu.memory_space<vmem>>
      %dma_start3A_205 = arith.constant 0 : i32
      %dma_start3A_206 = arith.constant 0 : i32
      %dma_start3A_207 = tpu.memref_slice %arg14[%dma_start3A_205, %dma_start3A_206] : memref<10240x64xf32, #tpu.memory_space<vmem_shared>> -> memref<10240x64xf32, #tpu.memory_space<vmem_shared>>
      tpu.enqueue_indirect_dma source(%arg12 : memref<64x64xf32, #tpu.memory_space<vmem>>) target(%dma_start3A_207 : memref<10240x64xf32, #tpu.memory_space<vmem_shared>>) offsets(%dma_start3A_204 : memref<64xi32, #tpu.memory_space<vmem>>) semaphore(%arg22 : memref<!tpu.dma_semaphore, #tpu.memory_space<semaphore_mem>>) {add = true}
    }
    %scan3A_24 = arith.constant 40 : i32
    %dma_wait3A = arith.constant 156 : i32
    %dma_wait3A_25 = arith.constant 0 : i32
    %dma_wait3A_26 = tpu.memref_slice %arg8[%dma_wait3A, %dma_wait3A_25] : memref<160x64xi32, #tpu.memory_space<vmem>> -> memref<1x64xi32, #tpu.memory_space<vmem>>
    %dma_wait3A_27 = tpu.memref_squeeze %dma_wait3A_26 : memref<1x64xi32, #tpu.memory_space<vmem>> -> memref<64xi32, #tpu.memory_space<vmem>>
    %dma_wait3A_28 = arith.constant 0 : i32
    %dma_wait3A_29 = arith.constant 0 : i32
    %dma_wait3A_30 = tpu.memref_slice %arg14[%dma_wait3A_28, %dma_wait3A_29] : memref<10240x64xf32, #tpu.memory_space<vmem_shared>> -> memref<10240x64xf32, #tpu.memory_space<vmem_shared>>
    tpu.wait_indirect_dma semaphore(%arg19 : memref<!tpu.dma_semaphore, #tpu.memory_space<semaphore_mem>>) src(%arg9 : memref<64x64xf32, #tpu.memory_space<vmem>>) dst(%dma_wait3A_30 : memref<10240x64xf32, #tpu.memory_space<vmem_shared>>)
    %dma_wait3A_31 = arith.constant 157 : i32
    %dma_wait3A_32 = arith.constant 0 : i32
    %dma_wait3A_33 = tpu.memref_slice %arg8[%dma_wait3A_31, %dma_wait3A_32] : memref<160x64xi32, #tpu.memory_space<vmem>> -> memref<1x64xi32, #tpu.memory_space<vmem>>
    %dma_wait3A_34 = tpu.memref_squeeze %dma_wait3A_33 : memref<1x64xi32, #tpu.memory_space<vmem>> -> memref<64xi32, #tpu.memory_space<vmem>>
    %dma_wait3A_35 = arith.constant 0 : i32
    %dma_wait3A_36 = arith.constant 0 : i32
    %dma_wait3A_37 = tpu.memref_slice %arg14[%dma_wait3A_35, %dma_wait3A_36] : memref<10240x64xf32, #tpu.memory_space<vmem_shared>> -> memref<10240x64xf32, #tpu.memory_space<vmem_shared>>
    tpu.wait_indirect_dma semaphore(%arg20 : memref<!tpu.dma_semaphore, #tpu.memory_space<semaphore_mem>>) src(%arg10 : memref<64x64xf32, #tpu.memory_space<vmem>>) dst(%dma_wait3A_37 : memref<10240x64xf32, #tpu.memory_space<vmem_shared>>)
    %dma_wait3A_38 = arith.constant 158 : i32
    %dma_wait3A_39 = arith.constant 0 : i32
    %dma_wait3A_40 = tpu.memref_slice %arg8[%dma_wait3A_38, %dma_wait3A_39] : memref<160x64xi32, #tpu.memory_space<vmem>> -> memref<1x64xi32, #tpu.memory_space<vmem>>
    %dma_wait3A_41 = tpu.memref_squeeze %dma_wait3A_40 : memref<1x64xi32, #tpu.memory_space<vmem>> -> memref<64xi32, #tpu.memory_space<vmem>>
    %dma_wait3A_42 = arith.constant 0 : i32
    %dma_wait3A_43 = arith.constant 0 : i32
    %dma_wait3A_44 = tpu.memref_slice %arg14[%dma_wait3A_42, %dma_wait3A_43] : memref<10240x64xf32, #tpu.memory_space<vmem_shared>> -> memref<10240x64xf32, #tpu.memory_space<vmem_shared>>
    tpu.wait_indirect_dma semaphore(%arg21 : memref<!tpu.dma_semaphore, #tpu.memory_space<semaphore_mem>>) src(%arg11 : memref<64x64xf32, #tpu.memory_space<vmem>>) dst(%dma_wait3A_44 : memref<10240x64xf32, #tpu.memory_space<vmem_shared>>)
    %dma_wait3A_45 = arith.constant 159 : i32
    %dma_wait3A_46 = arith.constant 0 : i32
    %dma_wait3A_47 = tpu.memref_slice %arg8[%dma_wait3A_45, %dma_wait3A_46] : memref<160x64xi32, #tpu.memory_space<vmem>> -> memref<1x64xi32, #tpu.memory_space<vmem>>
    %dma_wait3A_48 = tpu.memref_squeeze %dma_wait3A_47 : memref<1x64xi32, #tpu.memory_space<vmem>> -> memref<64xi32, #tpu.memory_space<vmem>>
    %dma_wait3A_49 = arith.constant 0 : i32
    %dma_wait3A_50 = arith.constant 0 : i32
    %dma_wait3A_51 = tpu.memref_slice %arg14[%dma_wait3A_49, %dma_wait3A_50] : memref<10240x64xf32, #tpu.memory_space<vmem_shared>> -> memref<10240x64xf32, #tpu.memory_space<vmem_shared>>
    tpu.wait_indirect_dma semaphore(%arg22 : memref<!tpu.dma_semaphore, #tpu.memory_space<semaphore_mem>>) src(%arg12 : memref<64x64xf32, #tpu.memory_space<vmem>>) dst(%dma_wait3A_51 : memref<10240x64xf32, #tpu.memory_space<vmem_shared>>)
    %barrier3A_52 = arith.constant 0 : index
    tpu.barrier barrier_id(%barrier3A_52)
    %mul3A_53 = arith.constant 10240 : i32
    %mul3A_54 = arith.muli %add3A_3, %mul3A_53 : i32
    %add3A_55 = arith.addi %mul3A_54, %mul3A_0 : i32
    "tpu.region"() ({
      %run_scoped3A = tpu.sem_alloc : memref<!tpu.dma_semaphore, #tpu.memory_space<semaphore_mem>>
      %dma_start3A_118 = arith.constant 0 : i32
      %dma_start3A_119 = tpu.memref_slice %arg6[%add3A_55, %dma_start3A_118] : memref<40960x64xf32, #tpu.memory_space<hbm>> -> memref<640x64xf32, #tpu.memory_space<hbm>>
      %dma_start3A_120 = arith.constant 0 : i32
      %dma_start3A_121 = tpu.memref_slice %arg14[%mul3A_0, %dma_start3A_120] : memref<10240x64xf32, #tpu.memory_space<vmem_shared>> -> memref<640x64xf32, #tpu.memory_space<vmem_shared>>
      tpu.enqueue_dma source(%dma_start3A_121 : memref<640x64xf32, #tpu.memory_space<vmem_shared>>) target(%dma_start3A_119 : memref<640x64xf32, #tpu.memory_space<hbm>>) target_semaphore(%run_scoped3A : memref<!tpu.dma_semaphore, #tpu.memory_space<semaphore_mem>>)
      %dma_wait3A_122 = arith.constant 0 : i32
      %dma_wait3A_123 = tpu.memref_slice %arg6[%add3A_55, %dma_wait3A_122] : memref<40960x64xf32, #tpu.memory_space<hbm>> -> memref<640x64xf32, #tpu.memory_space<hbm>>
      %dma_wait3A_124 = arith.constant 0 : i32
      %dma_wait3A_125 = tpu.memref_slice %arg14[%mul3A_0, %dma_wait3A_124] : memref<10240x64xf32, #tpu.memory_space<vmem_shared>> -> memref<640x64xf32, #tpu.memory_space<vmem_shared>>
      tpu.wait_dma2 semaphore(%run_scoped3A : memref<!tpu.dma_semaphore, #tpu.memory_space<semaphore_mem>>) src(%dma_wait3A_125 : memref<640x64xf32, #tpu.memory_space<vmem_shared>>) dst(%dma_wait3A_123 : memref<640x64xf32, #tpu.memory_space<hbm>>)
      tpu.yield
    }) : () -> ()
    %barrier3A_56 = arith.constant 0 : index
    tpu.barrier barrier_id(%barrier3A_56)
    %mul3A_57 = arith.constant 2 : i32
    %mul3A_58 = arith.muli %arg0, %mul3A_57 : i32
    %add3A_59 = arith.constant 1 : i32
    %add3A_60 = arith.addi %mul3A_58, %add3A_59 : i32
    %mul3A_61 = arith.constant 10240 : i32
    %mul3A_62 = arith.muli %add3A_60, %mul3A_61 : i32
    %add3A_63 = arith.addi %mul3A_62, %mul3A_0 : i32
    "tpu.region"() ({
      %run_scoped3A = tpu.sem_alloc : memref<!tpu.dma_semaphore, #tpu.memory_space<semaphore_mem>>
      %dma_start3A_118 = arith.constant 0 : i32
      %dma_start3A_119 = tpu.memref_slice %arg13[%mul3A_0, %dma_start3A_118] : memref<10240x64xf32, #tpu.memory_space<vmem_shared>> -> memref<640x64xf32, #tpu.memory_space<vmem_shared>>
      %dma_start3A_120 = arith.constant 0 : i32
      %dma_start3A_121 = tpu.memref_slice %arg2[%add3A_63, %dma_start3A_120] : memref<40960x64xf32, #tpu.memory_space<hbm>> -> memref<640x64xf32, #tpu.memory_space<hbm>>
      tpu.enqueue_dma source(%dma_start3A_121 : memref<640x64xf32, #tpu.memory_space<hbm>>) target(%dma_start3A_119 : memref<640x64xf32, #tpu.memory_space<vmem_shared>>) target_semaphore(%run_scoped3A : memref<!tpu.dma_semaphore, #tpu.memory_space<semaphore_mem>>)
      %dma_wait3A_122 = arith.constant 0 : i32
      %dma_wait3A_123 = tpu.memref_slice %arg13[%mul3A_0, %dma_wait3A_122] : memref<10240x64xf32, #tpu.memory_space<vmem_shared>> -> memref<640x64xf32, #tpu.memory_space<vmem_shared>>
      %dma_wait3A_124 = arith.constant 0 : i32
      %dma_wait3A_125 = tpu.memref_slice %arg2[%add3A_63, %dma_wait3A_124] : memref<40960x64xf32, #tpu.memory_space<hbm>> -> memref<640x64xf32, #tpu.memory_space<hbm>>
      tpu.wait_dma2 semaphore(%run_scoped3A : memref<!tpu.dma_semaphore, #tpu.memory_space<semaphore_mem>>) src(%dma_wait3A_125 : memref<640x64xf32, #tpu.memory_space<hbm>>) dst(%dma_wait3A_123 : memref<640x64xf32, #tpu.memory_space<vmem_shared>>)
      tpu.yield
    }) : () -> ()
    "tpu.region"() ({
      %run_scoped3A = tpu.sem_alloc : memref<!tpu.dma_semaphore, #tpu.memory_space<semaphore_mem>>
      %dma_start3A_118 = arith.constant 0 : i32
      %dma_start3A_119 = tpu.memref_slice %arg14[%mul3A_0, %dma_start3A_118] : memref<10240x64xf32, #tpu.memory_space<vmem_shared>> -> memref<640x64xf32, #tpu.memory_space<vmem_shared>>
      %dma_start3A_120 = arith.constant 0 : i32
      %dma_start3A_121 = tpu.memref_slice %arg5[%mul3A_0, %dma_start3A_120] : memref<10240x64xf32, #tpu.memory_space<hbm>> -> memref<640x64xf32, #tpu.memory_space<hbm>>
      tpu.enqueue_dma source(%dma_start3A_121 : memref<640x64xf32, #tpu.memory_space<hbm>>) target(%dma_start3A_119 : memref<640x64xf32, #tpu.memory_space<vmem_shared>>) target_semaphore(%run_scoped3A : memref<!tpu.dma_semaphore, #tpu.memory_space<semaphore_mem>>)
      %dma_wait3A_122 = arith.constant 0 : i32
      %dma_wait3A_123 = tpu.memref_slice %arg14[%mul3A_0, %dma_wait3A_122] : memref<10240x64xf32, #tpu.memory_space<vmem_shared>> -> memref<640x64xf32, #tpu.memory_space<vmem_shared>>
      %dma_wait3A_124 = arith.constant 0 : i32
      %dma_wait3A_125 = tpu.memref_slice %arg5[%mul3A_0, %dma_wait3A_124] : memref<10240x64xf32, #tpu.memory_space<hbm>> -> memref<640x64xf32, #tpu.memory_space<hbm>>
      tpu.wait_dma2 semaphore(%run_scoped3A : memref<!tpu.dma_semaphore, #tpu.memory_space<semaphore_mem>>) src(%dma_wait3A_125 : memref<640x64xf32, #tpu.memory_space<hbm>>) dst(%dma_wait3A_123 : memref<640x64xf32, #tpu.memory_space<vmem_shared>>)
      tpu.yield
    }) : () -> ()
    %barrier3A_64 = arith.constant 0 : index
    tpu.barrier barrier_id(%barrier3A_64)
    %dma_start3A_65 = arith.constant 0 : i32
    %dma_start3A_66 = arith.constant 0 : i32
    %dma_start3A_67 = tpu.memref_slice %arg7[%dma_start3A_65, %dma_start3A_66] : memref<160x64xi32, #tpu.memory_space<vmem>> -> memref<1x64xi32, #tpu.memory_space<vmem>>
    %dma_start3A_68 = tpu.memref_squeeze %dma_start3A_67 : memref<1x64xi32, #tpu.memory_space<vmem>> -> memref<64xi32, #tpu.memory_space<vmem>>
    %dma_start3A_69 = arith.constant 0 : i32
    %dma_start3A_70 = arith.constant 0 : i32
    %dma_start3A_71 = tpu.memref_slice %arg13[%dma_start3A_69, %dma_start3A_70] : memref<10240x64xf32, #tpu.memory_space<vmem_shared>> -> memref<10240x64xf32, #tpu.memory_space<vmem_shared>>
    tpu.enqueue_indirect_dma source(%dma_start3A_71 : memref<10240x64xf32, #tpu.memory_space<vmem_shared>>) target(%arg9 : memref<64x64xf32, #tpu.memory_space<vmem>>) offsets(%dma_start3A_68 : memref<64xi32, #tpu.memory_space<vmem>>) semaphore(%arg15 : memref<!tpu.dma_semaphore, #tpu.memory_space<semaphore_mem>>)
    %dma_start3A_72 = arith.constant 1 : i32
    %dma_start3A_73 = arith.constant 0 : i32
    %dma_start3A_74 = tpu.memref_slice %arg7[%dma_start3A_72, %dma_start3A_73] : memref<160x64xi32, #tpu.memory_space<vmem>> -> memref<1x64xi32, #tpu.memory_space<vmem>>
    %dma_start3A_75 = tpu.memref_squeeze %dma_start3A_74 : memref<1x64xi32, #tpu.memory_space<vmem>> -> memref<64xi32, #tpu.memory_space<vmem>>
    %dma_start3A_76 = arith.constant 0 : i32
    %dma_start3A_77 = arith.constant 0 : i32
    %dma_start3A_78 = tpu.memref_slice %arg13[%dma_start3A_76, %dma_start3A_77] : memref<10240x64xf32, #tpu.memory_space<vmem_shared>> -> memref<10240x64xf32, #tpu.memory_space<vmem_shared>>
    tpu.enqueue_indirect_dma source(%dma_start3A_78 : memref<10240x64xf32, #tpu.memory_space<vmem_shared>>) target(%arg10 : memref<64x64xf32, #tpu.memory_space<vmem>>) offsets(%dma_start3A_75 : memref<64xi32, #tpu.memory_space<vmem>>) semaphore(%arg16 : memref<!tpu.dma_semaphore, #tpu.memory_space<semaphore_mem>>)
    %scan3A_79 = arith.constant 0 : i32
    %scan3A_80 = arith.constant 0 : i32
    %scan3A_81 = arith.constant 40 : i32
    %scan3A_82 = arith.addi %scan3A_80, %scan3A_81 : i32
    %scan3A_83 = arith.constant 1 : i32
    scf.for %scan3A_118 = %scan3A_80 to %scan3A_82 step %scan3A_83  : i32 {
      %mul3A_119 = arith.constant 4 : i32
      %mul3A_120 = arith.muli %mul3A_119, %scan3A_118 : i32
      %add3A_121 = arith.constant 0 : i32
      %add3A_122 = arith.addi %mul3A_120, %add3A_121 : i32
      %add3A_123 = arith.constant 2 : i32
      %add3A_124 = arith.addi %add3A_122, %add3A_123 : i32
      %lt3A = arith.constant 160 : i32
      %lt3A_125 = arith.cmpi slt, %add3A_124, %lt3A : i32
      %convert_element_type3A = arith.extui %lt3A_125 : i1 to i32
      %cond3A = arith.constant 0 : i32
      %cond3A_126 = arith.cmpi ne, %convert_element_type3A, %cond3A : i32
      scf.if %cond3A_126 {
        %ge3A = arith.constant 2 : i32
        %ge3A_208 = arith.cmpi sge, %add3A_122, %ge3A : i32
        %convert_element_type3A_209 = arith.extui %ge3A_208 : i1 to i32
        %cond3A_210 = arith.constant 0 : i32
        %cond3A_211 = arith.cmpi ne, %convert_element_type3A_209, %cond3A_210 : i32
        scf.if %cond3A_211 {
          %sub3A = arith.constant 2 : i32
          %sub3A_220 = arith.subi %add3A_122, %sub3A : i32
          %dma_wait3A_221 = arith.constant 0 : i32
          %dma_wait3A_222 = tpu.memref_slice %arg8[%sub3A_220, %dma_wait3A_221] : memref<160x64xi32, #tpu.memory_space<vmem>> -> memref<1x64xi32, #tpu.memory_space<vmem>>
          %dma_wait3A_223 = tpu.memref_squeeze %dma_wait3A_222 : memref<1x64xi32, #tpu.memory_space<vmem>> -> memref<64xi32, #tpu.memory_space<vmem>>
          %dma_wait3A_224 = arith.constant 0 : i32
          %dma_wait3A_225 = arith.constant 0 : i32
          %dma_wait3A_226 = tpu.memref_slice %arg14[%dma_wait3A_224, %dma_wait3A_225] : memref<10240x64xf32, #tpu.memory_space<vmem_shared>> -> memref<10240x64xf32, #tpu.memory_space<vmem_shared>>
          tpu.wait_indirect_dma semaphore(%arg21 : memref<!tpu.dma_semaphore, #tpu.memory_space<semaphore_mem>>) src(%arg11 : memref<64x64xf32, #tpu.memory_space<vmem>>) dst(%dma_wait3A_226 : memref<10240x64xf32, #tpu.memory_space<vmem_shared>>)
        } else {
        }
        %add3A_212 = arith.constant 2 : i32
        %add3A_213 = arith.addi %add3A_122, %add3A_212 : i32
        %dma_start3A_214 = arith.constant 0 : i32
        %dma_start3A_215 = tpu.memref_slice %arg7[%add3A_213, %dma_start3A_214] : memref<160x64xi32, #tpu.memory_space<vmem>> -> memref<1x64xi32, #tpu.memory_space<vmem>>
        %dma_start3A_216 = tpu.memref_squeeze %dma_start3A_215 : memref<1x64xi32, #tpu.memory_space<vmem>> -> memref<64xi32, #tpu.memory_space<vmem>>
        %dma_start3A_217 = arith.constant 0 : i32
        %dma_start3A_218 = arith.constant 0 : i32
        %dma_start3A_219 = tpu.memref_slice %arg13[%dma_start3A_217, %dma_start3A_218] : memref<10240x64xf32, #tpu.memory_space<vmem_shared>> -> memref<10240x64xf32, #tpu.memory_space<vmem_shared>>
        tpu.enqueue_indirect_dma source(%dma_start3A_219 : memref<10240x64xf32, #tpu.memory_space<vmem_shared>>) target(%arg11 : memref<64x64xf32, #tpu.memory_space<vmem>>) offsets(%dma_start3A_216 : memref<64xi32, #tpu.memory_space<vmem>>) semaphore(%arg17 : memref<!tpu.dma_semaphore, #tpu.memory_space<semaphore_mem>>)
      } else {
      }
      %dma_wait3A_127 = arith.constant 0 : i32
      %dma_wait3A_128 = tpu.memref_slice %arg7[%add3A_122, %dma_wait3A_127] : memref<160x64xi32, #tpu.memory_space<vmem>> -> memref<1x64xi32, #tpu.memory_space<vmem>>
      %dma_wait3A_129 = tpu.memref_squeeze %dma_wait3A_128 : memref<1x64xi32, #tpu.memory_space<vmem>> -> memref<64xi32, #tpu.memory_space<vmem>>
      %dma_wait3A_130 = arith.constant 0 : i32
      %dma_wait3A_131 = arith.constant 0 : i32
      %dma_wait3A_132 = tpu.memref_slice %arg13[%dma_wait3A_130, %dma_wait3A_131] : memref<10240x64xf32, #tpu.memory_space<vmem_shared>> -> memref<10240x64xf32, #tpu.memory_space<vmem_shared>>
      tpu.wait_indirect_dma semaphore(%arg15 : memref<!tpu.dma_semaphore, #tpu.memory_space<semaphore_mem>>) src(%dma_wait3A_132 : memref<10240x64xf32, #tpu.memory_space<vmem_shared>>) dst(%arg9 : memref<64x64xf32, #tpu.memory_space<vmem>>)
      %dma_start3A_133 = arith.constant 0 : i32
      %dma_start3A_134 = tpu.memref_slice %arg8[%add3A_122, %dma_start3A_133] : memref<160x64xi32, #tpu.memory_space<vmem>> -> memref<1x64xi32, #tpu.memory_space<vmem>>
      %dma_start3A_135 = tpu.memref_squeeze %dma_start3A_134 : memref<1x64xi32, #tpu.memory_space<vmem>> -> memref<64xi32, #tpu.memory_space<vmem>>
      %dma_start3A_136 = arith.constant 0 : i32
      %dma_start3A_137 = arith.constant 0 : i32
      %dma_start3A_138 = tpu.memref_slice %arg14[%dma_start3A_136, %dma_start3A_137] : memref<10240x64xf32, #tpu.memory_space<vmem_shared>> -> memref<10240x64xf32, #tpu.memory_space<vmem_shared>>
      tpu.enqueue_indirect_dma source(%arg9 : memref<64x64xf32, #tpu.memory_space<vmem>>) target(%dma_start3A_138 : memref<10240x64xf32, #tpu.memory_space<vmem_shared>>) offsets(%dma_start3A_135 : memref<64xi32, #tpu.memory_space<vmem>>) semaphore(%arg19 : memref<!tpu.dma_semaphore, #tpu.memory_space<semaphore_mem>>) {add = true}
      %mul3A_139 = arith.constant 4 : i32
      %mul3A_140 = arith.muli %mul3A_139, %scan3A_118 : i32
      %add3A_141 = arith.constant 1 : i32
      %add3A_142 = arith.addi %mul3A_140, %add3A_141 : i32
      %add3A_143 = arith.constant 2 : i32
      %add3A_144 = arith.addi %add3A_142, %add3A_143 : i32
      %lt3A_145 = arith.constant 160 : i32
      %lt3A_146 = arith.cmpi slt, %add3A_144, %lt3A_145 : i32
      %convert_element_type3A_147 = arith.extui %lt3A_146 : i1 to i32
      %cond3A_148 = arith.constant 0 : i32
      %cond3A_149 = arith.cmpi ne, %convert_element_type3A_147, %cond3A_148 : i32
      scf.if %cond3A_149 {
        %ge3A = arith.constant 2 : i32
        %ge3A_208 = arith.cmpi sge, %add3A_142, %ge3A : i32
        %convert_element_type3A_209 = arith.extui %ge3A_208 : i1 to i32
        %cond3A_210 = arith.constant 0 : i32
        %cond3A_211 = arith.cmpi ne, %convert_element_type3A_209, %cond3A_210 : i32
        scf.if %cond3A_211 {
          %sub3A = arith.constant 2 : i32
          %sub3A_220 = arith.subi %add3A_142, %sub3A : i32
          %dma_wait3A_221 = arith.constant 0 : i32
          %dma_wait3A_222 = tpu.memref_slice %arg8[%sub3A_220, %dma_wait3A_221] : memref<160x64xi32, #tpu.memory_space<vmem>> -> memref<1x64xi32, #tpu.memory_space<vmem>>
          %dma_wait3A_223 = tpu.memref_squeeze %dma_wait3A_222 : memref<1x64xi32, #tpu.memory_space<vmem>> -> memref<64xi32, #tpu.memory_space<vmem>>
          %dma_wait3A_224 = arith.constant 0 : i32
          %dma_wait3A_225 = arith.constant 0 : i32
          %dma_wait3A_226 = tpu.memref_slice %arg14[%dma_wait3A_224, %dma_wait3A_225] : memref<10240x64xf32, #tpu.memory_space<vmem_shared>> -> memref<10240x64xf32, #tpu.memory_space<vmem_shared>>
          tpu.wait_indirect_dma semaphore(%arg22 : memref<!tpu.dma_semaphore, #tpu.memory_space<semaphore_mem>>) src(%arg12 : memref<64x64xf32, #tpu.memory_space<vmem>>) dst(%dma_wait3A_226 : memref<10240x64xf32, #tpu.memory_space<vmem_shared>>)
        } else {
        }
        %add3A_212 = arith.constant 2 : i32
        %add3A_213 = arith.addi %add3A_142, %add3A_212 : i32
        %dma_start3A_214 = arith.constant 0 : i32
        %dma_start3A_215 = tpu.memref_slice %arg7[%add3A_213, %dma_start3A_214] : memref<160x64xi32, #tpu.memory_space<vmem>> -> memref<1x64xi32, #tpu.memory_space<vmem>>
        %dma_start3A_216 = tpu.memref_squeeze %dma_start3A_215 : memref<1x64xi32, #tpu.memory_space<vmem>> -> memref<64xi32, #tpu.memory_space<vmem>>
        %dma_start3A_217 = arith.constant 0 : i32
        %dma_start3A_218 = arith.constant 0 : i32
        %dma_start3A_219 = tpu.memref_slice %arg13[%dma_start3A_217, %dma_start3A_218] : memref<10240x64xf32, #tpu.memory_space<vmem_shared>> -> memref<10240x64xf32, #tpu.memory_space<vmem_shared>>
        tpu.enqueue_indirect_dma source(%dma_start3A_219 : memref<10240x64xf32, #tpu.memory_space<vmem_shared>>) target(%arg12 : memref<64x64xf32, #tpu.memory_space<vmem>>) offsets(%dma_start3A_216 : memref<64xi32, #tpu.memory_space<vmem>>) semaphore(%arg18 : memref<!tpu.dma_semaphore, #tpu.memory_space<semaphore_mem>>)
      } else {
      }
      %dma_wait3A_150 = arith.constant 0 : i32
      %dma_wait3A_151 = tpu.memref_slice %arg7[%add3A_142, %dma_wait3A_150] : memref<160x64xi32, #tpu.memory_space<vmem>> -> memref<1x64xi32, #tpu.memory_space<vmem>>
      %dma_wait3A_152 = tpu.memref_squeeze %dma_wait3A_151 : memref<1x64xi32, #tpu.memory_space<vmem>> -> memref<64xi32, #tpu.memory_space<vmem>>
      %dma_wait3A_153 = arith.constant 0 : i32
      %dma_wait3A_154 = arith.constant 0 : i32
      %dma_wait3A_155 = tpu.memref_slice %arg13[%dma_wait3A_153, %dma_wait3A_154] : memref<10240x64xf32, #tpu.memory_space<vmem_shared>> -> memref<10240x64xf32, #tpu.memory_space<vmem_shared>>
      tpu.wait_indirect_dma semaphore(%arg16 : memref<!tpu.dma_semaphore, #tpu.memory_space<semaphore_mem>>) src(%dma_wait3A_155 : memref<10240x64xf32, #tpu.memory_space<vmem_shared>>) dst(%arg10 : memref<64x64xf32, #tpu.memory_space<vmem>>)
      %dma_start3A_156 = arith.constant 0 : i32
      %dma_start3A_157 = tpu.memref_slice %arg8[%add3A_142, %dma_start3A_156] : memref<160x64xi32, #tpu.memory_space<vmem>> -> memref<1x64xi32, #tpu.memory_space<vmem>>
      %dma_start3A_158 = tpu.memref_squeeze %dma_start3A_157 : memref<1x64xi32, #tpu.memory_space<vmem>> -> memref<64xi32, #tpu.memory_space<vmem>>
      %dma_start3A_159 = arith.constant 0 : i32
      %dma_start3A_160 = arith.constant 0 : i32
      %dma_start3A_161 = tpu.memref_slice %arg14[%dma_start3A_159, %dma_start3A_160] : memref<10240x64xf32, #tpu.memory_space<vmem_shared>> -> memref<10240x64xf32, #tpu.memory_space<vmem_shared>>
      tpu.enqueue_indirect_dma source(%arg10 : memref<64x64xf32, #tpu.memory_space<vmem>>) target(%dma_start3A_161 : memref<10240x64xf32, #tpu.memory_space<vmem_shared>>) offsets(%dma_start3A_158 : memref<64xi32, #tpu.memory_space<vmem>>) semaphore(%arg20 : memref<!tpu.dma_semaphore, #tpu.memory_space<semaphore_mem>>) {add = true}
      %mul3A_162 = arith.constant 4 : i32
      %mul3A_163 = arith.muli %mul3A_162, %scan3A_118 : i32
      %add3A_164 = arith.constant 2 : i32
      %add3A_165 = arith.addi %mul3A_163, %add3A_164 : i32
      %add3A_166 = arith.constant 2 : i32
      %add3A_167 = arith.addi %add3A_165, %add3A_166 : i32
      %lt3A_168 = arith.constant 160 : i32
      %lt3A_169 = arith.cmpi slt, %add3A_167, %lt3A_168 : i32
      %convert_element_type3A_170 = arith.extui %lt3A_169 : i1 to i32
      %cond3A_171 = arith.constant 0 : i32
      %cond3A_172 = arith.cmpi ne, %convert_element_type3A_170, %cond3A_171 : i32
      scf.if %cond3A_172 {
        %ge3A = arith.constant 2 : i32
        %ge3A_208 = arith.cmpi sge, %add3A_165, %ge3A : i32
        %convert_element_type3A_209 = arith.extui %ge3A_208 : i1 to i32
        %cond3A_210 = arith.constant 0 : i32
        %cond3A_211 = arith.cmpi ne, %convert_element_type3A_209, %cond3A_210 : i32
        scf.if %cond3A_211 {
          %sub3A = arith.constant 2 : i32
          %sub3A_220 = arith.subi %add3A_165, %sub3A : i32
          %dma_wait3A_221 = arith.constant 0 : i32
          %dma_wait3A_222 = tpu.memref_slice %arg8[%sub3A_220, %dma_wait3A_221] : memref<160x64xi32, #tpu.memory_space<vmem>> -> memref<1x64xi32, #tpu.memory_space<vmem>>
          %dma_wait3A_223 = tpu.memref_squeeze %dma_wait3A_222 : memref<1x64xi32, #tpu.memory_space<vmem>> -> memref<64xi32, #tpu.memory_space<vmem>>
          %dma_wait3A_224 = arith.constant 0 : i32
          %dma_wait3A_225 = arith.constant 0 : i32
          %dma_wait3A_226 = tpu.memref_slice %arg14[%dma_wait3A_224, %dma_wait3A_225] : memref<10240x64xf32, #tpu.memory_space<vmem_shared>> -> memref<10240x64xf32, #tpu.memory_space<vmem_shared>>
          tpu.wait_indirect_dma semaphore(%arg19 : memref<!tpu.dma_semaphore, #tpu.memory_space<semaphore_mem>>) src(%arg9 : memref<64x64xf32, #tpu.memory_space<vmem>>) dst(%dma_wait3A_226 : memref<10240x64xf32, #tpu.memory_space<vmem_shared>>)
        } else {
        }
        %add3A_212 = arith.constant 2 : i32
        %add3A_213 = arith.addi %add3A_165, %add3A_212 : i32
        %dma_start3A_214 = arith.constant 0 : i32
        %dma_start3A_215 = tpu.memref_slice %arg7[%add3A_213, %dma_start3A_214] : memref<160x64xi32, #tpu.memory_space<vmem>> -> memref<1x64xi32, #tpu.memory_space<vmem>>
        %dma_start3A_216 = tpu.memref_squeeze %dma_start3A_215 : memref<1x64xi32, #tpu.memory_space<vmem>> -> memref<64xi32, #tpu.memory_space<vmem>>
        %dma_start3A_217 = arith.constant 0 : i32
        %dma_start3A_218 = arith.constant 0 : i32
        %dma_start3A_219 = tpu.memref_slice %arg13[%dma_start3A_217, %dma_start3A_218] : memref<10240x64xf32, #tpu.memory_space<vmem_shared>> -> memref<10240x64xf32, #tpu.memory_space<vmem_shared>>
        tpu.enqueue_indirect_dma source(%dma_start3A_219 : memref<10240x64xf32, #tpu.memory_space<vmem_shared>>) target(%arg9 : memref<64x64xf32, #tpu.memory_space<vmem>>) offsets(%dma_start3A_216 : memref<64xi32, #tpu.memory_space<vmem>>) semaphore(%arg15 : memref<!tpu.dma_semaphore, #tpu.memory_space<semaphore_mem>>)
      } else {
      }
      %dma_wait3A_173 = arith.constant 0 : i32
      %dma_wait3A_174 = tpu.memref_slice %arg7[%add3A_165, %dma_wait3A_173] : memref<160x64xi32, #tpu.memory_space<vmem>> -> memref<1x64xi32, #tpu.memory_space<vmem>>
      %dma_wait3A_175 = tpu.memref_squeeze %dma_wait3A_174 : memref<1x64xi32, #tpu.memory_space<vmem>> -> memref<64xi32, #tpu.memory_space<vmem>>
      %dma_wait3A_176 = arith.constant 0 : i32
      %dma_wait3A_177 = arith.constant 0 : i32
      %dma_wait3A_178 = tpu.memref_slice %arg13[%dma_wait3A_176, %dma_wait3A_177] : memref<10240x64xf32, #tpu.memory_space<vmem_shared>> -> memref<10240x64xf32, #tpu.memory_space<vmem_shared>>
      tpu.wait_indirect_dma semaphore(%arg17 : memref<!tpu.dma_semaphore, #tpu.memory_space<semaphore_mem>>) src(%dma_wait3A_178 : memref<10240x64xf32, #tpu.memory_space<vmem_shared>>) dst(%arg11 : memref<64x64xf32, #tpu.memory_space<vmem>>)
      %dma_start3A_179 = arith.constant 0 : i32
      %dma_start3A_180 = tpu.memref_slice %arg8[%add3A_165, %dma_start3A_179] : memref<160x64xi32, #tpu.memory_space<vmem>> -> memref<1x64xi32, #tpu.memory_space<vmem>>
      %dma_start3A_181 = tpu.memref_squeeze %dma_start3A_180 : memref<1x64xi32, #tpu.memory_space<vmem>> -> memref<64xi32, #tpu.memory_space<vmem>>
      %dma_start3A_182 = arith.constant 0 : i32
      %dma_start3A_183 = arith.constant 0 : i32
      %dma_start3A_184 = tpu.memref_slice %arg14[%dma_start3A_182, %dma_start3A_183] : memref<10240x64xf32, #tpu.memory_space<vmem_shared>> -> memref<10240x64xf32, #tpu.memory_space<vmem_shared>>
      tpu.enqueue_indirect_dma source(%arg11 : memref<64x64xf32, #tpu.memory_space<vmem>>) target(%dma_start3A_184 : memref<10240x64xf32, #tpu.memory_space<vmem_shared>>) offsets(%dma_start3A_181 : memref<64xi32, #tpu.memory_space<vmem>>) semaphore(%arg21 : memref<!tpu.dma_semaphore, #tpu.memory_space<semaphore_mem>>) {add = true}
      %mul3A_185 = arith.constant 4 : i32
      %mul3A_186 = arith.muli %mul3A_185, %scan3A_118 : i32
      %add3A_187 = arith.constant 3 : i32
      %add3A_188 = arith.addi %mul3A_186, %add3A_187 : i32
      %add3A_189 = arith.constant 2 : i32
      %add3A_190 = arith.addi %add3A_188, %add3A_189 : i32
      %lt3A_191 = arith.constant 160 : i32
      %lt3A_192 = arith.cmpi slt, %add3A_190, %lt3A_191 : i32
      %convert_element_type3A_193 = arith.extui %lt3A_192 : i1 to i32
      %cond3A_194 = arith.constant 0 : i32
      %cond3A_195 = arith.cmpi ne, %convert_element_type3A_193, %cond3A_194 : i32
      scf.if %cond3A_195 {
        %ge3A = arith.constant 2 : i32
        %ge3A_208 = arith.cmpi sge, %add3A_188, %ge3A : i32
        %convert_element_type3A_209 = arith.extui %ge3A_208 : i1 to i32
        %cond3A_210 = arith.constant 0 : i32
        %cond3A_211 = arith.cmpi ne, %convert_element_type3A_209, %cond3A_210 : i32
        scf.if %cond3A_211 {
          %sub3A = arith.constant 2 : i32
          %sub3A_220 = arith.subi %add3A_188, %sub3A : i32
          %dma_wait3A_221 = arith.constant 0 : i32
          %dma_wait3A_222 = tpu.memref_slice %arg8[%sub3A_220, %dma_wait3A_221] : memref<160x64xi32, #tpu.memory_space<vmem>> -> memref<1x64xi32, #tpu.memory_space<vmem>>
          %dma_wait3A_223 = tpu.memref_squeeze %dma_wait3A_222 : memref<1x64xi32, #tpu.memory_space<vmem>> -> memref<64xi32, #tpu.memory_space<vmem>>
          %dma_wait3A_224 = arith.constant 0 : i32
          %dma_wait3A_225 = arith.constant 0 : i32
          %dma_wait3A_226 = tpu.memref_slice %arg14[%dma_wait3A_224, %dma_wait3A_225] : memref<10240x64xf32, #tpu.memory_space<vmem_shared>> -> memref<10240x64xf32, #tpu.memory_space<vmem_shared>>
          tpu.wait_indirect_dma semaphore(%arg20 : memref<!tpu.dma_semaphore, #tpu.memory_space<semaphore_mem>>) src(%arg10 : memref<64x64xf32, #tpu.memory_space<vmem>>) dst(%dma_wait3A_226 : memref<10240x64xf32, #tpu.memory_space<vmem_shared>>)
        } else {
        }
        %add3A_212 = arith.constant 2 : i32
        %add3A_213 = arith.addi %add3A_188, %add3A_212 : i32
        %dma_start3A_214 = arith.constant 0 : i32
        %dma_start3A_215 = tpu.memref_slice %arg7[%add3A_213, %dma_start3A_214] : memref<160x64xi32, #tpu.memory_space<vmem>> -> memref<1x64xi32, #tpu.memory_space<vmem>>
        %dma_start3A_216 = tpu.memref_squeeze %dma_start3A_215 : memref<1x64xi32, #tpu.memory_space<vmem>> -> memref<64xi32, #tpu.memory_space<vmem>>
        %dma_start3A_217 = arith.constant 0 : i32
        %dma_start3A_218 = arith.constant 0 : i32
        %dma_start3A_219 = tpu.memref_slice %arg13[%dma_start3A_217, %dma_start3A_218] : memref<10240x64xf32, #tpu.memory_space<vmem_shared>> -> memref<10240x64xf32, #tpu.memory_space<vmem_shared>>
        tpu.enqueue_indirect_dma source(%dma_start3A_219 : memref<10240x64xf32, #tpu.memory_space<vmem_shared>>) target(%arg10 : memref<64x64xf32, #tpu.memory_space<vmem>>) offsets(%dma_start3A_216 : memref<64xi32, #tpu.memory_space<vmem>>) semaphore(%arg16 : memref<!tpu.dma_semaphore, #tpu.memory_space<semaphore_mem>>)
      } else {
      }
      %dma_wait3A_196 = arith.constant 0 : i32
      %dma_wait3A_197 = tpu.memref_slice %arg7[%add3A_188, %dma_wait3A_196] : memref<160x64xi32, #tpu.memory_space<vmem>> -> memref<1x64xi32, #tpu.memory_space<vmem>>
      %dma_wait3A_198 = tpu.memref_squeeze %dma_wait3A_197 : memref<1x64xi32, #tpu.memory_space<vmem>> -> memref<64xi32, #tpu.memory_space<vmem>>
      %dma_wait3A_199 = arith.constant 0 : i32
      %dma_wait3A_200 = arith.constant 0 : i32
      %dma_wait3A_201 = tpu.memref_slice %arg13[%dma_wait3A_199, %dma_wait3A_200] : memref<10240x64xf32, #tpu.memory_space<vmem_shared>> -> memref<10240x64xf32, #tpu.memory_space<vmem_shared>>
      tpu.wait_indirect_dma semaphore(%arg18 : memref<!tpu.dma_semaphore, #tpu.memory_space<semaphore_mem>>) src(%dma_wait3A_201 : memref<10240x64xf32, #tpu.memory_space<vmem_shared>>) dst(%arg12 : memref<64x64xf32, #tpu.memory_space<vmem>>)
      %dma_start3A_202 = arith.constant 0 : i32
      %dma_start3A_203 = tpu.memref_slice %arg8[%add3A_188, %dma_start3A_202] : memref<160x64xi32, #tpu.memory_space<vmem>> -> memref<1x64xi32, #tpu.memory_space<vmem>>
      %dma_start3A_204 = tpu.memref_squeeze %dma_start3A_203 : memref<1x64xi32, #tpu.memory_space<vmem>> -> memref<64xi32, #tpu.memory_space<vmem>>
      %dma_start3A_205 = arith.constant 0 : i32
      %dma_start3A_206 = arith.constant 0 : i32
      %dma_start3A_207 = tpu.memref_slice %arg14[%dma_start3A_205, %dma_start3A_206] : memref<10240x64xf32, #tpu.memory_space<vmem_shared>> -> memref<10240x64xf32, #tpu.memory_space<vmem_shared>>
      tpu.enqueue_indirect_dma source(%arg12 : memref<64x64xf32, #tpu.memory_space<vmem>>) target(%dma_start3A_207 : memref<10240x64xf32, #tpu.memory_space<vmem_shared>>) offsets(%dma_start3A_204 : memref<64xi32, #tpu.memory_space<vmem>>) semaphore(%arg22 : memref<!tpu.dma_semaphore, #tpu.memory_space<semaphore_mem>>) {add = true}
    }
    %scan3A_84 = arith.constant 40 : i32
    %dma_wait3A_85 = arith.constant 156 : i32
    %dma_wait3A_86 = arith.constant 0 : i32
    %dma_wait3A_87 = tpu.memref_slice %arg8[%dma_wait3A_85, %dma_wait3A_86] : memref<160x64xi32, #tpu.memory_space<vmem>> -> memref<1x64xi32, #tpu.memory_space<vmem>>
    %dma_wait3A_88 = tpu.memref_squeeze %dma_wait3A_87 : memref<1x64xi32, #tpu.memory_space<vmem>> -> memref<64xi32, #tpu.memory_space<vmem>>
    %dma_wait3A_89 = arith.constant 0 : i32
    %dma_wait3A_90 = arith.constant 0 : i32
    %dma_wait3A_91 = tpu.memref_slice %arg14[%dma_wait3A_89, %dma_wait3A_90] : memref<10240x64xf32, #tpu.memory_space<vmem_shared>> -> memref<10240x64xf32, #tpu.memory_space<vmem_shared>>
    tpu.wait_indirect_dma semaphore(%arg19 : memref<!tpu.dma_semaphore, #tpu.memory_space<semaphore_mem>>) src(%arg9 : memref<64x64xf32, #tpu.memory_space<vmem>>) dst(%dma_wait3A_91 : memref<10240x64xf32, #tpu.memory_space<vmem_shared>>)
    %dma_wait3A_92 = arith.constant 157 : i32
    %dma_wait3A_93 = arith.constant 0 : i32
    %dma_wait3A_94 = tpu.memref_slice %arg8[%dma_wait3A_92, %dma_wait3A_93] : memref<160x64xi32, #tpu.memory_space<vmem>> -> memref<1x64xi32, #tpu.memory_space<vmem>>
    %dma_wait3A_95 = tpu.memref_squeeze %dma_wait3A_94 : memref<1x64xi32, #tpu.memory_space<vmem>> -> memref<64xi32, #tpu.memory_space<vmem>>
    %dma_wait3A_96 = arith.constant 0 : i32
    %dma_wait3A_97 = arith.constant 0 : i32
    %dma_wait3A_98 = tpu.memref_slice %arg14[%dma_wait3A_96, %dma_wait3A_97] : memref<10240x64xf32, #tpu.memory_space<vmem_shared>> -> memref<10240x64xf32, #tpu.memory_space<vmem_shared>>
    tpu.wait_indirect_dma semaphore(%arg20 : memref<!tpu.dma_semaphore, #tpu.memory_space<semaphore_mem>>) src(%arg10 : memref<64x64xf32, #tpu.memory_space<vmem>>) dst(%dma_wait3A_98 : memref<10240x64xf32, #tpu.memory_space<vmem_shared>>)
    %dma_wait3A_99 = arith.constant 158 : i32
    %dma_wait3A_100 = arith.constant 0 : i32
    %dma_wait3A_101 = tpu.memref_slice %arg8[%dma_wait3A_99, %dma_wait3A_100] : memref<160x64xi32, #tpu.memory_space<vmem>> -> memref<1x64xi32, #tpu.memory_space<vmem>>
    %dma_wait3A_102 = tpu.memref_squeeze %dma_wait3A_101 : memref<1x64xi32, #tpu.memory_space<vmem>> -> memref<64xi32, #tpu.memory_space<vmem>>
    %dma_wait3A_103 = arith.constant 0 : i32
    %dma_wait3A_104 = arith.constant 0 : i32
    %dma_wait3A_105 = tpu.memref_slice %arg14[%dma_wait3A_103, %dma_wait3A_104] : memref<10240x64xf32, #tpu.memory_space<vmem_shared>> -> memref<10240x64xf32, #tpu.memory_space<vmem_shared>>
    tpu.wait_indirect_dma semaphore(%arg21 : memref<!tpu.dma_semaphore, #tpu.memory_space<semaphore_mem>>) src(%arg11 : memref<64x64xf32, #tpu.memory_space<vmem>>) dst(%dma_wait3A_105 : memref<10240x64xf32, #tpu.memory_space<vmem_shared>>)
    %dma_wait3A_106 = arith.constant 159 : i32
    %dma_wait3A_107 = arith.constant 0 : i32
    %dma_wait3A_108 = tpu.memref_slice %arg8[%dma_wait3A_106, %dma_wait3A_107] : memref<160x64xi32, #tpu.memory_space<vmem>> -> memref<1x64xi32, #tpu.memory_space<vmem>>
    %dma_wait3A_109 = tpu.memref_squeeze %dma_wait3A_108 : memref<1x64xi32, #tpu.memory_space<vmem>> -> memref<64xi32, #tpu.memory_space<vmem>>
    %dma_wait3A_110 = arith.constant 0 : i32
    %dma_wait3A_111 = arith.constant 0 : i32
    %dma_wait3A_112 = tpu.memref_slice %arg14[%dma_wait3A_110, %dma_wait3A_111] : memref<10240x64xf32, #tpu.memory_space<vmem_shared>> -> memref<10240x64xf32, #tpu.memory_space<vmem_shared>>
    tpu.wait_indirect_dma semaphore(%arg22 : memref<!tpu.dma_semaphore, #tpu.memory_space<semaphore_mem>>) src(%arg12 : memref<64x64xf32, #tpu.memory_space<vmem>>) dst(%dma_wait3A_112 : memref<10240x64xf32, #tpu.memory_space<vmem_shared>>)
    %barrier3A_113 = arith.constant 0 : index
    tpu.barrier barrier_id(%barrier3A_113)
    %mul3A_114 = arith.constant 10240 : i32
    %mul3A_115 = arith.muli %add3A_60, %mul3A_114 : i32
    %add3A_116 = arith.addi %mul3A_115, %mul3A_0 : i32
    "tpu.region"() ({
      %run_scoped3A = tpu.sem_alloc : memref<!tpu.dma_semaphore, #tpu.memory_space<semaphore_mem>>
      %dma_start3A_118 = arith.constant 0 : i32
      %dma_start3A_119 = tpu.memref_slice %arg6[%add3A_116, %dma_start3A_118] : memref<40960x64xf32, #tpu.memory_space<hbm>> -> memref<640x64xf32, #tpu.memory_space<hbm>>
      %dma_start3A_120 = arith.constant 0 : i32
      %dma_start3A_121 = tpu.memref_slice %arg14[%mul3A_0, %dma_start3A_120] : memref<10240x64xf32, #tpu.memory_space<vmem_shared>> -> memref<640x64xf32, #tpu.memory_space<vmem_shared>>
      tpu.enqueue_dma source(%dma_start3A_121 : memref<640x64xf32, #tpu.memory_space<vmem_shared>>) target(%dma_start3A_119 : memref<640x64xf32, #tpu.memory_space<hbm>>) target_semaphore(%run_scoped3A : memref<!tpu.dma_semaphore, #tpu.memory_space<semaphore_mem>>)
      %dma_wait3A_122 = arith.constant 0 : i32
      %dma_wait3A_123 = tpu.memref_slice %arg6[%add3A_116, %dma_wait3A_122] : memref<40960x64xf32, #tpu.memory_space<hbm>> -> memref<640x64xf32, #tpu.memory_space<hbm>>
      %dma_wait3A_124 = arith.constant 0 : i32
      %dma_wait3A_125 = tpu.memref_slice %arg14[%mul3A_0, %dma_wait3A_124] : memref<10240x64xf32, #tpu.memory_space<vmem_shared>> -> memref<640x64xf32, #tpu.memory_space<vmem_shared>>
      tpu.wait_dma2 semaphore(%run_scoped3A : memref<!tpu.dma_semaphore, #tpu.memory_space<semaphore_mem>>) src(%dma_wait3A_125 : memref<640x64xf32, #tpu.memory_space<vmem_shared>>) dst(%dma_wait3A_123 : memref<640x64xf32, #tpu.memory_space<hbm>>)
      tpu.yield
    }) : () -> ()
    %barrier3A_117 = arith.constant 0 : index
    tpu.barrier barrier_id(%barrier3A_117)
    return
  }
}

#map = affine_map<(d0, d1) -> (0, 0)>
#map1 = affine_map<(d0, d1) -> (0, 0, 0)>
module attributes {stable_mosaic.version = 14 : i64} {
  func.func @_agg_narrow_body(%arg0: i32, %arg1: i32, %arg2: memref<10240x64xf32, #tpu.memory_space<hbm>>, %arg3: memref<32x80x64xi32, #tpu.memory_space<hbm>>, %arg4: memref<32x80x64xi32, #tpu.memory_space<hbm>>, %arg5: memref<10240x64xf32, #tpu.memory_space<hbm>>, %arg6: memref<20480x64xf32, #tpu.memory_space<hbm>>, %arg7: memref<80x64xi32, #tpu.memory_space<vmem>>, %arg8: memref<80x64xi32, #tpu.memory_space<vmem>>, %arg9: memref<64x64xf32, #tpu.memory_space<vmem>>, %arg10: memref<64x64xf32, #tpu.memory_space<vmem>>, %arg11: memref<64x64xf32, #tpu.memory_space<vmem>>, %arg12: memref<64x64xf32, #tpu.memory_space<vmem>>, %arg13: memref<10240x64xf32, #tpu.memory_space<vmem_shared>>, %arg14: memref<10240x64xf32, #tpu.memory_space<vmem_shared>>, %arg15: memref<!tpu.dma_semaphore, #tpu.memory_space<semaphore_mem>>, %arg16: memref<!tpu.dma_semaphore, #tpu.memory_space<semaphore_mem>>, %arg17: memref<!tpu.dma_semaphore, #tpu.memory_space<semaphore_mem>>, %arg18: memref<!tpu.dma_semaphore, #tpu.memory_space<semaphore_mem>>, %arg19: memref<!tpu.dma_semaphore, #tpu.memory_space<semaphore_mem>>, %arg20: memref<!tpu.dma_semaphore, #tpu.memory_space<semaphore_mem>>, %arg21: memref<!tpu.dma_semaphore, #tpu.memory_space<semaphore_mem>>, %arg22: memref<!tpu.dma_semaphore, #tpu.memory_space<semaphore_mem>>) attributes {dimension_semantics = [#tpu.dimension_semantics<core_parallel>, #tpu.dimension_semantics<subcore_parallel>], iteration_bounds = array<i64: 2, 16>, scalar_prefetch = 0 : i64, scratch_operands = 16 : i64, tpu.core_type = #tpu.core_type<sc_vector_subcore>, window_params = [{transform_indices = #map}, {transform_indices = #map1}, {transform_indices = #map1}, {transform_indices = #map}, {transform_indices = #map}]} {
    %mul3A = arith.constant 640 : i32
    %mul3A_0 = arith.muli %arg1, %mul3A : i32
    %mul3A_1 = arith.constant 2 : i32
    %mul3A_2 = arith.muli %arg1, %mul3A_1 : i32
    %add3A = arith.addi %mul3A_2, %arg0 : i32
    "tpu.region"() ({
      %run_scoped3A = tpu.sem_alloc : memref<!tpu.dma_semaphore, #tpu.memory_space<semaphore_mem>>
      %dma_start3A_52 = arith.constant 0 : i32
      %dma_start3A_53 = arith.constant 0 : i32
      %dma_start3A_54 = tpu.memref_slice %arg3[%add3A, %dma_start3A_52, %dma_start3A_53] : memref<32x80x64xi32, #tpu.memory_space<hbm>> -> memref<1x80x64xi32, #tpu.memory_space<hbm>>
      %dma_start3A_55 = tpu.memref_squeeze %dma_start3A_54 : memref<1x80x64xi32, #tpu.memory_space<hbm>> -> memref<80x64xi32, #tpu.memory_space<hbm>>
      %dma_start3A_56 = arith.constant 0 : i32
      %dma_start3A_57 = arith.constant 0 : i32
      %dma_start3A_58 = tpu.memref_slice %arg3[%add3A, %dma_start3A_56, %dma_start3A_57] : memref<32x80x64xi32, #tpu.memory_space<hbm>> -> memref<1x80x64xi32, #tpu.memory_space<hbm>>
      %dma_start3A_59 = tpu.memref_squeeze %dma_start3A_58 : memref<1x80x64xi32, #tpu.memory_space<hbm>> -> memref<80x64xi32, #tpu.memory_space<hbm>>
      tpu.enqueue_dma source(%dma_start3A_59 : memref<80x64xi32, #tpu.memory_space<hbm>>) target(%arg7 : memref<80x64xi32, #tpu.memory_space<vmem>>) target_semaphore(%run_scoped3A : memref<!tpu.dma_semaphore, #tpu.memory_space<semaphore_mem>>)
      %dma_wait3A_60 = arith.constant 0 : i32
      %dma_wait3A_61 = arith.constant 0 : i32
      %dma_wait3A_62 = tpu.memref_slice %arg3[%add3A, %dma_wait3A_60, %dma_wait3A_61] : memref<32x80x64xi32, #tpu.memory_space<hbm>> -> memref<1x80x64xi32, #tpu.memory_space<hbm>>
      %dma_wait3A_63 = tpu.memref_squeeze %dma_wait3A_62 : memref<1x80x64xi32, #tpu.memory_space<hbm>> -> memref<80x64xi32, #tpu.memory_space<hbm>>
      %dma_wait3A_64 = arith.constant 0 : i32
      %dma_wait3A_65 = arith.constant 0 : i32
      %dma_wait3A_66 = tpu.memref_slice %arg3[%add3A, %dma_wait3A_64, %dma_wait3A_65] : memref<32x80x64xi32, #tpu.memory_space<hbm>> -> memref<1x80x64xi32, #tpu.memory_space<hbm>>
      %dma_wait3A_67 = tpu.memref_squeeze %dma_wait3A_66 : memref<1x80x64xi32, #tpu.memory_space<hbm>> -> memref<80x64xi32, #tpu.memory_space<hbm>>
      tpu.wait_dma2 semaphore(%run_scoped3A : memref<!tpu.dma_semaphore, #tpu.memory_space<semaphore_mem>>) src(%dma_wait3A_67 : memref<80x64xi32, #tpu.memory_space<hbm>>) dst(%arg7 : memref<80x64xi32, #tpu.memory_space<vmem>>)
      tpu.yield
    }) : () -> ()
    "tpu.region"() ({
      %run_scoped3A = tpu.sem_alloc : memref<!tpu.dma_semaphore, #tpu.memory_space<semaphore_mem>>
      %dma_start3A_52 = arith.constant 0 : i32
      %dma_start3A_53 = arith.constant 0 : i32
      %dma_start3A_54 = tpu.memref_slice %arg4[%add3A, %dma_start3A_52, %dma_start3A_53] : memref<32x80x64xi32, #tpu.memory_space<hbm>> -> memref<1x80x64xi32, #tpu.memory_space<hbm>>
      %dma_start3A_55 = tpu.memref_squeeze %dma_start3A_54 : memref<1x80x64xi32, #tpu.memory_space<hbm>> -> memref<80x64xi32, #tpu.memory_space<hbm>>
      %dma_start3A_56 = arith.constant 0 : i32
      %dma_start3A_57 = arith.constant 0 : i32
      %dma_start3A_58 = tpu.memref_slice %arg4[%add3A, %dma_start3A_56, %dma_start3A_57] : memref<32x80x64xi32, #tpu.memory_space<hbm>> -> memref<1x80x64xi32, #tpu.memory_space<hbm>>
      %dma_start3A_59 = tpu.memref_squeeze %dma_start3A_58 : memref<1x80x64xi32, #tpu.memory_space<hbm>> -> memref<80x64xi32, #tpu.memory_space<hbm>>
      tpu.enqueue_dma source(%dma_start3A_59 : memref<80x64xi32, #tpu.memory_space<hbm>>) target(%arg8 : memref<80x64xi32, #tpu.memory_space<vmem>>) target_semaphore(%run_scoped3A : memref<!tpu.dma_semaphore, #tpu.memory_space<semaphore_mem>>)
      %dma_wait3A_60 = arith.constant 0 : i32
      %dma_wait3A_61 = arith.constant 0 : i32
      %dma_wait3A_62 = tpu.memref_slice %arg4[%add3A, %dma_wait3A_60, %dma_wait3A_61] : memref<32x80x64xi32, #tpu.memory_space<hbm>> -> memref<1x80x64xi32, #tpu.memory_space<hbm>>
      %dma_wait3A_63 = tpu.memref_squeeze %dma_wait3A_62 : memref<1x80x64xi32, #tpu.memory_space<hbm>> -> memref<80x64xi32, #tpu.memory_space<hbm>>
      %dma_wait3A_64 = arith.constant 0 : i32
      %dma_wait3A_65 = arith.constant 0 : i32
      %dma_wait3A_66 = tpu.memref_slice %arg4[%add3A, %dma_wait3A_64, %dma_wait3A_65] : memref<32x80x64xi32, #tpu.memory_space<hbm>> -> memref<1x80x64xi32, #tpu.memory_space<hbm>>
      %dma_wait3A_67 = tpu.memref_squeeze %dma_wait3A_66 : memref<1x80x64xi32, #tpu.memory_space<hbm>> -> memref<80x64xi32, #tpu.memory_space<hbm>>
      tpu.wait_dma2 semaphore(%run_scoped3A : memref<!tpu.dma_semaphore, #tpu.memory_space<semaphore_mem>>) src(%dma_wait3A_67 : memref<80x64xi32, #tpu.memory_space<hbm>>) dst(%arg8 : memref<80x64xi32, #tpu.memory_space<vmem>>)
      tpu.yield
    }) : () -> ()
    "tpu.region"() ({
      %run_scoped3A = tpu.sem_alloc : memref<!tpu.dma_semaphore, #tpu.memory_space<semaphore_mem>>
      %dma_start3A_52 = arith.constant 0 : i32
      %dma_start3A_53 = tpu.memref_slice %arg14[%mul3A_0, %dma_start3A_52] : memref<10240x64xf32, #tpu.memory_space<vmem_shared>> -> memref<640x64xf32, #tpu.memory_space<vmem_shared>>
      %dma_start3A_54 = arith.constant 0 : i32
      %dma_start3A_55 = tpu.memref_slice %arg5[%mul3A_0, %dma_start3A_54] : memref<10240x64xf32, #tpu.memory_space<hbm>> -> memref<640x64xf32, #tpu.memory_space<hbm>>
      tpu.enqueue_dma source(%dma_start3A_55 : memref<640x64xf32, #tpu.memory_space<hbm>>) target(%dma_start3A_53 : memref<640x64xf32, #tpu.memory_space<vmem_shared>>) target_semaphore(%run_scoped3A : memref<!tpu.dma_semaphore, #tpu.memory_space<semaphore_mem>>)
      %dma_wait3A_56 = arith.constant 0 : i32
      %dma_wait3A_57 = tpu.memref_slice %arg14[%mul3A_0, %dma_wait3A_56] : memref<10240x64xf32, #tpu.memory_space<vmem_shared>> -> memref<640x64xf32, #tpu.memory_space<vmem_shared>>
      %dma_wait3A_58 = arith.constant 0 : i32
      %dma_wait3A_59 = tpu.memref_slice %arg5[%mul3A_0, %dma_wait3A_58] : memref<10240x64xf32, #tpu.memory_space<hbm>> -> memref<640x64xf32, #tpu.memory_space<hbm>>
      tpu.wait_dma2 semaphore(%run_scoped3A : memref<!tpu.dma_semaphore, #tpu.memory_space<semaphore_mem>>) src(%dma_wait3A_59 : memref<640x64xf32, #tpu.memory_space<hbm>>) dst(%dma_wait3A_57 : memref<640x64xf32, #tpu.memory_space<vmem_shared>>)
      tpu.yield
    }) : () -> ()
    "tpu.region"() ({
      %run_scoped3A = tpu.sem_alloc : memref<!tpu.dma_semaphore, #tpu.memory_space<semaphore_mem>>
      %dma_start3A_52 = arith.constant 0 : i32
      %dma_start3A_53 = tpu.memref_slice %arg13[%mul3A_0, %dma_start3A_52] : memref<10240x64xf32, #tpu.memory_space<vmem_shared>> -> memref<640x64xf32, #tpu.memory_space<vmem_shared>>
      %dma_start3A_54 = arith.constant 0 : i32
      %dma_start3A_55 = tpu.memref_slice %arg2[%mul3A_0, %dma_start3A_54] : memref<10240x64xf32, #tpu.memory_space<hbm>> -> memref<640x64xf32, #tpu.memory_space<hbm>>
      tpu.enqueue_dma source(%dma_start3A_55 : memref<640x64xf32, #tpu.memory_space<hbm>>) target(%dma_start3A_53 : memref<640x64xf32, #tpu.memory_space<vmem_shared>>) target_semaphore(%run_scoped3A : memref<!tpu.dma_semaphore, #tpu.memory_space<semaphore_mem>>)
      %dma_wait3A_56 = arith.constant 0 : i32
      %dma_wait3A_57 = tpu.memref_slice %arg13[%mul3A_0, %dma_wait3A_56] : memref<10240x64xf32, #tpu.memory_space<vmem_shared>> -> memref<640x64xf32, #tpu.memory_space<vmem_shared>>
      %dma_wait3A_58 = arith.constant 0 : i32
      %dma_wait3A_59 = tpu.memref_slice %arg2[%mul3A_0, %dma_wait3A_58] : memref<10240x64xf32, #tpu.memory_space<hbm>> -> memref<640x64xf32, #tpu.memory_space<hbm>>
      tpu.wait_dma2 semaphore(%run_scoped3A : memref<!tpu.dma_semaphore, #tpu.memory_space<semaphore_mem>>) src(%dma_wait3A_59 : memref<640x64xf32, #tpu.memory_space<hbm>>) dst(%dma_wait3A_57 : memref<640x64xf32, #tpu.memory_space<vmem_shared>>)
      tpu.yield
    }) : () -> ()
    %barrier3A = arith.constant 0 : index
    tpu.barrier barrier_id(%barrier3A)
    %dma_start3A = arith.constant 0 : i32
    %dma_start3A_3 = arith.constant 0 : i32
    %dma_start3A_4 = tpu.memref_slice %arg7[%dma_start3A, %dma_start3A_3] : memref<80x64xi32, #tpu.memory_space<vmem>> -> memref<1x64xi32, #tpu.memory_space<vmem>>
    %dma_start3A_5 = tpu.memref_squeeze %dma_start3A_4 : memref<1x64xi32, #tpu.memory_space<vmem>> -> memref<64xi32, #tpu.memory_space<vmem>>
    %dma_start3A_6 = arith.constant 0 : i32
    %dma_start3A_7 = arith.constant 0 : i32
    %dma_start3A_8 = tpu.memref_slice %arg13[%dma_start3A_6, %dma_start3A_7] : memref<10240x64xf32, #tpu.memory_space<vmem_shared>> -> memref<10240x64xf32, #tpu.memory_space<vmem_shared>>
    tpu.enqueue_indirect_dma source(%dma_start3A_8 : memref<10240x64xf32, #tpu.memory_space<vmem_shared>>) target(%arg9 : memref<64x64xf32, #tpu.memory_space<vmem>>) offsets(%dma_start3A_5 : memref<64xi32, #tpu.memory_space<vmem>>) semaphore(%arg15 : memref<!tpu.dma_semaphore, #tpu.memory_space<semaphore_mem>>)
    %dma_start3A_9 = arith.constant 1 : i32
    %dma_start3A_10 = arith.constant 0 : i32
    %dma_start3A_11 = tpu.memref_slice %arg7[%dma_start3A_9, %dma_start3A_10] : memref<80x64xi32, #tpu.memory_space<vmem>> -> memref<1x64xi32, #tpu.memory_space<vmem>>
    %dma_start3A_12 = tpu.memref_squeeze %dma_start3A_11 : memref<1x64xi32, #tpu.memory_space<vmem>> -> memref<64xi32, #tpu.memory_space<vmem>>
    %dma_start3A_13 = arith.constant 0 : i32
    %dma_start3A_14 = arith.constant 0 : i32
    %dma_start3A_15 = tpu.memref_slice %arg13[%dma_start3A_13, %dma_start3A_14] : memref<10240x64xf32, #tpu.memory_space<vmem_shared>> -> memref<10240x64xf32, #tpu.memory_space<vmem_shared>>
    tpu.enqueue_indirect_dma source(%dma_start3A_15 : memref<10240x64xf32, #tpu.memory_space<vmem_shared>>) target(%arg10 : memref<64x64xf32, #tpu.memory_space<vmem>>) offsets(%dma_start3A_12 : memref<64xi32, #tpu.memory_space<vmem>>) semaphore(%arg16 : memref<!tpu.dma_semaphore, #tpu.memory_space<semaphore_mem>>)
    %scan3A = arith.constant 0 : i32
    %scan3A_16 = arith.constant 0 : i32
    %scan3A_17 = arith.constant 20 : i32
    %scan3A_18 = arith.addi %scan3A_16, %scan3A_17 : i32
    %scan3A_19 = arith.constant 1 : i32
    scf.for %scan3A_52 = %scan3A_16 to %scan3A_18 step %scan3A_19  : i32 {
      %mul3A_53 = arith.constant 4 : i32
      %mul3A_54 = arith.muli %mul3A_53, %scan3A_52 : i32
      %add3A_55 = arith.constant 0 : i32
      %add3A_56 = arith.addi %mul3A_54, %add3A_55 : i32
      %add3A_57 = arith.constant 2 : i32
      %add3A_58 = arith.addi %add3A_56, %add3A_57 : i32
      %lt3A = arith.constant 80 : i32
      %lt3A_59 = arith.cmpi slt, %add3A_58, %lt3A : i32
      %convert_element_type3A = arith.extui %lt3A_59 : i1 to i32
      %cond3A = arith.constant 0 : i32
      %cond3A_60 = arith.cmpi ne, %convert_element_type3A, %cond3A : i32
      scf.if %cond3A_60 {
        %ge3A = arith.constant 2 : i32
        %ge3A_142 = arith.cmpi sge, %add3A_56, %ge3A : i32
        %convert_element_type3A_143 = arith.extui %ge3A_142 : i1 to i32
        %cond3A_144 = arith.constant 0 : i32
        %cond3A_145 = arith.cmpi ne, %convert_element_type3A_143, %cond3A_144 : i32
        scf.if %cond3A_145 {
          %sub3A = arith.constant 2 : i32
          %sub3A_154 = arith.subi %add3A_56, %sub3A : i32
          %dma_wait3A_155 = arith.constant 0 : i32
          %dma_wait3A_156 = tpu.memref_slice %arg8[%sub3A_154, %dma_wait3A_155] : memref<80x64xi32, #tpu.memory_space<vmem>> -> memref<1x64xi32, #tpu.memory_space<vmem>>
          %dma_wait3A_157 = tpu.memref_squeeze %dma_wait3A_156 : memref<1x64xi32, #tpu.memory_space<vmem>> -> memref<64xi32, #tpu.memory_space<vmem>>
          %dma_wait3A_158 = arith.constant 0 : i32
          %dma_wait3A_159 = arith.constant 0 : i32
          %dma_wait3A_160 = tpu.memref_slice %arg14[%dma_wait3A_158, %dma_wait3A_159] : memref<10240x64xf32, #tpu.memory_space<vmem_shared>> -> memref<10240x64xf32, #tpu.memory_space<vmem_shared>>
          tpu.wait_indirect_dma semaphore(%arg21 : memref<!tpu.dma_semaphore, #tpu.memory_space<semaphore_mem>>) src(%arg11 : memref<64x64xf32, #tpu.memory_space<vmem>>) dst(%dma_wait3A_160 : memref<10240x64xf32, #tpu.memory_space<vmem_shared>>)
        } else {
        }
        %add3A_146 = arith.constant 2 : i32
        %add3A_147 = arith.addi %add3A_56, %add3A_146 : i32
        %dma_start3A_148 = arith.constant 0 : i32
        %dma_start3A_149 = tpu.memref_slice %arg7[%add3A_147, %dma_start3A_148] : memref<80x64xi32, #tpu.memory_space<vmem>> -> memref<1x64xi32, #tpu.memory_space<vmem>>
        %dma_start3A_150 = tpu.memref_squeeze %dma_start3A_149 : memref<1x64xi32, #tpu.memory_space<vmem>> -> memref<64xi32, #tpu.memory_space<vmem>>
        %dma_start3A_151 = arith.constant 0 : i32
        %dma_start3A_152 = arith.constant 0 : i32
        %dma_start3A_153 = tpu.memref_slice %arg13[%dma_start3A_151, %dma_start3A_152] : memref<10240x64xf32, #tpu.memory_space<vmem_shared>> -> memref<10240x64xf32, #tpu.memory_space<vmem_shared>>
        tpu.enqueue_indirect_dma source(%dma_start3A_153 : memref<10240x64xf32, #tpu.memory_space<vmem_shared>>) target(%arg11 : memref<64x64xf32, #tpu.memory_space<vmem>>) offsets(%dma_start3A_150 : memref<64xi32, #tpu.memory_space<vmem>>) semaphore(%arg17 : memref<!tpu.dma_semaphore, #tpu.memory_space<semaphore_mem>>)
      } else {
      }
      %dma_wait3A_61 = arith.constant 0 : i32
      %dma_wait3A_62 = tpu.memref_slice %arg7[%add3A_56, %dma_wait3A_61] : memref<80x64xi32, #tpu.memory_space<vmem>> -> memref<1x64xi32, #tpu.memory_space<vmem>>
      %dma_wait3A_63 = tpu.memref_squeeze %dma_wait3A_62 : memref<1x64xi32, #tpu.memory_space<vmem>> -> memref<64xi32, #tpu.memory_space<vmem>>
      %dma_wait3A_64 = arith.constant 0 : i32
      %dma_wait3A_65 = arith.constant 0 : i32
      %dma_wait3A_66 = tpu.memref_slice %arg13[%dma_wait3A_64, %dma_wait3A_65] : memref<10240x64xf32, #tpu.memory_space<vmem_shared>> -> memref<10240x64xf32, #tpu.memory_space<vmem_shared>>
      tpu.wait_indirect_dma semaphore(%arg15 : memref<!tpu.dma_semaphore, #tpu.memory_space<semaphore_mem>>) src(%dma_wait3A_66 : memref<10240x64xf32, #tpu.memory_space<vmem_shared>>) dst(%arg9 : memref<64x64xf32, #tpu.memory_space<vmem>>)
      %dma_start3A_67 = arith.constant 0 : i32
      %dma_start3A_68 = tpu.memref_slice %arg8[%add3A_56, %dma_start3A_67] : memref<80x64xi32, #tpu.memory_space<vmem>> -> memref<1x64xi32, #tpu.memory_space<vmem>>
      %dma_start3A_69 = tpu.memref_squeeze %dma_start3A_68 : memref<1x64xi32, #tpu.memory_space<vmem>> -> memref<64xi32, #tpu.memory_space<vmem>>
      %dma_start3A_70 = arith.constant 0 : i32
      %dma_start3A_71 = arith.constant 0 : i32
      %dma_start3A_72 = tpu.memref_slice %arg14[%dma_start3A_70, %dma_start3A_71] : memref<10240x64xf32, #tpu.memory_space<vmem_shared>> -> memref<10240x64xf32, #tpu.memory_space<vmem_shared>>
      tpu.enqueue_indirect_dma source(%arg9 : memref<64x64xf32, #tpu.memory_space<vmem>>) target(%dma_start3A_72 : memref<10240x64xf32, #tpu.memory_space<vmem_shared>>) offsets(%dma_start3A_69 : memref<64xi32, #tpu.memory_space<vmem>>) semaphore(%arg19 : memref<!tpu.dma_semaphore, #tpu.memory_space<semaphore_mem>>) {add = true}
      %mul3A_73 = arith.constant 4 : i32
      %mul3A_74 = arith.muli %mul3A_73, %scan3A_52 : i32
      %add3A_75 = arith.constant 1 : i32
      %add3A_76 = arith.addi %mul3A_74, %add3A_75 : i32
      %add3A_77 = arith.constant 2 : i32
      %add3A_78 = arith.addi %add3A_76, %add3A_77 : i32
      %lt3A_79 = arith.constant 80 : i32
      %lt3A_80 = arith.cmpi slt, %add3A_78, %lt3A_79 : i32
      %convert_element_type3A_81 = arith.extui %lt3A_80 : i1 to i32
      %cond3A_82 = arith.constant 0 : i32
      %cond3A_83 = arith.cmpi ne, %convert_element_type3A_81, %cond3A_82 : i32
      scf.if %cond3A_83 {
        %ge3A = arith.constant 2 : i32
        %ge3A_142 = arith.cmpi sge, %add3A_76, %ge3A : i32
        %convert_element_type3A_143 = arith.extui %ge3A_142 : i1 to i32
        %cond3A_144 = arith.constant 0 : i32
        %cond3A_145 = arith.cmpi ne, %convert_element_type3A_143, %cond3A_144 : i32
        scf.if %cond3A_145 {
          %sub3A = arith.constant 2 : i32
          %sub3A_154 = arith.subi %add3A_76, %sub3A : i32
          %dma_wait3A_155 = arith.constant 0 : i32
          %dma_wait3A_156 = tpu.memref_slice %arg8[%sub3A_154, %dma_wait3A_155] : memref<80x64xi32, #tpu.memory_space<vmem>> -> memref<1x64xi32, #tpu.memory_space<vmem>>
          %dma_wait3A_157 = tpu.memref_squeeze %dma_wait3A_156 : memref<1x64xi32, #tpu.memory_space<vmem>> -> memref<64xi32, #tpu.memory_space<vmem>>
          %dma_wait3A_158 = arith.constant 0 : i32
          %dma_wait3A_159 = arith.constant 0 : i32
          %dma_wait3A_160 = tpu.memref_slice %arg14[%dma_wait3A_158, %dma_wait3A_159] : memref<10240x64xf32, #tpu.memory_space<vmem_shared>> -> memref<10240x64xf32, #tpu.memory_space<vmem_shared>>
          tpu.wait_indirect_dma semaphore(%arg22 : memref<!tpu.dma_semaphore, #tpu.memory_space<semaphore_mem>>) src(%arg12 : memref<64x64xf32, #tpu.memory_space<vmem>>) dst(%dma_wait3A_160 : memref<10240x64xf32, #tpu.memory_space<vmem_shared>>)
        } else {
        }
        %add3A_146 = arith.constant 2 : i32
        %add3A_147 = arith.addi %add3A_76, %add3A_146 : i32
        %dma_start3A_148 = arith.constant 0 : i32
        %dma_start3A_149 = tpu.memref_slice %arg7[%add3A_147, %dma_start3A_148] : memref<80x64xi32, #tpu.memory_space<vmem>> -> memref<1x64xi32, #tpu.memory_space<vmem>>
        %dma_start3A_150 = tpu.memref_squeeze %dma_start3A_149 : memref<1x64xi32, #tpu.memory_space<vmem>> -> memref<64xi32, #tpu.memory_space<vmem>>
        %dma_start3A_151 = arith.constant 0 : i32
        %dma_start3A_152 = arith.constant 0 : i32
        %dma_start3A_153 = tpu.memref_slice %arg13[%dma_start3A_151, %dma_start3A_152] : memref<10240x64xf32, #tpu.memory_space<vmem_shared>> -> memref<10240x64xf32, #tpu.memory_space<vmem_shared>>
        tpu.enqueue_indirect_dma source(%dma_start3A_153 : memref<10240x64xf32, #tpu.memory_space<vmem_shared>>) target(%arg12 : memref<64x64xf32, #tpu.memory_space<vmem>>) offsets(%dma_start3A_150 : memref<64xi32, #tpu.memory_space<vmem>>) semaphore(%arg18 : memref<!tpu.dma_semaphore, #tpu.memory_space<semaphore_mem>>)
      } else {
      }
      %dma_wait3A_84 = arith.constant 0 : i32
      %dma_wait3A_85 = tpu.memref_slice %arg7[%add3A_76, %dma_wait3A_84] : memref<80x64xi32, #tpu.memory_space<vmem>> -> memref<1x64xi32, #tpu.memory_space<vmem>>
      %dma_wait3A_86 = tpu.memref_squeeze %dma_wait3A_85 : memref<1x64xi32, #tpu.memory_space<vmem>> -> memref<64xi32, #tpu.memory_space<vmem>>
      %dma_wait3A_87 = arith.constant 0 : i32
      %dma_wait3A_88 = arith.constant 0 : i32
      %dma_wait3A_89 = tpu.memref_slice %arg13[%dma_wait3A_87, %dma_wait3A_88] : memref<10240x64xf32, #tpu.memory_space<vmem_shared>> -> memref<10240x64xf32, #tpu.memory_space<vmem_shared>>
      tpu.wait_indirect_dma semaphore(%arg16 : memref<!tpu.dma_semaphore, #tpu.memory_space<semaphore_mem>>) src(%dma_wait3A_89 : memref<10240x64xf32, #tpu.memory_space<vmem_shared>>) dst(%arg10 : memref<64x64xf32, #tpu.memory_space<vmem>>)
      %dma_start3A_90 = arith.constant 0 : i32
      %dma_start3A_91 = tpu.memref_slice %arg8[%add3A_76, %dma_start3A_90] : memref<80x64xi32, #tpu.memory_space<vmem>> -> memref<1x64xi32, #tpu.memory_space<vmem>>
      %dma_start3A_92 = tpu.memref_squeeze %dma_start3A_91 : memref<1x64xi32, #tpu.memory_space<vmem>> -> memref<64xi32, #tpu.memory_space<vmem>>
      %dma_start3A_93 = arith.constant 0 : i32
      %dma_start3A_94 = arith.constant 0 : i32
      %dma_start3A_95 = tpu.memref_slice %arg14[%dma_start3A_93, %dma_start3A_94] : memref<10240x64xf32, #tpu.memory_space<vmem_shared>> -> memref<10240x64xf32, #tpu.memory_space<vmem_shared>>
      tpu.enqueue_indirect_dma source(%arg10 : memref<64x64xf32, #tpu.memory_space<vmem>>) target(%dma_start3A_95 : memref<10240x64xf32, #tpu.memory_space<vmem_shared>>) offsets(%dma_start3A_92 : memref<64xi32, #tpu.memory_space<vmem>>) semaphore(%arg20 : memref<!tpu.dma_semaphore, #tpu.memory_space<semaphore_mem>>) {add = true}
      %mul3A_96 = arith.constant 4 : i32
      %mul3A_97 = arith.muli %mul3A_96, %scan3A_52 : i32
      %add3A_98 = arith.constant 2 : i32
      %add3A_99 = arith.addi %mul3A_97, %add3A_98 : i32
      %add3A_100 = arith.constant 2 : i32
      %add3A_101 = arith.addi %add3A_99, %add3A_100 : i32
      %lt3A_102 = arith.constant 80 : i32
      %lt3A_103 = arith.cmpi slt, %add3A_101, %lt3A_102 : i32
      %convert_element_type3A_104 = arith.extui %lt3A_103 : i1 to i32
      %cond3A_105 = arith.constant 0 : i32
      %cond3A_106 = arith.cmpi ne, %convert_element_type3A_104, %cond3A_105 : i32
      scf.if %cond3A_106 {
        %ge3A = arith.constant 2 : i32
        %ge3A_142 = arith.cmpi sge, %add3A_99, %ge3A : i32
        %convert_element_type3A_143 = arith.extui %ge3A_142 : i1 to i32
        %cond3A_144 = arith.constant 0 : i32
        %cond3A_145 = arith.cmpi ne, %convert_element_type3A_143, %cond3A_144 : i32
        scf.if %cond3A_145 {
          %sub3A = arith.constant 2 : i32
          %sub3A_154 = arith.subi %add3A_99, %sub3A : i32
          %dma_wait3A_155 = arith.constant 0 : i32
          %dma_wait3A_156 = tpu.memref_slice %arg8[%sub3A_154, %dma_wait3A_155] : memref<80x64xi32, #tpu.memory_space<vmem>> -> memref<1x64xi32, #tpu.memory_space<vmem>>
          %dma_wait3A_157 = tpu.memref_squeeze %dma_wait3A_156 : memref<1x64xi32, #tpu.memory_space<vmem>> -> memref<64xi32, #tpu.memory_space<vmem>>
          %dma_wait3A_158 = arith.constant 0 : i32
          %dma_wait3A_159 = arith.constant 0 : i32
          %dma_wait3A_160 = tpu.memref_slice %arg14[%dma_wait3A_158, %dma_wait3A_159] : memref<10240x64xf32, #tpu.memory_space<vmem_shared>> -> memref<10240x64xf32, #tpu.memory_space<vmem_shared>>
          tpu.wait_indirect_dma semaphore(%arg19 : memref<!tpu.dma_semaphore, #tpu.memory_space<semaphore_mem>>) src(%arg9 : memref<64x64xf32, #tpu.memory_space<vmem>>) dst(%dma_wait3A_160 : memref<10240x64xf32, #tpu.memory_space<vmem_shared>>)
        } else {
        }
        %add3A_146 = arith.constant 2 : i32
        %add3A_147 = arith.addi %add3A_99, %add3A_146 : i32
        %dma_start3A_148 = arith.constant 0 : i32
        %dma_start3A_149 = tpu.memref_slice %arg7[%add3A_147, %dma_start3A_148] : memref<80x64xi32, #tpu.memory_space<vmem>> -> memref<1x64xi32, #tpu.memory_space<vmem>>
        %dma_start3A_150 = tpu.memref_squeeze %dma_start3A_149 : memref<1x64xi32, #tpu.memory_space<vmem>> -> memref<64xi32, #tpu.memory_space<vmem>>
        %dma_start3A_151 = arith.constant 0 : i32
        %dma_start3A_152 = arith.constant 0 : i32
        %dma_start3A_153 = tpu.memref_slice %arg13[%dma_start3A_151, %dma_start3A_152] : memref<10240x64xf32, #tpu.memory_space<vmem_shared>> -> memref<10240x64xf32, #tpu.memory_space<vmem_shared>>
        tpu.enqueue_indirect_dma source(%dma_start3A_153 : memref<10240x64xf32, #tpu.memory_space<vmem_shared>>) target(%arg9 : memref<64x64xf32, #tpu.memory_space<vmem>>) offsets(%dma_start3A_150 : memref<64xi32, #tpu.memory_space<vmem>>) semaphore(%arg15 : memref<!tpu.dma_semaphore, #tpu.memory_space<semaphore_mem>>)
      } else {
      }
      %dma_wait3A_107 = arith.constant 0 : i32
      %dma_wait3A_108 = tpu.memref_slice %arg7[%add3A_99, %dma_wait3A_107] : memref<80x64xi32, #tpu.memory_space<vmem>> -> memref<1x64xi32, #tpu.memory_space<vmem>>
      %dma_wait3A_109 = tpu.memref_squeeze %dma_wait3A_108 : memref<1x64xi32, #tpu.memory_space<vmem>> -> memref<64xi32, #tpu.memory_space<vmem>>
      %dma_wait3A_110 = arith.constant 0 : i32
      %dma_wait3A_111 = arith.constant 0 : i32
      %dma_wait3A_112 = tpu.memref_slice %arg13[%dma_wait3A_110, %dma_wait3A_111] : memref<10240x64xf32, #tpu.memory_space<vmem_shared>> -> memref<10240x64xf32, #tpu.memory_space<vmem_shared>>
      tpu.wait_indirect_dma semaphore(%arg17 : memref<!tpu.dma_semaphore, #tpu.memory_space<semaphore_mem>>) src(%dma_wait3A_112 : memref<10240x64xf32, #tpu.memory_space<vmem_shared>>) dst(%arg11 : memref<64x64xf32, #tpu.memory_space<vmem>>)
      %dma_start3A_113 = arith.constant 0 : i32
      %dma_start3A_114 = tpu.memref_slice %arg8[%add3A_99, %dma_start3A_113] : memref<80x64xi32, #tpu.memory_space<vmem>> -> memref<1x64xi32, #tpu.memory_space<vmem>>
      %dma_start3A_115 = tpu.memref_squeeze %dma_start3A_114 : memref<1x64xi32, #tpu.memory_space<vmem>> -> memref<64xi32, #tpu.memory_space<vmem>>
      %dma_start3A_116 = arith.constant 0 : i32
      %dma_start3A_117 = arith.constant 0 : i32
      %dma_start3A_118 = tpu.memref_slice %arg14[%dma_start3A_116, %dma_start3A_117] : memref<10240x64xf32, #tpu.memory_space<vmem_shared>> -> memref<10240x64xf32, #tpu.memory_space<vmem_shared>>
      tpu.enqueue_indirect_dma source(%arg11 : memref<64x64xf32, #tpu.memory_space<vmem>>) target(%dma_start3A_118 : memref<10240x64xf32, #tpu.memory_space<vmem_shared>>) offsets(%dma_start3A_115 : memref<64xi32, #tpu.memory_space<vmem>>) semaphore(%arg21 : memref<!tpu.dma_semaphore, #tpu.memory_space<semaphore_mem>>) {add = true}
      %mul3A_119 = arith.constant 4 : i32
      %mul3A_120 = arith.muli %mul3A_119, %scan3A_52 : i32
      %add3A_121 = arith.constant 3 : i32
      %add3A_122 = arith.addi %mul3A_120, %add3A_121 : i32
      %add3A_123 = arith.constant 2 : i32
      %add3A_124 = arith.addi %add3A_122, %add3A_123 : i32
      %lt3A_125 = arith.constant 80 : i32
      %lt3A_126 = arith.cmpi slt, %add3A_124, %lt3A_125 : i32
      %convert_element_type3A_127 = arith.extui %lt3A_126 : i1 to i32
      %cond3A_128 = arith.constant 0 : i32
      %cond3A_129 = arith.cmpi ne, %convert_element_type3A_127, %cond3A_128 : i32
      scf.if %cond3A_129 {
        %ge3A = arith.constant 2 : i32
        %ge3A_142 = arith.cmpi sge, %add3A_122, %ge3A : i32
        %convert_element_type3A_143 = arith.extui %ge3A_142 : i1 to i32
        %cond3A_144 = arith.constant 0 : i32
        %cond3A_145 = arith.cmpi ne, %convert_element_type3A_143, %cond3A_144 : i32
        scf.if %cond3A_145 {
          %sub3A = arith.constant 2 : i32
          %sub3A_154 = arith.subi %add3A_122, %sub3A : i32
          %dma_wait3A_155 = arith.constant 0 : i32
          %dma_wait3A_156 = tpu.memref_slice %arg8[%sub3A_154, %dma_wait3A_155] : memref<80x64xi32, #tpu.memory_space<vmem>> -> memref<1x64xi32, #tpu.memory_space<vmem>>
          %dma_wait3A_157 = tpu.memref_squeeze %dma_wait3A_156 : memref<1x64xi32, #tpu.memory_space<vmem>> -> memref<64xi32, #tpu.memory_space<vmem>>
          %dma_wait3A_158 = arith.constant 0 : i32
          %dma_wait3A_159 = arith.constant 0 : i32
          %dma_wait3A_160 = tpu.memref_slice %arg14[%dma_wait3A_158, %dma_wait3A_159] : memref<10240x64xf32, #tpu.memory_space<vmem_shared>> -> memref<10240x64xf32, #tpu.memory_space<vmem_shared>>
          tpu.wait_indirect_dma semaphore(%arg20 : memref<!tpu.dma_semaphore, #tpu.memory_space<semaphore_mem>>) src(%arg10 : memref<64x64xf32, #tpu.memory_space<vmem>>) dst(%dma_wait3A_160 : memref<10240x64xf32, #tpu.memory_space<vmem_shared>>)
        } else {
        }
        %add3A_146 = arith.constant 2 : i32
        %add3A_147 = arith.addi %add3A_122, %add3A_146 : i32
        %dma_start3A_148 = arith.constant 0 : i32
        %dma_start3A_149 = tpu.memref_slice %arg7[%add3A_147, %dma_start3A_148] : memref<80x64xi32, #tpu.memory_space<vmem>> -> memref<1x64xi32, #tpu.memory_space<vmem>>
        %dma_start3A_150 = tpu.memref_squeeze %dma_start3A_149 : memref<1x64xi32, #tpu.memory_space<vmem>> -> memref<64xi32, #tpu.memory_space<vmem>>
        %dma_start3A_151 = arith.constant 0 : i32
        %dma_start3A_152 = arith.constant 0 : i32
        %dma_start3A_153 = tpu.memref_slice %arg13[%dma_start3A_151, %dma_start3A_152] : memref<10240x64xf32, #tpu.memory_space<vmem_shared>> -> memref<10240x64xf32, #tpu.memory_space<vmem_shared>>
        tpu.enqueue_indirect_dma source(%dma_start3A_153 : memref<10240x64xf32, #tpu.memory_space<vmem_shared>>) target(%arg10 : memref<64x64xf32, #tpu.memory_space<vmem>>) offsets(%dma_start3A_150 : memref<64xi32, #tpu.memory_space<vmem>>) semaphore(%arg16 : memref<!tpu.dma_semaphore, #tpu.memory_space<semaphore_mem>>)
      } else {
      }
      %dma_wait3A_130 = arith.constant 0 : i32
      %dma_wait3A_131 = tpu.memref_slice %arg7[%add3A_122, %dma_wait3A_130] : memref<80x64xi32, #tpu.memory_space<vmem>> -> memref<1x64xi32, #tpu.memory_space<vmem>>
      %dma_wait3A_132 = tpu.memref_squeeze %dma_wait3A_131 : memref<1x64xi32, #tpu.memory_space<vmem>> -> memref<64xi32, #tpu.memory_space<vmem>>
      %dma_wait3A_133 = arith.constant 0 : i32
      %dma_wait3A_134 = arith.constant 0 : i32
      %dma_wait3A_135 = tpu.memref_slice %arg13[%dma_wait3A_133, %dma_wait3A_134] : memref<10240x64xf32, #tpu.memory_space<vmem_shared>> -> memref<10240x64xf32, #tpu.memory_space<vmem_shared>>
      tpu.wait_indirect_dma semaphore(%arg18 : memref<!tpu.dma_semaphore, #tpu.memory_space<semaphore_mem>>) src(%dma_wait3A_135 : memref<10240x64xf32, #tpu.memory_space<vmem_shared>>) dst(%arg12 : memref<64x64xf32, #tpu.memory_space<vmem>>)
      %dma_start3A_136 = arith.constant 0 : i32
      %dma_start3A_137 = tpu.memref_slice %arg8[%add3A_122, %dma_start3A_136] : memref<80x64xi32, #tpu.memory_space<vmem>> -> memref<1x64xi32, #tpu.memory_space<vmem>>
      %dma_start3A_138 = tpu.memref_squeeze %dma_start3A_137 : memref<1x64xi32, #tpu.memory_space<vmem>> -> memref<64xi32, #tpu.memory_space<vmem>>
      %dma_start3A_139 = arith.constant 0 : i32
      %dma_start3A_140 = arith.constant 0 : i32
      %dma_start3A_141 = tpu.memref_slice %arg14[%dma_start3A_139, %dma_start3A_140] : memref<10240x64xf32, #tpu.memory_space<vmem_shared>> -> memref<10240x64xf32, #tpu.memory_space<vmem_shared>>
      tpu.enqueue_indirect_dma source(%arg12 : memref<64x64xf32, #tpu.memory_space<vmem>>) target(%dma_start3A_141 : memref<10240x64xf32, #tpu.memory_space<vmem_shared>>) offsets(%dma_start3A_138 : memref<64xi32, #tpu.memory_space<vmem>>) semaphore(%arg22 : memref<!tpu.dma_semaphore, #tpu.memory_space<semaphore_mem>>) {add = true}
    }
    %scan3A_20 = arith.constant 20 : i32
    %dma_wait3A = arith.constant 76 : i32
    %dma_wait3A_21 = arith.constant 0 : i32
    %dma_wait3A_22 = tpu.memref_slice %arg8[%dma_wait3A, %dma_wait3A_21] : memref<80x64xi32, #tpu.memory_space<vmem>> -> memref<1x64xi32, #tpu.memory_space<vmem>>
    %dma_wait3A_23 = tpu.memref_squeeze %dma_wait3A_22 : memref<1x64xi32, #tpu.memory_space<vmem>> -> memref<64xi32, #tpu.memory_space<vmem>>
    %dma_wait3A_24 = arith.constant 0 : i32
    %dma_wait3A_25 = arith.constant 0 : i32
    %dma_wait3A_26 = tpu.memref_slice %arg14[%dma_wait3A_24, %dma_wait3A_25] : memref<10240x64xf32, #tpu.memory_space<vmem_shared>> -> memref<10240x64xf32, #tpu.memory_space<vmem_shared>>
    tpu.wait_indirect_dma semaphore(%arg19 : memref<!tpu.dma_semaphore, #tpu.memory_space<semaphore_mem>>) src(%arg9 : memref<64x64xf32, #tpu.memory_space<vmem>>) dst(%dma_wait3A_26 : memref<10240x64xf32, #tpu.memory_space<vmem_shared>>)
    %dma_wait3A_27 = arith.constant 77 : i32
    %dma_wait3A_28 = arith.constant 0 : i32
    %dma_wait3A_29 = tpu.memref_slice %arg8[%dma_wait3A_27, %dma_wait3A_28] : memref<80x64xi32, #tpu.memory_space<vmem>> -> memref<1x64xi32, #tpu.memory_space<vmem>>
    %dma_wait3A_30 = tpu.memref_squeeze %dma_wait3A_29 : memref<1x64xi32, #tpu.memory_space<vmem>> -> memref<64xi32, #tpu.memory_space<vmem>>
    %dma_wait3A_31 = arith.constant 0 : i32
    %dma_wait3A_32 = arith.constant 0 : i32
    %dma_wait3A_33 = tpu.memref_slice %arg14[%dma_wait3A_31, %dma_wait3A_32] : memref<10240x64xf32, #tpu.memory_space<vmem_shared>> -> memref<10240x64xf32, #tpu.memory_space<vmem_shared>>
    tpu.wait_indirect_dma semaphore(%arg20 : memref<!tpu.dma_semaphore, #tpu.memory_space<semaphore_mem>>) src(%arg10 : memref<64x64xf32, #tpu.memory_space<vmem>>) dst(%dma_wait3A_33 : memref<10240x64xf32, #tpu.memory_space<vmem_shared>>)
    %dma_wait3A_34 = arith.constant 78 : i32
    %dma_wait3A_35 = arith.constant 0 : i32
    %dma_wait3A_36 = tpu.memref_slice %arg8[%dma_wait3A_34, %dma_wait3A_35] : memref<80x64xi32, #tpu.memory_space<vmem>> -> memref<1x64xi32, #tpu.memory_space<vmem>>
    %dma_wait3A_37 = tpu.memref_squeeze %dma_wait3A_36 : memref<1x64xi32, #tpu.memory_space<vmem>> -> memref<64xi32, #tpu.memory_space<vmem>>
    %dma_wait3A_38 = arith.constant 0 : i32
    %dma_wait3A_39 = arith.constant 0 : i32
    %dma_wait3A_40 = tpu.memref_slice %arg14[%dma_wait3A_38, %dma_wait3A_39] : memref<10240x64xf32, #tpu.memory_space<vmem_shared>> -> memref<10240x64xf32, #tpu.memory_space<vmem_shared>>
    tpu.wait_indirect_dma semaphore(%arg21 : memref<!tpu.dma_semaphore, #tpu.memory_space<semaphore_mem>>) src(%arg11 : memref<64x64xf32, #tpu.memory_space<vmem>>) dst(%dma_wait3A_40 : memref<10240x64xf32, #tpu.memory_space<vmem_shared>>)
    %dma_wait3A_41 = arith.constant 79 : i32
    %dma_wait3A_42 = arith.constant 0 : i32
    %dma_wait3A_43 = tpu.memref_slice %arg8[%dma_wait3A_41, %dma_wait3A_42] : memref<80x64xi32, #tpu.memory_space<vmem>> -> memref<1x64xi32, #tpu.memory_space<vmem>>
    %dma_wait3A_44 = tpu.memref_squeeze %dma_wait3A_43 : memref<1x64xi32, #tpu.memory_space<vmem>> -> memref<64xi32, #tpu.memory_space<vmem>>
    %dma_wait3A_45 = arith.constant 0 : i32
    %dma_wait3A_46 = arith.constant 0 : i32
    %dma_wait3A_47 = tpu.memref_slice %arg14[%dma_wait3A_45, %dma_wait3A_46] : memref<10240x64xf32, #tpu.memory_space<vmem_shared>> -> memref<10240x64xf32, #tpu.memory_space<vmem_shared>>
    tpu.wait_indirect_dma semaphore(%arg22 : memref<!tpu.dma_semaphore, #tpu.memory_space<semaphore_mem>>) src(%arg12 : memref<64x64xf32, #tpu.memory_space<vmem>>) dst(%dma_wait3A_47 : memref<10240x64xf32, #tpu.memory_space<vmem_shared>>)
    %barrier3A_48 = arith.constant 0 : index
    tpu.barrier barrier_id(%barrier3A_48)
    %mul3A_49 = arith.constant 10240 : i32
    %mul3A_50 = arith.muli %arg0, %mul3A_49 : i32
    %add3A_51 = arith.addi %mul3A_50, %mul3A_0 : i32
    "tpu.region"() ({
      %run_scoped3A = tpu.sem_alloc : memref<!tpu.dma_semaphore, #tpu.memory_space<semaphore_mem>>
      %dma_start3A_52 = arith.constant 0 : i32
      %dma_start3A_53 = tpu.memref_slice %arg6[%add3A_51, %dma_start3A_52] : memref<20480x64xf32, #tpu.memory_space<hbm>> -> memref<640x64xf32, #tpu.memory_space<hbm>>
      %dma_start3A_54 = arith.constant 0 : i32
      %dma_start3A_55 = tpu.memref_slice %arg14[%mul3A_0, %dma_start3A_54] : memref<10240x64xf32, #tpu.memory_space<vmem_shared>> -> memref<640x64xf32, #tpu.memory_space<vmem_shared>>
      tpu.enqueue_dma source(%dma_start3A_55 : memref<640x64xf32, #tpu.memory_space<vmem_shared>>) target(%dma_start3A_53 : memref<640x64xf32, #tpu.memory_space<hbm>>) target_semaphore(%run_scoped3A : memref<!tpu.dma_semaphore, #tpu.memory_space<semaphore_mem>>)
      %dma_wait3A_56 = arith.constant 0 : i32
      %dma_wait3A_57 = tpu.memref_slice %arg6[%add3A_51, %dma_wait3A_56] : memref<20480x64xf32, #tpu.memory_space<hbm>> -> memref<640x64xf32, #tpu.memory_space<hbm>>
      %dma_wait3A_58 = arith.constant 0 : i32
      %dma_wait3A_59 = tpu.memref_slice %arg14[%mul3A_0, %dma_wait3A_58] : memref<10240x64xf32, #tpu.memory_space<vmem_shared>> -> memref<640x64xf32, #tpu.memory_space<vmem_shared>>
      tpu.wait_dma2 semaphore(%run_scoped3A : memref<!tpu.dma_semaphore, #tpu.memory_space<semaphore_mem>>) src(%dma_wait3A_59 : memref<640x64xf32, #tpu.memory_space<vmem_shared>>) dst(%dma_wait3A_57 : memref<640x64xf32, #tpu.memory_space<hbm>>)
      tpu.yield
    }) : () -> ()
    return
  }
}

#map = affine_map<(d0, d1) -> (0, 0)>
#map1 = affine_map<(d0, d1) -> (0, 0, 0)>
module attributes {stable_mosaic.version = 14 : i64} {
  func.func @_agg_wideq_body(%arg0: i32, %arg1: i32, %arg2: memref<40960x64xf32, #tpu.memory_space<hbm>>, %arg3: memref<16x160x64xi32, #tpu.memory_space<hbm>>, %arg4: memref<16x160x64xi32, #tpu.memory_space<hbm>>, %arg5: memref<10240x64xf32, #tpu.memory_space<hbm>>, %arg6: memref<40960x64xf32, #tpu.memory_space<hbm>>, %arg7: memref<160x64xi32, #tpu.memory_space<vmem>>, %arg8: memref<160x64xi32, #tpu.memory_space<vmem>>, %arg9: memref<64x64xf32, #tpu.memory_space<vmem>>, %arg10: memref<64x64xf32, #tpu.memory_space<vmem>>, %arg11: memref<64x64xf32, #tpu.memory_space<vmem>>, %arg12: memref<64x64xf32, #tpu.memory_space<vmem>>, %arg13: memref<10240x64xf32, #tpu.memory_space<vmem_shared>>, %arg14: memref<10240x64xf32, #tpu.memory_space<vmem_shared>>, %arg15: memref<!tpu.dma_semaphore, #tpu.memory_space<semaphore_mem>>, %arg16: memref<!tpu.dma_semaphore, #tpu.memory_space<semaphore_mem>>, %arg17: memref<!tpu.dma_semaphore, #tpu.memory_space<semaphore_mem>>, %arg18: memref<!tpu.dma_semaphore, #tpu.memory_space<semaphore_mem>>, %arg19: memref<!tpu.dma_semaphore, #tpu.memory_space<semaphore_mem>>, %arg20: memref<!tpu.dma_semaphore, #tpu.memory_space<semaphore_mem>>, %arg21: memref<!tpu.dma_semaphore, #tpu.memory_space<semaphore_mem>>, %arg22: memref<!tpu.dma_semaphore, #tpu.memory_space<semaphore_mem>>) attributes {dimension_semantics = [#tpu.dimension_semantics<core_parallel>, #tpu.dimension_semantics<subcore_parallel>], iteration_bounds = array<i64: 2, 16>, scalar_prefetch = 0 : i64, scratch_operands = 16 : i64, tpu.core_type = #tpu.core_type<sc_vector_subcore>, window_params = [{transform_indices = #map}, {transform_indices = #map1}, {transform_indices = #map1}, {transform_indices = #map}, {transform_indices = #map}]} {
    %mul3A = arith.constant 640 : i32
    %mul3A_0 = arith.muli %arg1, %mul3A : i32
    "tpu.region"() ({
      %run_scoped3A = tpu.sem_alloc : memref<!tpu.dma_semaphore, #tpu.memory_space<semaphore_mem>>
      %dma_start3A_118 = arith.constant 0 : i32
      %dma_start3A_119 = arith.constant 0 : i32
      %dma_start3A_120 = tpu.memref_slice %arg3[%arg1, %dma_start3A_118, %dma_start3A_119] : memref<16x160x64xi32, #tpu.memory_space<hbm>> -> memref<1x160x64xi32, #tpu.memory_space<hbm>>
      %dma_start3A_121 = tpu.memref_squeeze %dma_start3A_120 : memref<1x160x64xi32, #tpu.memory_space<hbm>> -> memref<160x64xi32, #tpu.memory_space<hbm>>
      %dma_start3A_122 = arith.constant 0 : i32
      %dma_start3A_123 = arith.constant 0 : i32
      %dma_start3A_124 = tpu.memref_slice %arg3[%arg1, %dma_start3A_122, %dma_start3A_123] : memref<16x160x64xi32, #tpu.memory_space<hbm>> -> memref<1x160x64xi32, #tpu.memory_space<hbm>>
      %dma_start3A_125 = tpu.memref_squeeze %dma_start3A_124 : memref<1x160x64xi32, #tpu.memory_space<hbm>> -> memref<160x64xi32, #tpu.memory_space<hbm>>
      tpu.enqueue_dma source(%dma_start3A_125 : memref<160x64xi32, #tpu.memory_space<hbm>>) target(%arg7 : memref<160x64xi32, #tpu.memory_space<vmem>>) target_semaphore(%run_scoped3A : memref<!tpu.dma_semaphore, #tpu.memory_space<semaphore_mem>>)
      %dma_wait3A_126 = arith.constant 0 : i32
      %dma_wait3A_127 = arith.constant 0 : i32
      %dma_wait3A_128 = tpu.memref_slice %arg3[%arg1, %dma_wait3A_126, %dma_wait3A_127] : memref<16x160x64xi32, #tpu.memory_space<hbm>> -> memref<1x160x64xi32, #tpu.memory_space<hbm>>
      %dma_wait3A_129 = tpu.memref_squeeze %dma_wait3A_128 : memref<1x160x64xi32, #tpu.memory_space<hbm>> -> memref<160x64xi32, #tpu.memory_space<hbm>>
      %dma_wait3A_130 = arith.constant 0 : i32
      %dma_wait3A_131 = arith.constant 0 : i32
      %dma_wait3A_132 = tpu.memref_slice %arg3[%arg1, %dma_wait3A_130, %dma_wait3A_131] : memref<16x160x64xi32, #tpu.memory_space<hbm>> -> memref<1x160x64xi32, #tpu.memory_space<hbm>>
      %dma_wait3A_133 = tpu.memref_squeeze %dma_wait3A_132 : memref<1x160x64xi32, #tpu.memory_space<hbm>> -> memref<160x64xi32, #tpu.memory_space<hbm>>
      tpu.wait_dma2 semaphore(%run_scoped3A : memref<!tpu.dma_semaphore, #tpu.memory_space<semaphore_mem>>) src(%dma_wait3A_133 : memref<160x64xi32, #tpu.memory_space<hbm>>) dst(%arg7 : memref<160x64xi32, #tpu.memory_space<vmem>>)
      tpu.yield
    }) : () -> ()
    "tpu.region"() ({
      %run_scoped3A = tpu.sem_alloc : memref<!tpu.dma_semaphore, #tpu.memory_space<semaphore_mem>>
      %dma_start3A_118 = arith.constant 0 : i32
      %dma_start3A_119 = arith.constant 0 : i32
      %dma_start3A_120 = tpu.memref_slice %arg4[%arg1, %dma_start3A_118, %dma_start3A_119] : memref<16x160x64xi32, #tpu.memory_space<hbm>> -> memref<1x160x64xi32, #tpu.memory_space<hbm>>
      %dma_start3A_121 = tpu.memref_squeeze %dma_start3A_120 : memref<1x160x64xi32, #tpu.memory_space<hbm>> -> memref<160x64xi32, #tpu.memory_space<hbm>>
      %dma_start3A_122 = arith.constant 0 : i32
      %dma_start3A_123 = arith.constant 0 : i32
      %dma_start3A_124 = tpu.memref_slice %arg4[%arg1, %dma_start3A_122, %dma_start3A_123] : memref<16x160x64xi32, #tpu.memory_space<hbm>> -> memref<1x160x64xi32, #tpu.memory_space<hbm>>
      %dma_start3A_125 = tpu.memref_squeeze %dma_start3A_124 : memref<1x160x64xi32, #tpu.memory_space<hbm>> -> memref<160x64xi32, #tpu.memory_space<hbm>>
      tpu.enqueue_dma source(%dma_start3A_125 : memref<160x64xi32, #tpu.memory_space<hbm>>) target(%arg8 : memref<160x64xi32, #tpu.memory_space<vmem>>) target_semaphore(%run_scoped3A : memref<!tpu.dma_semaphore, #tpu.memory_space<semaphore_mem>>)
      %dma_wait3A_126 = arith.constant 0 : i32
      %dma_wait3A_127 = arith.constant 0 : i32
      %dma_wait3A_128 = tpu.memref_slice %arg4[%arg1, %dma_wait3A_126, %dma_wait3A_127] : memref<16x160x64xi32, #tpu.memory_space<hbm>> -> memref<1x160x64xi32, #tpu.memory_space<hbm>>
      %dma_wait3A_129 = tpu.memref_squeeze %dma_wait3A_128 : memref<1x160x64xi32, #tpu.memory_space<hbm>> -> memref<160x64xi32, #tpu.memory_space<hbm>>
      %dma_wait3A_130 = arith.constant 0 : i32
      %dma_wait3A_131 = arith.constant 0 : i32
      %dma_wait3A_132 = tpu.memref_slice %arg4[%arg1, %dma_wait3A_130, %dma_wait3A_131] : memref<16x160x64xi32, #tpu.memory_space<hbm>> -> memref<1x160x64xi32, #tpu.memory_space<hbm>>
      %dma_wait3A_133 = tpu.memref_squeeze %dma_wait3A_132 : memref<1x160x64xi32, #tpu.memory_space<hbm>> -> memref<160x64xi32, #tpu.memory_space<hbm>>
      tpu.wait_dma2 semaphore(%run_scoped3A : memref<!tpu.dma_semaphore, #tpu.memory_space<semaphore_mem>>) src(%dma_wait3A_133 : memref<160x64xi32, #tpu.memory_space<hbm>>) dst(%arg8 : memref<160x64xi32, #tpu.memory_space<vmem>>)
      tpu.yield
    }) : () -> ()
    %mul3A_1 = arith.constant 2 : i32
    %mul3A_2 = arith.muli %arg0, %mul3A_1 : i32
    %add3A = arith.constant 0 : i32
    %add3A_3 = arith.addi %mul3A_2, %add3A : i32
    %mul3A_4 = arith.constant 10240 : i32
    %mul3A_5 = arith.muli %add3A_3, %mul3A_4 : i32
    %add3A_6 = arith.addi %mul3A_5, %mul3A_0 : i32
    "tpu.region"() ({
      %run_scoped3A = tpu.sem_alloc : memref<!tpu.dma_semaphore, #tpu.memory_space<semaphore_mem>>
      %dma_start3A_118 = arith.constant 0 : i32
      %dma_start3A_119 = tpu.memref_slice %arg13[%mul3A_0, %dma_start3A_118] : memref<10240x64xf32, #tpu.memory_space<vmem_shared>> -> memref<640x64xf32, #tpu.memory_space<vmem_shared>>
      %dma_start3A_120 = arith.constant 0 : i32
      %dma_start3A_121 = tpu.memref_slice %arg2[%add3A_6, %dma_start3A_120] : memref<40960x64xf32, #tpu.memory_space<hbm>> -> memref<640x64xf32, #tpu.memory_space<hbm>>
      tpu.enqueue_dma source(%dma_start3A_121 : memref<640x64xf32, #tpu.memory_space<hbm>>) target(%dma_start3A_119 : memref<640x64xf32, #tpu.memory_space<vmem_shared>>) target_semaphore(%run_scoped3A : memref<!tpu.dma_semaphore, #tpu.memory_space<semaphore_mem>>)
      %dma_wait3A_122 = arith.constant 0 : i32
      %dma_wait3A_123 = tpu.memref_slice %arg13[%mul3A_0, %dma_wait3A_122] : memref<10240x64xf32, #tpu.memory_space<vmem_shared>> -> memref<640x64xf32, #tpu.memory_space<vmem_shared>>
      %dma_wait3A_124 = arith.constant 0 : i32
      %dma_wait3A_125 = tpu.memref_slice %arg2[%add3A_6, %dma_wait3A_124] : memref<40960x64xf32, #tpu.memory_space<hbm>> -> memref<640x64xf32, #tpu.memory_space<hbm>>
      tpu.wait_dma2 semaphore(%run_scoped3A : memref<!tpu.dma_semaphore, #tpu.memory_space<semaphore_mem>>) src(%dma_wait3A_125 : memref<640x64xf32, #tpu.memory_space<hbm>>) dst(%dma_wait3A_123 : memref<640x64xf32, #tpu.memory_space<vmem_shared>>)
      tpu.yield
    }) : () -> ()
    "tpu.region"() ({
      %run_scoped3A = tpu.sem_alloc : memref<!tpu.dma_semaphore, #tpu.memory_space<semaphore_mem>>
      %dma_start3A_118 = arith.constant 0 : i32
      %dma_start3A_119 = tpu.memref_slice %arg14[%mul3A_0, %dma_start3A_118] : memref<10240x64xf32, #tpu.memory_space<vmem_shared>> -> memref<640x64xf32, #tpu.memory_space<vmem_shared>>
      %dma_start3A_120 = arith.constant 0 : i32
      %dma_start3A_121 = tpu.memref_slice %arg5[%mul3A_0, %dma_start3A_120] : memref<10240x64xf32, #tpu.memory_space<hbm>> -> memref<640x64xf32, #tpu.memory_space<hbm>>
      tpu.enqueue_dma source(%dma_start3A_121 : memref<640x64xf32, #tpu.memory_space<hbm>>) target(%dma_start3A_119 : memref<640x64xf32, #tpu.memory_space<vmem_shared>>) target_semaphore(%run_scoped3A : memref<!tpu.dma_semaphore, #tpu.memory_space<semaphore_mem>>)
      %dma_wait3A_122 = arith.constant 0 : i32
      %dma_wait3A_123 = tpu.memref_slice %arg14[%mul3A_0, %dma_wait3A_122] : memref<10240x64xf32, #tpu.memory_space<vmem_shared>> -> memref<640x64xf32, #tpu.memory_space<vmem_shared>>
      %dma_wait3A_124 = arith.constant 0 : i32
      %dma_wait3A_125 = tpu.memref_slice %arg5[%mul3A_0, %dma_wait3A_124] : memref<10240x64xf32, #tpu.memory_space<hbm>> -> memref<640x64xf32, #tpu.memory_space<hbm>>
      tpu.wait_dma2 semaphore(%run_scoped3A : memref<!tpu.dma_semaphore, #tpu.memory_space<semaphore_mem>>) src(%dma_wait3A_125 : memref<640x64xf32, #tpu.memory_space<hbm>>) dst(%dma_wait3A_123 : memref<640x64xf32, #tpu.memory_space<vmem_shared>>)
      tpu.yield
    }) : () -> ()
    %barrier3A = arith.constant 0 : index
    tpu.barrier barrier_id(%barrier3A)
    %dma_start3A = arith.constant 0 : i32
    %dma_start3A_7 = arith.constant 0 : i32
    %dma_start3A_8 = tpu.memref_slice %arg7[%dma_start3A, %dma_start3A_7] : memref<160x64xi32, #tpu.memory_space<vmem>> -> memref<1x64xi32, #tpu.memory_space<vmem>>
    %dma_start3A_9 = tpu.memref_squeeze %dma_start3A_8 : memref<1x64xi32, #tpu.memory_space<vmem>> -> memref<64xi32, #tpu.memory_space<vmem>>
    %dma_start3A_10 = arith.constant 0 : i32
    %dma_start3A_11 = arith.constant 0 : i32
    %dma_start3A_12 = tpu.memref_slice %arg13[%dma_start3A_10, %dma_start3A_11] : memref<10240x64xf32, #tpu.memory_space<vmem_shared>> -> memref<10240x64xf32, #tpu.memory_space<vmem_shared>>
    tpu.enqueue_indirect_dma source(%dma_start3A_12 : memref<10240x64xf32, #tpu.memory_space<vmem_shared>>) target(%arg9 : memref<64x64xf32, #tpu.memory_space<vmem>>) offsets(%dma_start3A_9 : memref<64xi32, #tpu.memory_space<vmem>>) semaphore(%arg15 : memref<!tpu.dma_semaphore, #tpu.memory_space<semaphore_mem>>)
    %dma_start3A_13 = arith.constant 1 : i32
    %dma_start3A_14 = arith.constant 0 : i32
    %dma_start3A_15 = tpu.memref_slice %arg7[%dma_start3A_13, %dma_start3A_14] : memref<160x64xi32, #tpu.memory_space<vmem>> -> memref<1x64xi32, #tpu.memory_space<vmem>>
    %dma_start3A_16 = tpu.memref_squeeze %dma_start3A_15 : memref<1x64xi32, #tpu.memory_space<vmem>> -> memref<64xi32, #tpu.memory_space<vmem>>
    %dma_start3A_17 = arith.constant 0 : i32
    %dma_start3A_18 = arith.constant 0 : i32
    %dma_start3A_19 = tpu.memref_slice %arg13[%dma_start3A_17, %dma_start3A_18] : memref<10240x64xf32, #tpu.memory_space<vmem_shared>> -> memref<10240x64xf32, #tpu.memory_space<vmem_shared>>
    tpu.enqueue_indirect_dma source(%dma_start3A_19 : memref<10240x64xf32, #tpu.memory_space<vmem_shared>>) target(%arg10 : memref<64x64xf32, #tpu.memory_space<vmem>>) offsets(%dma_start3A_16 : memref<64xi32, #tpu.memory_space<vmem>>) semaphore(%arg16 : memref<!tpu.dma_semaphore, #tpu.memory_space<semaphore_mem>>)
    %scan3A = arith.constant 0 : i32
    %scan3A_20 = arith.constant 0 : i32
    %scan3A_21 = arith.constant 40 : i32
    %scan3A_22 = arith.addi %scan3A_20, %scan3A_21 : i32
    %scan3A_23 = arith.constant 1 : i32
    scf.for %scan3A_118 = %scan3A_20 to %scan3A_22 step %scan3A_23  : i32 {
      %mul3A_119 = arith.constant 4 : i32
      %mul3A_120 = arith.muli %mul3A_119, %scan3A_118 : i32
      %add3A_121 = arith.constant 0 : i32
      %add3A_122 = arith.addi %mul3A_120, %add3A_121 : i32
      %add3A_123 = arith.constant 2 : i32
      %add3A_124 = arith.addi %add3A_122, %add3A_123 : i32
      %lt3A = arith.constant 160 : i32
      %lt3A_125 = arith.cmpi slt, %add3A_124, %lt3A : i32
      %convert_element_type3A = arith.extui %lt3A_125 : i1 to i32
      %cond3A = arith.constant 0 : i32
      %cond3A_126 = arith.cmpi ne, %convert_element_type3A, %cond3A : i32
      scf.if %cond3A_126 {
        %ge3A = arith.constant 2 : i32
        %ge3A_208 = arith.cmpi sge, %add3A_122, %ge3A : i32
        %convert_element_type3A_209 = arith.extui %ge3A_208 : i1 to i32
        %cond3A_210 = arith.constant 0 : i32
        %cond3A_211 = arith.cmpi ne, %convert_element_type3A_209, %cond3A_210 : i32
        scf.if %cond3A_211 {
          %sub3A = arith.constant 2 : i32
          %sub3A_220 = arith.subi %add3A_122, %sub3A : i32
          %dma_wait3A_221 = arith.constant 0 : i32
          %dma_wait3A_222 = tpu.memref_slice %arg8[%sub3A_220, %dma_wait3A_221] : memref<160x64xi32, #tpu.memory_space<vmem>> -> memref<1x64xi32, #tpu.memory_space<vmem>>
          %dma_wait3A_223 = tpu.memref_squeeze %dma_wait3A_222 : memref<1x64xi32, #tpu.memory_space<vmem>> -> memref<64xi32, #tpu.memory_space<vmem>>
          %dma_wait3A_224 = arith.constant 0 : i32
          %dma_wait3A_225 = arith.constant 0 : i32
          %dma_wait3A_226 = tpu.memref_slice %arg14[%dma_wait3A_224, %dma_wait3A_225] : memref<10240x64xf32, #tpu.memory_space<vmem_shared>> -> memref<10240x64xf32, #tpu.memory_space<vmem_shared>>
          tpu.wait_indirect_dma semaphore(%arg21 : memref<!tpu.dma_semaphore, #tpu.memory_space<semaphore_mem>>) src(%arg11 : memref<64x64xf32, #tpu.memory_space<vmem>>) dst(%dma_wait3A_226 : memref<10240x64xf32, #tpu.memory_space<vmem_shared>>)
        } else {
        }
        %add3A_212 = arith.constant 2 : i32
        %add3A_213 = arith.addi %add3A_122, %add3A_212 : i32
        %dma_start3A_214 = arith.constant 0 : i32
        %dma_start3A_215 = tpu.memref_slice %arg7[%add3A_213, %dma_start3A_214] : memref<160x64xi32, #tpu.memory_space<vmem>> -> memref<1x64xi32, #tpu.memory_space<vmem>>
        %dma_start3A_216 = tpu.memref_squeeze %dma_start3A_215 : memref<1x64xi32, #tpu.memory_space<vmem>> -> memref<64xi32, #tpu.memory_space<vmem>>
        %dma_start3A_217 = arith.constant 0 : i32
        %dma_start3A_218 = arith.constant 0 : i32
        %dma_start3A_219 = tpu.memref_slice %arg13[%dma_start3A_217, %dma_start3A_218] : memref<10240x64xf32, #tpu.memory_space<vmem_shared>> -> memref<10240x64xf32, #tpu.memory_space<vmem_shared>>
        tpu.enqueue_indirect_dma source(%dma_start3A_219 : memref<10240x64xf32, #tpu.memory_space<vmem_shared>>) target(%arg11 : memref<64x64xf32, #tpu.memory_space<vmem>>) offsets(%dma_start3A_216 : memref<64xi32, #tpu.memory_space<vmem>>) semaphore(%arg17 : memref<!tpu.dma_semaphore, #tpu.memory_space<semaphore_mem>>)
      } else {
      }
      %dma_wait3A_127 = arith.constant 0 : i32
      %dma_wait3A_128 = tpu.memref_slice %arg7[%add3A_122, %dma_wait3A_127] : memref<160x64xi32, #tpu.memory_space<vmem>> -> memref<1x64xi32, #tpu.memory_space<vmem>>
      %dma_wait3A_129 = tpu.memref_squeeze %dma_wait3A_128 : memref<1x64xi32, #tpu.memory_space<vmem>> -> memref<64xi32, #tpu.memory_space<vmem>>
      %dma_wait3A_130 = arith.constant 0 : i32
      %dma_wait3A_131 = arith.constant 0 : i32
      %dma_wait3A_132 = tpu.memref_slice %arg13[%dma_wait3A_130, %dma_wait3A_131] : memref<10240x64xf32, #tpu.memory_space<vmem_shared>> -> memref<10240x64xf32, #tpu.memory_space<vmem_shared>>
      tpu.wait_indirect_dma semaphore(%arg15 : memref<!tpu.dma_semaphore, #tpu.memory_space<semaphore_mem>>) src(%dma_wait3A_132 : memref<10240x64xf32, #tpu.memory_space<vmem_shared>>) dst(%arg9 : memref<64x64xf32, #tpu.memory_space<vmem>>)
      %dma_start3A_133 = arith.constant 0 : i32
      %dma_start3A_134 = tpu.memref_slice %arg8[%add3A_122, %dma_start3A_133] : memref<160x64xi32, #tpu.memory_space<vmem>> -> memref<1x64xi32, #tpu.memory_space<vmem>>
      %dma_start3A_135 = tpu.memref_squeeze %dma_start3A_134 : memref<1x64xi32, #tpu.memory_space<vmem>> -> memref<64xi32, #tpu.memory_space<vmem>>
      %dma_start3A_136 = arith.constant 0 : i32
      %dma_start3A_137 = arith.constant 0 : i32
      %dma_start3A_138 = tpu.memref_slice %arg14[%dma_start3A_136, %dma_start3A_137] : memref<10240x64xf32, #tpu.memory_space<vmem_shared>> -> memref<10240x64xf32, #tpu.memory_space<vmem_shared>>
      tpu.enqueue_indirect_dma source(%arg9 : memref<64x64xf32, #tpu.memory_space<vmem>>) target(%dma_start3A_138 : memref<10240x64xf32, #tpu.memory_space<vmem_shared>>) offsets(%dma_start3A_135 : memref<64xi32, #tpu.memory_space<vmem>>) semaphore(%arg19 : memref<!tpu.dma_semaphore, #tpu.memory_space<semaphore_mem>>) {add = true}
      %mul3A_139 = arith.constant 4 : i32
      %mul3A_140 = arith.muli %mul3A_139, %scan3A_118 : i32
      %add3A_141 = arith.constant 1 : i32
      %add3A_142 = arith.addi %mul3A_140, %add3A_141 : i32
      %add3A_143 = arith.constant 2 : i32
      %add3A_144 = arith.addi %add3A_142, %add3A_143 : i32
      %lt3A_145 = arith.constant 160 : i32
      %lt3A_146 = arith.cmpi slt, %add3A_144, %lt3A_145 : i32
      %convert_element_type3A_147 = arith.extui %lt3A_146 : i1 to i32
      %cond3A_148 = arith.constant 0 : i32
      %cond3A_149 = arith.cmpi ne, %convert_element_type3A_147, %cond3A_148 : i32
      scf.if %cond3A_149 {
        %ge3A = arith.constant 2 : i32
        %ge3A_208 = arith.cmpi sge, %add3A_142, %ge3A : i32
        %convert_element_type3A_209 = arith.extui %ge3A_208 : i1 to i32
        %cond3A_210 = arith.constant 0 : i32
        %cond3A_211 = arith.cmpi ne, %convert_element_type3A_209, %cond3A_210 : i32
        scf.if %cond3A_211 {
          %sub3A = arith.constant 2 : i32
          %sub3A_220 = arith.subi %add3A_142, %sub3A : i32
          %dma_wait3A_221 = arith.constant 0 : i32
          %dma_wait3A_222 = tpu.memref_slice %arg8[%sub3A_220, %dma_wait3A_221] : memref<160x64xi32, #tpu.memory_space<vmem>> -> memref<1x64xi32, #tpu.memory_space<vmem>>
          %dma_wait3A_223 = tpu.memref_squeeze %dma_wait3A_222 : memref<1x64xi32, #tpu.memory_space<vmem>> -> memref<64xi32, #tpu.memory_space<vmem>>
          %dma_wait3A_224 = arith.constant 0 : i32
          %dma_wait3A_225 = arith.constant 0 : i32
          %dma_wait3A_226 = tpu.memref_slice %arg14[%dma_wait3A_224, %dma_wait3A_225] : memref<10240x64xf32, #tpu.memory_space<vmem_shared>> -> memref<10240x64xf32, #tpu.memory_space<vmem_shared>>
          tpu.wait_indirect_dma semaphore(%arg22 : memref<!tpu.dma_semaphore, #tpu.memory_space<semaphore_mem>>) src(%arg12 : memref<64x64xf32, #tpu.memory_space<vmem>>) dst(%dma_wait3A_226 : memref<10240x64xf32, #tpu.memory_space<vmem_shared>>)
        } else {
        }
        %add3A_212 = arith.constant 2 : i32
        %add3A_213 = arith.addi %add3A_142, %add3A_212 : i32
        %dma_start3A_214 = arith.constant 0 : i32
        %dma_start3A_215 = tpu.memref_slice %arg7[%add3A_213, %dma_start3A_214] : memref<160x64xi32, #tpu.memory_space<vmem>> -> memref<1x64xi32, #tpu.memory_space<vmem>>
        %dma_start3A_216 = tpu.memref_squeeze %dma_start3A_215 : memref<1x64xi32, #tpu.memory_space<vmem>> -> memref<64xi32, #tpu.memory_space<vmem>>
        %dma_start3A_217 = arith.constant 0 : i32
        %dma_start3A_218 = arith.constant 0 : i32
        %dma_start3A_219 = tpu.memref_slice %arg13[%dma_start3A_217, %dma_start3A_218] : memref<10240x64xf32, #tpu.memory_space<vmem_shared>> -> memref<10240x64xf32, #tpu.memory_space<vmem_shared>>
        tpu.enqueue_indirect_dma source(%dma_start3A_219 : memref<10240x64xf32, #tpu.memory_space<vmem_shared>>) target(%arg12 : memref<64x64xf32, #tpu.memory_space<vmem>>) offsets(%dma_start3A_216 : memref<64xi32, #tpu.memory_space<vmem>>) semaphore(%arg18 : memref<!tpu.dma_semaphore, #tpu.memory_space<semaphore_mem>>)
      } else {
      }
      %dma_wait3A_150 = arith.constant 0 : i32
      %dma_wait3A_151 = tpu.memref_slice %arg7[%add3A_142, %dma_wait3A_150] : memref<160x64xi32, #tpu.memory_space<vmem>> -> memref<1x64xi32, #tpu.memory_space<vmem>>
      %dma_wait3A_152 = tpu.memref_squeeze %dma_wait3A_151 : memref<1x64xi32, #tpu.memory_space<vmem>> -> memref<64xi32, #tpu.memory_space<vmem>>
      %dma_wait3A_153 = arith.constant 0 : i32
      %dma_wait3A_154 = arith.constant 0 : i32
      %dma_wait3A_155 = tpu.memref_slice %arg13[%dma_wait3A_153, %dma_wait3A_154] : memref<10240x64xf32, #tpu.memory_space<vmem_shared>> -> memref<10240x64xf32, #tpu.memory_space<vmem_shared>>
      tpu.wait_indirect_dma semaphore(%arg16 : memref<!tpu.dma_semaphore, #tpu.memory_space<semaphore_mem>>) src(%dma_wait3A_155 : memref<10240x64xf32, #tpu.memory_space<vmem_shared>>) dst(%arg10 : memref<64x64xf32, #tpu.memory_space<vmem>>)
      %dma_start3A_156 = arith.constant 0 : i32
      %dma_start3A_157 = tpu.memref_slice %arg8[%add3A_142, %dma_start3A_156] : memref<160x64xi32, #tpu.memory_space<vmem>> -> memref<1x64xi32, #tpu.memory_space<vmem>>
      %dma_start3A_158 = tpu.memref_squeeze %dma_start3A_157 : memref<1x64xi32, #tpu.memory_space<vmem>> -> memref<64xi32, #tpu.memory_space<vmem>>
      %dma_start3A_159 = arith.constant 0 : i32
      %dma_start3A_160 = arith.constant 0 : i32
      %dma_start3A_161 = tpu.memref_slice %arg14[%dma_start3A_159, %dma_start3A_160] : memref<10240x64xf32, #tpu.memory_space<vmem_shared>> -> memref<10240x64xf32, #tpu.memory_space<vmem_shared>>
      tpu.enqueue_indirect_dma source(%arg10 : memref<64x64xf32, #tpu.memory_space<vmem>>) target(%dma_start3A_161 : memref<10240x64xf32, #tpu.memory_space<vmem_shared>>) offsets(%dma_start3A_158 : memref<64xi32, #tpu.memory_space<vmem>>) semaphore(%arg20 : memref<!tpu.dma_semaphore, #tpu.memory_space<semaphore_mem>>) {add = true}
      %mul3A_162 = arith.constant 4 : i32
      %mul3A_163 = arith.muli %mul3A_162, %scan3A_118 : i32
      %add3A_164 = arith.constant 2 : i32
      %add3A_165 = arith.addi %mul3A_163, %add3A_164 : i32
      %add3A_166 = arith.constant 2 : i32
      %add3A_167 = arith.addi %add3A_165, %add3A_166 : i32
      %lt3A_168 = arith.constant 160 : i32
      %lt3A_169 = arith.cmpi slt, %add3A_167, %lt3A_168 : i32
      %convert_element_type3A_170 = arith.extui %lt3A_169 : i1 to i32
      %cond3A_171 = arith.constant 0 : i32
      %cond3A_172 = arith.cmpi ne, %convert_element_type3A_170, %cond3A_171 : i32
      scf.if %cond3A_172 {
        %ge3A = arith.constant 2 : i32
        %ge3A_208 = arith.cmpi sge, %add3A_165, %ge3A : i32
        %convert_element_type3A_209 = arith.extui %ge3A_208 : i1 to i32
        %cond3A_210 = arith.constant 0 : i32
        %cond3A_211 = arith.cmpi ne, %convert_element_type3A_209, %cond3A_210 : i32
        scf.if %cond3A_211 {
          %sub3A = arith.constant 2 : i32
          %sub3A_220 = arith.subi %add3A_165, %sub3A : i32
          %dma_wait3A_221 = arith.constant 0 : i32
          %dma_wait3A_222 = tpu.memref_slice %arg8[%sub3A_220, %dma_wait3A_221] : memref<160x64xi32, #tpu.memory_space<vmem>> -> memref<1x64xi32, #tpu.memory_space<vmem>>
          %dma_wait3A_223 = tpu.memref_squeeze %dma_wait3A_222 : memref<1x64xi32, #tpu.memory_space<vmem>> -> memref<64xi32, #tpu.memory_space<vmem>>
          %dma_wait3A_224 = arith.constant 0 : i32
          %dma_wait3A_225 = arith.constant 0 : i32
          %dma_wait3A_226 = tpu.memref_slice %arg14[%dma_wait3A_224, %dma_wait3A_225] : memref<10240x64xf32, #tpu.memory_space<vmem_shared>> -> memref<10240x64xf32, #tpu.memory_space<vmem_shared>>
          tpu.wait_indirect_dma semaphore(%arg19 : memref<!tpu.dma_semaphore, #tpu.memory_space<semaphore_mem>>) src(%arg9 : memref<64x64xf32, #tpu.memory_space<vmem>>) dst(%dma_wait3A_226 : memref<10240x64xf32, #tpu.memory_space<vmem_shared>>)
        } else {
        }
        %add3A_212 = arith.constant 2 : i32
        %add3A_213 = arith.addi %add3A_165, %add3A_212 : i32
        %dma_start3A_214 = arith.constant 0 : i32
        %dma_start3A_215 = tpu.memref_slice %arg7[%add3A_213, %dma_start3A_214] : memref<160x64xi32, #tpu.memory_space<vmem>> -> memref<1x64xi32, #tpu.memory_space<vmem>>
        %dma_start3A_216 = tpu.memref_squeeze %dma_start3A_215 : memref<1x64xi32, #tpu.memory_space<vmem>> -> memref<64xi32, #tpu.memory_space<vmem>>
        %dma_start3A_217 = arith.constant 0 : i32
        %dma_start3A_218 = arith.constant 0 : i32
        %dma_start3A_219 = tpu.memref_slice %arg13[%dma_start3A_217, %dma_start3A_218] : memref<10240x64xf32, #tpu.memory_space<vmem_shared>> -> memref<10240x64xf32, #tpu.memory_space<vmem_shared>>
        tpu.enqueue_indirect_dma source(%dma_start3A_219 : memref<10240x64xf32, #tpu.memory_space<vmem_shared>>) target(%arg9 : memref<64x64xf32, #tpu.memory_space<vmem>>) offsets(%dma_start3A_216 : memref<64xi32, #tpu.memory_space<vmem>>) semaphore(%arg15 : memref<!tpu.dma_semaphore, #tpu.memory_space<semaphore_mem>>)
      } else {
      }
      %dma_wait3A_173 = arith.constant 0 : i32
      %dma_wait3A_174 = tpu.memref_slice %arg7[%add3A_165, %dma_wait3A_173] : memref<160x64xi32, #tpu.memory_space<vmem>> -> memref<1x64xi32, #tpu.memory_space<vmem>>
      %dma_wait3A_175 = tpu.memref_squeeze %dma_wait3A_174 : memref<1x64xi32, #tpu.memory_space<vmem>> -> memref<64xi32, #tpu.memory_space<vmem>>
      %dma_wait3A_176 = arith.constant 0 : i32
      %dma_wait3A_177 = arith.constant 0 : i32
      %dma_wait3A_178 = tpu.memref_slice %arg13[%dma_wait3A_176, %dma_wait3A_177] : memref<10240x64xf32, #tpu.memory_space<vmem_shared>> -> memref<10240x64xf32, #tpu.memory_space<vmem_shared>>
      tpu.wait_indirect_dma semaphore(%arg17 : memref<!tpu.dma_semaphore, #tpu.memory_space<semaphore_mem>>) src(%dma_wait3A_178 : memref<10240x64xf32, #tpu.memory_space<vmem_shared>>) dst(%arg11 : memref<64x64xf32, #tpu.memory_space<vmem>>)
      %dma_start3A_179 = arith.constant 0 : i32
      %dma_start3A_180 = tpu.memref_slice %arg8[%add3A_165, %dma_start3A_179] : memref<160x64xi32, #tpu.memory_space<vmem>> -> memref<1x64xi32, #tpu.memory_space<vmem>>
      %dma_start3A_181 = tpu.memref_squeeze %dma_start3A_180 : memref<1x64xi32, #tpu.memory_space<vmem>> -> memref<64xi32, #tpu.memory_space<vmem>>
      %dma_start3A_182 = arith.constant 0 : i32
      %dma_start3A_183 = arith.constant 0 : i32
      %dma_start3A_184 = tpu.memref_slice %arg14[%dma_start3A_182, %dma_start3A_183] : memref<10240x64xf32, #tpu.memory_space<vmem_shared>> -> memref<10240x64xf32, #tpu.memory_space<vmem_shared>>
      tpu.enqueue_indirect_dma source(%arg11 : memref<64x64xf32, #tpu.memory_space<vmem>>) target(%dma_start3A_184 : memref<10240x64xf32, #tpu.memory_space<vmem_shared>>) offsets(%dma_start3A_181 : memref<64xi32, #tpu.memory_space<vmem>>) semaphore(%arg21 : memref<!tpu.dma_semaphore, #tpu.memory_space<semaphore_mem>>) {add = true}
      %mul3A_185 = arith.constant 4 : i32
      %mul3A_186 = arith.muli %mul3A_185, %scan3A_118 : i32
      %add3A_187 = arith.constant 3 : i32
      %add3A_188 = arith.addi %mul3A_186, %add3A_187 : i32
      %add3A_189 = arith.constant 2 : i32
      %add3A_190 = arith.addi %add3A_188, %add3A_189 : i32
      %lt3A_191 = arith.constant 160 : i32
      %lt3A_192 = arith.cmpi slt, %add3A_190, %lt3A_191 : i32
      %convert_element_type3A_193 = arith.extui %lt3A_192 : i1 to i32
      %cond3A_194 = arith.constant 0 : i32
      %cond3A_195 = arith.cmpi ne, %convert_element_type3A_193, %cond3A_194 : i32
      scf.if %cond3A_195 {
        %ge3A = arith.constant 2 : i32
        %ge3A_208 = arith.cmpi sge, %add3A_188, %ge3A : i32
        %convert_element_type3A_209 = arith.extui %ge3A_208 : i1 to i32
        %cond3A_210 = arith.constant 0 : i32
        %cond3A_211 = arith.cmpi ne, %convert_element_type3A_209, %cond3A_210 : i32
        scf.if %cond3A_211 {
          %sub3A = arith.constant 2 : i32
          %sub3A_220 = arith.subi %add3A_188, %sub3A : i32
          %dma_wait3A_221 = arith.constant 0 : i32
          %dma_wait3A_222 = tpu.memref_slice %arg8[%sub3A_220, %dma_wait3A_221] : memref<160x64xi32, #tpu.memory_space<vmem>> -> memref<1x64xi32, #tpu.memory_space<vmem>>
          %dma_wait3A_223 = tpu.memref_squeeze %dma_wait3A_222 : memref<1x64xi32, #tpu.memory_space<vmem>> -> memref<64xi32, #tpu.memory_space<vmem>>
          %dma_wait3A_224 = arith.constant 0 : i32
          %dma_wait3A_225 = arith.constant 0 : i32
          %dma_wait3A_226 = tpu.memref_slice %arg14[%dma_wait3A_224, %dma_wait3A_225] : memref<10240x64xf32, #tpu.memory_space<vmem_shared>> -> memref<10240x64xf32, #tpu.memory_space<vmem_shared>>
          tpu.wait_indirect_dma semaphore(%arg20 : memref<!tpu.dma_semaphore, #tpu.memory_space<semaphore_mem>>) src(%arg10 : memref<64x64xf32, #tpu.memory_space<vmem>>) dst(%dma_wait3A_226 : memref<10240x64xf32, #tpu.memory_space<vmem_shared>>)
        } else {
        }
        %add3A_212 = arith.constant 2 : i32
        %add3A_213 = arith.addi %add3A_188, %add3A_212 : i32
        %dma_start3A_214 = arith.constant 0 : i32
        %dma_start3A_215 = tpu.memref_slice %arg7[%add3A_213, %dma_start3A_214] : memref<160x64xi32, #tpu.memory_space<vmem>> -> memref<1x64xi32, #tpu.memory_space<vmem>>
        %dma_start3A_216 = tpu.memref_squeeze %dma_start3A_215 : memref<1x64xi32, #tpu.memory_space<vmem>> -> memref<64xi32, #tpu.memory_space<vmem>>
        %dma_start3A_217 = arith.constant 0 : i32
        %dma_start3A_218 = arith.constant 0 : i32
        %dma_start3A_219 = tpu.memref_slice %arg13[%dma_start3A_217, %dma_start3A_218] : memref<10240x64xf32, #tpu.memory_space<vmem_shared>> -> memref<10240x64xf32, #tpu.memory_space<vmem_shared>>
        tpu.enqueue_indirect_dma source(%dma_start3A_219 : memref<10240x64xf32, #tpu.memory_space<vmem_shared>>) target(%arg10 : memref<64x64xf32, #tpu.memory_space<vmem>>) offsets(%dma_start3A_216 : memref<64xi32, #tpu.memory_space<vmem>>) semaphore(%arg16 : memref<!tpu.dma_semaphore, #tpu.memory_space<semaphore_mem>>)
      } else {
      }
      %dma_wait3A_196 = arith.constant 0 : i32
      %dma_wait3A_197 = tpu.memref_slice %arg7[%add3A_188, %dma_wait3A_196] : memref<160x64xi32, #tpu.memory_space<vmem>> -> memref<1x64xi32, #tpu.memory_space<vmem>>
      %dma_wait3A_198 = tpu.memref_squeeze %dma_wait3A_197 : memref<1x64xi32, #tpu.memory_space<vmem>> -> memref<64xi32, #tpu.memory_space<vmem>>
      %dma_wait3A_199 = arith.constant 0 : i32
      %dma_wait3A_200 = arith.constant 0 : i32
      %dma_wait3A_201 = tpu.memref_slice %arg13[%dma_wait3A_199, %dma_wait3A_200] : memref<10240x64xf32, #tpu.memory_space<vmem_shared>> -> memref<10240x64xf32, #tpu.memory_space<vmem_shared>>
      tpu.wait_indirect_dma semaphore(%arg18 : memref<!tpu.dma_semaphore, #tpu.memory_space<semaphore_mem>>) src(%dma_wait3A_201 : memref<10240x64xf32, #tpu.memory_space<vmem_shared>>) dst(%arg12 : memref<64x64xf32, #tpu.memory_space<vmem>>)
      %dma_start3A_202 = arith.constant 0 : i32
      %dma_start3A_203 = tpu.memref_slice %arg8[%add3A_188, %dma_start3A_202] : memref<160x64xi32, #tpu.memory_space<vmem>> -> memref<1x64xi32, #tpu.memory_space<vmem>>
      %dma_start3A_204 = tpu.memref_squeeze %dma_start3A_203 : memref<1x64xi32, #tpu.memory_space<vmem>> -> memref<64xi32, #tpu.memory_space<vmem>>
      %dma_start3A_205 = arith.constant 0 : i32
      %dma_start3A_206 = arith.constant 0 : i32
      %dma_start3A_207 = tpu.memref_slice %arg14[%dma_start3A_205, %dma_start3A_206] : memref<10240x64xf32, #tpu.memory_space<vmem_shared>> -> memref<10240x64xf32, #tpu.memory_space<vmem_shared>>
      tpu.enqueue_indirect_dma source(%arg12 : memref<64x64xf32, #tpu.memory_space<vmem>>) target(%dma_start3A_207 : memref<10240x64xf32, #tpu.memory_space<vmem_shared>>) offsets(%dma_start3A_204 : memref<64xi32, #tpu.memory_space<vmem>>) semaphore(%arg22 : memref<!tpu.dma_semaphore, #tpu.memory_space<semaphore_mem>>) {add = true}
    }
    %scan3A_24 = arith.constant 40 : i32
    %dma_wait3A = arith.constant 156 : i32
    %dma_wait3A_25 = arith.constant 0 : i32
    %dma_wait3A_26 = tpu.memref_slice %arg8[%dma_wait3A, %dma_wait3A_25] : memref<160x64xi32, #tpu.memory_space<vmem>> -> memref<1x64xi32, #tpu.memory_space<vmem>>
    %dma_wait3A_27 = tpu.memref_squeeze %dma_wait3A_26 : memref<1x64xi32, #tpu.memory_space<vmem>> -> memref<64xi32, #tpu.memory_space<vmem>>
    %dma_wait3A_28 = arith.constant 0 : i32
    %dma_wait3A_29 = arith.constant 0 : i32
    %dma_wait3A_30 = tpu.memref_slice %arg14[%dma_wait3A_28, %dma_wait3A_29] : memref<10240x64xf32, #tpu.memory_space<vmem_shared>> -> memref<10240x64xf32, #tpu.memory_space<vmem_shared>>
    tpu.wait_indirect_dma semaphore(%arg19 : memref<!tpu.dma_semaphore, #tpu.memory_space<semaphore_mem>>) src(%arg9 : memref<64x64xf32, #tpu.memory_space<vmem>>) dst(%dma_wait3A_30 : memref<10240x64xf32, #tpu.memory_space<vmem_shared>>)
    %dma_wait3A_31 = arith.constant 157 : i32
    %dma_wait3A_32 = arith.constant 0 : i32
    %dma_wait3A_33 = tpu.memref_slice %arg8[%dma_wait3A_31, %dma_wait3A_32] : memref<160x64xi32, #tpu.memory_space<vmem>> -> memref<1x64xi32, #tpu.memory_space<vmem>>
    %dma_wait3A_34 = tpu.memref_squeeze %dma_wait3A_33 : memref<1x64xi32, #tpu.memory_space<vmem>> -> memref<64xi32, #tpu.memory_space<vmem>>
    %dma_wait3A_35 = arith.constant 0 : i32
    %dma_wait3A_36 = arith.constant 0 : i32
    %dma_wait3A_37 = tpu.memref_slice %arg14[%dma_wait3A_35, %dma_wait3A_36] : memref<10240x64xf32, #tpu.memory_space<vmem_shared>> -> memref<10240x64xf32, #tpu.memory_space<vmem_shared>>
    tpu.wait_indirect_dma semaphore(%arg20 : memref<!tpu.dma_semaphore, #tpu.memory_space<semaphore_mem>>) src(%arg10 : memref<64x64xf32, #tpu.memory_space<vmem>>) dst(%dma_wait3A_37 : memref<10240x64xf32, #tpu.memory_space<vmem_shared>>)
    %dma_wait3A_38 = arith.constant 158 : i32
    %dma_wait3A_39 = arith.constant 0 : i32
    %dma_wait3A_40 = tpu.memref_slice %arg8[%dma_wait3A_38, %dma_wait3A_39] : memref<160x64xi32, #tpu.memory_space<vmem>> -> memref<1x64xi32, #tpu.memory_space<vmem>>
    %dma_wait3A_41 = tpu.memref_squeeze %dma_wait3A_40 : memref<1x64xi32, #tpu.memory_space<vmem>> -> memref<64xi32, #tpu.memory_space<vmem>>
    %dma_wait3A_42 = arith.constant 0 : i32
    %dma_wait3A_43 = arith.constant 0 : i32
    %dma_wait3A_44 = tpu.memref_slice %arg14[%dma_wait3A_42, %dma_wait3A_43] : memref<10240x64xf32, #tpu.memory_space<vmem_shared>> -> memref<10240x64xf32, #tpu.memory_space<vmem_shared>>
    tpu.wait_indirect_dma semaphore(%arg21 : memref<!tpu.dma_semaphore, #tpu.memory_space<semaphore_mem>>) src(%arg11 : memref<64x64xf32, #tpu.memory_space<vmem>>) dst(%dma_wait3A_44 : memref<10240x64xf32, #tpu.memory_space<vmem_shared>>)
    %dma_wait3A_45 = arith.constant 159 : i32
    %dma_wait3A_46 = arith.constant 0 : i32
    %dma_wait3A_47 = tpu.memref_slice %arg8[%dma_wait3A_45, %dma_wait3A_46] : memref<160x64xi32, #tpu.memory_space<vmem>> -> memref<1x64xi32, #tpu.memory_space<vmem>>
    %dma_wait3A_48 = tpu.memref_squeeze %dma_wait3A_47 : memref<1x64xi32, #tpu.memory_space<vmem>> -> memref<64xi32, #tpu.memory_space<vmem>>
    %dma_wait3A_49 = arith.constant 0 : i32
    %dma_wait3A_50 = arith.constant 0 : i32
    %dma_wait3A_51 = tpu.memref_slice %arg14[%dma_wait3A_49, %dma_wait3A_50] : memref<10240x64xf32, #tpu.memory_space<vmem_shared>> -> memref<10240x64xf32, #tpu.memory_space<vmem_shared>>
    tpu.wait_indirect_dma semaphore(%arg22 : memref<!tpu.dma_semaphore, #tpu.memory_space<semaphore_mem>>) src(%arg12 : memref<64x64xf32, #tpu.memory_space<vmem>>) dst(%dma_wait3A_51 : memref<10240x64xf32, #tpu.memory_space<vmem_shared>>)
    %barrier3A_52 = arith.constant 0 : index
    tpu.barrier barrier_id(%barrier3A_52)
    %mul3A_53 = arith.constant 10240 : i32
    %mul3A_54 = arith.muli %add3A_3, %mul3A_53 : i32
    %add3A_55 = arith.addi %mul3A_54, %mul3A_0 : i32
    "tpu.region"() ({
      %run_scoped3A = tpu.sem_alloc : memref<!tpu.dma_semaphore, #tpu.memory_space<semaphore_mem>>
      %dma_start3A_118 = arith.constant 0 : i32
      %dma_start3A_119 = tpu.memref_slice %arg6[%add3A_55, %dma_start3A_118] : memref<40960x64xf32, #tpu.memory_space<hbm>> -> memref<640x64xf32, #tpu.memory_space<hbm>>
      %dma_start3A_120 = arith.constant 0 : i32
      %dma_start3A_121 = tpu.memref_slice %arg14[%mul3A_0, %dma_start3A_120] : memref<10240x64xf32, #tpu.memory_space<vmem_shared>> -> memref<640x64xf32, #tpu.memory_space<vmem_shared>>
      tpu.enqueue_dma source(%dma_start3A_121 : memref<640x64xf32, #tpu.memory_space<vmem_shared>>) target(%dma_start3A_119 : memref<640x64xf32, #tpu.memory_space<hbm>>) target_semaphore(%run_scoped3A : memref<!tpu.dma_semaphore, #tpu.memory_space<semaphore_mem>>)
      %dma_wait3A_122 = arith.constant 0 : i32
      %dma_wait3A_123 = tpu.memref_slice %arg6[%add3A_55, %dma_wait3A_122] : memref<40960x64xf32, #tpu.memory_space<hbm>> -> memref<640x64xf32, #tpu.memory_space<hbm>>
      %dma_wait3A_124 = arith.constant 0 : i32
      %dma_wait3A_125 = tpu.memref_slice %arg14[%mul3A_0, %dma_wait3A_124] : memref<10240x64xf32, #tpu.memory_space<vmem_shared>> -> memref<640x64xf32, #tpu.memory_space<vmem_shared>>
      tpu.wait_dma2 semaphore(%run_scoped3A : memref<!tpu.dma_semaphore, #tpu.memory_space<semaphore_mem>>) src(%dma_wait3A_125 : memref<640x64xf32, #tpu.memory_space<vmem_shared>>) dst(%dma_wait3A_123 : memref<640x64xf32, #tpu.memory_space<hbm>>)
      tpu.yield
    }) : () -> ()
    %barrier3A_56 = arith.constant 0 : index
    tpu.barrier barrier_id(%barrier3A_56)
    %mul3A_57 = arith.constant 2 : i32
    %mul3A_58 = arith.muli %arg0, %mul3A_57 : i32
    %add3A_59 = arith.constant 1 : i32
    %add3A_60 = arith.addi %mul3A_58, %add3A_59 : i32
    %mul3A_61 = arith.constant 10240 : i32
    %mul3A_62 = arith.muli %add3A_60, %mul3A_61 : i32
    %add3A_63 = arith.addi %mul3A_62, %mul3A_0 : i32
    "tpu.region"() ({
      %run_scoped3A = tpu.sem_alloc : memref<!tpu.dma_semaphore, #tpu.memory_space<semaphore_mem>>
      %dma_start3A_118 = arith.constant 0 : i32
      %dma_start3A_119 = tpu.memref_slice %arg13[%mul3A_0, %dma_start3A_118] : memref<10240x64xf32, #tpu.memory_space<vmem_shared>> -> memref<640x64xf32, #tpu.memory_space<vmem_shared>>
      %dma_start3A_120 = arith.constant 0 : i32
      %dma_start3A_121 = tpu.memref_slice %arg2[%add3A_63, %dma_start3A_120] : memref<40960x64xf32, #tpu.memory_space<hbm>> -> memref<640x64xf32, #tpu.memory_space<hbm>>
      tpu.enqueue_dma source(%dma_start3A_121 : memref<640x64xf32, #tpu.memory_space<hbm>>) target(%dma_start3A_119 : memref<640x64xf32, #tpu.memory_space<vmem_shared>>) target_semaphore(%run_scoped3A : memref<!tpu.dma_semaphore, #tpu.memory_space<semaphore_mem>>)
      %dma_wait3A_122 = arith.constant 0 : i32
      %dma_wait3A_123 = tpu.memref_slice %arg13[%mul3A_0, %dma_wait3A_122] : memref<10240x64xf32, #tpu.memory_space<vmem_shared>> -> memref<640x64xf32, #tpu.memory_space<vmem_shared>>
      %dma_wait3A_124 = arith.constant 0 : i32
      %dma_wait3A_125 = tpu.memref_slice %arg2[%add3A_63, %dma_wait3A_124] : memref<40960x64xf32, #tpu.memory_space<hbm>> -> memref<640x64xf32, #tpu.memory_space<hbm>>
      tpu.wait_dma2 semaphore(%run_scoped3A : memref<!tpu.dma_semaphore, #tpu.memory_space<semaphore_mem>>) src(%dma_wait3A_125 : memref<640x64xf32, #tpu.memory_space<hbm>>) dst(%dma_wait3A_123 : memref<640x64xf32, #tpu.memory_space<vmem_shared>>)
      tpu.yield
    }) : () -> ()
    "tpu.region"() ({
      %run_scoped3A = tpu.sem_alloc : memref<!tpu.dma_semaphore, #tpu.memory_space<semaphore_mem>>
      %dma_start3A_118 = arith.constant 0 : i32
      %dma_start3A_119 = tpu.memref_slice %arg14[%mul3A_0, %dma_start3A_118] : memref<10240x64xf32, #tpu.memory_space<vmem_shared>> -> memref<640x64xf32, #tpu.memory_space<vmem_shared>>
      %dma_start3A_120 = arith.constant 0 : i32
      %dma_start3A_121 = tpu.memref_slice %arg5[%mul3A_0, %dma_start3A_120] : memref<10240x64xf32, #tpu.memory_space<hbm>> -> memref<640x64xf32, #tpu.memory_space<hbm>>
      tpu.enqueue_dma source(%dma_start3A_121 : memref<640x64xf32, #tpu.memory_space<hbm>>) target(%dma_start3A_119 : memref<640x64xf32, #tpu.memory_space<vmem_shared>>) target_semaphore(%run_scoped3A : memref<!tpu.dma_semaphore, #tpu.memory_space<semaphore_mem>>)
      %dma_wait3A_122 = arith.constant 0 : i32
      %dma_wait3A_123 = tpu.memref_slice %arg14[%mul3A_0, %dma_wait3A_122] : memref<10240x64xf32, #tpu.memory_space<vmem_shared>> -> memref<640x64xf32, #tpu.memory_space<vmem_shared>>
      %dma_wait3A_124 = arith.constant 0 : i32
      %dma_wait3A_125 = tpu.memref_slice %arg5[%mul3A_0, %dma_wait3A_124] : memref<10240x64xf32, #tpu.memory_space<hbm>> -> memref<640x64xf32, #tpu.memory_space<hbm>>
      tpu.wait_dma2 semaphore(%run_scoped3A : memref<!tpu.dma_semaphore, #tpu.memory_space<semaphore_mem>>) src(%dma_wait3A_125 : memref<640x64xf32, #tpu.memory_space<hbm>>) dst(%dma_wait3A_123 : memref<640x64xf32, #tpu.memory_space<vmem_shared>>)
      tpu.yield
    }) : () -> ()
    %barrier3A_64 = arith.constant 0 : index
    tpu.barrier barrier_id(%barrier3A_64)
    %dma_start3A_65 = arith.constant 0 : i32
    %dma_start3A_66 = arith.constant 0 : i32
    %dma_start3A_67 = tpu.memref_slice %arg7[%dma_start3A_65, %dma_start3A_66] : memref<160x64xi32, #tpu.memory_space<vmem>> -> memref<1x64xi32, #tpu.memory_space<vmem>>
    %dma_start3A_68 = tpu.memref_squeeze %dma_start3A_67 : memref<1x64xi32, #tpu.memory_space<vmem>> -> memref<64xi32, #tpu.memory_space<vmem>>
    %dma_start3A_69 = arith.constant 0 : i32
    %dma_start3A_70 = arith.constant 0 : i32
    %dma_start3A_71 = tpu.memref_slice %arg13[%dma_start3A_69, %dma_start3A_70] : memref<10240x64xf32, #tpu.memory_space<vmem_shared>> -> memref<10240x64xf32, #tpu.memory_space<vmem_shared>>
    tpu.enqueue_indirect_dma source(%dma_start3A_71 : memref<10240x64xf32, #tpu.memory_space<vmem_shared>>) target(%arg9 : memref<64x64xf32, #tpu.memory_space<vmem>>) offsets(%dma_start3A_68 : memref<64xi32, #tpu.memory_space<vmem>>) semaphore(%arg15 : memref<!tpu.dma_semaphore, #tpu.memory_space<semaphore_mem>>)
    %dma_start3A_72 = arith.constant 1 : i32
    %dma_start3A_73 = arith.constant 0 : i32
    %dma_start3A_74 = tpu.memref_slice %arg7[%dma_start3A_72, %dma_start3A_73] : memref<160x64xi32, #tpu.memory_space<vmem>> -> memref<1x64xi32, #tpu.memory_space<vmem>>
    %dma_start3A_75 = tpu.memref_squeeze %dma_start3A_74 : memref<1x64xi32, #tpu.memory_space<vmem>> -> memref<64xi32, #tpu.memory_space<vmem>>
    %dma_start3A_76 = arith.constant 0 : i32
    %dma_start3A_77 = arith.constant 0 : i32
    %dma_start3A_78 = tpu.memref_slice %arg13[%dma_start3A_76, %dma_start3A_77] : memref<10240x64xf32, #tpu.memory_space<vmem_shared>> -> memref<10240x64xf32, #tpu.memory_space<vmem_shared>>
    tpu.enqueue_indirect_dma source(%dma_start3A_78 : memref<10240x64xf32, #tpu.memory_space<vmem_shared>>) target(%arg10 : memref<64x64xf32, #tpu.memory_space<vmem>>) offsets(%dma_start3A_75 : memref<64xi32, #tpu.memory_space<vmem>>) semaphore(%arg16 : memref<!tpu.dma_semaphore, #tpu.memory_space<semaphore_mem>>)
    %scan3A_79 = arith.constant 0 : i32
    %scan3A_80 = arith.constant 0 : i32
    %scan3A_81 = arith.constant 40 : i32
    %scan3A_82 = arith.addi %scan3A_80, %scan3A_81 : i32
    %scan3A_83 = arith.constant 1 : i32
    scf.for %scan3A_118 = %scan3A_80 to %scan3A_82 step %scan3A_83  : i32 {
      %mul3A_119 = arith.constant 4 : i32
      %mul3A_120 = arith.muli %mul3A_119, %scan3A_118 : i32
      %add3A_121 = arith.constant 0 : i32
      %add3A_122 = arith.addi %mul3A_120, %add3A_121 : i32
      %add3A_123 = arith.constant 2 : i32
      %add3A_124 = arith.addi %add3A_122, %add3A_123 : i32
      %lt3A = arith.constant 160 : i32
      %lt3A_125 = arith.cmpi slt, %add3A_124, %lt3A : i32
      %convert_element_type3A = arith.extui %lt3A_125 : i1 to i32
      %cond3A = arith.constant 0 : i32
      %cond3A_126 = arith.cmpi ne, %convert_element_type3A, %cond3A : i32
      scf.if %cond3A_126 {
        %ge3A = arith.constant 2 : i32
        %ge3A_208 = arith.cmpi sge, %add3A_122, %ge3A : i32
        %convert_element_type3A_209 = arith.extui %ge3A_208 : i1 to i32
        %cond3A_210 = arith.constant 0 : i32
        %cond3A_211 = arith.cmpi ne, %convert_element_type3A_209, %cond3A_210 : i32
        scf.if %cond3A_211 {
          %sub3A = arith.constant 2 : i32
          %sub3A_220 = arith.subi %add3A_122, %sub3A : i32
          %dma_wait3A_221 = arith.constant 0 : i32
          %dma_wait3A_222 = tpu.memref_slice %arg8[%sub3A_220, %dma_wait3A_221] : memref<160x64xi32, #tpu.memory_space<vmem>> -> memref<1x64xi32, #tpu.memory_space<vmem>>
          %dma_wait3A_223 = tpu.memref_squeeze %dma_wait3A_222 : memref<1x64xi32, #tpu.memory_space<vmem>> -> memref<64xi32, #tpu.memory_space<vmem>>
          %dma_wait3A_224 = arith.constant 0 : i32
          %dma_wait3A_225 = arith.constant 0 : i32
          %dma_wait3A_226 = tpu.memref_slice %arg14[%dma_wait3A_224, %dma_wait3A_225] : memref<10240x64xf32, #tpu.memory_space<vmem_shared>> -> memref<10240x64xf32, #tpu.memory_space<vmem_shared>>
          tpu.wait_indirect_dma semaphore(%arg21 : memref<!tpu.dma_semaphore, #tpu.memory_space<semaphore_mem>>) src(%arg11 : memref<64x64xf32, #tpu.memory_space<vmem>>) dst(%dma_wait3A_226 : memref<10240x64xf32, #tpu.memory_space<vmem_shared>>)
        } else {
        }
        %add3A_212 = arith.constant 2 : i32
        %add3A_213 = arith.addi %add3A_122, %add3A_212 : i32
        %dma_start3A_214 = arith.constant 0 : i32
        %dma_start3A_215 = tpu.memref_slice %arg7[%add3A_213, %dma_start3A_214] : memref<160x64xi32, #tpu.memory_space<vmem>> -> memref<1x64xi32, #tpu.memory_space<vmem>>
        %dma_start3A_216 = tpu.memref_squeeze %dma_start3A_215 : memref<1x64xi32, #tpu.memory_space<vmem>> -> memref<64xi32, #tpu.memory_space<vmem>>
        %dma_start3A_217 = arith.constant 0 : i32
        %dma_start3A_218 = arith.constant 0 : i32
        %dma_start3A_219 = tpu.memref_slice %arg13[%dma_start3A_217, %dma_start3A_218] : memref<10240x64xf32, #tpu.memory_space<vmem_shared>> -> memref<10240x64xf32, #tpu.memory_space<vmem_shared>>
        tpu.enqueue_indirect_dma source(%dma_start3A_219 : memref<10240x64xf32, #tpu.memory_space<vmem_shared>>) target(%arg11 : memref<64x64xf32, #tpu.memory_space<vmem>>) offsets(%dma_start3A_216 : memref<64xi32, #tpu.memory_space<vmem>>) semaphore(%arg17 : memref<!tpu.dma_semaphore, #tpu.memory_space<semaphore_mem>>)
      } else {
      }
      %dma_wait3A_127 = arith.constant 0 : i32
      %dma_wait3A_128 = tpu.memref_slice %arg7[%add3A_122, %dma_wait3A_127] : memref<160x64xi32, #tpu.memory_space<vmem>> -> memref<1x64xi32, #tpu.memory_space<vmem>>
      %dma_wait3A_129 = tpu.memref_squeeze %dma_wait3A_128 : memref<1x64xi32, #tpu.memory_space<vmem>> -> memref<64xi32, #tpu.memory_space<vmem>>
      %dma_wait3A_130 = arith.constant 0 : i32
      %dma_wait3A_131 = arith.constant 0 : i32
      %dma_wait3A_132 = tpu.memref_slice %arg13[%dma_wait3A_130, %dma_wait3A_131] : memref<10240x64xf32, #tpu.memory_space<vmem_shared>> -> memref<10240x64xf32, #tpu.memory_space<vmem_shared>>
      tpu.wait_indirect_dma semaphore(%arg15 : memref<!tpu.dma_semaphore, #tpu.memory_space<semaphore_mem>>) src(%dma_wait3A_132 : memref<10240x64xf32, #tpu.memory_space<vmem_shared>>) dst(%arg9 : memref<64x64xf32, #tpu.memory_space<vmem>>)
      %dma_start3A_133 = arith.constant 0 : i32
      %dma_start3A_134 = tpu.memref_slice %arg8[%add3A_122, %dma_start3A_133] : memref<160x64xi32, #tpu.memory_space<vmem>> -> memref<1x64xi32, #tpu.memory_space<vmem>>
      %dma_start3A_135 = tpu.memref_squeeze %dma_start3A_134 : memref<1x64xi32, #tpu.memory_space<vmem>> -> memref<64xi32, #tpu.memory_space<vmem>>
      %dma_start3A_136 = arith.constant 0 : i32
      %dma_start3A_137 = arith.constant 0 : i32
      %dma_start3A_138 = tpu.memref_slice %arg14[%dma_start3A_136, %dma_start3A_137] : memref<10240x64xf32, #tpu.memory_space<vmem_shared>> -> memref<10240x64xf32, #tpu.memory_space<vmem_shared>>
      tpu.enqueue_indirect_dma source(%arg9 : memref<64x64xf32, #tpu.memory_space<vmem>>) target(%dma_start3A_138 : memref<10240x64xf32, #tpu.memory_space<vmem_shared>>) offsets(%dma_start3A_135 : memref<64xi32, #tpu.memory_space<vmem>>) semaphore(%arg19 : memref<!tpu.dma_semaphore, #tpu.memory_space<semaphore_mem>>) {add = true}
      %mul3A_139 = arith.constant 4 : i32
      %mul3A_140 = arith.muli %mul3A_139, %scan3A_118 : i32
      %add3A_141 = arith.constant 1 : i32
      %add3A_142 = arith.addi %mul3A_140, %add3A_141 : i32
      %add3A_143 = arith.constant 2 : i32
      %add3A_144 = arith.addi %add3A_142, %add3A_143 : i32
      %lt3A_145 = arith.constant 160 : i32
      %lt3A_146 = arith.cmpi slt, %add3A_144, %lt3A_145 : i32
      %convert_element_type3A_147 = arith.extui %lt3A_146 : i1 to i32
      %cond3A_148 = arith.constant 0 : i32
      %cond3A_149 = arith.cmpi ne, %convert_element_type3A_147, %cond3A_148 : i32
      scf.if %cond3A_149 {
        %ge3A = arith.constant 2 : i32
        %ge3A_208 = arith.cmpi sge, %add3A_142, %ge3A : i32
        %convert_element_type3A_209 = arith.extui %ge3A_208 : i1 to i32
        %cond3A_210 = arith.constant 0 : i32
        %cond3A_211 = arith.cmpi ne, %convert_element_type3A_209, %cond3A_210 : i32
        scf.if %cond3A_211 {
          %sub3A = arith.constant 2 : i32
          %sub3A_220 = arith.subi %add3A_142, %sub3A : i32
          %dma_wait3A_221 = arith.constant 0 : i32
          %dma_wait3A_222 = tpu.memref_slice %arg8[%sub3A_220, %dma_wait3A_221] : memref<160x64xi32, #tpu.memory_space<vmem>> -> memref<1x64xi32, #tpu.memory_space<vmem>>
          %dma_wait3A_223 = tpu.memref_squeeze %dma_wait3A_222 : memref<1x64xi32, #tpu.memory_space<vmem>> -> memref<64xi32, #tpu.memory_space<vmem>>
          %dma_wait3A_224 = arith.constant 0 : i32
          %dma_wait3A_225 = arith.constant 0 : i32
          %dma_wait3A_226 = tpu.memref_slice %arg14[%dma_wait3A_224, %dma_wait3A_225] : memref<10240x64xf32, #tpu.memory_space<vmem_shared>> -> memref<10240x64xf32, #tpu.memory_space<vmem_shared>>
          tpu.wait_indirect_dma semaphore(%arg22 : memref<!tpu.dma_semaphore, #tpu.memory_space<semaphore_mem>>) src(%arg12 : memref<64x64xf32, #tpu.memory_space<vmem>>) dst(%dma_wait3A_226 : memref<10240x64xf32, #tpu.memory_space<vmem_shared>>)
        } else {
        }
        %add3A_212 = arith.constant 2 : i32
        %add3A_213 = arith.addi %add3A_142, %add3A_212 : i32
        %dma_start3A_214 = arith.constant 0 : i32
        %dma_start3A_215 = tpu.memref_slice %arg7[%add3A_213, %dma_start3A_214] : memref<160x64xi32, #tpu.memory_space<vmem>> -> memref<1x64xi32, #tpu.memory_space<vmem>>
        %dma_start3A_216 = tpu.memref_squeeze %dma_start3A_215 : memref<1x64xi32, #tpu.memory_space<vmem>> -> memref<64xi32, #tpu.memory_space<vmem>>
        %dma_start3A_217 = arith.constant 0 : i32
        %dma_start3A_218 = arith.constant 0 : i32
        %dma_start3A_219 = tpu.memref_slice %arg13[%dma_start3A_217, %dma_start3A_218] : memref<10240x64xf32, #tpu.memory_space<vmem_shared>> -> memref<10240x64xf32, #tpu.memory_space<vmem_shared>>
        tpu.enqueue_indirect_dma source(%dma_start3A_219 : memref<10240x64xf32, #tpu.memory_space<vmem_shared>>) target(%arg12 : memref<64x64xf32, #tpu.memory_space<vmem>>) offsets(%dma_start3A_216 : memref<64xi32, #tpu.memory_space<vmem>>) semaphore(%arg18 : memref<!tpu.dma_semaphore, #tpu.memory_space<semaphore_mem>>)
      } else {
      }
      %dma_wait3A_150 = arith.constant 0 : i32
      %dma_wait3A_151 = tpu.memref_slice %arg7[%add3A_142, %dma_wait3A_150] : memref<160x64xi32, #tpu.memory_space<vmem>> -> memref<1x64xi32, #tpu.memory_space<vmem>>
      %dma_wait3A_152 = tpu.memref_squeeze %dma_wait3A_151 : memref<1x64xi32, #tpu.memory_space<vmem>> -> memref<64xi32, #tpu.memory_space<vmem>>
      %dma_wait3A_153 = arith.constant 0 : i32
      %dma_wait3A_154 = arith.constant 0 : i32
      %dma_wait3A_155 = tpu.memref_slice %arg13[%dma_wait3A_153, %dma_wait3A_154] : memref<10240x64xf32, #tpu.memory_space<vmem_shared>> -> memref<10240x64xf32, #tpu.memory_space<vmem_shared>>
      tpu.wait_indirect_dma semaphore(%arg16 : memref<!tpu.dma_semaphore, #tpu.memory_space<semaphore_mem>>) src(%dma_wait3A_155 : memref<10240x64xf32, #tpu.memory_space<vmem_shared>>) dst(%arg10 : memref<64x64xf32, #tpu.memory_space<vmem>>)
      %dma_start3A_156 = arith.constant 0 : i32
      %dma_start3A_157 = tpu.memref_slice %arg8[%add3A_142, %dma_start3A_156] : memref<160x64xi32, #tpu.memory_space<vmem>> -> memref<1x64xi32, #tpu.memory_space<vmem>>
      %dma_start3A_158 = tpu.memref_squeeze %dma_start3A_157 : memref<1x64xi32, #tpu.memory_space<vmem>> -> memref<64xi32, #tpu.memory_space<vmem>>
      %dma_start3A_159 = arith.constant 0 : i32
      %dma_start3A_160 = arith.constant 0 : i32
      %dma_start3A_161 = tpu.memref_slice %arg14[%dma_start3A_159, %dma_start3A_160] : memref<10240x64xf32, #tpu.memory_space<vmem_shared>> -> memref<10240x64xf32, #tpu.memory_space<vmem_shared>>
      tpu.enqueue_indirect_dma source(%arg10 : memref<64x64xf32, #tpu.memory_space<vmem>>) target(%dma_start3A_161 : memref<10240x64xf32, #tpu.memory_space<vmem_shared>>) offsets(%dma_start3A_158 : memref<64xi32, #tpu.memory_space<vmem>>) semaphore(%arg20 : memref<!tpu.dma_semaphore, #tpu.memory_space<semaphore_mem>>) {add = true}
      %mul3A_162 = arith.constant 4 : i32
      %mul3A_163 = arith.muli %mul3A_162, %scan3A_118 : i32
      %add3A_164 = arith.constant 2 : i32
      %add3A_165 = arith.addi %mul3A_163, %add3A_164 : i32
      %add3A_166 = arith.constant 2 : i32
      %add3A_167 = arith.addi %add3A_165, %add3A_166 : i32
      %lt3A_168 = arith.constant 160 : i32
      %lt3A_169 = arith.cmpi slt, %add3A_167, %lt3A_168 : i32
      %convert_element_type3A_170 = arith.extui %lt3A_169 : i1 to i32
      %cond3A_171 = arith.constant 0 : i32
      %cond3A_172 = arith.cmpi ne, %convert_element_type3A_170, %cond3A_171 : i32
      scf.if %cond3A_172 {
        %ge3A = arith.constant 2 : i32
        %ge3A_208 = arith.cmpi sge, %add3A_165, %ge3A : i32
        %convert_element_type3A_209 = arith.extui %ge3A_208 : i1 to i32
        %cond3A_210 = arith.constant 0 : i32
        %cond3A_211 = arith.cmpi ne, %convert_element_type3A_209, %cond3A_210 : i32
        scf.if %cond3A_211 {
          %sub3A = arith.constant 2 : i32
          %sub3A_220 = arith.subi %add3A_165, %sub3A : i32
          %dma_wait3A_221 = arith.constant 0 : i32
          %dma_wait3A_222 = tpu.memref_slice %arg8[%sub3A_220, %dma_wait3A_221] : memref<160x64xi32, #tpu.memory_space<vmem>> -> memref<1x64xi32, #tpu.memory_space<vmem>>
          %dma_wait3A_223 = tpu.memref_squeeze %dma_wait3A_222 : memref<1x64xi32, #tpu.memory_space<vmem>> -> memref<64xi32, #tpu.memory_space<vmem>>
          %dma_wait3A_224 = arith.constant 0 : i32
          %dma_wait3A_225 = arith.constant 0 : i32
          %dma_wait3A_226 = tpu.memref_slice %arg14[%dma_wait3A_224, %dma_wait3A_225] : memref<10240x64xf32, #tpu.memory_space<vmem_shared>> -> memref<10240x64xf32, #tpu.memory_space<vmem_shared>>
          tpu.wait_indirect_dma semaphore(%arg19 : memref<!tpu.dma_semaphore, #tpu.memory_space<semaphore_mem>>) src(%arg9 : memref<64x64xf32, #tpu.memory_space<vmem>>) dst(%dma_wait3A_226 : memref<10240x64xf32, #tpu.memory_space<vmem_shared>>)
        } else {
        }
        %add3A_212 = arith.constant 2 : i32
        %add3A_213 = arith.addi %add3A_165, %add3A_212 : i32
        %dma_start3A_214 = arith.constant 0 : i32
        %dma_start3A_215 = tpu.memref_slice %arg7[%add3A_213, %dma_start3A_214] : memref<160x64xi32, #tpu.memory_space<vmem>> -> memref<1x64xi32, #tpu.memory_space<vmem>>
        %dma_start3A_216 = tpu.memref_squeeze %dma_start3A_215 : memref<1x64xi32, #tpu.memory_space<vmem>> -> memref<64xi32, #tpu.memory_space<vmem>>
        %dma_start3A_217 = arith.constant 0 : i32
        %dma_start3A_218 = arith.constant 0 : i32
        %dma_start3A_219 = tpu.memref_slice %arg13[%dma_start3A_217, %dma_start3A_218] : memref<10240x64xf32, #tpu.memory_space<vmem_shared>> -> memref<10240x64xf32, #tpu.memory_space<vmem_shared>>
        tpu.enqueue_indirect_dma source(%dma_start3A_219 : memref<10240x64xf32, #tpu.memory_space<vmem_shared>>) target(%arg9 : memref<64x64xf32, #tpu.memory_space<vmem>>) offsets(%dma_start3A_216 : memref<64xi32, #tpu.memory_space<vmem>>) semaphore(%arg15 : memref<!tpu.dma_semaphore, #tpu.memory_space<semaphore_mem>>)
      } else {
      }
      %dma_wait3A_173 = arith.constant 0 : i32
      %dma_wait3A_174 = tpu.memref_slice %arg7[%add3A_165, %dma_wait3A_173] : memref<160x64xi32, #tpu.memory_space<vmem>> -> memref<1x64xi32, #tpu.memory_space<vmem>>
      %dma_wait3A_175 = tpu.memref_squeeze %dma_wait3A_174 : memref<1x64xi32, #tpu.memory_space<vmem>> -> memref<64xi32, #tpu.memory_space<vmem>>
      %dma_wait3A_176 = arith.constant 0 : i32
      %dma_wait3A_177 = arith.constant 0 : i32
      %dma_wait3A_178 = tpu.memref_slice %arg13[%dma_wait3A_176, %dma_wait3A_177] : memref<10240x64xf32, #tpu.memory_space<vmem_shared>> -> memref<10240x64xf32, #tpu.memory_space<vmem_shared>>
      tpu.wait_indirect_dma semaphore(%arg17 : memref<!tpu.dma_semaphore, #tpu.memory_space<semaphore_mem>>) src(%dma_wait3A_178 : memref<10240x64xf32, #tpu.memory_space<vmem_shared>>) dst(%arg11 : memref<64x64xf32, #tpu.memory_space<vmem>>)
      %dma_start3A_179 = arith.constant 0 : i32
      %dma_start3A_180 = tpu.memref_slice %arg8[%add3A_165, %dma_start3A_179] : memref<160x64xi32, #tpu.memory_space<vmem>> -> memref<1x64xi32, #tpu.memory_space<vmem>>
      %dma_start3A_181 = tpu.memref_squeeze %dma_start3A_180 : memref<1x64xi32, #tpu.memory_space<vmem>> -> memref<64xi32, #tpu.memory_space<vmem>>
      %dma_start3A_182 = arith.constant 0 : i32
      %dma_start3A_183 = arith.constant 0 : i32
      %dma_start3A_184 = tpu.memref_slice %arg14[%dma_start3A_182, %dma_start3A_183] : memref<10240x64xf32, #tpu.memory_space<vmem_shared>> -> memref<10240x64xf32, #tpu.memory_space<vmem_shared>>
      tpu.enqueue_indirect_dma source(%arg11 : memref<64x64xf32, #tpu.memory_space<vmem>>) target(%dma_start3A_184 : memref<10240x64xf32, #tpu.memory_space<vmem_shared>>) offsets(%dma_start3A_181 : memref<64xi32, #tpu.memory_space<vmem>>) semaphore(%arg21 : memref<!tpu.dma_semaphore, #tpu.memory_space<semaphore_mem>>) {add = true}
      %mul3A_185 = arith.constant 4 : i32
      %mul3A_186 = arith.muli %mul3A_185, %scan3A_118 : i32
      %add3A_187 = arith.constant 3 : i32
      %add3A_188 = arith.addi %mul3A_186, %add3A_187 : i32
      %add3A_189 = arith.constant 2 : i32
      %add3A_190 = arith.addi %add3A_188, %add3A_189 : i32
      %lt3A_191 = arith.constant 160 : i32
      %lt3A_192 = arith.cmpi slt, %add3A_190, %lt3A_191 : i32
      %convert_element_type3A_193 = arith.extui %lt3A_192 : i1 to i32
      %cond3A_194 = arith.constant 0 : i32
      %cond3A_195 = arith.cmpi ne, %convert_element_type3A_193, %cond3A_194 : i32
      scf.if %cond3A_195 {
        %ge3A = arith.constant 2 : i32
        %ge3A_208 = arith.cmpi sge, %add3A_188, %ge3A : i32
        %convert_element_type3A_209 = arith.extui %ge3A_208 : i1 to i32
        %cond3A_210 = arith.constant 0 : i32
        %cond3A_211 = arith.cmpi ne, %convert_element_type3A_209, %cond3A_210 : i32
        scf.if %cond3A_211 {
          %sub3A = arith.constant 2 : i32
          %sub3A_220 = arith.subi %add3A_188, %sub3A : i32
          %dma_wait3A_221 = arith.constant 0 : i32
          %dma_wait3A_222 = tpu.memref_slice %arg8[%sub3A_220, %dma_wait3A_221] : memref<160x64xi32, #tpu.memory_space<vmem>> -> memref<1x64xi32, #tpu.memory_space<vmem>>
          %dma_wait3A_223 = tpu.memref_squeeze %dma_wait3A_222 : memref<1x64xi32, #tpu.memory_space<vmem>> -> memref<64xi32, #tpu.memory_space<vmem>>
          %dma_wait3A_224 = arith.constant 0 : i32
          %dma_wait3A_225 = arith.constant 0 : i32
          %dma_wait3A_226 = tpu.memref_slice %arg14[%dma_wait3A_224, %dma_wait3A_225] : memref<10240x64xf32, #tpu.memory_space<vmem_shared>> -> memref<10240x64xf32, #tpu.memory_space<vmem_shared>>
          tpu.wait_indirect_dma semaphore(%arg20 : memref<!tpu.dma_semaphore, #tpu.memory_space<semaphore_mem>>) src(%arg10 : memref<64x64xf32, #tpu.memory_space<vmem>>) dst(%dma_wait3A_226 : memref<10240x64xf32, #tpu.memory_space<vmem_shared>>)
        } else {
        }
        %add3A_212 = arith.constant 2 : i32
        %add3A_213 = arith.addi %add3A_188, %add3A_212 : i32
        %dma_start3A_214 = arith.constant 0 : i32
        %dma_start3A_215 = tpu.memref_slice %arg7[%add3A_213, %dma_start3A_214] : memref<160x64xi32, #tpu.memory_space<vmem>> -> memref<1x64xi32, #tpu.memory_space<vmem>>
        %dma_start3A_216 = tpu.memref_squeeze %dma_start3A_215 : memref<1x64xi32, #tpu.memory_space<vmem>> -> memref<64xi32, #tpu.memory_space<vmem>>
        %dma_start3A_217 = arith.constant 0 : i32
        %dma_start3A_218 = arith.constant 0 : i32
        %dma_start3A_219 = tpu.memref_slice %arg13[%dma_start3A_217, %dma_start3A_218] : memref<10240x64xf32, #tpu.memory_space<vmem_shared>> -> memref<10240x64xf32, #tpu.memory_space<vmem_shared>>
        tpu.enqueue_indirect_dma source(%dma_start3A_219 : memref<10240x64xf32, #tpu.memory_space<vmem_shared>>) target(%arg10 : memref<64x64xf32, #tpu.memory_space<vmem>>) offsets(%dma_start3A_216 : memref<64xi32, #tpu.memory_space<vmem>>) semaphore(%arg16 : memref<!tpu.dma_semaphore, #tpu.memory_space<semaphore_mem>>)
      } else {
      }
      %dma_wait3A_196 = arith.constant 0 : i32
      %dma_wait3A_197 = tpu.memref_slice %arg7[%add3A_188, %dma_wait3A_196] : memref<160x64xi32, #tpu.memory_space<vmem>> -> memref<1x64xi32, #tpu.memory_space<vmem>>
      %dma_wait3A_198 = tpu.memref_squeeze %dma_wait3A_197 : memref<1x64xi32, #tpu.memory_space<vmem>> -> memref<64xi32, #tpu.memory_space<vmem>>
      %dma_wait3A_199 = arith.constant 0 : i32
      %dma_wait3A_200 = arith.constant 0 : i32
      %dma_wait3A_201 = tpu.memref_slice %arg13[%dma_wait3A_199, %dma_wait3A_200] : memref<10240x64xf32, #tpu.memory_space<vmem_shared>> -> memref<10240x64xf32, #tpu.memory_space<vmem_shared>>
      tpu.wait_indirect_dma semaphore(%arg18 : memref<!tpu.dma_semaphore, #tpu.memory_space<semaphore_mem>>) src(%dma_wait3A_201 : memref<10240x64xf32, #tpu.memory_space<vmem_shared>>) dst(%arg12 : memref<64x64xf32, #tpu.memory_space<vmem>>)
      %dma_start3A_202 = arith.constant 0 : i32
      %dma_start3A_203 = tpu.memref_slice %arg8[%add3A_188, %dma_start3A_202] : memref<160x64xi32, #tpu.memory_space<vmem>> -> memref<1x64xi32, #tpu.memory_space<vmem>>
      %dma_start3A_204 = tpu.memref_squeeze %dma_start3A_203 : memref<1x64xi32, #tpu.memory_space<vmem>> -> memref<64xi32, #tpu.memory_space<vmem>>
      %dma_start3A_205 = arith.constant 0 : i32
      %dma_start3A_206 = arith.constant 0 : i32
      %dma_start3A_207 = tpu.memref_slice %arg14[%dma_start3A_205, %dma_start3A_206] : memref<10240x64xf32, #tpu.memory_space<vmem_shared>> -> memref<10240x64xf32, #tpu.memory_space<vmem_shared>>
      tpu.enqueue_indirect_dma source(%arg12 : memref<64x64xf32, #tpu.memory_space<vmem>>) target(%dma_start3A_207 : memref<10240x64xf32, #tpu.memory_space<vmem_shared>>) offsets(%dma_start3A_204 : memref<64xi32, #tpu.memory_space<vmem>>) semaphore(%arg22 : memref<!tpu.dma_semaphore, #tpu.memory_space<semaphore_mem>>) {add = true}
    }
    %scan3A_84 = arith.constant 40 : i32
    %dma_wait3A_85 = arith.constant 156 : i32
    %dma_wait3A_86 = arith.constant 0 : i32
    %dma_wait3A_87 = tpu.memref_slice %arg8[%dma_wait3A_85, %dma_wait3A_86] : memref<160x64xi32, #tpu.memory_space<vmem>> -> memref<1x64xi32, #tpu.memory_space<vmem>>
    %dma_wait3A_88 = tpu.memref_squeeze %dma_wait3A_87 : memref<1x64xi32, #tpu.memory_space<vmem>> -> memref<64xi32, #tpu.memory_space<vmem>>
    %dma_wait3A_89 = arith.constant 0 : i32
    %dma_wait3A_90 = arith.constant 0 : i32
    %dma_wait3A_91 = tpu.memref_slice %arg14[%dma_wait3A_89, %dma_wait3A_90] : memref<10240x64xf32, #tpu.memory_space<vmem_shared>> -> memref<10240x64xf32, #tpu.memory_space<vmem_shared>>
    tpu.wait_indirect_dma semaphore(%arg19 : memref<!tpu.dma_semaphore, #tpu.memory_space<semaphore_mem>>) src(%arg9 : memref<64x64xf32, #tpu.memory_space<vmem>>) dst(%dma_wait3A_91 : memref<10240x64xf32, #tpu.memory_space<vmem_shared>>)
    %dma_wait3A_92 = arith.constant 157 : i32
    %dma_wait3A_93 = arith.constant 0 : i32
    %dma_wait3A_94 = tpu.memref_slice %arg8[%dma_wait3A_92, %dma_wait3A_93] : memref<160x64xi32, #tpu.memory_space<vmem>> -> memref<1x64xi32, #tpu.memory_space<vmem>>
    %dma_wait3A_95 = tpu.memref_squeeze %dma_wait3A_94 : memref<1x64xi32, #tpu.memory_space<vmem>> -> memref<64xi32, #tpu.memory_space<vmem>>
    %dma_wait3A_96 = arith.constant 0 : i32
    %dma_wait3A_97 = arith.constant 0 : i32
    %dma_wait3A_98 = tpu.memref_slice %arg14[%dma_wait3A_96, %dma_wait3A_97] : memref<10240x64xf32, #tpu.memory_space<vmem_shared>> -> memref<10240x64xf32, #tpu.memory_space<vmem_shared>>
    tpu.wait_indirect_dma semaphore(%arg20 : memref<!tpu.dma_semaphore, #tpu.memory_space<semaphore_mem>>) src(%arg10 : memref<64x64xf32, #tpu.memory_space<vmem>>) dst(%dma_wait3A_98 : memref<10240x64xf32, #tpu.memory_space<vmem_shared>>)
    %dma_wait3A_99 = arith.constant 158 : i32
    %dma_wait3A_100 = arith.constant 0 : i32
    %dma_wait3A_101 = tpu.memref_slice %arg8[%dma_wait3A_99, %dma_wait3A_100] : memref<160x64xi32, #tpu.memory_space<vmem>> -> memref<1x64xi32, #tpu.memory_space<vmem>>
    %dma_wait3A_102 = tpu.memref_squeeze %dma_wait3A_101 : memref<1x64xi32, #tpu.memory_space<vmem>> -> memref<64xi32, #tpu.memory_space<vmem>>
    %dma_wait3A_103 = arith.constant 0 : i32
    %dma_wait3A_104 = arith.constant 0 : i32
    %dma_wait3A_105 = tpu.memref_slice %arg14[%dma_wait3A_103, %dma_wait3A_104] : memref<10240x64xf32, #tpu.memory_space<vmem_shared>> -> memref<10240x64xf32, #tpu.memory_space<vmem_shared>>
    tpu.wait_indirect_dma semaphore(%arg21 : memref<!tpu.dma_semaphore, #tpu.memory_space<semaphore_mem>>) src(%arg11 : memref<64x64xf32, #tpu.memory_space<vmem>>) dst(%dma_wait3A_105 : memref<10240x64xf32, #tpu.memory_space<vmem_shared>>)
    %dma_wait3A_106 = arith.constant 159 : i32
    %dma_wait3A_107 = arith.constant 0 : i32
    %dma_wait3A_108 = tpu.memref_slice %arg8[%dma_wait3A_106, %dma_wait3A_107] : memref<160x64xi32, #tpu.memory_space<vmem>> -> memref<1x64xi32, #tpu.memory_space<vmem>>
    %dma_wait3A_109 = tpu.memref_squeeze %dma_wait3A_108 : memref<1x64xi32, #tpu.memory_space<vmem>> -> memref<64xi32, #tpu.memory_space<vmem>>
    %dma_wait3A_110 = arith.constant 0 : i32
    %dma_wait3A_111 = arith.constant 0 : i32
    %dma_wait3A_112 = tpu.memref_slice %arg14[%dma_wait3A_110, %dma_wait3A_111] : memref<10240x64xf32, #tpu.memory_space<vmem_shared>> -> memref<10240x64xf32, #tpu.memory_space<vmem_shared>>
    tpu.wait_indirect_dma semaphore(%arg22 : memref<!tpu.dma_semaphore, #tpu.memory_space<semaphore_mem>>) src(%arg12 : memref<64x64xf32, #tpu.memory_space<vmem>>) dst(%dma_wait3A_112 : memref<10240x64xf32, #tpu.memory_space<vmem_shared>>)
    %barrier3A_113 = arith.constant 0 : index
    tpu.barrier barrier_id(%barrier3A_113)
    %mul3A_114 = arith.constant 10240 : i32
    %mul3A_115 = arith.muli %add3A_60, %mul3A_114 : i32
    %add3A_116 = arith.addi %mul3A_115, %mul3A_0 : i32
    "tpu.region"() ({
      %run_scoped3A = tpu.sem_alloc : memref<!tpu.dma_semaphore, #tpu.memory_space<semaphore_mem>>
      %dma_start3A_118 = arith.constant 0 : i32
      %dma_start3A_119 = tpu.memref_slice %arg6[%add3A_116, %dma_start3A_118] : memref<40960x64xf32, #tpu.memory_space<hbm>> -> memref<640x64xf32, #tpu.memory_space<hbm>>
      %dma_start3A_120 = arith.constant 0 : i32
      %dma_start3A_121 = tpu.memref_slice %arg14[%mul3A_0, %dma_start3A_120] : memref<10240x64xf32, #tpu.memory_space<vmem_shared>> -> memref<640x64xf32, #tpu.memory_space<vmem_shared>>
      tpu.enqueue_dma source(%dma_start3A_121 : memref<640x64xf32, #tpu.memory_space<vmem_shared>>) target(%dma_start3A_119 : memref<640x64xf32, #tpu.memory_space<hbm>>) target_semaphore(%run_scoped3A : memref<!tpu.dma_semaphore, #tpu.memory_space<semaphore_mem>>)
      %dma_wait3A_122 = arith.constant 0 : i32
      %dma_wait3A_123 = tpu.memref_slice %arg6[%add3A_116, %dma_wait3A_122] : memref<40960x64xf32, #tpu.memory_space<hbm>> -> memref<640x64xf32, #tpu.memory_space<hbm>>
      %dma_wait3A_124 = arith.constant 0 : i32
      %dma_wait3A_125 = tpu.memref_slice %arg14[%mul3A_0, %dma_wait3A_124] : memref<10240x64xf32, #tpu.memory_space<vmem_shared>> -> memref<640x64xf32, #tpu.memory_space<vmem_shared>>
      tpu.wait_dma2 semaphore(%run_scoped3A : memref<!tpu.dma_semaphore, #tpu.memory_space<semaphore_mem>>) src(%dma_wait3A_125 : memref<640x64xf32, #tpu.memory_space<vmem_shared>>) dst(%dma_wait3A_123 : memref<640x64xf32, #tpu.memory_space<hbm>>)
      tpu.yield
    }) : () -> ()
    %barrier3A_117 = arith.constant 0 : index
    tpu.barrier barrier_id(%barrier3A_117)
    return
  }
}

module attributes {stable_mosaic.version = 14 : i64} {
  func.func @_tc0_body(%arg0: i32, %arg1: i32, %arg2: memref<2048x256xf32, #tpu.memory_space<vmem>>, %arg3: memref<2048x8xf32, #tpu.memory_space<vmem>>, %arg4: memref<2048x8xf32, #tpu.memory_space<vmem>>, %arg5: memref<1x256x64xf32, #tpu.memory_space<vmem>>, %arg6: memref<2048x64xf32, #tpu.memory_space<vmem>>) attributes {dimension_semantics = [#tpu.dimension_semantics<arbitrary>, #tpu.dimension_semantics<arbitrary>], iteration_bounds = array<i64: 4, 5>, scalar_prefetch = 0 : i64, scratch_operands = 0 : i64, tpu.core_type = #tpu.core_type<tc>, window_params = [{transform_indices = @transform_0, window_bounds = array<i64: 2048, 256>}, {transform_indices = @transform_1, window_bounds = array<i64: 2048, 8>}, {transform_indices = @transform_2, window_bounds = array<i64: 2048, 8>}, {transform_indices = @transform_3, window_bounds = array<i64: 1, 256, 64>}, {transform_indices = @transform_4, window_bounds = array<i64: 2048, 64>}]} {
    %get3A = arith.constant 0 : index
    %get3A_0 = arith.constant 0 : index
    %get3A_1 = vector.load %arg3[%get3A, %get3A_0] : memref<2048x8xf32, #tpu.memory_space<vmem>>, vector<2048x8xf32>
    %get3A_2 = arith.constant 0 : index
    %get3A_3 = arith.constant 0 : index
    %get3A_4 = vector.load %arg4[%get3A_2, %get3A_3] : memref<2048x8xf32, #tpu.memory_space<vmem>>, vector<2048x8xf32>
    %slice3A = vector.extract_strided_slice %get3A_1 {offsets = [0, 0], sizes = [2048, 1], strides = [1, 1]} : vector<2048x8xf32> to vector<2048x1xf32>
    %slice3A_5 = vector.extract_strided_slice %get3A_4 {offsets = [0, 0], sizes = [2048, 1], strides = [1, 1]} : vector<2048x8xf32> to vector<2048x1xf32>
    %add3A = arith.addf %slice3A, %slice3A_5 : vector<2048x1xf32>
    %gt3A = arith.constant 0.000000e+00 : f32
    %gt3A_6 = vector.broadcast %gt3A : f32 to vector<2048x1xf32>
    %gt3A_7 = arith.cmpf ogt, %add3A, %gt3A_6 : vector<2048x1xf32>
    %rsqrt3A = math.rsqrt %add3A : vector<2048x1xf32>
    %jit3A = arith.constant 0.000000e+00 : f32
    %broadcast_in_dim3A = vector.broadcast %jit3A : f32 to vector<2048x1xf32>
    %select_n3A = arith.select %gt3A_7, %rsqrt3A, %broadcast_in_dim3A : vector<2048x1xi1>, vector<2048x1xf32>
    %get3A_8 = arith.constant 0 : index
    %get3A_9 = arith.constant 0 : index
    %get3A_10 = vector.load %arg2[%get3A_8, %get3A_9] : memref<2048x256xf32, #tpu.memory_space<vmem>>, vector<2048x256xf32>
    %get3A_11 = arith.constant 0 : index
    %get3A_12 = arith.constant 0 : index
    %get3A_13 = arith.constant 0 : index
    %get3A_14 = vector.load %arg5[%get3A_11, %get3A_12, %get3A_13] : memref<1x256x64xf32, #tpu.memory_space<vmem>>, vector<1x256x64xf32>
    %get3A_15 = vector.shape_cast %get3A_14 : vector<1x256x64xf32> to vector<256x64xf32>
    %dot_general3A = arith.constant dense<0.000000e+00> : vector<2048x64xf32>
    %dot_general3A_16 = tpu.matmul %get3A_10, %get3A_15, %dot_general3A {dimension_numbers = #tpu.dot_dimension_numbers<[1], [0], [0], [1], [0, 0, 1, 1], [], []>, transpose_lhs_hint = false} : vector<2048x256xf32>, vector<256x64xf32>, vector<2048x64xf32> -> vector<2048x64xf32>
    %mul3A = vector.broadcast %select_n3A : vector<2048x1xf32> to vector<2048x64xf32>
    %mul3A_17 = arith.mulf %dot_general3A_16, %mul3A : vector<2048x64xf32>
    %swap3A = arith.constant 0 : index
    %swap3A_18 = arith.constant 0 : index
    %swap3A_19 = vector.load %arg6[%swap3A, %swap3A_18] : memref<2048x64xf32, #tpu.memory_space<vmem>>, vector<2048x64xf32>
    tpu.vector_store %arg6[%swap3A, %swap3A_18], %mul3A_17 {strides = array<i32>} : memref<2048x64xf32, #tpu.memory_space<vmem>>, vector<2048x64xf32>,
    return
  }
  func.func @transform_0(%arg0: i32, %arg1: i32) -> (i32, i32) {
    %c0_i32 = arith.constant 0 : i32
    %c0_i32_0 = arith.constant 0 : i32
    return %arg1, %c0_i32 : i32, i32
  }
  func.func @transform_1(%arg0: i32, %arg1: i32) -> (i32, i32) {
    %c0_i32 = arith.constant 0 : i32
    %c0_i32_0 = arith.constant 0 : i32
    return %arg1, %c0_i32 : i32, i32
  }
  func.func @transform_2(%arg0: i32, %arg1: i32) -> (i32, i32) {
    %add3A = arith.constant 5 : i32
    %add3A_0 = arith.addi %add3A, %arg1 : i32
    %c0_i32 = arith.constant 0 : i32
    %c0_i32_1 = arith.constant 0 : i32
    return %add3A_0, %c0_i32 : i32, i32
  }
  func.func @transform_3(%arg0: i32, %arg1: i32) -> (i32, i32, i32) {
    %c0_i32 = arith.constant 0 : i32
    %c0_i32_0 = arith.constant 0 : i32
    %c0_i32_1 = arith.constant 0 : i32
    return %arg0, %c0_i32, %c0_i32_0 : i32, i32, i32
  }
  func.func @transform_4(%arg0: i32, %arg1: i32) -> (i32, i32) {
    %mul3A = arith.constant 5 : i32
    %mul3A_0 = arith.muli %arg0, %mul3A : i32
    %add3A = arith.addi %mul3A_0, %arg1 : i32
    %c0_i32 = arith.constant 0 : i32
    %c0_i32_1 = arith.constant 0 : i32
    return %add3A, %c0_i32 : i32, i32
  }
}

module attributes {stable_mosaic.version = 14 : i64} {
  func.func @_tc_mid_body(%arg0: i32, %arg1: i32, %arg2: memref<2048x64xf32, #tpu.memory_space<vmem>>, %arg3: memref<2048x64xf32, #tpu.memory_space<vmem>>, %arg4: memref<2048x64xf32, #tpu.memory_space<vmem>>, %arg5: memref<2048x64xf32, #tpu.memory_space<vmem>>, %arg6: memref<2048x8xf32, #tpu.memory_space<vmem>>, %arg7: memref<2048x8xf32, #tpu.memory_space<vmem>>, %arg8: memref<2048x8xf32, #tpu.memory_space<vmem>>, %arg9: memref<2048x8xf32, #tpu.memory_space<vmem>>, %arg10: memref<1x1x64x64xf32, #tpu.memory_space<vmem>>, %arg11: memref<1x1x64x64xf32, #tpu.memory_space<vmem>>, %arg12: memref<1x1x64x64xf32, #tpu.memory_space<vmem>>, %arg13: memref<1x1x64x64xf32, #tpu.memory_space<vmem>>, %arg14: memref<2048x64xf32, #tpu.memory_space<vmem>>) attributes {dimension_semantics = [#tpu.dimension_semantics<arbitrary>, #tpu.dimension_semantics<arbitrary>], iteration_bounds = array<i64: 4, 5>, scalar_prefetch = 0 : i64, scratch_operands = 0 : i64, tpu.core_type = #tpu.core_type<tc>, window_params = [{transform_indices = @transform_0, window_bounds = array<i64: 2048, 64>}, {transform_indices = @transform_1, window_bounds = array<i64: 2048, 64>}, {transform_indices = @transform_2, window_bounds = array<i64: 2048, 64>}, {transform_indices = @transform_3, window_bounds = array<i64: 2048, 64>}, {transform_indices = @transform_4, window_bounds = array<i64: 2048, 8>}, {transform_indices = @transform_5, window_bounds = array<i64: 2048, 8>}, {transform_indices = @transform_6, window_bounds = array<i64: 2048, 8>}, {transform_indices = @transform_7, window_bounds = array<i64: 2048, 8>}, {transform_indices = @transform_8, window_bounds = array<i64: 1, 1, 64, 64>}, {transform_indices = @transform_9, window_bounds = array<i64: 1, 1, 64, 64>}, {transform_indices = @transform_10, window_bounds = array<i64: 1, 1, 64, 64>}, {transform_indices = @transform_11, window_bounds = array<i64: 1, 1, 64, 64>}, {transform_indices = @transform_12, window_bounds = array<i64: 2048, 64>}]} {
    %get3A = arith.constant 0 : index
    %get3A_0 = arith.constant 0 : index
    %get3A_1 = vector.load %arg6[%get3A, %get3A_0] : memref<2048x8xf32, #tpu.memory_space<vmem>>, vector<2048x8xf32>
    %get3A_2 = arith.constant 0 : index
    %get3A_3 = arith.constant 0 : index
    %get3A_4 = vector.load %arg7[%get3A_2, %get3A_3] : memref<2048x8xf32, #tpu.memory_space<vmem>>, vector<2048x8xf32>
    %slice3A = vector.extract_strided_slice %get3A_1 {offsets = [0, 0], sizes = [2048, 1], strides = [1, 1]} : vector<2048x8xf32> to vector<2048x1xf32>
    %slice3A_5 = vector.extract_strided_slice %get3A_4 {offsets = [0, 0], sizes = [2048, 1], strides = [1, 1]} : vector<2048x8xf32> to vector<2048x1xf32>
    %add3A = arith.addf %slice3A, %slice3A_5 : vector<2048x1xf32>
    %gt3A = arith.constant 0.000000e+00 : f32
    %gt3A_6 = vector.broadcast %gt3A : f32 to vector<2048x1xf32>
    %gt3A_7 = arith.cmpf ogt, %add3A, %gt3A_6 : vector<2048x1xf32>
    %rsqrt3A = math.rsqrt %add3A : vector<2048x1xf32>
    %jit3A = arith.constant 0.000000e+00 : f32
    %broadcast_in_dim3A = vector.broadcast %jit3A : f32 to vector<2048x1xf32>
    %select_n3A = arith.select %gt3A_7, %rsqrt3A, %broadcast_in_dim3A : vector<2048x1xi1>, vector<2048x1xf32>
    %get3A_8 = arith.constant 0 : index
    %get3A_9 = arith.constant 0 : index
    %get3A_10 = vector.load %arg8[%get3A_8, %get3A_9] : memref<2048x8xf32, #tpu.memory_space<vmem>>, vector<2048x8xf32>
    %get3A_11 = arith.constant 0 : index
    %get3A_12 = arith.constant 0 : index
    %get3A_13 = vector.load %arg9[%get3A_11, %get3A_12] : memref<2048x8xf32, #tpu.memory_space<vmem>>, vector<2048x8xf32>
    %slice3A_14 = vector.extract_strided_slice %get3A_10 {offsets = [0, 0], sizes = [2048, 1], strides = [1, 1]} : vector<2048x8xf32> to vector<2048x1xf32>
    %slice3A_15 = vector.extract_strided_slice %get3A_13 {offsets = [0, 0], sizes = [2048, 1], strides = [1, 1]} : vector<2048x8xf32> to vector<2048x1xf32>
    %add3A_16 = arith.addf %slice3A_14, %slice3A_15 : vector<2048x1xf32>
    %gt3A_17 = arith.constant 0.000000e+00 : f32
    %gt3A_18 = vector.broadcast %gt3A_17 : f32 to vector<2048x1xf32>
    %gt3A_19 = arith.cmpf ogt, %add3A_16, %gt3A_18 : vector<2048x1xf32>
    %rsqrt3A_20 = math.rsqrt %add3A_16 : vector<2048x1xf32>
    %jit3A_21 = arith.constant 0.000000e+00 : f32
    %broadcast_in_dim3A_22 = vector.broadcast %jit3A_21 : f32 to vector<2048x1xf32>
    %select_n3A_23 = arith.select %gt3A_19, %rsqrt3A_20, %broadcast_in_dim3A_22 : vector<2048x1xi1>, vector<2048x1xf32>
    %broadcast_in_dim3A_24 = arith.constant 0.000000e+00 : f32
    %broadcast_in_dim3A_25 = vector.broadcast %broadcast_in_dim3A_24 : f32 to vector<2048x64xf32>
    %get3A_26 = arith.constant 0 : index
    %get3A_27 = arith.constant 0 : index
    %get3A_28 = vector.load %arg2[%get3A_26, %get3A_27] : memref<2048x64xf32, #tpu.memory_space<vmem>>, vector<2048x64xf32>
    %mul3A = vector.broadcast %select_n3A_23 : vector<2048x1xf32> to vector<2048x64xf32>
    %mul3A_29 = arith.mulf %get3A_28, %mul3A : vector<2048x64xf32>
    %max3A = arith.constant 0.000000e+00 : f32
    %max3A_30 = vector.broadcast %max3A : f32 to vector<2048x64xf32>
    %max3A_31 = arith.maximumf %mul3A_29, %max3A_30 : vector<2048x64xf32>
    %get3A_32 = arith.constant 0 : index
    %get3A_33 = arith.constant 0 : index
    %get3A_34 = arith.constant 0 : index
    %get3A_35 = arith.constant 0 : index
    %get3A_36 = vector.load %arg10[%get3A_32, %get3A_33, %get3A_34, %get3A_35] : memref<1x1x64x64xf32, #tpu.memory_space<vmem>>, vector<1x1x64x64xf32>
    %get3A_37 = vector.shape_cast %get3A_36 : vector<1x1x64x64xf32> to vector<64x64xf32>
    %dot_general3A = arith.constant dense<0.000000e+00> : vector<2048x64xf32>
    %dot_general3A_38 = tpu.matmul %max3A_31, %get3A_37, %dot_general3A {dimension_numbers = #tpu.dot_dimension_numbers<[1], [0], [0], [1], [0, 0, 1, 1], [], []>, transpose_lhs_hint = false} : vector<2048x64xf32>, vector<64x64xf32>, vector<2048x64xf32> -> vector<2048x64xf32>
    %add3A_39 = arith.addf %broadcast_in_dim3A_25, %dot_general3A_38 : vector<2048x64xf32>
    %get3A_40 = arith.constant 0 : index
    %get3A_41 = arith.constant 0 : index
    %get3A_42 = vector.load %arg3[%get3A_40, %get3A_41] : memref<2048x64xf32, #tpu.memory_space<vmem>>, vector<2048x64xf32>
    %mul3A_43 = vector.broadcast %select_n3A_23 : vector<2048x1xf32> to vector<2048x64xf32>
    %mul3A_44 = arith.mulf %get3A_42, %mul3A_43 : vector<2048x64xf32>
    %max3A_45 = arith.constant 0.000000e+00 : f32
    %max3A_46 = vector.broadcast %max3A_45 : f32 to vector<2048x64xf32>
    %max3A_47 = arith.maximumf %mul3A_44, %max3A_46 : vector<2048x64xf32>
    %get3A_48 = arith.constant 0 : index
    %get3A_49 = arith.constant 0 : index
    %get3A_50 = arith.constant 0 : index
    %get3A_51 = arith.constant 0 : index
    %get3A_52 = vector.load %arg11[%get3A_48, %get3A_49, %get3A_50, %get3A_51] : memref<1x1x64x64xf32, #tpu.memory_space<vmem>>, vector<1x1x64x64xf32>
    %get3A_53 = vector.shape_cast %get3A_52 : vector<1x1x64x64xf32> to vector<64x64xf32>
    %dot_general3A_54 = arith.constant dense<0.000000e+00> : vector<2048x64xf32>
    %dot_general3A_55 = tpu.matmul %max3A_47, %get3A_53, %dot_general3A_54 {dimension_numbers = #tpu.dot_dimension_numbers<[1], [0], [0], [1], [0, 0, 1, 1], [], []>, transpose_lhs_hint = false} : vector<2048x64xf32>, vector<64x64xf32>, vector<2048x64xf32> -> vector<2048x64xf32>
    %add3A_56 = arith.addf %add3A_39, %dot_general3A_55 : vector<2048x64xf32>
    %get3A_57 = arith.constant 0 : index
    %get3A_58 = arith.constant 0 : index
    %get3A_59 = vector.load %arg4[%get3A_57, %get3A_58] : memref<2048x64xf32, #tpu.memory_space<vmem>>, vector<2048x64xf32>
    %mul3A_60 = vector.broadcast %select_n3A_23 : vector<2048x1xf32> to vector<2048x64xf32>
    %mul3A_61 = arith.mulf %get3A_59, %mul3A_60 : vector<2048x64xf32>
    %max3A_62 = arith.constant 0.000000e+00 : f32
    %max3A_63 = vector.broadcast %max3A_62 : f32 to vector<2048x64xf32>
    %max3A_64 = arith.maximumf %mul3A_61, %max3A_63 : vector<2048x64xf32>
    %get3A_65 = arith.constant 0 : index
    %get3A_66 = arith.constant 0 : index
    %get3A_67 = arith.constant 0 : index
    %get3A_68 = arith.constant 0 : index
    %get3A_69 = vector.load %arg12[%get3A_65, %get3A_66, %get3A_67, %get3A_68] : memref<1x1x64x64xf32, #tpu.memory_space<vmem>>, vector<1x1x64x64xf32>
    %get3A_70 = vector.shape_cast %get3A_69 : vector<1x1x64x64xf32> to vector<64x64xf32>
    %dot_general3A_71 = arith.constant dense<0.000000e+00> : vector<2048x64xf32>
    %dot_general3A_72 = tpu.matmul %max3A_64, %get3A_70, %dot_general3A_71 {dimension_numbers = #tpu.dot_dimension_numbers<[1], [0], [0], [1], [0, 0, 1, 1], [], []>, transpose_lhs_hint = false} : vector<2048x64xf32>, vector<64x64xf32>, vector<2048x64xf32> -> vector<2048x64xf32>
    %add3A_73 = arith.addf %add3A_56, %dot_general3A_72 : vector<2048x64xf32>
    %get3A_74 = arith.constant 0 : index
    %get3A_75 = arith.constant 0 : index
    %get3A_76 = vector.load %arg5[%get3A_74, %get3A_75] : memref<2048x64xf32, #tpu.memory_space<vmem>>, vector<2048x64xf32>
    %mul3A_77 = vector.broadcast %select_n3A_23 : vector<2048x1xf32> to vector<2048x64xf32>
    %mul3A_78 = arith.mulf %get3A_76, %mul3A_77 : vector<2048x64xf32>
    %max3A_79 = arith.constant 0.000000e+00 : f32
    %max3A_80 = vector.broadcast %max3A_79 : f32 to vector<2048x64xf32>
    %max3A_81 = arith.maximumf %mul3A_78, %max3A_80 : vector<2048x64xf32>
    %get3A_82 = arith.constant 0 : index
    %get3A_83 = arith.constant 0 : index
    %get3A_84 = arith.constant 0 : index
    %get3A_85 = arith.constant 0 : index
    %get3A_86 = vector.load %arg13[%get3A_82, %get3A_83, %get3A_84, %get3A_85] : memref<1x1x64x64xf32, #tpu.memory_space<vmem>>, vector<1x1x64x64xf32>
    %get3A_87 = vector.shape_cast %get3A_86 : vector<1x1x64x64xf32> to vector<64x64xf32>
    %dot_general3A_88 = arith.constant dense<0.000000e+00> : vector<2048x64xf32>
    %dot_general3A_89 = tpu.matmul %max3A_81, %get3A_87, %dot_general3A_88 {dimension_numbers = #tpu.dot_dimension_numbers<[1], [0], [0], [1], [0, 0, 1, 1], [], []>, transpose_lhs_hint = false} : vector<2048x64xf32>, vector<64x64xf32>, vector<2048x64xf32> -> vector<2048x64xf32>
    %add3A_90 = arith.addf %add3A_73, %dot_general3A_89 : vector<2048x64xf32>
    %mul3A_91 = vector.broadcast %select_n3A : vector<2048x1xf32> to vector<2048x64xf32>
    %mul3A_92 = arith.mulf %add3A_90, %mul3A_91 : vector<2048x64xf32>
    %swap3A = arith.constant 0 : index
    %swap3A_93 = arith.constant 0 : index
    %swap3A_94 = vector.load %arg14[%swap3A, %swap3A_93] : memref<2048x64xf32, #tpu.memory_space<vmem>>, vector<2048x64xf32>
    tpu.vector_store %arg14[%swap3A, %swap3A_93], %mul3A_92 {strides = array<i32>} : memref<2048x64xf32, #tpu.memory_space<vmem>>, vector<2048x64xf32>,
    return
  }
  func.func @transform_0(%arg0: i32, %arg1: i32) -> (i32, i32) {
    %add3A = arith.constant 0 : i32
    %add3A_0 = arith.addi %add3A, %arg1 : i32
    %c0_i32 = arith.constant 0 : i32
    %c0_i32_1 = arith.constant 0 : i32
    return %add3A_0, %c0_i32 : i32, i32
  }
  func.func @transform_1(%arg0: i32, %arg1: i32) -> (i32, i32) {
    %add3A = arith.constant 5 : i32
    %add3A_0 = arith.addi %add3A, %arg1 : i32
    %c0_i32 = arith.constant 0 : i32
    %c0_i32_1 = arith.constant 0 : i32
    return %add3A_0, %c0_i32 : i32, i32
  }
  func.func @transform_2(%arg0: i32, %arg1: i32) -> (i32, i32) {
    %add3A = arith.constant 10 : i32
    %add3A_0 = arith.addi %add3A, %arg1 : i32
    %c0_i32 = arith.constant 0 : i32
    %c0_i32_1 = arith.constant 0 : i32
    return %add3A_0, %c0_i32 : i32, i32
  }
  func.func @transform_3(%arg0: i32, %arg1: i32) -> (i32, i32) {
    %add3A = arith.constant 15 : i32
    %add3A_0 = arith.addi %add3A, %arg1 : i32
    %c0_i32 = arith.constant 0 : i32
    %c0_i32_1 = arith.constant 0 : i32
    return %add3A_0, %c0_i32 : i32, i32
  }
  func.func @transform_4(%arg0: i32, %arg1: i32) -> (i32, i32) {
    %c0_i32 = arith.constant 0 : i32
    %c0_i32_0 = arith.constant 0 : i32
    return %arg1, %c0_i32 : i32, i32
  }
  func.func @transform_5(%arg0: i32, %arg1: i32) -> (i32, i32) {
    %add3A = arith.constant 5 : i32
    %add3A_0 = arith.addi %add3A, %arg1 : i32
    %c0_i32 = arith.constant 0 : i32
    %c0_i32_1 = arith.constant 0 : i32
    return %add3A_0, %c0_i32 : i32, i32
  }
  func.func @transform_6(%arg0: i32, %arg1: i32) -> (i32, i32) {
    %c0_i32 = arith.constant 0 : i32
    %c0_i32_0 = arith.constant 0 : i32
    return %arg1, %c0_i32 : i32, i32
  }
  func.func @transform_7(%arg0: i32, %arg1: i32) -> (i32, i32) {
    %add3A = arith.constant 5 : i32
    %add3A_0 = arith.addi %add3A, %arg1 : i32
    %c0_i32 = arith.constant 0 : i32
    %c0_i32_1 = arith.constant 0 : i32
    return %add3A_0, %c0_i32 : i32, i32
  }
  func.func @transform_8(%arg0: i32, %arg1: i32) -> (i32, i32, i32, i32) {
    %c0_i32 = arith.constant 0 : i32
    %c0_i32_0 = arith.constant 0 : i32
    %c0_i32_1 = arith.constant 0 : i32
    %c0_i32_2 = arith.constant 0 : i32
    return %c0_i32, %arg0, %c0_i32_0, %c0_i32_1 : i32, i32, i32, i32
  }
  func.func @transform_9(%arg0: i32, %arg1: i32) -> (i32, i32, i32, i32) {
    %c1_i32 = arith.constant 1 : i32
    %c0_i32 = arith.constant 0 : i32
    %c0_i32_0 = arith.constant 0 : i32
    %c0_i32_1 = arith.constant 0 : i32
    return %c1_i32, %arg0, %c0_i32, %c0_i32_0 : i32, i32, i32, i32
  }
  func.func @transform_10(%arg0: i32, %arg1: i32) -> (i32, i32, i32, i32) {
    %c2_i32 = arith.constant 2 : i32
    %c0_i32 = arith.constant 0 : i32
    %c0_i32_0 = arith.constant 0 : i32
    %c0_i32_1 = arith.constant 0 : i32
    return %c2_i32, %arg0, %c0_i32, %c0_i32_0 : i32, i32, i32, i32
  }
  func.func @transform_11(%arg0: i32, %arg1: i32) -> (i32, i32, i32, i32) {
    %c3_i32 = arith.constant 3 : i32
    %c0_i32 = arith.constant 0 : i32
    %c0_i32_0 = arith.constant 0 : i32
    %c0_i32_1 = arith.constant 0 : i32
    return %c3_i32, %arg0, %c0_i32, %c0_i32_0 : i32, i32, i32, i32
  }
  func.func @transform_12(%arg0: i32, %arg1: i32) -> (i32, i32) {
    %mul3A = arith.constant 5 : i32
    %mul3A_0 = arith.muli %arg0, %mul3A : i32
    %add3A = arith.addi %mul3A_0, %arg1 : i32
    %c0_i32 = arith.constant 0 : i32
    %c0_i32_1 = arith.constant 0 : i32
    return %add3A, %c0_i32 : i32, i32
  }
}

module attributes {stable_mosaic.version = 14 : i64} {
  func.func @_tc_mid_body(%arg0: i32, %arg1: i32, %arg2: memref<2048x64xf32, #tpu.memory_space<vmem>>, %arg3: memref<2048x64xf32, #tpu.memory_space<vmem>>, %arg4: memref<2048x64xf32, #tpu.memory_space<vmem>>, %arg5: memref<2048x64xf32, #tpu.memory_space<vmem>>, %arg6: memref<2048x8xf32, #tpu.memory_space<vmem>>, %arg7: memref<2048x8xf32, #tpu.memory_space<vmem>>, %arg8: memref<2048x8xf32, #tpu.memory_space<vmem>>, %arg9: memref<2048x8xf32, #tpu.memory_space<vmem>>, %arg10: memref<1x1x64x64xf32, #tpu.memory_space<vmem>>, %arg11: memref<1x1x64x64xf32, #tpu.memory_space<vmem>>, %arg12: memref<1x1x64x64xf32, #tpu.memory_space<vmem>>, %arg13: memref<1x1x64x64xf32, #tpu.memory_space<vmem>>, %arg14: memref<2048x64xf32, #tpu.memory_space<vmem>>) attributes {dimension_semantics = [#tpu.dimension_semantics<arbitrary>, #tpu.dimension_semantics<arbitrary>], iteration_bounds = array<i64: 1, 5>, scalar_prefetch = 0 : i64, scratch_operands = 0 : i64, tpu.core_type = #tpu.core_type<tc>, window_params = [{transform_indices = @transform_0, window_bounds = array<i64: 2048, 64>}, {transform_indices = @transform_1, window_bounds = array<i64: 2048, 64>}, {transform_indices = @transform_2, window_bounds = array<i64: 2048, 64>}, {transform_indices = @transform_3, window_bounds = array<i64: 2048, 64>}, {transform_indices = @transform_4, window_bounds = array<i64: 2048, 8>}, {transform_indices = @transform_5, window_bounds = array<i64: 2048, 8>}, {transform_indices = @transform_6, window_bounds = array<i64: 2048, 8>}, {transform_indices = @transform_7, window_bounds = array<i64: 2048, 8>}, {transform_indices = @transform_8, window_bounds = array<i64: 1, 1, 64, 64>}, {transform_indices = @transform_9, window_bounds = array<i64: 1, 1, 64, 64>}, {transform_indices = @transform_10, window_bounds = array<i64: 1, 1, 64, 64>}, {transform_indices = @transform_11, window_bounds = array<i64: 1, 1, 64, 64>}, {transform_indices = @transform_12, window_bounds = array<i64: 2048, 64>}]} {
    %get3A = arith.constant 0 : index
    %get3A_0 = arith.constant 0 : index
    %get3A_1 = vector.load %arg6[%get3A, %get3A_0] : memref<2048x8xf32, #tpu.memory_space<vmem>>, vector<2048x8xf32>
    %get3A_2 = arith.constant 0 : index
    %get3A_3 = arith.constant 0 : index
    %get3A_4 = vector.load %arg7[%get3A_2, %get3A_3] : memref<2048x8xf32, #tpu.memory_space<vmem>>, vector<2048x8xf32>
    %slice3A = vector.extract_strided_slice %get3A_1 {offsets = [0, 0], sizes = [2048, 1], strides = [1, 1]} : vector<2048x8xf32> to vector<2048x1xf32>
    %slice3A_5 = vector.extract_strided_slice %get3A_4 {offsets = [0, 0], sizes = [2048, 1], strides = [1, 1]} : vector<2048x8xf32> to vector<2048x1xf32>
    %add3A = arith.addf %slice3A, %slice3A_5 : vector<2048x1xf32>
    %gt3A = arith.constant 0.000000e+00 : f32
    %gt3A_6 = vector.broadcast %gt3A : f32 to vector<2048x1xf32>
    %gt3A_7 = arith.cmpf ogt, %add3A, %gt3A_6 : vector<2048x1xf32>
    %rsqrt3A = math.rsqrt %add3A : vector<2048x1xf32>
    %jit3A = arith.constant 0.000000e+00 : f32
    %broadcast_in_dim3A = vector.broadcast %jit3A : f32 to vector<2048x1xf32>
    %select_n3A = arith.select %gt3A_7, %rsqrt3A, %broadcast_in_dim3A : vector<2048x1xi1>, vector<2048x1xf32>
    %get3A_8 = arith.constant 0 : index
    %get3A_9 = arith.constant 0 : index
    %get3A_10 = vector.load %arg8[%get3A_8, %get3A_9] : memref<2048x8xf32, #tpu.memory_space<vmem>>, vector<2048x8xf32>
    %get3A_11 = arith.constant 0 : index
    %get3A_12 = arith.constant 0 : index
    %get3A_13 = vector.load %arg9[%get3A_11, %get3A_12] : memref<2048x8xf32, #tpu.memory_space<vmem>>, vector<2048x8xf32>
    %slice3A_14 = vector.extract_strided_slice %get3A_10 {offsets = [0, 0], sizes = [2048, 1], strides = [1, 1]} : vector<2048x8xf32> to vector<2048x1xf32>
    %slice3A_15 = vector.extract_strided_slice %get3A_13 {offsets = [0, 0], sizes = [2048, 1], strides = [1, 1]} : vector<2048x8xf32> to vector<2048x1xf32>
    %add3A_16 = arith.addf %slice3A_14, %slice3A_15 : vector<2048x1xf32>
    %gt3A_17 = arith.constant 0.000000e+00 : f32
    %gt3A_18 = vector.broadcast %gt3A_17 : f32 to vector<2048x1xf32>
    %gt3A_19 = arith.cmpf ogt, %add3A_16, %gt3A_18 : vector<2048x1xf32>
    %rsqrt3A_20 = math.rsqrt %add3A_16 : vector<2048x1xf32>
    %jit3A_21 = arith.constant 0.000000e+00 : f32
    %broadcast_in_dim3A_22 = vector.broadcast %jit3A_21 : f32 to vector<2048x1xf32>
    %select_n3A_23 = arith.select %gt3A_19, %rsqrt3A_20, %broadcast_in_dim3A_22 : vector<2048x1xi1>, vector<2048x1xf32>
    %broadcast_in_dim3A_24 = arith.constant 0.000000e+00 : f32
    %broadcast_in_dim3A_25 = vector.broadcast %broadcast_in_dim3A_24 : f32 to vector<2048x64xf32>
    %get3A_26 = arith.constant 0 : index
    %get3A_27 = arith.constant 0 : index
    %get3A_28 = vector.load %arg2[%get3A_26, %get3A_27] : memref<2048x64xf32, #tpu.memory_space<vmem>>, vector<2048x64xf32>
    %mul3A = vector.broadcast %select_n3A_23 : vector<2048x1xf32> to vector<2048x64xf32>
    %mul3A_29 = arith.mulf %get3A_28, %mul3A : vector<2048x64xf32>
    %max3A = arith.constant 0.000000e+00 : f32
    %max3A_30 = vector.broadcast %max3A : f32 to vector<2048x64xf32>
    %max3A_31 = arith.maximumf %mul3A_29, %max3A_30 : vector<2048x64xf32>
    %get3A_32 = arith.constant 0 : index
    %get3A_33 = arith.constant 0 : index
    %get3A_34 = arith.constant 0 : index
    %get3A_35 = arith.constant 0 : index
    %get3A_36 = vector.load %arg10[%get3A_32, %get3A_33, %get3A_34, %get3A_35] : memref<1x1x64x64xf32, #tpu.memory_space<vmem>>, vector<1x1x64x64xf32>
    %get3A_37 = vector.shape_cast %get3A_36 : vector<1x1x64x64xf32> to vector<64x64xf32>
    %dot_general3A = arith.constant dense<0.000000e+00> : vector<2048x64xf32>
    %dot_general3A_38 = tpu.matmul %max3A_31, %get3A_37, %dot_general3A {dimension_numbers = #tpu.dot_dimension_numbers<[1], [0], [0], [1], [0, 0, 1, 1], [], []>, transpose_lhs_hint = false} : vector<2048x64xf32>, vector<64x64xf32>, vector<2048x64xf32> -> vector<2048x64xf32>
    %add3A_39 = arith.addf %broadcast_in_dim3A_25, %dot_general3A_38 : vector<2048x64xf32>
    %get3A_40 = arith.constant 0 : index
    %get3A_41 = arith.constant 0 : index
    %get3A_42 = vector.load %arg3[%get3A_40, %get3A_41] : memref<2048x64xf32, #tpu.memory_space<vmem>>, vector<2048x64xf32>
    %mul3A_43 = vector.broadcast %select_n3A_23 : vector<2048x1xf32> to vector<2048x64xf32>
    %mul3A_44 = arith.mulf %get3A_42, %mul3A_43 : vector<2048x64xf32>
    %max3A_45 = arith.constant 0.000000e+00 : f32
    %max3A_46 = vector.broadcast %max3A_45 : f32 to vector<2048x64xf32>
    %max3A_47 = arith.maximumf %mul3A_44, %max3A_46 : vector<2048x64xf32>
    %get3A_48 = arith.constant 0 : index
    %get3A_49 = arith.constant 0 : index
    %get3A_50 = arith.constant 0 : index
    %get3A_51 = arith.constant 0 : index
    %get3A_52 = vector.load %arg11[%get3A_48, %get3A_49, %get3A_50, %get3A_51] : memref<1x1x64x64xf32, #tpu.memory_space<vmem>>, vector<1x1x64x64xf32>
    %get3A_53 = vector.shape_cast %get3A_52 : vector<1x1x64x64xf32> to vector<64x64xf32>
    %dot_general3A_54 = arith.constant dense<0.000000e+00> : vector<2048x64xf32>
    %dot_general3A_55 = tpu.matmul %max3A_47, %get3A_53, %dot_general3A_54 {dimension_numbers = #tpu.dot_dimension_numbers<[1], [0], [0], [1], [0, 0, 1, 1], [], []>, transpose_lhs_hint = false} : vector<2048x64xf32>, vector<64x64xf32>, vector<2048x64xf32> -> vector<2048x64xf32>
    %add3A_56 = arith.addf %add3A_39, %dot_general3A_55 : vector<2048x64xf32>
    %get3A_57 = arith.constant 0 : index
    %get3A_58 = arith.constant 0 : index
    %get3A_59 = vector.load %arg4[%get3A_57, %get3A_58] : memref<2048x64xf32, #tpu.memory_space<vmem>>, vector<2048x64xf32>
    %mul3A_60 = vector.broadcast %select_n3A_23 : vector<2048x1xf32> to vector<2048x64xf32>
    %mul3A_61 = arith.mulf %get3A_59, %mul3A_60 : vector<2048x64xf32>
    %max3A_62 = arith.constant 0.000000e+00 : f32
    %max3A_63 = vector.broadcast %max3A_62 : f32 to vector<2048x64xf32>
    %max3A_64 = arith.maximumf %mul3A_61, %max3A_63 : vector<2048x64xf32>
    %get3A_65 = arith.constant 0 : index
    %get3A_66 = arith.constant 0 : index
    %get3A_67 = arith.constant 0 : index
    %get3A_68 = arith.constant 0 : index
    %get3A_69 = vector.load %arg12[%get3A_65, %get3A_66, %get3A_67, %get3A_68] : memref<1x1x64x64xf32, #tpu.memory_space<vmem>>, vector<1x1x64x64xf32>
    %get3A_70 = vector.shape_cast %get3A_69 : vector<1x1x64x64xf32> to vector<64x64xf32>
    %dot_general3A_71 = arith.constant dense<0.000000e+00> : vector<2048x64xf32>
    %dot_general3A_72 = tpu.matmul %max3A_64, %get3A_70, %dot_general3A_71 {dimension_numbers = #tpu.dot_dimension_numbers<[1], [0], [0], [1], [0, 0, 1, 1], [], []>, transpose_lhs_hint = false} : vector<2048x64xf32>, vector<64x64xf32>, vector<2048x64xf32> -> vector<2048x64xf32>
    %add3A_73 = arith.addf %add3A_56, %dot_general3A_72 : vector<2048x64xf32>
    %get3A_74 = arith.constant 0 : index
    %get3A_75 = arith.constant 0 : index
    %get3A_76 = vector.load %arg5[%get3A_74, %get3A_75] : memref<2048x64xf32, #tpu.memory_space<vmem>>, vector<2048x64xf32>
    %mul3A_77 = vector.broadcast %select_n3A_23 : vector<2048x1xf32> to vector<2048x64xf32>
    %mul3A_78 = arith.mulf %get3A_76, %mul3A_77 : vector<2048x64xf32>
    %max3A_79 = arith.constant 0.000000e+00 : f32
    %max3A_80 = vector.broadcast %max3A_79 : f32 to vector<2048x64xf32>
    %max3A_81 = arith.maximumf %mul3A_78, %max3A_80 : vector<2048x64xf32>
    %get3A_82 = arith.constant 0 : index
    %get3A_83 = arith.constant 0 : index
    %get3A_84 = arith.constant 0 : index
    %get3A_85 = arith.constant 0 : index
    %get3A_86 = vector.load %arg13[%get3A_82, %get3A_83, %get3A_84, %get3A_85] : memref<1x1x64x64xf32, #tpu.memory_space<vmem>>, vector<1x1x64x64xf32>
    %get3A_87 = vector.shape_cast %get3A_86 : vector<1x1x64x64xf32> to vector<64x64xf32>
    %dot_general3A_88 = arith.constant dense<0.000000e+00> : vector<2048x64xf32>
    %dot_general3A_89 = tpu.matmul %max3A_81, %get3A_87, %dot_general3A_88 {dimension_numbers = #tpu.dot_dimension_numbers<[1], [0], [0], [1], [0, 0, 1, 1], [], []>, transpose_lhs_hint = false} : vector<2048x64xf32>, vector<64x64xf32>, vector<2048x64xf32> -> vector<2048x64xf32>
    %add3A_90 = arith.addf %add3A_73, %dot_general3A_89 : vector<2048x64xf32>
    %mul3A_91 = vector.broadcast %select_n3A : vector<2048x1xf32> to vector<2048x64xf32>
    %mul3A_92 = arith.mulf %add3A_90, %mul3A_91 : vector<2048x64xf32>
    %swap3A = arith.constant 0 : index
    %swap3A_93 = arith.constant 0 : index
    %swap3A_94 = vector.load %arg14[%swap3A, %swap3A_93] : memref<2048x64xf32, #tpu.memory_space<vmem>>, vector<2048x64xf32>
    tpu.vector_store %arg14[%swap3A, %swap3A_93], %mul3A_92 {strides = array<i32>} : memref<2048x64xf32, #tpu.memory_space<vmem>>, vector<2048x64xf32>,
    return
  }
  func.func @transform_0(%arg0: i32, %arg1: i32) -> (i32, i32) {
    %add3A = arith.constant 0 : i32
    %add3A_0 = arith.addi %add3A, %arg1 : i32
    %c0_i32 = arith.constant 0 : i32
    %c0_i32_1 = arith.constant 0 : i32
    return %add3A_0, %c0_i32 : i32, i32
  }
  func.func @transform_1(%arg0: i32, %arg1: i32) -> (i32, i32) {
    %add3A = arith.constant 5 : i32
    %add3A_0 = arith.addi %add3A, %arg1 : i32
    %c0_i32 = arith.constant 0 : i32
    %c0_i32_1 = arith.constant 0 : i32
    return %add3A_0, %c0_i32 : i32, i32
  }
  func.func @transform_2(%arg0: i32, %arg1: i32) -> (i32, i32) {
    %add3A = arith.constant 10 : i32
    %add3A_0 = arith.addi %add3A, %arg1 : i32
    %c0_i32 = arith.constant 0 : i32
    %c0_i32_1 = arith.constant 0 : i32
    return %add3A_0, %c0_i32 : i32, i32
  }
  func.func @transform_3(%arg0: i32, %arg1: i32) -> (i32, i32) {
    %add3A = arith.constant 15 : i32
    %add3A_0 = arith.addi %add3A, %arg1 : i32
    %c0_i32 = arith.constant 0 : i32
    %c0_i32_1 = arith.constant 0 : i32
    return %add3A_0, %c0_i32 : i32, i32
  }
  func.func @transform_4(%arg0: i32, %arg1: i32) -> (i32, i32) {
    %c0_i32 = arith.constant 0 : i32
    %c0_i32_0 = arith.constant 0 : i32
    return %arg1, %c0_i32 : i32, i32
  }
  func.func @transform_5(%arg0: i32, %arg1: i32) -> (i32, i32) {
    %add3A = arith.constant 5 : i32
    %add3A_0 = arith.addi %add3A, %arg1 : i32
    %c0_i32 = arith.constant 0 : i32
    %c0_i32_1 = arith.constant 0 : i32
    return %add3A_0, %c0_i32 : i32, i32
  }
  func.func @transform_6(%arg0: i32, %arg1: i32) -> (i32, i32) {
    %c0_i32 = arith.constant 0 : i32
    %c0_i32_0 = arith.constant 0 : i32
    return %arg1, %c0_i32 : i32, i32
  }
  func.func @transform_7(%arg0: i32, %arg1: i32) -> (i32, i32) {
    %add3A = arith.constant 5 : i32
    %add3A_0 = arith.addi %add3A, %arg1 : i32
    %c0_i32 = arith.constant 0 : i32
    %c0_i32_1 = arith.constant 0 : i32
    return %add3A_0, %c0_i32 : i32, i32
  }
  func.func @transform_8(%arg0: i32, %arg1: i32) -> (i32, i32, i32, i32) {
    %c0_i32 = arith.constant 0 : i32
    %c0_i32_0 = arith.constant 0 : i32
    %c0_i32_1 = arith.constant 0 : i32
    %c0_i32_2 = arith.constant 0 : i32
    return %c0_i32, %arg0, %c0_i32_0, %c0_i32_1 : i32, i32, i32, i32
  }
  func.func @transform_9(%arg0: i32, %arg1: i32) -> (i32, i32, i32, i32) {
    %c1_i32 = arith.constant 1 : i32
    %c0_i32 = arith.constant 0 : i32
    %c0_i32_0 = arith.constant 0 : i32
    %c0_i32_1 = arith.constant 0 : i32
    return %c1_i32, %arg0, %c0_i32, %c0_i32_0 : i32, i32, i32, i32
  }
  func.func @transform_10(%arg0: i32, %arg1: i32) -> (i32, i32, i32, i32) {
    %c2_i32 = arith.constant 2 : i32
    %c0_i32 = arith.constant 0 : i32
    %c0_i32_0 = arith.constant 0 : i32
    %c0_i32_1 = arith.constant 0 : i32
    return %c2_i32, %arg0, %c0_i32, %c0_i32_0 : i32, i32, i32, i32
  }
  func.func @transform_11(%arg0: i32, %arg1: i32) -> (i32, i32, i32, i32) {
    %c3_i32 = arith.constant 3 : i32
    %c0_i32 = arith.constant 0 : i32
    %c0_i32_0 = arith.constant 0 : i32
    %c0_i32_1 = arith.constant 0 : i32
    return %c3_i32, %arg0, %c0_i32, %c0_i32_0 : i32, i32, i32, i32
  }
  func.func @transform_12(%arg0: i32, %arg1: i32) -> (i32, i32) {
    %mul3A = arith.constant 5 : i32
    %mul3A_0 = arith.muli %arg0, %mul3A : i32
    %add3A = arith.addi %mul3A_0, %arg1 : i32
    %c0_i32 = arith.constant 0 : i32
    %c0_i32_1 = arith.constant 0 : i32
    return %add3A, %c0_i32 : i32, i32
  }
}

module attributes {stable_mosaic.version = 14 : i64} {
  func.func @_tc_final_body(%arg0: i32, %arg1: memref<2000x64xf32, #tpu.memory_space<vmem>>, %arg2: memref<2000x64xf32, #tpu.memory_space<vmem>>, %arg3: memref<2000x8xf32, #tpu.memory_space<vmem>>, %arg4: memref<2000x8xf32, #tpu.memory_space<vmem>>, %arg5: memref<2000x64xf32, #tpu.memory_space<vmem>>) attributes {dimension_semantics = [#tpu.dimension_semantics<arbitrary>], iteration_bounds = array<i64: 5>, scalar_prefetch = 0 : i64, scratch_operands = 0 : i64, tpu.core_type = #tpu.core_type<tc>, window_params = [{transform_indices = @transform_0, window_bounds = array<i64: 2000, 64>}, {transform_indices = @transform_1, window_bounds = array<i64: 2000, 64>}, {transform_indices = @transform_2, window_bounds = array<i64: 2000, 8>}, {transform_indices = @transform_3, window_bounds = array<i64: 2000, 8>}, {transform_indices = @transform_4, window_bounds = array<i64: 2000, 64>}]} {
    %get3A = arith.constant 0 : index
    %get3A_0 = arith.constant 0 : index
    %get3A_1 = vector.load %arg3[%get3A, %get3A_0] : memref<2000x8xf32, #tpu.memory_space<vmem>>, vector<2000x8xf32>
    %get3A_2 = arith.constant 0 : index
    %get3A_3 = arith.constant 0 : index
    %get3A_4 = vector.load %arg4[%get3A_2, %get3A_3] : memref<2000x8xf32, #tpu.memory_space<vmem>>, vector<2000x8xf32>
    %slice3A = vector.extract_strided_slice %get3A_1 {offsets = [0, 0], sizes = [2000, 1], strides = [1, 1]} : vector<2000x8xf32> to vector<2000x1xf32>
    %slice3A_5 = vector.extract_strided_slice %get3A_4 {offsets = [0, 0], sizes = [2000, 1], strides = [1, 1]} : vector<2000x8xf32> to vector<2000x1xf32>
    %add3A = arith.addf %slice3A, %slice3A_5 : vector<2000x1xf32>
    %gt3A = arith.constant 0.000000e+00 : f32
    %gt3A_6 = vector.broadcast %gt3A : f32 to vector<2000x1xf32>
    %gt3A_7 = arith.cmpf ogt, %add3A, %gt3A_6 : vector<2000x1xf32>
    %rsqrt3A = math.rsqrt %add3A : vector<2000x1xf32>
    %jit3A = arith.constant 0.000000e+00 : f32
    %broadcast_in_dim3A = vector.broadcast %jit3A : f32 to vector<2000x1xf32>
    %select_n3A = arith.select %gt3A_7, %rsqrt3A, %broadcast_in_dim3A : vector<2000x1xi1>, vector<2000x1xf32>
    %get3A_8 = arith.constant 0 : index
    %get3A_9 = arith.constant 0 : index
    %get3A_10 = vector.load %arg1[%get3A_8, %get3A_9] : memref<2000x64xf32, #tpu.memory_space<vmem>>, vector<2000x64xf32>
    %get3A_11 = arith.constant 0 : index
    %get3A_12 = arith.constant 0 : index
    %get3A_13 = vector.load %arg2[%get3A_11, %get3A_12] : memref<2000x64xf32, #tpu.memory_space<vmem>>, vector<2000x64xf32>
    %add3A_14 = arith.addf %get3A_10, %get3A_13 : vector<2000x64xf32>
    %mul3A = vector.broadcast %select_n3A : vector<2000x1xf32> to vector<2000x64xf32>
    %mul3A_15 = arith.mulf %add3A_14, %mul3A : vector<2000x64xf32>
    %swap3A = arith.constant 0 : index
    %swap3A_16 = arith.constant 0 : index
    %swap3A_17 = vector.load %arg5[%swap3A, %swap3A_16] : memref<2000x64xf32, #tpu.memory_space<vmem>>, vector<2000x64xf32>
    tpu.vector_store %arg5[%swap3A, %swap3A_16], %mul3A_15 {strides = array<i32>} : memref<2000x64xf32, #tpu.memory_space<vmem>>, vector<2000x64xf32>,
    return
  }
  func.func @transform_0(%arg0: i32) -> (i32, i32) {
    %c0_i32 = arith.constant 0 : i32
    %c0_i32_0 = arith.constant 0 : i32
    return %arg0, %c0_i32 : i32, i32
  }
  func.func @transform_1(%arg0: i32) -> (i32, i32) {
    %c0_i32 = arith.constant 0 : i32
    %c0_i32_0 = arith.constant 0 : i32
    return %arg0, %c0_i32 : i32, i32
  }
  func.func @transform_2(%arg0: i32) -> (i32, i32) {
    %c0_i32 = arith.constant 0 : i32
    %c0_i32_0 = arith.constant 0 : i32
    return %arg0, %c0_i32 : i32, i32
  }
  func.func @transform_3(%arg0: i32) -> (i32, i32) {
    %c0_i32 = arith.constant 0 : i32
    %c0_i32_0 = arith.constant 0 : i32
    return %arg0, %c0_i32 : i32, i32
  }
  func.func @transform_4(%arg0: i32) -> (i32, i32) {
    %c0_i32 = arith.constant 0 : i32
    %c0_i32_0 = arith.constant 0 : i32
    return %arg0, %c0_i32 : i32, i32
  }
}

</mosaic_0001>

<sc_bundles>
// kernel: kernel.10.cloned.1.call-start
scs
__scs_entry_jumppad:
0x0: {  	(pc) =	sbr.rel $0x88, $3  }
0x1: {  	(tag) =	ssettag $0x0;
	lr =	simm.s32 $0x1  }
0x2: {  	[smem:$0x3F9C] =	sst lr;
	_ =	strace $0xD0000000  }
0x3: {  	_ = 	snop  }
0x4: {  	_ = 	snop  }
0x5: {  	_ = 	snop  }
0x6: {  	_ = 	snop  }
0x7: {  	_ = 	snop  }
__scs_overlays_trampoline_lowered:
0x8: {  	[smem:$0x3FAB] =	sst s0  }
0x9: {  	[smem:$0x3FAC] =	sst s1  }
0xa: {  	[smem:$0x3FAD] =	sst s2  }
0xb: {  	[smem:$0x3FAE] =	sst s3  }
0xc: {  	[smem:$0x3FAF] =	sst s4  }
0xd: {  	[smem:$0x3FB0] =	sst s5  }
0xe: {  	[smem:$0x3FB1] =	sst s6  }
0xf: {  	[smem:$0x3FB2] =	sst s7  }
0x10: {  	[smem:$0x3FB3] =	sst s8  }
0x11: {  	[smem:$0x3FB4] =	sst s9;
	s0 =	simm.s32 @!p0 $0x0  }
0x12: {  	s1 =	sld [smem:$0x3F9A];
	s0 =	simm.s32 @p0 $0x1  }
0x13: {  	[smem:$0x3FB5] =	sst s0;
	s0 =	simm.s32 @!p1 $0x0  }
0x14: {  	s2 =	sld [smem:$0x3F99];
	s0 =	simm.s32 @p1 $0x1  }
0x15: {  	[smem:$0x3FB6] =	sst s0;
	s0 =	simm.s32 @!p2 $0x0  }
0x16: {  	s3 =	sld [smem:$0x3FDB];
	s0 =	simm.s32 @p2 $0x1  }
0x17: {  	s4 =	simm.s32 $0x1BF5;
	[smem:$0x3FB8] =	sst s0  }
0x18: {  	s0 =	sld [smem:$0x3F9B];
	_ =	swait.ge [sflag:s4], $0x0  }
0x19: {  	s7 =	sld [smem:$0x3F9C]  }
0x1a: {  	s8 =	sadd.s32 $0xFFFFE003, lr  }
0x1b: {  	s9 =	sadd.s32 $0xFFFFFEF7, lr;
	s5 =	simm.s32 $0xFFFFFFFF;
	p2 =	slt.u32 s8, $0xFFFFF086  }
0x1c: {  	p1 =	slt.u32 s9, $0xF7A;
	s5 =	simm.s32 @!p2 $0x0  }
0x1d: {  	s5 =	simm.s32 @p1 $0x1;
	p0 =	seq.s32 s7, s2  }
0x1e: {  	s7 =	smul.u32 @!p0 $0xF7A, s2;
	p2 =	seq.s32 @!p0 s5, $0x0  }
0x1f: {  	s9 =	smul.u32 $0xF7A, s1;
	s8 =	simm.s32 @!p0 $0x1BF5;
	p2 =	por !p2, p0  }
0x20: {  	[sflag:s8] =	ssyncset.s32 @!p0 $0xFFFFF086;
	s6 =	sadd.s32 @!p0 s3, s7;
	s7 =	simm.s32 @!p0 $0x108  }
0x21: {  	s3 =	sadd.s32 s3, s9;
	s6 =	sadd.s32 @!p0 $0x88, s6;
	s7 =	simm.s32 @p2 $0x1082  }
0x22: {  	[simem:s7], [sflag:s8] =	dma.local @!p0 [hbm:s6], $0xF7A  }
0x23: {  	s9 =	sor.u32 $0xD0000000, s2;
	s6 =	simm.s32 $0x108;
	_ =	swait.ge @!p0 [sflag:s8], $0x0  }
0x24: {  	s3 =	sadd.s32 $0x88, s3;
	s6 =	simm.s32 @!p1 $0x1082;
	[sflag:s4] =	ssyncset.s32 $0xFFFFF086  }
0x25: {  	[simem:s6], [sflag:s4] =	dma.local [hbm:s3], $0xF7A  }
0x26: {  	[smem:$0x3F9C] =	sst s1;
	(tag) =	ssettag s2;
	_ =	strace s9  }
0x27: {  	s1 =	sld [smem:$0x3FAC]  }
0x28: {  	s2 =	sld [smem:$0x3FAD]  }
0x29: {  	s4 =	sld [smem:$0x3FAF]  }
0x2a: {  	p0 =	seq.s32 s5, $0x0;
	s5 =	sld [smem:$0x3FB0]  }
0x2b: {  	s6 =	sld [smem:$0x3FB1]  }
0x2c: {  	s7 =	sld [smem:$0x3FB2]  }
0x2d: {  	s3 =	simm.s32 $0x108;
	s8 =	sld [smem:$0x3FB3]  }
0x2e: {  	s3 =	simm.s32 @!p0 $0x1082;
	s9 =	sld [smem:$0x3FB4]  }
0x2f: {  	lr =	sadd.s32 s0, s3;
	s0 =	sld [smem:$0x3FAB]  }
0x30: {  	s3 =	sld [smem:$0x3FAE]  }
0x31: {  	[smem:$0x3FB7] =	sst s10  }
0x32: {  	s10 =	sld [smem:$0x3FB5];
	_ =	sdelay $0x3  }
0x33: {  	p0 =	seq.s32 s10, $0x1;
	s10 =	sld [smem:$0x3FB7];
	_ =	sdelay $0x3  }
0x34: {  	[smem:$0x3FB7] =	sst s10  }
0x35: {  	s10 =	sld [smem:$0x3FB6];
	_ =	sdelay $0x3  }
0x36: {  	p1 =	seq.s32 s10, $0x1;
	s10 =	sld [smem:$0x3FB7];
	_ =	sdelay $0x3  }
0x37: {  	[smem:$0x3FB7] =	sst s10  }
0x38: {  	s10 =	sld [smem:$0x3FB8]  }
0x39: {  	_ = 	snop;
	(pc) =	sbr.ind lr, $3  }
0x3a: {  	_ = 	snop  }
0x3b: {  	_ = 	snop  }
0x3c: {  	p2 =	seq.s32 s10, $0x1;
	s10 =	sld [smem:$0x3FB7]  }
0x3d: {  	_ =	shalt  }
0x3e: {  	_ =	shalt  }
0x3f: {  	_ =	shalt  }
0x40: {  	_ =	shalt  }
0x41: {  	_ =	shalt  }
0x42: {  	_ =	shalt  }
0x43: {  	_ =	shalt  }
0x44: {  	_ =	shalt  }
0x45: {  	_ =	shalt  }
0x46: {  	_ =	shalt  }
0x47: {  	_ =	shalt  }
0x48: {  	_ =	shalt  }
0x49: {  	_ =	shalt  }
0x4a: {  	_ =	shalt  }
0x4b: {  	_ =	shalt  }
0x4c: {  	_ =	shalt  }
0x4d: {  	_ =	shalt  }
0x4e: {  	_ =	shalt  }
0x4f: {  	_ =	shalt  }
0x50: {  	_ =	shalt  }
0x51: {  	_ =	shalt  }
0x52: {  	_ =	shalt  }
0x53: {  	_ =	shalt  }
0x54: {  	_ =	shalt  }
0x55: {  	_ =	shalt  }
0x56: {  	_ =	shalt  }
0x57: {  	_ =	shalt  }
0x58: {  	_ =	shalt  }
0x59: {  	_ =	shalt  }
0x5a: {  	_ =	shalt  }
0x5b: {  	_ =	shalt  }
0x5c: {  	_ =	shalt  }
0x5d: {  	_ =	shalt  }
0x5e: {  	_ =	shalt  }
0x5f: {  	_ =	shalt  }
0x60: {  	_ =	shalt  }
0x61: {  	_ =	shalt  }
0x62: {  	_ =	shalt  }
0x63: {  	_ =	shalt  }
0x64: {  	_ =	shalt  }
0x65: {  	_ =	shalt  }
0x66: {  	_ =	shalt  }
0x67: {  	_ =	shalt  }
0x68: {  	_ =	shalt  }
0x69: {  	_ =	shalt  }
0x6a: {  	_ =	shalt  }
0x6b: {  	_ =	shalt  }
0x6c: {  	_ =	shalt  }
0x6d: {  	_ =	shalt  }
0x6e: {  	_ =	shalt  }
0x6f: {  	_ =	shalt  }
0x70: {  	_ =	shalt  }
0x71: {  	_ =	shalt  }
0x72: {  	_ =	shalt  }
0x73: {  	_ =	shalt  }
0x74: {  	_ =	shalt  }
0x75: {  	_ =	shalt  }
0x76: {  	_ =	shalt  }
0x77: {  	_ =	shalt  }
0x78: {  	_ =	shalt  }
0x79: {  	_ =	shalt  }
0x7a: {  	_ =	shalt  }
0x7b: {  	_ =	shalt  }
0x7c: {  	_ =	shalt  }
0x7d: {  	_ =	shalt  }
0x7e: {  	_ =	shalt  }
0x7f: {  	_ =	shalt  }
0x80: {  	_ =	shalt  }
0x81: {  	_ =	shalt  }
0x82: {  	_ =	shalt  }
0x83: {  	_ =	shalt  }
0x84: {  	_ =	shalt  }
0x85: {  	_ =	shalt  }
0x86: {  	_ =	shalt  }
0x87: {  	_ =	shalt  }
.Lfunc_end0:
.L_simem_size_0:
called_computation_lowered:
.L_overlay_start_0:
0x88: {  	s2 =	sld [smem:$0x3FD9]  }
0x89: {  	s3 =	sld [smem:$0x3FFE];
	_ =	sdelay $0x1  }
0x8a: {  	s1 =	srdreg.scid  }
0x8b: {  	s0 =	sand.u32 $0x1, s1  }
0x8c: {  	s17 =	sshll.u32 s0, $0xA;
	s2 =	sadd.s32 s3, s2  }
0x8d: {  	s2 =	sadd.s32 s2, s17  }
0x8e: {  	[smem:$0x3FC3] =	sst s2  }
0x8f: {  	_ = 	snop  }
0x90: {  	s2 =	sld [smem:$0x3FD0];
	(tm) =	ssettm $0x1  }
0x91: {  	s18 =	sld [smem:$0x3FFB];
	_ =	sdelay $0x3  }
0x92: {  	_ =	strace s18  }
0x93: {  	s3 =	sld [smem:$0x3FFC];
	_ =	sdelay $0x3  }
0x94: {  	_ =	strace s3  }
0x95: {  	s3 =	sld [smem:$0x3FFD];
	_ =	sdelay $0x3  }
0x96: {  	_ =	strace s3  }
0x97: {  	_ =	strace $0x8FFFFFFF  }
0x98: {  	s19 =	sld [smem:$0x3FDB];
	_ =	sdelay $0x1  }
0x99: {  	s4 =	simm.s32 $_scs_section_size  }
0x9a: {  	s5 =	simm.s32 $_size__tile_overlayer_lowered;
	s6 =	simm.s32 $_tile_overlayer_lowered  }
0x9b: {  	s22 =	simm.s32 $0x1BFF;
	s21 =	sshll.u32 s6, $0x1;
	s3 =	sadd.s32 s4, s19  }
0x9c: {  	s7 =	simm.s32 $0x0;
	s20 =	sshll.u32 s5, $0x1;
	s5 =	sadd.s32 s21, s3  }
0x9d: {  	[timem:s7], [sflag:s22] =	dma.local [hbm:s5], s20  }
0x9e: {  	_ =	swait.ge [sflag:s22], s20  }
0x9f: {  	s4 =	ssub.s32 $0x0, s20;
	[sflag:s22] =	ssyncset.done $0x0  }
0xa0: {  	[sflag:s22] =	ssyncadd.s32 s4;
	_ =	sdelay $0x1  }
0xa1: {  	s23 =	simm.s32 $0x1B8B  }
0xa2: {  	_ =	swait.ge [sflag:s23], $0x1  }
0xa3: {  	[sflag:s23] =	ssyncset.done $0x0  }
0xa4: {  	s25 =	simm.s32 $0x1B8E;
	s24 =	sld [smem:$0x3FFE];
	[sflag:s23] =	ssyncadd.s32 $0xFFFFFFFF  }
0xa5: {  	s26 =	simm.s32 $execute0_lowered;
	[smem:$0x3FD2] =	sst s25  }
0xa6: {  	s5 =	sshll.u32 s26, $0x1;
	_ =	strace $0x80000046;
	[dreg:$0x1] =	wrdreg $0xFFFFFFFF  }
0xa7: {  	s28 =	simm.s32 $_size_execute0_lowered;
	s3 =	sadd.s32 s3, s5;
	[dreg:$0x0] =	wrdreg $0x0  }
0xa8: {  	s5 =	sshll.u32 s28, $0x1;
	[dreg:$0x2] =	wrdreg s3  }
0xa9: {  	[dreg:$0x3] =	wrdreg s5  }
0xaa: {  	[dreg:$0x4] =	wrdreg $0xC0  }
0xab: {  	_ =	task [dreg:s7], $0x5FFFF  }
0xac: {  	[dreg:$0x1] =	wrdreg $0xFFFFFFFF  }
0xad: {  	[dreg:$0x0] =	wrdreg $0x60  }
0xae: {  	[dreg:$0x2] =	wrdreg s2  }
0xaf: {  	[dreg:$0x3] =	wrdreg s24  }
0xb0: {  	[dreg:$0x4] =	wrdreg $0x2C000  }
0xb1: {  	[dreg:$0x5] =	wrdreg $0x40000  }
0xb2: {  	[dreg:$0x6] =	wrdreg $0x9  }
0xb3: {  	_ =	task.clear_ibuf [dreg:s7], $0x7FFFF;
	_ =	strace $0x90000046  }
0xb4: {  	s29 =	simm.s32 $0x9;
	_ =	strace $0x80000048  }
0xb5: {  	_ =	swait.ge [sflag:s29], $0x1  }
0xb6: {  	[sflag:s29] =	ssyncadd.s32 $0xFFFFFFFF  }
0xb7: {  	_ =	strace $0x90000048  }
0xb8: {  	_ =	sfence  }
0xb9: {  	s30 =	sld [smem:$0x0];
	_ =	sdelay $0x2  }
0xba: {  	s31 =	sshll.u32 s1, $0xD;
	s1 =	sshrl.u32 s1, $0x2  }
0xbb: {  	s3 =	sand.u32 $0x4000, s31;
	s1 =	sadd.s32 s1, s30  }
0xbc: {  	s0 =	sor.u32 s3, s0;
	s1 =	sshll.u32 s1, $0x11  }
0xbd: {  	s0 =	sor.u32 s1, s0  }
0xbe: {  	s0 =	sadd.s32 $0x8F2B, s0  }
0xbf: {  	[sflag:s0] =	ssyncadd.remote.s32 $0x1  }
0xc0: {  	_ =	sfence.sel $0xFFFF  }
0xc1: {  	[dreg:$0x0] =	wrdreg $0xFFFFFFFF;
	(pc) =	sbr.abs _section_cstart, $3  }
0xc2: {  	[dreg:$0x1] =	wrdreg $0xFFFFFFFF  }
0xc3: {  	_ =	task.clear_ibuf [dreg:s7], $0x2FFFF;
	_ =	strace $0x9FFFFFFF  }
0xc4: {  	(tm) =	ssettm $0x7FFFFFFF  }
0xc5: {  	_ =	shalt  }
tec
execute0_lowered:
.L_overlay_start_1:
0x0: {  	(tag) =	ssettag $0x1  }
0x1: {  	s6 =	rddreg [dreg:$0x0]  }
0x2: {  	s7 =	rddreg [dreg:$0x1]  }
0x3: {  	s1 =	srdreg.scid;
	s2 =	rddreg [dreg:$0x2]  }
0x4: {  	s0 =	stileid.u32;
	s3 =	rddreg [dreg:$0x3]  }
0x5: {  	s4 =	simm.s32 $0x0;
	s18 =	simm.s32 $0x80;
	s19 =	simm.s32 $0x1480  }
0x6: {  	s20 =	simm.s32 $0x1;
	s21 =	simm.s32 $0x3;
	s22 =	simm.s32 $0x2  }
0x7: {  	s23 =	simm.s32 $0x4;
	s24 =	simm.s32 $0x0;
	s8 =	sand.u32 $0x1, s1  }
0x8: {  	s30 =	sshll.u32 s0, $0x1;
	s10 =	smul.u32 $0x1400, s0;
	[smem:$0x7FF] =	sst s4  }
0x9: {  	s11 =	smul.u32 $0x280, s0;
	s5 =	sadd.s32 $0x7E00, s7;
	s15 =	sshll.u32 s0, $0x6  }
0xa: {  	s1 =	sor.u32 s8, s30;
	s13 =	smul.u32 $0x2800, s8;
	s8 =	ssub.s32 $0x2, s8  }
0xb: {  	s15 =	sor.u32 $0x1C05, s15;
	s9 =	smul.u32 $0x280, s1;
	s1 =	rddreg [dreg:$0x4]  }
0xc: {  	_ =	strace $0x80000047;
	s14 =	sshrl.u32 s10, $0x3;
	s31 =	sshrl.u32 s8, $0x1  }
0xd: {  	s16 =	sadd.s32 s10, s2;
	s17 =	sadd.s32 s10, s3;
	s14 =	sadd.s32 s14, s7  }
0xe: {  	s11 =	sadd.s32 s11, s13;
	s13 =	ssub.s32 s8, s31;
	s16 =	sshrl.u32 s16, $0x3  }
0xf: {  	s17 =	sshrl.u32 s17, $0x3;
	s12 =	sadd.s32 s9, s7;
	s11 =	sadd.s32 s11, s7  }
0x10: {  	s6 =	sadd.s32 s6, s9;
	s8 =	sadd.s32 $0x8000, s14;
	s14 =	simm.s32 $0x2800  }
0x11: {  	s7 =	sadd.s32 $0x2E00, s12;
	s9 =	sadd.s32 $0xA800, s11;
	s10 =	sadd.s32 $0xF800, s11  }
0x12: {  	s11 =	smax.u32 s13, $0x1;
	s12 =	simm.s32 $0x5;
	s13 =	simm.s32 $0x1400  }
.LBB2_1:
0x13: {  	[tilespmem:s4], [sflag:$0x5] =	stream.linear.gather [hbm4b:s6+s4], $0x1400, $0x38;
	[tilespmem:$0x5400] =	vst v63  }
0x14: {  	_ =	swait.ge [sflag:s12], $0x1400  }
0x15: {  	[sflag:s12] =	ssyncset.done $0x0  }
0x16: {  	[sflag:s12] =	ssyncadd.s32 $0xFFFFEC00  }
0x17: {  	[tilespmem:s13], [sflag:$0x5] =	stream.linear.gather [hbm4b:s7+s4], $0x1400, $0x38;
	[tilespmem:$0x5400] =	vst v63  }
0x18: {  	_ =	swait.ge [sflag:s12], $0x1400  }
0x19: {  	[sflag:s12] =	ssyncset.done $0x0  }
0x1a: {  	[sflag:s12] =	ssyncadd.s32 $0xFFFFEC00  }
0x1b: {  	[tilespmem:s14], [sflag:$0x5] =	stream.linear.gather [hbm4b:s5+s4], $0x400, $0x38;
	[tilespmem:$0x5400] =	vst v63  }
0x1c: {  	_ =	swait.ge [sflag:s12], $0x400  }
0x1d: {  	[sflag:s12] =	ssyncset.done $0x0  }
0x1e: {  	[sflag:s12] =	ssyncadd.s32 $0xFFFFFC00  }
0x1f: {  	[spmem:s16], [sflag:s15] =	dma.local [hbm:s8], $0x280  }
0x20: {  	_ =	swait.ge [sflag:s12], $0x280  }
0x21: {  	[sflag:s12] =	ssyncset.done $0x0  }
0x22: {  	[sflag:s12] =	ssyncadd.s32 $0xFFFFFD80  }
0x23: {  	[spmem:s17], [sflag:s15] =	dma.local [hbm:s8], $0x280  }
0x24: {  	_ =	swait.ge [sflag:s12], $0x280  }
0x25: {  	[sflag:s12] =	ssyncset.done $0x0  }
0x26: {  	[sflag:s12] =	ssyncadd.s32 $0xFFFFFD80  }
0x27: {  	[bflag:$0x0] =	sbarrier.arrive $0xFFFF  }
0x28: {  	[spmem:s2] =	stream.indirect.scatter.add.f32 [tilespmem:s14], [sflag:$0x1], $0x8, s4, s18, $0xb8;
	[tilespmem:$0x5400] =	vst v63  }
0x29: {  	_ = 	snop  }
0x2a: {  	[spmem:s3] =	stream.indirect.scatter.add.f32 [tilespmem:s14], [sflag:$0x3], $0x8, s13, s18, $0xb8;
	[tilespmem:$0x5400] =	vst v63  }
0x2b: {  	_ = 	snop  }
0x2c: {  	[spmem:s2] =	stream.indirect.scatter.add.f32 [tilespmem:s14], [sflag:$0x2], $0x8, s18, s18, $0xb8;
	[tilespmem:$0x5400] =	vst v63  }
0x2d: {  	_ = 	snop  }
0x2e: {  	[spmem:s3] =	stream.indirect.scatter.add.f32 [tilespmem:s14], [sflag:$0x4], $0x8, s19, s18, $0xb8;
	[tilespmem:$0x5400] =	vst v63  }
0x2f: {  	_ =	swait.ge [sflag:s20], $0x400  }
0x30: {  	[sflag:s20] =	ssyncset.done $0x0  }
0x31: {  	[sflag:s20] =	ssyncadd.s32 $0xFFFFFC00  }
0x32: {  	_ =	swait.ge [sflag:s21], $0x400  }
0x33: {  	[sflag:s21] =	ssyncset.done $0x0  }
0x34: {  	s25 =	simm.s32 $0x100;
	[sflag:s21] =	ssyncadd.s32 $0xFFFFFC00  }
0x35: {  	[spmem:s2] =	stream.indirect.scatter.add.f32 [tilespmem:s14], [sflag:$0x1], $0x8, s25, s18, $0xb8;
	[tilespmem:$0x5400] =	vst v63  }
0x36: {  	s30 =	simm.s32 $0x1500  }
0x37: {  	[spmem:s3] =	stream.indirect.scatter.add.f32 [tilespmem:s14], [sflag:$0x3], $0x8, s30, s18, $0xb8;
	[tilespmem:$0x5400] =	vst v63  }
0x38: {  	_ =	swait.ge [sflag:s22], $0x400  }
0x39: {  	[sflag:s22] =	ssyncset.done $0x0  }
0x3a: {  	[sflag:s22] =	ssyncadd.s32 $0xFFFFFC00  }
0x3b: {  	_ =	swait.ge [sflag:s23], $0x400  }
0x3c: {  	s31 =	simm.s32 $0x180;
	[sflag:s23] =	ssyncset.done $0x0  }
0x3d: {  	s26 =	simm.s32 $0x1580;
	s25 =	simm.s32 $0xFFFFB800;
	[sflag:s23] =	ssyncadd.s32 $0xFFFFFC00  }
0x3e: {  	[spmem:s2] =	stream.indirect.scatter.add.f32 [tilespmem:s14], [sflag:$0x2], $0x8, s31, s18, $0xb8;
	[tilespmem:$0x5400] =	vst v63  }
.LBB2_2:
0x3f: {  	[spmem:s3] =	stream.indirect.scatter.add.f32 [tilespmem:s14], [sflag:$0x4], $0x8, s26, s18, $0xb8;
	[tilespmem:$0x5400] =	vst v63  }
0x40: {  	s26 =	smov.u32 s25  }
0x41: {  	p0 =	sne.s32 s25, $0xFFFFFC00;
	s25 =	sadd.s32 $0x400, s25;
	_ =	swait.ge [sflag:s20], $0x400  }
0x42: {  	[sflag:s20] =	ssyncset.done $0x0  }
0x43: {  	[sflag:s20] =	ssyncadd.s32 $0xFFFFFC00  }
0x44: {  	_ =	swait.ge [sflag:s21], $0x400  }
0x45: {  	s26 =	sshra.s32 s26, $0x2;
	[sflag:s21] =	ssyncset.done $0x0  }
0x46: {  	s28 =	sadd.s32 $0x1400, s26;
	[sflag:s21] =	ssyncadd.s32 $0xFFFFFC00  }
0x47: {  	[spmem:s2] =	stream.indirect.scatter.add.f32 [tilespmem:s14], [sflag:$0x1], $0x8, s28, s18, $0xb8;
	[tilespmem:$0x5400] =	vst v63  }
0x48: {  	s28 =	sadd.s32 $0x2800, s26  }
0x49: {  	[spmem:s3] =	stream.indirect.scatter.add.f32 [tilespmem:s14], [sflag:$0x3], $0x8, s28, s18, $0xb8;
	[tilespmem:$0x5400] =	vst v63  }
0x4a: {  	_ =	swait.ge [sflag:s22], $0x400  }
0x4b: {  	[sflag:s22] =	ssyncset.done $0x0  }
0x4c: {  	[sflag:s22] =	ssyncadd.s32 $0xFFFFFC00  }
.Ltmp0:
0x4d: {  	_ =	swait.ge [sflag:s23], $0x400;
	(pc) =	sbr.rel @p0 .LBB2_2-.Ltmp0, $4  }
0x4e: {  	[sflag:s23] =	ssyncset.done $0x0  }
0x4f: {  	s28 =	sadd.s32 $0x1480, s26;
	[sflag:s23] =	ssyncadd.s32 $0xFFFFFC00  }
0x50: {  	[spmem:s2] =	stream.indirect.scatter.add.f32 [tilespmem:s14], [sflag:$0x2], $0x8, s28, s18, $0xb8;
	[tilespmem:$0x5400] =	vst v63  }
0x51: {  	s26 =	sadd.s32 $0x2880, s26  }
0x52: {  	[spmem:s3] =	stream.indirect.scatter.add.f32 [tilespmem:s14], [sflag:$0x4], $0x8, s26, s18, $0xb8;
	[tilespmem:$0x5400] =	vst v63  }
0x53: {  	_ =	swait.ge [sflag:s20], $0x400  }
0x54: {  	[sflag:s20] =	ssyncset.done $0x0  }
0x55: {  	[sflag:s20] =	ssyncadd.s32 $0xFFFFFC00  }
0x56: {  	_ =	swait.ge [sflag:s21], $0x400  }
0x57: {  	[sflag:s21] =	ssyncset.done $0x0  }
0x58: {  	[sflag:s21] =	ssyncadd.s32 $0xFFFFFC00  }
0x59: {  	_ =	swait.ge [sflag:s22], $0x400  }
0x5a: {  	[sflag:s22] =	ssyncset.done $0x0  }
0x5b: {  	[sflag:s22] =	ssyncadd.s32 $0xFFFFFC00  }
0x5c: {  	_ =	swait.ge [sflag:s23], $0x400  }
0x5d: {  	[sflag:s23] =	ssyncset.done $0x0  }
0x5e: {  	[sflag:s23] =	ssyncadd.s32 $0xFFFFFC00  }
0x5f: {  	[bflag:$0x0] =	sbarrier.arrive $0xFFFF  }
0x60: {  	[hbm:s9], [sflag:s15] =	dma.local [spmem:s16], $0x280  }
0x61: {  	s24 =	sadd.s32 $0x1, s24;
	_ =	swait.ge [sflag:s12], $0x280  }
0x62: {  	p0 =	sne.s32 s24, s11;
	[sflag:s12] =	ssyncset.done $0x0  }
.Ltmp1:
0x63: {  	[sflag:s12] =	ssyncadd.s32 $0xFFFFFD80;
	(pc) =	sbr.rel @p0 .LBB2_1-.Ltmp1, $4  }
0x64: {  	[hbm:s10], [sflag:s15] =	dma.local [spmem:s17], $0x280  }
0x65: {  	_ =	swait.ge [sflag:s12], $0x280  }
0x66: {  	[sflag:s12] =	ssyncset.done $0x0  }
0x67: {  	[sflag:s12] =	ssyncadd.s32 $0xFFFFFD80  }
0x68: {  	_ =	sfence.sel $0x180000  }
0x69: {  	[bflag:$0x0] =	sbarrier.arrive $0xFFFF  }
0x6a: {  	p0 =	sne.s32 s0, $0x0;
	_ =	strace $0x90000047  }
0x6b: {  	s0 =	sadd.s32 @!p0 $0x100000, s1;
	[bflag:$0x2] =	sbarrier.arrive $0xFFFF  }
0x6c: {  	[sflag:s0] =	ssyncadd.tile.s32 @!p0 $0x1;
	_ =	shalt  }
.Lfunc_end2:
_tile_overlayer_lowered:
.L_overlay_start_2:
0x6d: {  	(tag) =	ssettag $0x2  }
0x6e: {  	s0 =	rddreg [dreg:$0x0];
	s2 =	stileid.u32  }
0x6f: {  	s1 =	rddreg [dreg:$0x1];
	p0 =	sne.s32 s2, $0x0  }
0x70: {  	s3 =	rddreg [dreg:$0x2];
	[bflag:$0x3] =	sbarrier.arrive $0xFFFF;
	s2 =	simm.s32 @!p0 $0x1C05  }
0x71: {  	[timem:s3], [sflag:s2] =	dma.local @!p0 [hbm:s0], s1  }
0x72: {  	s0 =	simm.s32 @!p0 $0x5  }
0x73: {  	_ =	swait.ge @!p0 [sflag:s0], s1  }
0x74: {  	s1 =	ssub.s32 @!p0 $0x0, s1;
	[sflag:s0] =	ssyncset.done @!p0 $0x0  }
0x75: {  	[sflag:s0] =	ssyncadd.s32 @!p0 s1  }
0x76: {  	[bflag:$0x3] =	sbarrier.arrive $0xFFFF  }
0x77: {  	_ =	shalt  }

// kernel: kernel.13.cloned.1.call-start
scs
__scs_entry_jumppad:
0x0: {  	(pc) =	sbr.rel $0x88, $3  }
0x1: {  	(tag) =	ssettag $0x0;
	lr =	simm.s32 $0x1  }
0x2: {  	[smem:$0x3F9C] =	sst lr;
	_ =	strace $0xD0000000  }
0x3: {  	_ = 	snop  }
0x4: {  	_ = 	snop  }
0x5: {  	_ = 	snop  }
0x6: {  	_ = 	snop  }
0x7: {  	_ = 	snop  }
__scs_overlays_trampoline_lowered:
0x8: {  	[smem:$0x3FAB] =	sst s0  }
0x9: {  	[smem:$0x3FAC] =	sst s1  }
0xa: {  	[smem:$0x3FAD] =	sst s2  }
0xb: {  	[smem:$0x3FAE] =	sst s3  }
0xc: {  	[smem:$0x3FAF] =	sst s4  }
0xd: {  	[smem:$0x3FB0] =	sst s5  }
0xe: {  	[smem:$0x3FB1] =	sst s6  }
0xf: {  	[smem:$0x3FB2] =	sst s7  }
0x10: {  	[smem:$0x3FB3] =	sst s8  }
0x11: {  	[smem:$0x3FB4] =	sst s9;
	s0 =	simm.s32 @!p0 $0x0  }
0x12: {  	s1 =	sld [smem:$0x3F9A];
	s0 =	simm.s32 @p0 $0x1  }
0x13: {  	[smem:$0x3FB5] =	sst s0;
	s0 =	simm.s32 @!p1 $0x0  }
0x14: {  	s2 =	sld [smem:$0x3F99];
	s0 =	simm.s32 @p1 $0x1  }
0x15: {  	[smem:$0x3FB6] =	sst s0;
	s0 =	simm.s32 @!p2 $0x0  }
0x16: {  	s3 =	sld [smem:$0x3FDB];
	s0 =	simm.s32 @p2 $0x1  }
0x17: {  	s4 =	simm.s32 $0x1BF5;
	[smem:$0x3FB8] =	sst s0  }
0x18: {  	s0 =	sld [smem:$0x3F9B];
	_ =	swait.ge [sflag:s4], $0x0  }
0x19: {  	s7 =	sld [smem:$0x3F9C]  }
0x1a: {  	s8 =	sadd.s32 $0xFFFFE003, lr  }
0x1b: {  	s9 =	sadd.s32 $0xFFFFFEF7, lr;
	s5 =	simm.s32 $0xFFFFFFFF;
	p2 =	slt.u32 s8, $0xFFFFF086  }
0x1c: {  	p1 =	slt.u32 s9, $0xF7A;
	s5 =	simm.s32 @!p2 $0x0  }
0x1d: {  	s5 =	simm.s32 @p1 $0x1;
	p0 =	seq.s32 s7, s2  }
0x1e: {  	s7 =	smul.u32 @!p0 $0xF7A, s2;
	p2 =	seq.s32 @!p0 s5, $0x0  }
0x1f: {  	s9 =	smul.u32 $0xF7A, s1;
	s8 =	simm.s32 @!p0 $0x1BF5;
	p2 =	por !p2, p0  }
0x20: {  	[sflag:s8] =	ssyncset.s32 @!p0 $0xFFFFF086;
	s6 =	sadd.s32 @!p0 s3, s7;
	s7 =	simm.s32 @!p0 $0x108  }
0x21: {  	s3 =	sadd.s32 s3, s9;
	s6 =	sadd.s32 @!p0 $0x88, s6;
	s7 =	simm.s32 @p2 $0x1082  }
0x22: {  	[simem:s7], [sflag:s8] =	dma.local @!p0 [hbm:s6], $0xF7A  }
0x23: {  	s9 =	sor.u32 $0xD0000000, s2;
	s6 =	simm.s32 $0x108;
	_ =	swait.ge @!p0 [sflag:s8], $0x0  }
0x24: {  	s3 =	sadd.s32 $0x88, s3;
	s6 =	simm.s32 @!p1 $0x1082;
	[sflag:s4] =	ssyncset.s32 $0xFFFFF086  }
0x25: {  	[simem:s6], [sflag:s4] =	dma.local [hbm:s3], $0xF7A  }
0x26: {  	[smem:$0x3F9C] =	sst s1;
	(tag) =	ssettag s2;
	_ =	strace s9  }
0x27: {  	s1 =	sld [smem:$0x3FAC]  }
0x28: {  	s2 =	sld [smem:$0x3FAD]  }
0x29: {  	s4 =	sld [smem:$0x3FAF]  }
0x2a: {  	p0 =	seq.s32 s5, $0x0;
	s5 =	sld [smem:$0x3FB0]  }
0x2b: {  	s6 =	sld [smem:$0x3FB1]  }
0x2c: {  	s7 =	sld [smem:$0x3FB2]  }
0x2d: {  	s3 =	simm.s32 $0x108;
	s8 =	sld [smem:$0x3FB3]  }
0x2e: {  	s3 =	simm.s32 @!p0 $0x1082;
	s9 =	sld [smem:$0x3FB4]  }
0x2f: {  	lr =	sadd.s32 s0, s3;
	s0 =	sld [smem:$0x3FAB]  }
0x30: {  	s3 =	sld [smem:$0x3FAE]  }
0x31: {  	[smem:$0x3FB7] =	sst s10  }
0x32: {  	s10 =	sld [smem:$0x3FB5];
	_ =	sdelay $0x3  }
0x33: {  	p0 =	seq.s32 s10, $0x1;
	s10 =	sld [smem:$0x3FB7];
	_ =	sdelay $0x3  }
0x34: {  	[smem:$0x3FB7] =	sst s10  }
0x35: {  	s10 =	sld [smem:$0x3FB6];
	_ =	sdelay $0x3  }
0x36: {  	p1 =	seq.s32 s10, $0x1;
	s10 =	sld [smem:$0x3FB7];
	_ =	sdelay $0x3  }
0x37: {  	[smem:$0x3FB7] =	sst s10  }
0x38: {  	s10 =	sld [smem:$0x3FB8]  }
0x39: {  	_ = 	snop;
	(pc) =	sbr.ind lr, $3  }
0x3a: {  	_ = 	snop  }
0x3b: {  	_ = 	snop  }
0x3c: {  	p2 =	seq.s32 s10, $0x1;
	s10 =	sld [smem:$0x3FB7]  }
0x3d: {  	_ =	shalt  }
0x3e: {  	_ =	shalt  }
0x3f: {  	_ =	shalt  }
0x40: {  	_ =	shalt  }
0x41: {  	_ =	shalt  }
0x42: {  	_ =	shalt  }
0x43: {  	_ =	shalt  }
0x44: {  	_ =	shalt  }
0x45: {  	_ =	shalt  }
0x46: {  	_ =	shalt  }
0x47: {  	_ =	shalt  }
0x48: {  	_ =	shalt  }
0x49: {  	_ =	shalt  }
0x4a: {  	_ =	shalt  }
0x4b: {  	_ =	shalt  }
0x4c: {  	_ =	shalt  }
0x4d: {  	_ =	shalt  }
0x4e: {  	_ =	shalt  }
0x4f: {  	_ =	shalt  }
0x50: {  	_ =	shalt  }
0x51: {  	_ =	shalt  }
0x52: {  	_ =	shalt  }
0x53: {  	_ =	shalt  }
0x54: {  	_ =	shalt  }
0x55: {  	_ =	shalt  }
0x56: {  	_ =	shalt  }
0x57: {  	_ =	shalt  }
0x58: {  	_ =	shalt  }
0x59: {  	_ =	shalt  }
0x5a: {  	_ =	shalt  }
0x5b: {  	_ =	shalt  }
0x5c: {  	_ =	shalt  }
0x5d: {  	_ =	shalt  }
0x5e: {  	_ =	shalt  }
0x5f: {  	_ =	shalt  }
0x60: {  	_ =	shalt  }
0x61: {  	_ =	shalt  }
0x62: {  	_ =	shalt  }
0x63: {  	_ =	shalt  }
0x64: {  	_ =	shalt  }
0x65: {  	_ =	shalt  }
0x66: {  	_ =	shalt  }
0x67: {  	_ =	shalt  }
0x68: {  	_ =	shalt  }
0x69: {  	_ =	shalt  }
0x6a: {  	_ =	shalt  }
0x6b: {  	_ =	shalt  }
0x6c: {  	_ =	shalt  }
0x6d: {  	_ =	shalt  }
0x6e: {  	_ =	shalt  }
0x6f: {  	_ =	shalt  }
0x70: {  	_ =	shalt  }
0x71: {  	_ =	shalt  }
0x72: {  	_ =	shalt  }
0x73: {  	_ =	shalt  }
0x74: {  	_ =	shalt  }
0x75: {  	_ =	shalt  }
0x76: {  	_ =	shalt  }
0x77: {  	_ =	shalt  }
0x78: {  	_ =	shalt  }
0x79: {  	_ =	shalt  }
0x7a: {  	_ =	shalt  }
0x7b: {  	_ =	shalt  }
0x7c: {  	_ =	shalt  }
0x7d: {  	_ =	shalt  }
0x7e: {  	_ =	shalt  }
0x7f: {  	_ =	shalt  }
0x80: {  	_ =	shalt  }
0x81: {  	_ =	shalt  }
0x82: {  	_ =	shalt  }
0x83: {  	_ =	shalt  }
0x84: {  	_ =	shalt  }
0x85: {  	_ =	shalt  }
0x86: {  	_ =	shalt  }
0x87: {  	_ =	shalt  }
.Lfunc_end0:
.L_simem_size_0:
called_computation.1_lowered:
.L_overlay_start_0:
0x88: {  	s2 =	sld [smem:$0x3FD9]  }
0x89: {  	s3 =	sld [smem:$0x3FFE];
	_ =	sdelay $0x1  }
0x8a: {  	s1 =	srdreg.scid  }
0x8b: {  	s0 =	sand.u32 $0x1, s1  }
0x8c: {  	s17 =	sshll.u32 s0, $0xA;
	s2 =	sadd.s32 s3, s2  }
0x8d: {  	s2 =	sadd.s32 s2, s17  }
0x8e: {  	[smem:$0x3FC3] =	sst s2  }
0x8f: {  	_ = 	snop  }
0x90: {  	s2 =	sld [smem:$0x3FD0];
	(tm) =	ssettm $0x1  }
0x91: {  	s18 =	sld [smem:$0x3FFB];
	_ =	sdelay $0x3  }
0x92: {  	_ =	strace s18  }
0x93: {  	s3 =	sld [smem:$0x3FFC];
	_ =	sdelay $0x3  }
0x94: {  	_ =	strace s3  }
0x95: {  	s3 =	sld [smem:$0x3FFD];
	_ =	sdelay $0x3  }
0x96: {  	_ =	strace s3  }
0x97: {  	_ =	strace $0x8FFFFFFF  }
0x98: {  	s19 =	sld [smem:$0x3FDB];
	_ =	sdelay $0x1  }
0x99: {  	s4 =	simm.s32 $_scs_section_size  }
0x9a: {  	s5 =	simm.s32 $_size__tile_overlayer_lowered;
	s6 =	simm.s32 $_tile_overlayer_lowered  }
0x9b: {  	s22 =	simm.s32 $0x1BFF;
	s21 =	sshll.u32 s6, $0x1;
	s3 =	sadd.s32 s4, s19  }
0x9c: {  	s7 =	simm.s32 $0x0;
	s20 =	sshll.u32 s5, $0x1;
	s5 =	sadd.s32 s21, s3  }
0x9d: {  	[timem:s7], [sflag:s22] =	dma.local [hbm:s5], s20  }
0x9e: {  	_ =	swait.ge [sflag:s22], s20  }
0x9f: {  	s4 =	ssub.s32 $0x0, s20;
	[sflag:s22] =	ssyncset.done $0x0  }
0xa0: {  	[sflag:s22] =	ssyncadd.s32 s4;
	_ =	sdelay $0x1  }
0xa1: {  	s23 =	simm.s32 $0x1B8B  }
0xa2: {  	_ =	swait.ge [sflag:s23], $0x1  }
0xa3: {  	[sflag:s23] =	ssyncset.done $0x0  }
0xa4: {  	s25 =	simm.s32 $0x1B8E;
	s24 =	sld [smem:$0x3FFE];
	[sflag:s23] =	ssyncadd.s32 $0xFFFFFFFF  }
0xa5: {  	s26 =	simm.s32 $execute0_lowered;
	[smem:$0x3FD2] =	sst s25  }
0xa6: {  	s5 =	sshll.u32 s26, $0x1;
	_ =	strace $0x80000049;
	[dreg:$0x1] =	wrdreg $0xFFFFFFFF  }
0xa7: {  	s28 =	simm.s32 $_size_execute0_lowered;
	s3 =	sadd.s32 s3, s5;
	[dreg:$0x0] =	wrdreg $0x0  }
0xa8: {  	s5 =	sshll.u32 s28, $0x1;
	[dreg:$0x2] =	wrdreg s3  }
0xa9: {  	[dreg:$0x3] =	wrdreg s5  }
0xaa: {  	[dreg:$0x4] =	wrdreg $0xC0  }
0xab: {  	_ =	task [dreg:s7], $0x5FFFF  }
0xac: {  	[dreg:$0x1] =	wrdreg $0xFFFFFFFF  }
0xad: {  	[dreg:$0x0] =	wrdreg $0x60  }
0xae: {  	[dreg:$0x2] =	wrdreg s24  }
0xaf: {  	[dreg:$0x3] =	wrdreg s2  }
0xb0: {  	[dreg:$0x4] =	wrdreg $0x90000  }
0xb1: {  	[dreg:$0x5] =	wrdreg $0x130000  }
0xb2: {  	[dreg:$0x6] =	wrdreg $0x9  }
0xb3: {  	_ =	task.clear_ibuf [dreg:s7], $0x7FFFF;
	_ =	strace $0x90000049  }
0xb4: {  	s29 =	simm.s32 $0x9;
	_ =	strace $0x8000004B  }
0xb5: {  	_ =	swait.ge [sflag:s29], $0x1  }
0xb6: {  	[sflag:s29] =	ssyncadd.s32 $0xFFFFFFFF  }
0xb7: {  	_ =	strace $0x9000004B  }
0xb8: {  	_ =	sfence  }
0xb9: {  	s30 =	sld [smem:$0x0];
	_ =	sdelay $0x2  }
0xba: {  	s31 =	sshll.u32 s1, $0xD;
	s1 =	sshrl.u32 s1, $0x2  }
0xbb: {  	s3 =	sand.u32 $0x4000, s31;
	s1 =	sadd.s32 s1, s30  }
0xbc: {  	s0 =	sor.u32 s3, s0;
	s1 =	sshll.u32 s1, $0x11  }
0xbd: {  	s0 =	sor.u32 s1, s0  }
0xbe: {  	s0 =	sadd.s32 $0x8F2B, s0  }
0xbf: {  	[sflag:s0] =	ssyncadd.remote.s32 $0x1  }
0xc0: {  	_ =	sfence.sel $0xFFFF  }
0xc1: {  	[dreg:$0x0] =	wrdreg $0xFFFFFFFF;
	(pc) =	sbr.abs _section_cstart, $3  }
0xc2: {  	[dreg:$0x1] =	wrdreg $0xFFFFFFFF  }
0xc3: {  	_ =	task.clear_ibuf [dreg:s7], $0x2FFFF;
	_ =	strace $0x9FFFFFFF  }
0xc4: {  	(tm) =	ssettm $0x7FFFFFFF  }
0xc5: {  	_ =	shalt  }
tec
execute0_lowered:
.L_overlay_start_1:
0x0: {  	(tag) =	ssettag $0x1  }
0x1: {  	s0 =	rddreg [dreg:$0x0]  }
0x2: {  	s1 =	rddreg [dreg:$0x1]  }
0x3: {  	s2 =	rddreg [dreg:$0x2]  }
0x4: {  	s3 =	rddreg [dreg:$0x3]  }
0x5: {  	s4 =	simm.s32 $0x0;
	s15 =	stileid.u32;
	s7 =	srdreg.scid  }
0x6: {  	s14 =	simm.s32 $0x2800;
	s18 =	simm.s32 $0x40;
	s19 =	simm.s32 $0x5000  }
0x7: {  	s29 =	simm.s32 $0x5;
	s31 =	simm.s32 $0x3;
	s28 =	simm.s32 $0x4F80  }
0x8: {  	s30 =	simm.s32 $0x4FC0;
	[smem:$0x7FF] =	sst s4;
	s5 =	smul.u32 $0x500, s15  }
0x9: {  	s6 =	smul.u32 $0xA000, s15;
	s9 =	sadd.s32 $0xB4800, s0;
	s7 =	sand.u32 $0x1, s7  }
0xa: {  	s8 =	smul.u32 $0x280, s15;
	s26 =	sshll.u32 s15, $0x6;
	_ =	strace $0x8000004A  }
0xb: {  	s11 =	ssub.s32 $0x2, s7;
	s7 =	smul.u32 $0x5000, s7;
	s15 =	sor.u32 $0x1C09, s26  }
0xc: {  	s26 =	simm.s32 $0x2;
	s10 =	sshrl.u32 s6, $0x3;
	s12 =	sadd.s32 s5, s0  }
0xd: {  	s13 =	sshrl.u32 s11, $0x1;
	s1 =	sadd.s32 s1, s5;
	s22 =	sadd.s32 s6, s2  }
0xe: {  	s6 =	sadd.s32 s6, s3;
	s10 =	sadd.s32 s10, s0;
	s0 =	sadd.s32 $0x28800, s0  }
0xf: {  	s11 =	ssub.s32 s11, s13;
	s7 =	sadd.s32 s8, s7;
	[dreg:$0x5] =	wrdreg s1  }
0x10: {  	s20 =	sadd.s32 $0x2E00, s12;
	s13 =	simm.s32 $0x9;
	s16 =	sshrl.u32 s22, $0x3  }
0x11: {  	s17 =	sshrl.u32 s6, $0x3;
	s22 =	simm.s32 $0x7000;
	s6 =	simm.s32 $0x4  }
0x12: {  	s12 =	simm.s32 $0x4F00;
	[dreg:$0x6] =	wrdreg s20;
	s21 =	sshll.u32 s7, $0x3  }
0x13: {  	s8 =	sadd.s32 $0x14800, s10;
	s25 =	smax.u32 s11, $0x1;
	s20 =	simm.s32 $0x6000  }
0x14: {  	s10 =	simm.s32 $0x8;
	s7 =	sadd.s32 s9, s21;
	[dreg:$0xb] =	wrdreg s25  }
0x15: {  	s23 =	sadd.s32 s0, s21;
	s1 =	sadd.s32 $0x14000, s21;
	[dreg:$0x7] =	wrdreg s7  }
0x16: {  	s25 =	simm.s32 $0x8000;
	s21 =	simm.s32 $0x27C0;
	[dreg:$0x8] =	wrdreg s23  }
0x17: {  	s24 =	sadd.s32 s9, s1;
	s0 =	sadd.s32 s0, s1;
	s23 =	simm.s32 $0x1  }
0x18: {  	s1 =	simm.s32 $0x6;
	s9 =	simm.s32 $0x7;
	[dreg:$0x9] =	wrdreg s24  }
0x19: {  	[dreg:$0xa] =	wrdreg s0;
	s24 =	simm.s32 $0x4F40;
	s0 =	simm.s32 $0x0  }
.LBB2_1:
0x1a: {  	s5 =	rddreg [dreg:$0x5]  }
0x1b: {  	[tilespmem:s4], [sflag:$0x9] =	stream.linear.gather [hbm4b:s5+s4], $0x2800, $0x38;
	[tilespmem:$0x1D000] =	vst v63  }
0x1c: {  	_ =	swait.ge [sflag:s13], $0x2800  }
0x1d: {  	[sflag:s13] =	ssyncset.done $0x0  }
0x1e: {  	s7 =	rddreg [dreg:$0x6];
	[sflag:s13] =	ssyncadd.s32 $0xFFFFD800  }
0x1f: {  	[tilespmem:s14], [sflag:$0x9] =	stream.linear.gather [hbm4b:s7+s4], $0x2800, $0x38;
	[tilespmem:$0x1D000] =	vst v63  }
0x20: {  	_ =	swait.ge [sflag:s13], $0x2800  }
0x21: {  	[sflag:s13] =	ssyncset.done $0x0  }
0x22: {  	s11 =	rddreg [dreg:$0x7];
	[sflag:s13] =	ssyncadd.s32 $0xFFFFD800  }
0x23: {  	[spmem:s16], [sflag:s15] =	dma.local [hbm:s11], $0x1400  }
0x24: {  	_ =	swait.ge [sflag:s13], $0x1400  }
0x25: {  	[sflag:s13] =	ssyncset.done $0x0  }
0x26: {  	[sflag:s13] =	ssyncadd.s32 $0xFFFFEC00  }
0x27: {  	[spmem:s17], [sflag:s15] =	dma.local [hbm:s8], $0x1400  }
0x28: {  	_ =	swait.ge [sflag:s13], $0x1400  }
0x29: {  	[sflag:s13] =	ssyncset.done $0x0  }
0x2a: {  	[sflag:s13] =	ssyncadd.s32 $0xFFFFEC00  }
0x2b: {  	[bflag:$0x0] =	sbarrier.arrive $0xFFFF  }
0x2c: {  	[tilespmem:s19], [sflag:$0x1] =	stream.indirect.gather [spmem:s2], $0x40, s4, s18, $0xb8;
	[tilespmem:$0x1D000] =	vst v63  }
0x2d: {  	_ = 	snop  }
0x2e: {  	[tilespmem:s20], [sflag:$0x2] =	stream.indirect.gather [spmem:s2], $0x40, s18, s18, $0xb8;
	[tilespmem:$0x1D000] =	vst v63  }
0x2f: {  	s7 =	simm.s32 $0x80  }
0x30: {  	[tilespmem:s22], [sflag:$0x3] =	stream.indirect.gather [spmem:s2], $0x40, s7, s18, $0xb8;
	[tilespmem:$0x1D000] =	vst v63  }
0x31: {  	_ =	swait.ge [sflag:s23], $0x1000  }
0x32: {  	[sflag:s23] =	ssyncset.done $0x0  }
0x33: {  	[sflag:s23] =	ssyncadd.s32 $0xFFFFF000  }
0x34: {  	[spmem:s3] =	stream.indirect.scatter.add.f32 [tilespmem:s19], [sflag:$0x5], $0x40, s14, s18, $0xb8;
	[tilespmem:$0x1D000] =	vst v63  }
0x35: {  	s11 =	simm.s32 $0xC0  }
0x36: {  	[tilespmem:s25], [sflag:$0x4] =	stream.indirect.gather [spmem:s2], $0x40, s11, s18, $0xb8;
	[tilespmem:$0x1D000] =	vst v63  }
0x37: {  	_ =	swait.ge [sflag:s26], $0x1000  }
0x38: {  	[sflag:s26] =	ssyncset.done $0x0  }
0x39: {  	s7 =	simm.s32 $0x2840;
	[sflag:s26] =	ssyncadd.s32 $0xFFFFF000  }
0x3a: {  	[spmem:s3] =	stream.indirect.scatter.add.f32 [tilespmem:s20], [sflag:$0x6], $0x40, s7, s18, $0xb8;
	[tilespmem:$0x1D000] =	vst v63  }
0x3b: {  	_ =	swait.ge [sflag:s29], $0x1000  }
0x3c: {  	[sflag:s29] =	ssyncset.done $0x0  }
0x3d: {  	s11 =	simm.s32 $0x100;
	[sflag:s29] =	ssyncadd.s32 $0xFFFFF000  }
0x3e: {  	[tilespmem:s19], [sflag:$0x1] =	stream.indirect.gather [spmem:s2], $0x40, s11, s18, $0xb8;
	[tilespmem:$0x1D000] =	vst v63  }
0x3f: {  	_ =	swait.ge [sflag:s31], $0x1000  }
0x40: {  	[sflag:s31] =	ssyncset.done $0x0  }
0x41: {  	s7 =	simm.s32 $0x2880;
	[sflag:s31] =	ssyncadd.s32 $0xFFFFF000  }
0x42: {  	[spmem:s3] =	stream.indirect.scatter.add.f32 [tilespmem:s22], [sflag:$0x7], $0x40, s7, s18, $0xb8;
	[tilespmem:$0x1D000] =	vst v63  }
0x43: {  	_ =	swait.ge [sflag:s1], $0x1000  }
0x44: {  	[sflag:s1] =	ssyncset.done $0x0  }
0x45: {  	s11 =	simm.s32 $0x140;
	[sflag:s1] =	ssyncadd.s32 $0xFFFFF000  }
0x46: {  	[tilespmem:s20], [sflag:$0x2] =	stream.indirect.gather [spmem:s2], $0x40, s11, s18, $0xb8;
	[tilespmem:$0x1D000] =	vst v63  }
0x47: {  	_ =	swait.ge [sflag:s6], $0x1000  }
0x48: {  	[sflag:s6] =	ssyncset.done $0x0  }
0x49: {  	s7 =	simm.s32 $0x28C0;
	[sflag:s6] =	ssyncadd.s32 $0xFFFFF000  }
0x4a: {  	[spmem:s3] =	stream.indirect.scatter.add.f32 [tilespmem:s25], [sflag:$0x8], $0x40, s7, s18, $0xb8;
	[tilespmem:$0x1D000] =	vst v63  }
0x4b: {  	_ =	swait.ge [sflag:s9], $0x1000  }
0x4c: {  	[sflag:s9] =	ssyncset.done $0x0  }
0x4d: {  	s11 =	simm.s32 $0x180;
	[sflag:s9] =	ssyncadd.s32 $0xFFFFF000  }
0x4e: {  	[tilespmem:s22], [sflag:$0x3] =	stream.indirect.gather [spmem:s2], $0x40, s11, s18, $0xb8;
	[tilespmem:$0x1D000] =	vst v63  }
0x4f: {  	_ =	swait.ge [sflag:s23], $0x1000  }
0x50: {  	[sflag:s23] =	ssyncset.done $0x0  }
0x51: {  	s7 =	simm.s32 $0x2900;
	[sflag:s23] =	ssyncadd.s32 $0xFFFFF000  }
0x52: {  	[spmem:s3] =	stream.indirect.scatter.add.f32 [tilespmem:s19], [sflag:$0x5], $0x40, s7, s18, $0xb8;
	[tilespmem:$0x1D000] =	vst v63  }
0x53: {  	_ =	swait.ge [sflag:s10], $0x1000  }
0x54: {  	[sflag:s10] =	ssyncset.done $0x0  }
0x55: {  	s11 =	simm.s32 $0x1C0;
	[sflag:s10] =	ssyncadd.s32 $0xFFFFF000  }
0x56: {  	[tilespmem:s25], [sflag:$0x4] =	stream.indirect.gather [spmem:s2], $0x40, s11, s18, $0xb8;
	[tilespmem:$0x1D000] =	vst v63  }
0x57: {  	_ =	swait.ge [sflag:s26], $0x1000  }
0x58: {  	[sflag:s26] =	ssyncset.done $0x0  }
0x59: {  	s7 =	simm.s32 $0x2940;
	[sflag:s26] =	ssyncadd.s32 $0xFFFFF000  }
0x5a: {  	[spmem:s3] =	stream.indirect.scatter.add.f32 [tilespmem:s20], [sflag:$0x6], $0x40, s7, s18, $0xb8;
	[tilespmem:$0x1D000] =	vst v63  }
0x5b: {  	_ =	swait.ge [sflag:s29], $0x1000  }
0x5c: {  	[sflag:s29] =	ssyncset.done $0x0  }
0x5d: {  	s11 =	simm.s32 $0x200;
	[sflag:s29] =	ssyncadd.s32 $0xFFFFF000  }
0x5e: {  	[tilespmem:s19], [sflag:$0x1] =	stream.indirect.gather [spmem:s2], $0x40, s11, s18, $0xb8;
	[tilespmem:$0x1D000] =	vst v63  }
0x5f: {  	_ =	swait.ge [sflag:s31], $0x1000  }
0x60: {  	[sflag:s31] =	ssyncset.done $0x0  }
0x61: {  	s7 =	simm.s32 $0x2980;
	[sflag:s31] =	ssyncadd.s32 $0xFFFFF000  }
0x62: {  	[spmem:s3] =	stream.indirect.scatter.add.f32 [tilespmem:s22], [sflag:$0x7], $0x40, s7, s18, $0xb8;
	[tilespmem:$0x1D000] =	vst v63  }
0x63: {  	_ =	swait.ge [sflag:s1], $0x1000  }
0x64: {  	[sflag:s1] =	ssyncset.done $0x0  }
0x65: {  	s11 =	simm.s32 $0x240;
	[sflag:s1] =	ssyncadd.s32 $0xFFFFF000  }
0x66: {  	[tilespmem:s20], [sflag:$0x2] =	stream.indirect.gather [spmem:s2], $0x40, s11, s18, $0xb8;
	[tilespmem:$0x1D000] =	vst v63  }
0x67: {  	_ =	swait.ge [sflag:s6], $0x1000  }
0x68: {  	[sflag:s6] =	ssyncset.done $0x0  }
0x69: {  	s5 =	simm.s32 $0x400;
	s7 =	simm.s32 $0x29C0;
	[sflag:s6] =	ssyncadd.s32 $0xFFFFF000  }
.LBB2_2:
0x6a: {  	[spmem:s3] =	stream.indirect.scatter.add.f32 [tilespmem:s25], [sflag:$0x8], $0x40, s7, s18, $0xb8;
	[tilespmem:$0x1D000] =	vst v63  }
0x6b: {  	s7 =	smov.u32 s5  }
0x6c: {  	p0 =	sne.s32 s5, $0x9400;
	s5 =	sadd.s32 $0x400, s5;
	_ =	swait.ge [sflag:s9], $0x1000  }
0x6d: {  	s7 =	sshra.s32 s7, $0x2;
	[sflag:s9] =	ssyncset.done $0x0  }
0x6e: {  	s11 =	sadd.s32 $0x180, s7;
	[sflag:s9] =	ssyncadd.s32 $0xFFFFF000  }
0x6f: {  	[tilespmem:s22], [sflag:$0x3] =	stream.indirect.gather [spmem:s2], $0x40, s11, s18, $0xb8;
	[tilespmem:$0x1D000] =	vst v63  }
0x70: {  	_ =	swait.ge [sflag:s23], $0x1000  }
0x71: {  	[sflag:s23] =	ssyncset.done $0x0  }
0x72: {  	s11 =	sadd.s32 $0x2900, s7;
	[sflag:s23] =	ssyncadd.s32 $0xFFFFF000  }
0x73: {  	[spmem:s3] =	stream.indirect.scatter.add.f32 [tilespmem:s19], [sflag:$0x5], $0x40, s11, s18, $0xb8;
	[tilespmem:$0x1D000] =	vst v63  }
0x74: {  	_ =	swait.ge [sflag:s10], $0x1000  }
0x75: {  	[sflag:s10] =	ssyncset.done $0x0  }
0x76: {  	s11 =	sadd.s32 $0x1C0, s7;
	[sflag:s10] =	ssyncadd.s32 $0xFFFFF000  }
0x77: {  	[tilespmem:s25], [sflag:$0x4] =	stream.indirect.gather [spmem:s2], $0x40, s11, s18, $0xb8;
	[tilespmem:$0x1D000] =	vst v63  }
0x78: {  	_ =	swait.ge [sflag:s26], $0x1000  }
0x79: {  	[sflag:s26] =	ssyncset.done $0x0  }
0x7a: {  	s11 =	sadd.s32 $0x2940, s7;
	[sflag:s26] =	ssyncadd.s32 $0xFFFFF000  }
0x7b: {  	[spmem:s3] =	stream.indirect.scatter.add.f32 [tilespmem:s20], [sflag:$0x6], $0x40, s11, s18, $0xb8;
	[tilespmem:$0x1D000] =	vst v63  }
0x7c: {  	_ =	swait.ge [sflag:s29], $0x1000  }
0x7d: {  	[sflag:s29] =	ssyncset.done $0x0  }
0x7e: {  	s11 =	sadd.s32 $0x200, s7;
	[sflag:s29] =	ssyncadd.s32 $0xFFFFF000  }
0x7f: {  	[tilespmem:s19], [sflag:$0x1] =	stream.indirect.gather [spmem:s2], $0x40, s11, s18, $0xb8;
	[tilespmem:$0x1D000] =	vst v63  }
0x80: {  	_ =	swait.ge [sflag:s31], $0x1000  }
0x81: {  	[sflag:s31] =	ssyncset.done $0x0  }
0x82: {  	s11 =	sadd.s32 $0x2980, s7;
	[sflag:s31] =	ssyncadd.s32 $0xFFFFF000  }
0x83: {  	[spmem:s3] =	stream.indirect.scatter.add.f32 [tilespmem:s22], [sflag:$0x7], $0x40, s11, s18, $0xb8;
	[tilespmem:$0x1D000] =	vst v63  }
0x84: {  	_ =	swait.ge [sflag:s1], $0x1000  }
0x85: {  	[sflag:s1] =	ssyncset.done $0x0  }
.Ltmp0:
0x86: {  	s11 =	sadd.s32 $0x240, s7;
	[sflag:s1] =	ssyncadd.s32 $0xFFFFF000;
	(pc) =	sbr.rel @p0 .LBB2_2-.Ltmp0, $4  }
0x87: {  	[tilespmem:s20], [sflag:$0x2] =	stream.indirect.gather [spmem:s2], $0x40, s11, s18, $0xb8;
	[tilespmem:$0x1D000] =	vst v63  }
0x88: {  	_ =	swait.ge [sflag:s6], $0x1000  }
0x89: {  	[sflag:s6] =	ssyncset.done $0x0  }
0x8a: {  	s7 =	sadd.s32 $0x29C0, s7;
	[sflag:s6] =	ssyncadd.s32 $0xFFFFF000  }
0x8b: {  	[spmem:s3] =	stream.indirect.scatter.add.f32 [tilespmem:s25], [sflag:$0x8], $0x40, s7, s18, $0xb8;
	[tilespmem:$0x1D000] =	vst v63  }
0x8c: {  	_ =	swait.ge [sflag:s9], $0x1000  }
0x8d: {  	[sflag:s9] =	ssyncset.done $0x0  }
0x8e: {  	s5 =	simm.s32 $0x2780;
	[sflag:s9] =	ssyncadd.s32 $0xFFFFF000  }
0x8f: {  	[tilespmem:s22], [sflag:$0x3] =	stream.indirect.gather [spmem:s2], $0x40, s5, s18, $0xb8;
	[tilespmem:$0x1D000] =	vst v63  }
0x90: {  	_ =	swait.ge [sflag:s23], $0x1000  }
0x91: {  	[sflag:s23] =	ssyncset.done $0x0  }
0x92: {  	[sflag:s23] =	ssyncadd.s32 $0xFFFFF000  }
0x93: {  	[spmem:s3] =	stream.indirect.scatter.add.f32 [tilespmem:s19], [sflag:$0x5], $0x40, s12, s18, $0xb8;
	[tilespmem:$0x1D000] =	vst v63  }
0x94: {  	_ =	swait.ge [sflag:s10], $0x1000  }
0x95: {  	[sflag:s10] =	ssyncset.done $0x0  }
0x96: {  	[sflag:s10] =	ssyncadd.s32 $0xFFFFF000  }
0x97: {  	[tilespmem:s25], [sflag:$0x4] =	stream.indirect.gather [spmem:s2], $0x40, s21, s18, $0xb8;
	[tilespmem:$0x1D000] =	vst v63  }
0x98: {  	_ =	swait.ge [sflag:s26], $0x1000  }
0x99: {  	[sflag:s26] =	ssyncset.done $0x0  }
0x9a: {  	[sflag:s26] =	ssyncadd.s32 $0xFFFFF000  }
0x9b: {  	[spmem:s3] =	stream.indirect.scatter.add.f32 [tilespmem:s20], [sflag:$0x6], $0x40, s24, s18, $0xb8;
	[tilespmem:$0x1D000] =	vst v63  }
0x9c: {  	_ =	swait.ge [sflag:s31], $0x1000  }
0x9d: {  	[sflag:s31] =	ssyncset.done $0x0  }
0x9e: {  	[sflag:s31] =	ssyncadd.s32 $0xFFFFF000  }
0x9f: {  	[spmem:s3] =	stream.indirect.scatter.add.f32 [tilespmem:s22], [sflag:$0x7], $0x40, s28, s18, $0xb8;
	[tilespmem:$0x1D000] =	vst v63  }
0xa0: {  	_ =	swait.ge [sflag:s6], $0x1000  }
0xa1: {  	[sflag:s6] =	ssyncset.done $0x0  }
0xa2: {  	[sflag:s6] =	ssyncadd.s32 $0xFFFFF000  }
0xa3: {  	[spmem:s3] =	stream.indirect.scatter.add.f32 [tilespmem:s25], [sflag:$0x8], $0x40, s30, s18, $0xb8;
	[tilespmem:$0x1D000] =	vst v63  }
0xa4: {  	_ =	swait.ge [sflag:s29], $0x1000  }
0xa5: {  	[sflag:s29] =	ssyncset.done $0x0  }
0xa6: {  	[sflag:s29] =	ssyncadd.s32 $0xFFFFF000  }
0xa7: {  	_ =	swait.ge [sflag:s1], $0x1000  }
0xa8: {  	[sflag:s1] =	ssyncset.done $0x0  }
0xa9: {  	[sflag:s1] =	ssyncadd.s32 $0xFFFFF000  }
0xaa: {  	_ =	swait.ge [sflag:s9], $0x1000  }
0xab: {  	[sflag:s9] =	ssyncset.done $0x0  }
0xac: {  	[sflag:s9] =	ssyncadd.s32 $0xFFFFF000  }
0xad: {  	_ =	swait.ge [sflag:s10], $0x1000  }
0xae: {  	[sflag:s10] =	ssyncset.done $0x0  }
0xaf: {  	[sflag:s10] =	ssyncadd.s32 $0xFFFFF000  }
0xb0: {  	[bflag:$0x0] =	sbarrier.arrive $0xFFFF  }
0xb1: {  	s11 =	rddreg [dreg:$0x8]  }
0xb2: {  	[hbm:s11], [sflag:s15] =	dma.local [spmem:s17], $0x1400  }
0xb3: {  	_ =	swait.ge [sflag:s13], $0x1400  }
0xb4: {  	[sflag:s13] =	ssyncset.done $0x0  }
0xb5: {  	[sflag:s13] =	ssyncadd.s32 $0xFFFFEC00  }
0xb6: {  	[bflag:$0x0] =	sbarrier.arrive $0xFFFF  }
0xb7: {  	s7 =	rddreg [dreg:$0x9]  }
0xb8: {  	[spmem:s16], [sflag:s15] =	dma.local [hbm:s7], $0x1400  }
0xb9: {  	_ =	swait.ge [sflag:s13], $0x1400  }
0xba: {  	[sflag:s13] =	ssyncset.done $0x0  }
0xbb: {  	[sflag:s13] =	ssyncadd.s32 $0xFFFFEC00  }
0xbc: {  	[spmem:s17], [sflag:s15] =	dma.local [hbm:s8], $0x1400  }
0xbd: {  	_ =	swait.ge [sflag:s13], $0x1400  }
0xbe: {  	[sflag:s13] =	ssyncset.done $0x0  }
0xbf: {  	[sflag:s13] =	ssyncadd.s32 $0xFFFFEC00  }
0xc0: {  	s11 =	simm.s32 $0x0;
	[bflag:$0x0] =	sbarrier.arrive $0xFFFF  }
0xc1: {  	[tilespmem:s19], [sflag:$0x1] =	stream.indirect.gather [spmem:s2], $0x40, s11, s18, $0xb8;
	[tilespmem:$0x1D000] =	vst v63  }
0xc2: {  	_ = 	snop  }
0xc3: {  	[tilespmem:s20], [sflag:$0x2] =	stream.indirect.gather [spmem:s2], $0x40, s18, s18, $0xb8;
	[tilespmem:$0x1D000] =	vst v63  }
0xc4: {  	s7 =	simm.s32 $0x80  }
0xc5: {  	[tilespmem:s22], [sflag:$0x3] =	stream.indirect.gather [spmem:s2], $0x40, s7, s18, $0xb8;
	[tilespmem:$0x1D000] =	vst v63  }
0xc6: {  	_ =	swait.ge [sflag:s23], $0x1000  }
0xc7: {  	[sflag:s23] =	ssyncset.done $0x0  }
0xc8: {  	[sflag:s23] =	ssyncadd.s32 $0xFFFFF000  }
0xc9: {  	[spmem:s3] =	stream.indirect.scatter.add.f32 [tilespmem:s19], [sflag:$0x5], $0x40, s14, s18, $0xb8;
	[tilespmem:$0x1D000] =	vst v63  }
0xca: {  	s11 =	simm.s32 $0xC0  }
0xcb: {  	[tilespmem:s25], [sflag:$0x4] =	stream.indirect.gather [spmem:s2], $0x40, s11, s18, $0xb8;
	[tilespmem:$0x1D000] =	vst v63  }
0xcc: {  	_ =	swait.ge [sflag:s26], $0x1000  }
0xcd: {  	[sflag:s26] =	ssyncset.done $0x0  }
0xce: {  	s7 =	simm.s32 $0x2840;
	[sflag:s26] =	ssyncadd.s32 $0xFFFFF000  }
0xcf: {  	[spmem:s3] =	stream.indirect.scatter.add.f32 [tilespmem:s20], [sflag:$0x6], $0x40, s7, s18, $0xb8;
	[tilespmem:$0x1D000] =	vst v63  }
0xd0: {  	_ =	swait.ge [sflag:s29], $0x1000  }
0xd1: {  	[sflag:s29] =	ssyncset.done $0x0  }
0xd2: {  	s11 =	simm.s32 $0x100;
	[sflag:s29] =	ssyncadd.s32 $0xFFFFF000  }
0xd3: {  	[tilespmem:s19], [sflag:$0x1] =	stream.indirect.gather [spmem:s2], $0x40, s11, s18, $0xb8;
	[tilespmem:$0x1D000] =	vst v63  }
0xd4: {  	_ =	swait.ge [sflag:s31], $0x1000  }
0xd5: {  	[sflag:s31] =	ssyncset.done $0x0  }
0xd6: {  	s7 =	simm.s32 $0x2880;
	[sflag:s31] =	ssyncadd.s32 $0xFFFFF000  }
0xd7: {  	[spmem:s3] =	stream.indirect.scatter.add.f32 [tilespmem:s22], [sflag:$0x7], $0x40, s7, s18, $0xb8;
	[tilespmem:$0x1D000] =	vst v63  }
0xd8: {  	_ =	swait.ge [sflag:s1], $0x1000  }
0xd9: {  	[sflag:s1] =	ssyncset.done $0x0  }
0xda: {  	s11 =	simm.s32 $0x140;
	[sflag:s1] =	ssyncadd.s32 $0xFFFFF000  }
0xdb: {  	[tilespmem:s20], [sflag:$0x2] =	stream.indirect.gather [spmem:s2], $0x40, s11, s18, $0xb8;
	[tilespmem:$0x1D000] =	vst v63  }
0xdc: {  	_ =	swait.ge [sflag:s6], $0x1000  }
0xdd: {  	[sflag:s6] =	ssyncset.done $0x0  }
0xde: {  	s7 =	simm.s32 $0x28C0;
	[sflag:s6] =	ssyncadd.s32 $0xFFFFF000  }
0xdf: {  	[spmem:s3] =	stream.indirect.scatter.add.f32 [tilespmem:s25], [sflag:$0x8], $0x40, s7, s18, $0xb8;
	[tilespmem:$0x1D000] =	vst v63  }
0xe0: {  	_ =	swait.ge [sflag:s9], $0x1000  }
0xe1: {  	[sflag:s9] =	ssyncset.done $0x0  }
0xe2: {  	s11 =	simm.s32 $0x180;
	[sflag:s9] =	ssyncadd.s32 $0xFFFFF000  }
0xe3: {  	[tilespmem:s22], [sflag:$0x3] =	stream.indirect.gather [spmem:s2], $0x40, s11, s18, $0xb8;
	[tilespmem:$0x1D000] =	vst v63  }
0xe4: {  	_ =	swait.ge [sflag:s23], $0x1000  }
0xe5: {  	[sflag:s23] =	ssyncset.done $0x0  }
0xe6: {  	s7 =	simm.s32 $0x2900;
	[sflag:s23] =	ssyncadd.s32 $0xFFFFF000  }
0xe7: {  	[spmem:s3] =	stream.indirect.scatter.add.f32 [tilespmem:s19], [sflag:$0x5], $0x40, s7, s18, $0xb8;
	[tilespmem:$0x1D000] =	vst v63  }
0xe8: {  	_ =	swait.ge [sflag:s10], $0x1000  }
0xe9: {  	[sflag:s10] =	ssyncset.done $0x0  }
0xea: {  	s11 =	simm.s32 $0x1C0;
	[sflag:s10] =	ssyncadd.s32 $0xFFFFF000  }
0xeb: {  	[tilespmem:s25], [sflag:$0x4] =	stream.indirect.gather [spmem:s2], $0x40, s11, s18, $0xb8;
	[tilespmem:$0x1D000] =	vst v63  }
0xec: {  	_ =	swait.ge [sflag:s26], $0x1000  }
0xed: {  	[sflag:s26] =	ssyncset.done $0x0  }
0xee: {  	s7 =	simm.s32 $0x2940;
	[sflag:s26] =	ssyncadd.s32 $0xFFFFF000  }
0xef: {  	[spmem:s3] =	stream.indirect.scatter.add.f32 [tilespmem:s20], [sflag:$0x6], $0x40, s7, s18, $0xb8;
	[tilespmem:$0x1D000] =	vst v63  }
0xf0: {  	_ =	swait.ge [sflag:s29], $0x1000  }
0xf1: {  	[sflag:s29] =	ssyncset.done $0x0  }
0xf2: {  	s11 =	simm.s32 $0x200;
	[sflag:s29] =	ssyncadd.s32 $0xFFFFF000  }
0xf3: {  	[tilespmem:s19], [sflag:$0x1] =	stream.indirect.gather [spmem:s2], $0x40, s11, s18, $0xb8;
	[tilespmem:$0x1D000] =	vst v63  }
0xf4: {  	_ =	swait.ge [sflag:s31], $0x1000  }
0xf5: {  	[sflag:s31] =	ssyncset.done $0x0  }
0xf6: {  	s7 =	simm.s32 $0x2980;
	[sflag:s31] =	ssyncadd.s32 $0xFFFFF000  }
0xf7: {  	[spmem:s3] =	stream.indirect.scatter.add.f32 [tilespmem:s22], [sflag:$0x7], $0x40, s7, s18, $0xb8;
	[tilespmem:$0x1D000] =	vst v63  }
0xf8: {  	_ =	swait.ge [sflag:s1], $0x1000  }
0xf9: {  	[sflag:s1] =	ssyncset.done $0x0  }
0xfa: {  	s11 =	simm.s32 $0x240;
	[sflag:s1] =	ssyncadd.s32 $0xFFFFF000  }
0xfb: {  	[tilespmem:s20], [sflag:$0x2] =	stream.indirect.gather [spmem:s2], $0x40, s11, s18, $0xb8;
	[tilespmem:$0x1D000] =	vst v63  }
0xfc: {  	_ =	swait.ge [sflag:s6], $0x1000  }
0xfd: {  	[sflag:s6] =	ssyncset.done $0x0  }
0xfe: {  	s5 =	simm.s32 $0x400;
	s7 =	simm.s32 $0x29C0;
	[sflag:s6] =	ssyncadd.s32 $0xFFFFF000  }
.LBB2_4:
0xff: {  	[spmem:s3] =	stream.indirect.scatter.add.f32 [tilespmem:s25], [sflag:$0x8], $0x40, s7, s18, $0xb8;
	[tilespmem:$0x1D000] =	vst v63  }
0x100: {  	s7 =	smov.u32 s5  }
0x101: {  	p0 =	sne.s32 s5, $0x9400;
	s5 =	sadd.s32 $0x400, s5;
	_ =	swait.ge [sflag:s9], $0x1000  }
0x102: {  	s7 =	sshra.s32 s7, $0x2;
	[sflag:s9] =	ssyncset.done $0x0  }
0x103: {  	s11 =	sadd.s32 $0x180, s7;
	[sflag:s9] =	ssyncadd.s32 $0xFFFFF000  }
0x104: {  	[tilespmem:s22], [sflag:$0x3] =	stream.indirect.gather [spmem:s2], $0x40, s11, s18, $0xb8;
	[tilespmem:$0x1D000] =	vst v63  }
0x105: {  	_ =	swait.ge [sflag:s23], $0x1000  }
0x106: {  	[sflag:s23] =	ssyncset.done $0x0  }
0x107: {  	s11 =	sadd.s32 $0x2900, s7;
	[sflag:s23] =	ssyncadd.s32 $0xFFFFF000  }
0x108: {  	[spmem:s3] =	stream.indirect.scatter.add.f32 [tilespmem:s19], [sflag:$0x5], $0x40, s11, s18, $0xb8;
	[tilespmem:$0x1D000] =	vst v63  }
0x109: {  	_ =	swait.ge [sflag:s10], $0x1000  }
0x10a: {  	[sflag:s10] =	ssyncset.done $0x0  }
0x10b: {  	s11 =	sadd.s32 $0x1C0, s7;
	[sflag:s10] =	ssyncadd.s32 $0xFFFFF000  }
0x10c: {  	[tilespmem:s25], [sflag:$0x4] =	stream.indirect.gather [spmem:s2], $0x40, s11, s18, $0xb8;
	[tilespmem:$0x1D000] =	vst v63  }
0x10d: {  	_ =	swait.ge [sflag:s26], $0x1000  }
0x10e: {  	[sflag:s26] =	ssyncset.done $0x0  }
0x10f: {  	s11 =	sadd.s32 $0x2940, s7;
	[sflag:s26] =	ssyncadd.s32 $0xFFFFF000  }
0x110: {  	[spmem:s3] =	stream.indirect.scatter.add.f32 [tilespmem:s20], [sflag:$0x6], $0x40, s11, s18, $0xb8;
	[tilespmem:$0x1D000] =	vst v63  }
0x111: {  	_ =	swait.ge [sflag:s29], $0x1000  }
0x112: {  	[sflag:s29] =	ssyncset.done $0x0  }
0x113: {  	s11 =	sadd.s32 $0x200, s7;
	[sflag:s29] =	ssyncadd.s32 $0xFFFFF000  }
0x114: {  	[tilespmem:s19], [sflag:$0x1] =	stream.indirect.gather [spmem:s2], $0x40, s11, s18, $0xb8;
	[tilespmem:$0x1D000] =	vst v63  }
0x115: {  	_ =	swait.ge [sflag:s31], $0x1000  }
0x116: {  	[sflag:s31] =	ssyncset.done $0x0  }
0x117: {  	s11 =	sadd.s32 $0x2980, s7;
	[sflag:s31] =	ssyncadd.s32 $0xFFFFF000  }
0x118: {  	[spmem:s3] =	stream.indirect.scatter.add.f32 [tilespmem:s22], [sflag:$0x7], $0x40, s11, s18, $0xb8;
	[tilespmem:$0x1D000] =	vst v63  }
0x119: {  	_ =	swait.ge [sflag:s1], $0x1000  }
0x11a: {  	[sflag:s1] =	ssyncset.done $0x0  }
.Ltmp1:
0x11b: {  	s11 =	sadd.s32 $0x240, s7;
	[sflag:s1] =	ssyncadd.s32 $0xFFFFF000;
	(pc) =	sbr.rel @p0 .LBB2_4-.Ltmp1, $4  }
0x11c: {  	[tilespmem:s20], [sflag:$0x2] =	stream.indirect.gather [spmem:s2], $0x40, s11, s18, $0xb8;
	[tilespmem:$0x1D000] =	vst v63  }
0x11d: {  	_ =	swait.ge [sflag:s6], $0x1000  }
0x11e: {  	[sflag:s6] =	ssyncset.done $0x0  }
0x11f: {  	s7 =	sadd.s32 $0x29C0, s7;
	[sflag:s6] =	ssyncadd.s32 $0xFFFFF000  }
0x120: {  	[spmem:s3] =	stream.indirect.scatter.add.f32 [tilespmem:s25], [sflag:$0x8], $0x40, s7, s18, $0xb8;
	[tilespmem:$0x1D000] =	vst v63  }
0x121: {  	_ =	swait.ge [sflag:s9], $0x1000  }
0x122: {  	[sflag:s9] =	ssyncset.done $0x0  }
0x123: {  	s5 =	simm.s32 $0x2780;
	[sflag:s9] =	ssyncadd.s32 $0xFFFFF000  }
0x124: {  	[tilespmem:s22], [sflag:$0x3] =	stream.indirect.gather [spmem:s2], $0x40, s5, s18, $0xb8;
	[tilespmem:$0x1D000] =	vst v63  }
0x125: {  	_ =	swait.ge [sflag:s23], $0x1000  }
0x126: {  	[sflag:s23] =	ssyncset.done $0x0  }
0x127: {  	[sflag:s23] =	ssyncadd.s32 $0xFFFFF000  }
0x128: {  	[spmem:s3] =	stream.indirect.scatter.add.f32 [tilespmem:s19], [sflag:$0x5], $0x40, s12, s18, $0xb8;
	[tilespmem:$0x1D000] =	vst v63  }
0x129: {  	_ =	swait.ge [sflag:s10], $0x1000  }
0x12a: {  	[sflag:s10] =	ssyncset.done $0x0  }
0x12b: {  	[sflag:s10] =	ssyncadd.s32 $0xFFFFF000  }
0x12c: {  	[tilespmem:s25], [sflag:$0x4] =	stream.indirect.gather [spmem:s2], $0x40, s21, s18, $0xb8;
	[tilespmem:$0x1D000] =	vst v63  }
0x12d: {  	_ =	swait.ge [sflag:s26], $0x1000  }
0x12e: {  	[sflag:s26] =	ssyncset.done $0x0  }
0x12f: {  	[sflag:s26] =	ssyncadd.s32 $0xFFFFF000  }
0x130: {  	[spmem:s3] =	stream.indirect.scatter.add.f32 [tilespmem:s20], [sflag:$0x6], $0x40, s24, s18, $0xb8;
	[tilespmem:$0x1D000] =	vst v63  }
0x131: {  	_ =	swait.ge [sflag:s31], $0x1000  }
0x132: {  	[sflag:s31] =	ssyncset.done $0x0  }
0x133: {  	[sflag:s31] =	ssyncadd.s32 $0xFFFFF000  }
0x134: {  	[spmem:s3] =	stream.indirect.scatter.add.f32 [tilespmem:s22], [sflag:$0x7], $0x40, s28, s18, $0xb8;
	[tilespmem:$0x1D000] =	vst v63  }
0x135: {  	_ =	swait.ge [sflag:s6], $0x1000  }
0x136: {  	[sflag:s6] =	ssyncset.done $0x0  }
0x137: {  	[sflag:s6] =	ssyncadd.s32 $0xFFFFF000  }
0x138: {  	[spmem:s3] =	stream.indirect.scatter.add.f32 [tilespmem:s25], [sflag:$0x8], $0x40, s30, s18, $0xb8;
	[tilespmem:$0x1D000] =	vst v63  }
0x139: {  	_ =	swait.ge [sflag:s29], $0x1000  }
0x13a: {  	[sflag:s29] =	ssyncset.done $0x0  }
0x13b: {  	[sflag:s29] =	ssyncadd.s32 $0xFFFFF000  }
0x13c: {  	_ =	swait.ge [sflag:s1], $0x1000  }
0x13d: {  	[sflag:s1] =	ssyncset.done $0x0  }
0x13e: {  	[sflag:s1] =	ssyncadd.s32 $0xFFFFF000  }
0x13f: {  	_ =	swait.ge [sflag:s9], $0x1000  }
0x140: {  	[sflag:s9] =	ssyncset.done $0x0  }
0x141: {  	[sflag:s9] =	ssyncadd.s32 $0xFFFFF000  }
0x142: {  	_ =	swait.ge [sflag:s10], $0x1000  }
0x143: {  	[sflag:s10] =	ssyncset.done $0x0  }
0x144: {  	[sflag:s10] =	ssyncadd.s32 $0xFFFFF000  }
0x145: {  	[bflag:$0x0] =	sbarrier.arrive $0xFFFF  }
0x146: {  	s7 =	rddreg [dreg:$0xa]  }
0x147: {  	[hbm:s7], [sflag:s15] =	dma.local [spmem:s17], $0x1400  }
0x148: {  	_ =	swait.ge [sflag:s13], $0x1400  }
0x149: {  	s0 =	sadd.s32 $0x1, s0;
	s11 =	rddreg [dreg:$0xb]  }
0x14a: {  	p0 =	sne.s32 s0, s11  }
.Ltmp2:
0x14b: {  	_ = 	snop;
	(pc) =	sbr.rel @p0 .LBB2_1-.Ltmp2, $3  }
0x14c: {  	[sflag:s13] =	ssyncset.done $0x0  }
0x14d: {  	[sflag:s13] =	ssyncadd.s32 $0xFFFFEC00  }
0x14e: {  	[bflag:$0x0] =	sbarrier.arrive $0xFFFF;
	_ =	sdelay $0x1  }
0x14f: {  	_ =	sfence.sel $0x180000  }
0x150: {  	[bflag:$0x0] =	sbarrier.arrive $0xFFFF  }
0x151: {  	_ =	strace $0x9000004A  }
0x152: {  	s0 =	stileid.u32;
	[bflag:$0x2] =	sbarrier.arrive $0xFFFF  }
0x153: {  	p0 =	sne.s32 s0, $0x0;
	s0 =	rddreg [dreg:$0x4]  }
0x154: {  	s0 =	sadd.s32 @!p0 $0x100000, s0  }
0x155: {  	[sflag:s0] =	ssyncadd.tile.s32 @!p0 $0x1;
	_ =	shalt  }
.Lfunc_end2:
_tile_overlayer_lowered:
.L_overlay_start_2:
0x156: {  	(tag) =	ssettag $0x2  }
0x157: {  	s0 =	rddreg [dreg:$0x0];
	s2 =	stileid.u32  }
0x158: {  	s1 =	rddreg [dreg:$0x1];
	p0 =	sne.s32 s2, $0x0  }
0x159: {  	s3 =	rddreg [dreg:$0x2];
	[bflag:$0x3] =	sbarrier.arrive $0xFFFF;
	s2 =	simm.s32 @!p0 $0x1C09  }
0x15a: {  	[timem:s3], [sflag:s2] =	dma.local @!p0 [hbm:s0], s1  }
0x15b: {  	s0 =	simm.s32 @!p0 $0x9  }
0x15c: {  	_ =	swait.ge @!p0 [sflag:s0], s1  }
0x15d: {  	s1 =	ssub.s32 @!p0 $0x0, s1;
	[sflag:s0] =	ssyncset.done @!p0 $0x0  }
0x15e: {  	[sflag:s0] =	ssyncadd.s32 @!p0 s1  }
0x15f: {  	[bflag:$0x3] =	sbarrier.arrive $0xFFFF  }
0x160: {  	_ =	shalt  }

// kernel: kernel.16.cloned.1.call-start
scs
__scs_entry_jumppad:
0x0: {  	(pc) =	sbr.rel $0x88, $3  }
0x1: {  	(tag) =	ssettag $0x0;
	lr =	simm.s32 $0x1  }
0x2: {  	[smem:$0x3F9C] =	sst lr;
	_ =	strace $0xD0000000  }
0x3: {  	_ = 	snop  }
0x4: {  	_ = 	snop  }
0x5: {  	_ = 	snop  }
0x6: {  	_ = 	snop  }
0x7: {  	_ = 	snop  }
__scs_overlays_trampoline_lowered:
0x8: {  	[smem:$0x3FAB] =	sst s0  }
0x9: {  	[smem:$0x3FAC] =	sst s1  }
0xa: {  	[smem:$0x3FAD] =	sst s2  }
0xb: {  	[smem:$0x3FAE] =	sst s3  }
0xc: {  	[smem:$0x3FAF] =	sst s4  }
0xd: {  	[smem:$0x3FB0] =	sst s5  }
0xe: {  	[smem:$0x3FB1] =	sst s6  }
0xf: {  	[smem:$0x3FB2] =	sst s7  }
0x10: {  	[smem:$0x3FB3] =	sst s8  }
0x11: {  	[smem:$0x3FB4] =	sst s9;
	s0 =	simm.s32 @!p0 $0x0  }
0x12: {  	s1 =	sld [smem:$0x3F9A];
	s0 =	simm.s32 @p0 $0x1  }
0x13: {  	[smem:$0x3FB5] =	sst s0;
	s0 =	simm.s32 @!p1 $0x0  }
0x14: {  	s2 =	sld [smem:$0x3F99];
	s0 =	simm.s32 @p1 $0x1  }
0x15: {  	[smem:$0x3FB6] =	sst s0;
	s0 =	simm.s32 @!p2 $0x0  }
0x16: {  	s3 =	sld [smem:$0x3FDB];
	s0 =	simm.s32 @p2 $0x1  }
0x17: {  	s4 =	simm.s32 $0x1BF5;
	[smem:$0x3FB8] =	sst s0  }
0x18: {  	s0 =	sld [smem:$0x3F9B];
	_ =	swait.ge [sflag:s4], $0x0  }
0x19: {  	s7 =	sld [smem:$0x3F9C]  }
0x1a: {  	s8 =	sadd.s32 $0xFFFFE003, lr  }
0x1b: {  	s9 =	sadd.s32 $0xFFFFFEF7, lr;
	s5 =	simm.s32 $0xFFFFFFFF;
	p2 =	slt.u32 s8, $0xFFFFF086  }
0x1c: {  	p1 =	slt.u32 s9, $0xF7A;
	s5 =	simm.s32 @!p2 $0x0  }
0x1d: {  	s5 =	simm.s32 @p1 $0x1;
	p0 =	seq.s32 s7, s2  }
0x1e: {  	s7 =	smul.u32 @!p0 $0xF7A, s2;
	p2 =	seq.s32 @!p0 s5, $0x0  }
0x1f: {  	s9 =	smul.u32 $0xF7A, s1;
	s8 =	simm.s32 @!p0 $0x1BF5;
	p2 =	por !p2, p0  }
0x20: {  	[sflag:s8] =	ssyncset.s32 @!p0 $0xFFFFF086;
	s6 =	sadd.s32 @!p0 s3, s7;
	s7 =	simm.s32 @!p0 $0x108  }
0x21: {  	s3 =	sadd.s32 s3, s9;
	s6 =	sadd.s32 @!p0 $0x88, s6;
	s7 =	simm.s32 @p2 $0x1082  }
0x22: {  	[simem:s7], [sflag:s8] =	dma.local @!p0 [hbm:s6], $0xF7A  }
0x23: {  	s9 =	sor.u32 $0xD0000000, s2;
	s6 =	simm.s32 $0x108;
	_ =	swait.ge @!p0 [sflag:s8], $0x0  }
0x24: {  	s3 =	sadd.s32 $0x88, s3;
	s6 =	simm.s32 @!p1 $0x1082;
	[sflag:s4] =	ssyncset.s32 $0xFFFFF086  }
0x25: {  	[simem:s6], [sflag:s4] =	dma.local [hbm:s3], $0xF7A  }
0x26: {  	[smem:$0x3F9C] =	sst s1;
	(tag) =	ssettag s2;
	_ =	strace s9  }
0x27: {  	s1 =	sld [smem:$0x3FAC]  }
0x28: {  	s2 =	sld [smem:$0x3FAD]  }
0x29: {  	s4 =	sld [smem:$0x3FAF]  }
0x2a: {  	p0 =	seq.s32 s5, $0x0;
	s5 =	sld [smem:$0x3FB0]  }
0x2b: {  	s6 =	sld [smem:$0x3FB1]  }
0x2c: {  	s7 =	sld [smem:$0x3FB2]  }
0x2d: {  	s3 =	simm.s32 $0x108;
	s8 =	sld [smem:$0x3FB3]  }
0x2e: {  	s3 =	simm.s32 @!p0 $0x1082;
	s9 =	sld [smem:$0x3FB4]  }
0x2f: {  	lr =	sadd.s32 s0, s3;
	s0 =	sld [smem:$0x3FAB]  }
0x30: {  	s3 =	sld [smem:$0x3FAE]  }
0x31: {  	[smem:$0x3FB7] =	sst s10  }
0x32: {  	s10 =	sld [smem:$0x3FB5];
	_ =	sdelay $0x3  }
0x33: {  	p0 =	seq.s32 s10, $0x1;
	s10 =	sld [smem:$0x3FB7];
	_ =	sdelay $0x3  }
0x34: {  	[smem:$0x3FB7] =	sst s10  }
0x35: {  	s10 =	sld [smem:$0x3FB6];
	_ =	sdelay $0x3  }
0x36: {  	p1 =	seq.s32 s10, $0x1;
	s10 =	sld [smem:$0x3FB7];
	_ =	sdelay $0x3  }
0x37: {  	[smem:$0x3FB7] =	sst s10  }
0x38: {  	s10 =	sld [smem:$0x3FB8]  }
0x39: {  	_ = 	snop;
	(pc) =	sbr.ind lr, $3  }
0x3a: {  	_ = 	snop  }
0x3b: {  	_ = 	snop  }
0x3c: {  	p2 =	seq.s32 s10, $0x1;
	s10 =	sld [smem:$0x3FB7]  }
0x3d: {  	_ =	shalt  }
0x3e: {  	_ =	shalt  }
0x3f: {  	_ =	shalt  }
0x40: {  	_ =	shalt  }
0x41: {  	_ =	shalt  }
0x42: {  	_ =	shalt  }
0x43: {  	_ =	shalt  }
0x44: {  	_ =	shalt  }
0x45: {  	_ =	shalt  }
0x46: {  	_ =	shalt  }
0x47: {  	_ =	shalt  }
0x48: {  	_ =	shalt  }
0x49: {  	_ =	shalt  }
0x4a: {  	_ =	shalt  }
0x4b: {  	_ =	shalt  }
0x4c: {  	_ =	shalt  }
0x4d: {  	_ =	shalt  }
0x4e: {  	_ =	shalt  }
0x4f: {  	_ =	shalt  }
0x50: {  	_ =	shalt  }
0x51: {  	_ =	shalt  }
0x52: {  	_ =	shalt  }
0x53: {  	_ =	shalt  }
0x54: {  	_ =	shalt  }
0x55: {  	_ =	shalt  }
0x56: {  	_ =	shalt  }
0x57: {  	_ =	shalt  }
0x58: {  	_ =	shalt  }
0x59: {  	_ =	shalt  }
0x5a: {  	_ =	shalt  }
0x5b: {  	_ =	shalt  }
0x5c: {  	_ =	shalt  }
0x5d: {  	_ =	shalt  }
0x5e: {  	_ =	shalt  }
0x5f: {  	_ =	shalt  }
0x60: {  	_ =	shalt  }
0x61: {  	_ =	shalt  }
0x62: {  	_ =	shalt  }
0x63: {  	_ =	shalt  }
0x64: {  	_ =	shalt  }
0x65: {  	_ =	shalt  }
0x66: {  	_ =	shalt  }
0x67: {  	_ =	shalt  }
0x68: {  	_ =	shalt  }
0x69: {  	_ =	shalt  }
0x6a: {  	_ =	shalt  }
0x6b: {  	_ =	shalt  }
0x6c: {  	_ =	shalt  }
0x6d: {  	_ =	shalt  }
0x6e: {  	_ =	shalt  }
0x6f: {  	_ =	shalt  }
0x70: {  	_ =	shalt  }
0x71: {  	_ =	shalt  }
0x72: {  	_ =	shalt  }
0x73: {  	_ =	shalt  }
0x74: {  	_ =	shalt  }
0x75: {  	_ =	shalt  }
0x76: {  	_ =	shalt  }
0x77: {  	_ =	shalt  }
0x78: {  	_ =	shalt  }
0x79: {  	_ =	shalt  }
0x7a: {  	_ =	shalt  }
0x7b: {  	_ =	shalt  }
0x7c: {  	_ =	shalt  }
0x7d: {  	_ =	shalt  }
0x7e: {  	_ =	shalt  }
0x7f: {  	_ =	shalt  }
0x80: {  	_ =	shalt  }
0x81: {  	_ =	shalt  }
0x82: {  	_ =	shalt  }
0x83: {  	_ =	shalt  }
0x84: {  	_ =	shalt  }
0x85: {  	_ =	shalt  }
0x86: {  	_ =	shalt  }
0x87: {  	_ =	shalt  }
.Lfunc_end0:
.L_simem_size_0:
called_computation.2_lowered:
.L_overlay_start_0:
0x88: {  	s2 =	sld [smem:$0x3FD9]  }
0x89: {  	s3 =	sld [smem:$0x3FFE];
	_ =	sdelay $0x1  }
0x8a: {  	s1 =	srdreg.scid  }
0x8b: {  	s0 =	sand.u32 $0x1, s1  }
0x8c: {  	s17 =	sshll.u32 s0, $0xA;
	s2 =	sadd.s32 s3, s2  }
0x8d: {  	s2 =	sadd.s32 s2, s17  }
0x8e: {  	[smem:$0x3FC3] =	sst s2  }
0x8f: {  	_ = 	snop  }
0x90: {  	s2 =	sld [smem:$0x3FD0];
	(tm) =	ssettm $0x1  }
0x91: {  	s18 =	sld [smem:$0x3FFB];
	_ =	sdelay $0x3  }
0x92: {  	_ =	strace s18  }
0x93: {  	s3 =	sld [smem:$0x3FFC];
	_ =	sdelay $0x3  }
0x94: {  	_ =	strace s3  }
0x95: {  	s3 =	sld [smem:$0x3FFD];
	_ =	sdelay $0x3  }
0x96: {  	_ =	strace s3  }
0x97: {  	_ =	strace $0x8FFFFFFF  }
0x98: {  	s19 =	sld [smem:$0x3FDB];
	_ =	sdelay $0x1  }
0x99: {  	s4 =	simm.s32 $_scs_section_size  }
0x9a: {  	s5 =	simm.s32 $_size__tile_overlayer_lowered;
	s6 =	simm.s32 $_tile_overlayer_lowered  }
0x9b: {  	s22 =	simm.s32 $0x1BFF;
	s21 =	sshll.u32 s6, $0x1;
	s3 =	sadd.s32 s4, s19  }
0x9c: {  	s7 =	simm.s32 $0x0;
	s20 =	sshll.u32 s5, $0x1;
	s5 =	sadd.s32 s21, s3  }
0x9d: {  	[timem:s7], [sflag:s22] =	dma.local [hbm:s5], s20  }
0x9e: {  	_ =	swait.ge [sflag:s22], s20  }
0x9f: {  	s4 =	ssub.s32 $0x0, s20;
	[sflag:s22] =	ssyncset.done $0x0  }
0xa0: {  	[sflag:s22] =	ssyncadd.s32 s4;
	_ =	sdelay $0x1  }
0xa1: {  	s23 =	simm.s32 $0x1B8B  }
0xa2: {  	_ =	swait.ge [sflag:s23], $0x1  }
0xa3: {  	[sflag:s23] =	ssyncset.done $0x0  }
0xa4: {  	s25 =	simm.s32 $0x1B8E;
	s24 =	sld [smem:$0x3FFE];
	[sflag:s23] =	ssyncadd.s32 $0xFFFFFFFF  }
0xa5: {  	s26 =	simm.s32 $execute0_lowered;
	[smem:$0x3FD2] =	sst s25  }
0xa6: {  	s5 =	sshll.u32 s26, $0x1;
	_ =	strace $0x8000004C;
	[dreg:$0x1] =	wrdreg $0xFFFFFFFF  }
0xa7: {  	s28 =	simm.s32 $_size_execute0_lowered;
	s3 =	sadd.s32 s3, s5;
	[dreg:$0x0] =	wrdreg $0x0  }
0xa8: {  	s5 =	sshll.u32 s28, $0x1;
	[dreg:$0x2] =	wrdreg s3  }
0xa9: {  	[dreg:$0x3] =	wrdreg s5  }
0xaa: {  	[dreg:$0x4] =	wrdreg $0xC0  }
0xab: {  	_ =	task [dreg:s7], $0x5FFFF  }
0xac: {  	[dreg:$0x1] =	wrdreg $0xFFFFFFFF  }
0xad: {  	[dreg:$0x0] =	wrdreg $0x60  }
0xae: {  	[dreg:$0x2] =	wrdreg s24  }
0xaf: {  	[dreg:$0x3] =	wrdreg s2  }
0xb0: {  	[dreg:$0x4] =	wrdreg $0x90000  }
0xb1: {  	[dreg:$0x5] =	wrdreg $0x130000  }
0xb2: {  	[dreg:$0x6] =	wrdreg $0x9  }
0xb3: {  	_ =	task.clear_ibuf [dreg:s7], $0x7FFFF;
	_ =	strace $0x9000004C  }
0xb4: {  	s29 =	simm.s32 $0x9;
	_ =	strace $0x8000004E  }
0xb5: {  	_ =	swait.ge [sflag:s29], $0x1  }
0xb6: {  	[sflag:s29] =	ssyncadd.s32 $0xFFFFFFFF  }
0xb7: {  	_ =	strace $0x9000004E  }
0xb8: {  	_ =	sfence  }
0xb9: {  	s30 =	sld [smem:$0x0];
	_ =	sdelay $0x2  }
0xba: {  	s31 =	sshll.u32 s1, $0xD;
	s1 =	sshrl.u32 s1, $0x2  }
0xbb: {  	s3 =	sand.u32 $0x4000, s31;
	s1 =	sadd.s32 s1, s30  }
0xbc: {  	s0 =	sor.u32 s3, s0;
	s1 =	sshll.u32 s1, $0x11  }
0xbd: {  	s0 =	sor.u32 s1, s0  }
0xbe: {  	s0 =	sadd.s32 $0x8F2B, s0  }
0xbf: {  	[sflag:s0] =	ssyncadd.remote.s32 $0x1  }
0xc0: {  	_ =	sfence.sel $0xFFFF  }
0xc1: {  	[dreg:$0x0] =	wrdreg $0xFFFFFFFF;
	(pc) =	sbr.abs _section_cstart, $3  }
0xc2: {  	[dreg:$0x1] =	wrdreg $0xFFFFFFFF  }
0xc3: {  	_ =	task.clear_ibuf [dreg:s7], $0x2FFFF;
	_ =	strace $0x9FFFFFFF  }
0xc4: {  	(tm) =	ssettm $0x7FFFFFFF  }
0xc5: {  	_ =	shalt  }
tec
execute0_lowered:
.L_overlay_start_1:
0x0: {  	(tag) =	ssettag $0x1  }
0x1: {  	s0 =	rddreg [dreg:$0x0]  }
0x2: {  	s1 =	rddreg [dreg:$0x1]  }
0x3: {  	s2 =	rddreg [dreg:$0x2]  }
0x4: {  	s3 =	rddreg [dreg:$0x3]  }
0x5: {  	s4 =	simm.s32 $0x0;
	s15 =	stileid.u32;
	s7 =	srdreg.scid  }
0x6: {  	s14 =	simm.s32 $0x2800;
	s18 =	simm.s32 $0x40;
	s19 =	simm.s32 $0x5000  }
0x7: {  	s29 =	simm.s32 $0x5;
	s31 =	simm.s32 $0x3;
	s28 =	simm.s32 $0x4F80  }
0x8: {  	s30 =	simm.s32 $0x4FC0;
	[smem:$0x7FF] =	sst s4;
	s5 =	smul.u32 $0x500, s15  }
0x9: {  	s6 =	smul.u32 $0xA000, s15;
	s9 =	sadd.s32 $0x154800, s0;
	s7 =	sand.u32 $0x1, s7  }
0xa: {  	s8 =	smul.u32 $0x280, s15;
	s26 =	sshll.u32 s15, $0x6;
	_ =	strace $0x8000004D  }
0xb: {  	s11 =	ssub.s32 $0x2, s7;
	s7 =	smul.u32 $0x5000, s7;
	s15 =	sor.u32 $0x1C09, s26  }
0xc: {  	s26 =	simm.s32 $0x2;
	s10 =	sshrl.u32 s6, $0x3;
	s12 =	sadd.s32 s5, s0  }
0xd: {  	s13 =	sshrl.u32 s11, $0x1;
	s1 =	sadd.s32 s1, s5;
	s22 =	sadd.s32 s6, s2  }
0xe: {  	s6 =	sadd.s32 s6, s3;
	s10 =	sadd.s32 s10, s0;
	s0 =	sadd.s32 $0x28800, s0  }
0xf: {  	s11 =	ssub.s32 s11, s13;
	s7 =	sadd.s32 s8, s7;
	[dreg:$0x5] =	wrdreg s1  }
0x10: {  	s20 =	sadd.s32 $0x2E00, s12;
	s13 =	simm.s32 $0x9;
	s16 =	sshrl.u32 s22, $0x3  }
0x11: {  	s17 =	sshrl.u32 s6, $0x3;
	s22 =	simm.s32 $0x7000;
	s6 =	simm.s32 $0x4  }
0x12: {  	s12 =	simm.s32 $0x4F00;
	[dreg:$0x6] =	wrdreg s20;
	s21 =	sshll.u32 s7, $0x3  }
0x13: {  	s8 =	sadd.s32 $0x14800, s10;
	s25 =	smax.u32 s11, $0x1;
	s20 =	simm.s32 $0x6000  }
0x14: {  	s10 =	simm.s32 $0x8;
	s7 =	sadd.s32 s9, s21;
	[dreg:$0xb] =	wrdreg s25  }
0x15: {  	s23 =	sadd.s32 s0, s21;
	s1 =	sadd.s32 $0x14000, s21;
	[dreg:$0x7] =	wrdreg s7  }
0x16: {  	s25 =	simm.s32 $0x8000;
	s21 =	simm.s32 $0x27C0;
	[dreg:$0x8] =	wrdreg s23  }
0x17: {  	s24 =	sadd.s32 s9, s1;
	s0 =	sadd.s32 s0, s1;
	s23 =	simm.s32 $0x1  }
0x18: {  	s1 =	simm.s32 $0x6;
	s9 =	simm.s32 $0x7;
	[dreg:$0x9] =	wrdreg s24  }
0x19: {  	[dreg:$0xa] =	wrdreg s0;
	s24 =	simm.s32 $0x4F40;
	s0 =	simm.s32 $0x0  }
.LBB2_1:
0x1a: {  	s5 =	rddreg [dreg:$0x5]  }
0x1b: {  	[tilespmem:s4], [sflag:$0x9] =	stream.linear.gather [hbm4b:s5+s4], $0x2800, $0x38;
	[tilespmem:$0x1D000] =	vst v63  }
0x1c: {  	_ =	swait.ge [sflag:s13], $0x2800  }
0x1d: {  	[sflag:s13] =	ssyncset.done $0x0  }
0x1e: {  	s7 =	rddreg [dreg:$0x6];
	[sflag:s13] =	ssyncadd.s32 $0xFFFFD800  }
0x1f: {  	[tilespmem:s14], [sflag:$0x9] =	stream.linear.gather [hbm4b:s7+s4], $0x2800, $0x38;
	[tilespmem:$0x1D000] =	vst v63  }
0x20: {  	_ =	swait.ge [sflag:s13], $0x2800  }
0x21: {  	[sflag:s13] =	ssyncset.done $0x0  }
0x22: {  	s11 =	rddreg [dreg:$0x7];
	[sflag:s13] =	ssyncadd.s32 $0xFFFFD800  }
0x23: {  	[spmem:s16], [sflag:s15] =	dma.local [hbm:s11], $0x1400  }
0x24: {  	_ =	swait.ge [sflag:s13], $0x1400  }
0x25: {  	[sflag:s13] =	ssyncset.done $0x0  }
0x26: {  	[sflag:s13] =	ssyncadd.s32 $0xFFFFEC00  }
0x27: {  	[spmem:s17], [sflag:s15] =	dma.local [hbm:s8], $0x1400  }
0x28: {  	_ =	swait.ge [sflag:s13], $0x1400  }
0x29: {  	[sflag:s13] =	ssyncset.done $0x0  }
0x2a: {  	[sflag:s13] =	ssyncadd.s32 $0xFFFFEC00  }
0x2b: {  	[bflag:$0x0] =	sbarrier.arrive $0xFFFF  }
0x2c: {  	[tilespmem:s19], [sflag:$0x1] =	stream.indirect.gather [spmem:s2], $0x40, s4, s18, $0xb8;
	[tilespmem:$0x1D000] =	vst v63  }
0x2d: {  	_ = 	snop  }
0x2e: {  	[tilespmem:s20], [sflag:$0x2] =	stream.indirect.gather [spmem:s2], $0x40, s18, s18, $0xb8;
	[tilespmem:$0x1D000] =	vst v63  }
0x2f: {  	s7 =	simm.s32 $0x80  }
0x30: {  	[tilespmem:s22], [sflag:$0x3] =	stream.indirect.gather [spmem:s2], $0x40, s7, s18, $0xb8;
	[tilespmem:$0x1D000] =	vst v63  }
0x31: {  	_ =	swait.ge [sflag:s23], $0x1000  }
0x32: {  	[sflag:s23] =	ssyncset.done $0x0  }
0x33: {  	[sflag:s23] =	ssyncadd.s32 $0xFFFFF000  }
0x34: {  	[spmem:s3] =	stream.indirect.scatter.add.f32 [tilespmem:s19], [sflag:$0x5], $0x40, s14, s18, $0xb8;
	[tilespmem:$0x1D000] =	vst v63  }
0x35: {  	s11 =	simm.s32 $0xC0  }
0x36: {  	[tilespmem:s25], [sflag:$0x4] =	stream.indirect.gather [spmem:s2], $0x40, s11, s18, $0xb8;
	[tilespmem:$0x1D000] =	vst v63  }
0x37: {  	_ =	swait.ge [sflag:s26], $0x1000  }
0x38: {  	[sflag:s26] =	ssyncset.done $0x0  }
0x39: {  	s7 =	simm.s32 $0x2840;
	[sflag:s26] =	ssyncadd.s32 $0xFFFFF000  }
0x3a: {  	[spmem:s3] =	stream.indirect.scatter.add.f32 [tilespmem:s20], [sflag:$0x6], $0x40, s7, s18, $0xb8;
	[tilespmem:$0x1D000] =	vst v63  }
0x3b: {  	_ =	swait.ge [sflag:s29], $0x1000  }
0x3c: {  	[sflag:s29] =	ssyncset.done $0x0  }
0x3d: {  	s11 =	simm.s32 $0x100;
	[sflag:s29] =	ssyncadd.s32 $0xFFFFF000  }
0x3e: {  	[tilespmem:s19], [sflag:$0x1] =	stream.indirect.gather [spmem:s2], $0x40, s11, s18, $0xb8;
	[tilespmem:$0x1D000] =	vst v63  }
0x3f: {  	_ =	swait.ge [sflag:s31], $0x1000  }
0x40: {  	[sflag:s31] =	ssyncset.done $0x0  }
0x41: {  	s7 =	simm.s32 $0x2880;
	[sflag:s31] =	ssyncadd.s32 $0xFFFFF000  }
0x42: {  	[spmem:s3] =	stream.indirect.scatter.add.f32 [tilespmem:s22], [sflag:$0x7], $0x40, s7, s18, $0xb8;
	[tilespmem:$0x1D000] =	vst v63  }
0x43: {  	_ =	swait.ge [sflag:s1], $0x1000  }
0x44: {  	[sflag:s1] =	ssyncset.done $0x0  }
0x45: {  	s11 =	simm.s32 $0x140;
	[sflag:s1] =	ssyncadd.s32 $0xFFFFF000  }
0x46: {  	[tilespmem:s20], [sflag:$0x2] =	stream.indirect.gather [spmem:s2], $0x40, s11, s18, $0xb8;
	[tilespmem:$0x1D000] =	vst v63  }
0x47: {  	_ =	swait.ge [sflag:s6], $0x1000  }
0x48: {  	[sflag:s6] =	ssyncset.done $0x0  }
0x49: {  	s7 =	simm.s32 $0x28C0;
	[sflag:s6] =	ssyncadd.s32 $0xFFFFF000  }
0x4a: {  	[spmem:s3] =	stream.indirect.scatter.add.f32 [tilespmem:s25], [sflag:$0x8], $0x40, s7, s18, $0xb8;
	[tilespmem:$0x1D000] =	vst v63  }
0x4b: {  	_ =	swait.ge [sflag:s9], $0x1000  }
0x4c: {  	[sflag:s9] =	ssyncset.done $0x0  }
0x4d: {  	s11 =	simm.s32 $0x180;
	[sflag:s9] =	ssyncadd.s32 $0xFFFFF000  }
0x4e: {  	[tilespmem:s22], [sflag:$0x3] =	stream.indirect.gather [spmem:s2], $0x40, s11, s18, $0xb8;
	[tilespmem:$0x1D000] =	vst v63  }
0x4f: {  	_ =	swait.ge [sflag:s23], $0x1000  }
0x50: {  	[sflag:s23] =	ssyncset.done $0x0  }
0x51: {  	s7 =	simm.s32 $0x2900;
	[sflag:s23] =	ssyncadd.s32 $0xFFFFF000  }
0x52: {  	[spmem:s3] =	stream.indirect.scatter.add.f32 [tilespmem:s19], [sflag:$0x5], $0x40, s7, s18, $0xb8;
	[tilespmem:$0x1D000] =	vst v63  }
0x53: {  	_ =	swait.ge [sflag:s10], $0x1000  }
0x54: {  	[sflag:s10] =	ssyncset.done $0x0  }
0x55: {  	s11 =	simm.s32 $0x1C0;
	[sflag:s10] =	ssyncadd.s32 $0xFFFFF000  }
0x56: {  	[tilespmem:s25], [sflag:$0x4] =	stream.indirect.gather [spmem:s2], $0x40, s11, s18, $0xb8;
	[tilespmem:$0x1D000] =	vst v63  }
0x57: {  	_ =	swait.ge [sflag:s26], $0x1000  }
0x58: {  	[sflag:s26] =	ssyncset.done $0x0  }
0x59: {  	s7 =	simm.s32 $0x2940;
	[sflag:s26] =	ssyncadd.s32 $0xFFFFF000  }
0x5a: {  	[spmem:s3] =	stream.indirect.scatter.add.f32 [tilespmem:s20], [sflag:$0x6], $0x40, s7, s18, $0xb8;
	[tilespmem:$0x1D000] =	vst v63  }
0x5b: {  	_ =	swait.ge [sflag:s29], $0x1000  }
0x5c: {  	[sflag:s29] =	ssyncset.done $0x0  }
0x5d: {  	s11 =	simm.s32 $0x200;
	[sflag:s29] =	ssyncadd.s32 $0xFFFFF000  }
0x5e: {  	[tilespmem:s19], [sflag:$0x1] =	stream.indirect.gather [spmem:s2], $0x40, s11, s18, $0xb8;
	[tilespmem:$0x1D000] =	vst v63  }
0x5f: {  	_ =	swait.ge [sflag:s31], $0x1000  }
0x60: {  	[sflag:s31] =	ssyncset.done $0x0  }
0x61: {  	s7 =	simm.s32 $0x2980;
	[sflag:s31] =	ssyncadd.s32 $0xFFFFF000  }
0x62: {  	[spmem:s3] =	stream.indirect.scatter.add.f32 [tilespmem:s22], [sflag:$0x7], $0x40, s7, s18, $0xb8;
	[tilespmem:$0x1D000] =	vst v63  }
0x63: {  	_ =	swait.ge [sflag:s1], $0x1000  }
0x64: {  	[sflag:s1] =	ssyncset.done $0x0  }
0x65: {  	s11 =	simm.s32 $0x240;
	[sflag:s1] =	ssyncadd.s32 $0xFFFFF000  }
0x66: {  	[tilespmem:s20], [sflag:$0x2] =	stream.indirect.gather [spmem:s2], $0x40, s11, s18, $0xb8;
	[tilespmem:$0x1D000] =	vst v63  }
0x67: {  	_ =	swait.ge [sflag:s6], $0x1000  }
0x68: {  	[sflag:s6] =	ssyncset.done $0x0  }
0x69: {  	s5 =	simm.s32 $0x400;
	s7 =	simm.s32 $0x29C0;
	[sflag:s6] =	ssyncadd.s32 $0xFFFFF000  }
.LBB2_2:
0x6a: {  	[spmem:s3] =	stream.indirect.scatter.add.f32 [tilespmem:s25], [sflag:$0x8], $0x40, s7, s18, $0xb8;
	[tilespmem:$0x1D000] =	vst v63  }
0x6b: {  	s7 =	smov.u32 s5  }
0x6c: {  	p0 =	sne.s32 s5, $0x9400;
	s5 =	sadd.s32 $0x400, s5;
	_ =	swait.ge [sflag:s9], $0x1000  }
0x6d: {  	s7 =	sshra.s32 s7, $0x2;
	[sflag:s9] =	ssyncset.done $0x0  }
0x6e: {  	s11 =	sadd.s32 $0x180, s7;
	[sflag:s9] =	ssyncadd.s32 $0xFFFFF000  }
0x6f: {  	[tilespmem:s22], [sflag:$0x3] =	stream.indirect.gather [spmem:s2], $0x40, s11, s18, $0xb8;
	[tilespmem:$0x1D000] =	vst v63  }
0x70: {  	_ =	swait.ge [sflag:s23], $0x1000  }
0x71: {  	[sflag:s23] =	ssyncset.done $0x0  }
0x72: {  	s11 =	sadd.s32 $0x2900, s7;
	[sflag:s23] =	ssyncadd.s32 $0xFFFFF000  }
0x73: {  	[spmem:s3] =	stream.indirect.scatter.add.f32 [tilespmem:s19], [sflag:$0x5], $0x40, s11, s18, $0xb8;
	[tilespmem:$0x1D000] =	vst v63  }
0x74: {  	_ =	swait.ge [sflag:s10], $0x1000  }
0x75: {  	[sflag:s10] =	ssyncset.done $0x0  }
0x76: {  	s11 =	sadd.s32 $0x1C0, s7;
	[sflag:s10] =	ssyncadd.s32 $0xFFFFF000  }
0x77: {  	[tilespmem:s25], [sflag:$0x4] =	stream.indirect.gather [spmem:s2], $0x40, s11, s18, $0xb8;
	[tilespmem:$0x1D000] =	vst v63  }
0x78: {  	_ =	swait.ge [sflag:s26], $0x1000  }
0x79: {  	[sflag:s26] =	ssyncset.done $0x0  }
0x7a: {  	s11 =	sadd.s32 $0x2940, s7;
	[sflag:s26] =	ssyncadd.s32 $0xFFFFF000  }
0x7b: {  	[spmem:s3] =	stream.indirect.scatter.add.f32 [tilespmem:s20], [sflag:$0x6], $0x40, s11, s18, $0xb8;
	[tilespmem:$0x1D000] =	vst v63  }
0x7c: {  	_ =	swait.ge [sflag:s29], $0x1000  }
0x7d: {  	[sflag:s29] =	ssyncset.done $0x0  }
0x7e: {  	s11 =	sadd.s32 $0x200, s7;
	[sflag:s29] =	ssyncadd.s32 $0xFFFFF000  }
0x7f: {  	[tilespmem:s19], [sflag:$0x1] =	stream.indirect.gather [spmem:s2], $0x40, s11, s18, $0xb8;
	[tilespmem:$0x1D000] =	vst v63  }
0x80: {  	_ =	swait.ge [sflag:s31], $0x1000  }
0x81: {  	[sflag:s31] =	ssyncset.done $0x0  }
0x82: {  	s11 =	sadd.s32 $0x2980, s7;
	[sflag:s31] =	ssyncadd.s32 $0xFFFFF000  }
0x83: {  	[spmem:s3] =	stream.indirect.scatter.add.f32 [tilespmem:s22], [sflag:$0x7], $0x40, s11, s18, $0xb8;
	[tilespmem:$0x1D000] =	vst v63  }
0x84: {  	_ =	swait.ge [sflag:s1], $0x1000  }
0x85: {  	[sflag:s1] =	ssyncset.done $0x0  }
.Ltmp0:
0x86: {  	s11 =	sadd.s32 $0x240, s7;
	[sflag:s1] =	ssyncadd.s32 $0xFFFFF000;
	(pc) =	sbr.rel @p0 .LBB2_2-.Ltmp0, $4  }
0x87: {  	[tilespmem:s20], [sflag:$0x2] =	stream.indirect.gather [spmem:s2], $0x40, s11, s18, $0xb8;
	[tilespmem:$0x1D000] =	vst v63  }
0x88: {  	_ =	swait.ge [sflag:s6], $0x1000  }
0x89: {  	[sflag:s6] =	ssyncset.done $0x0  }
0x8a: {  	s7 =	sadd.s32 $0x29C0, s7;
	[sflag:s6] =	ssyncadd.s32 $0xFFFFF000  }
0x8b: {  	[spmem:s3] =	stream.indirect.scatter.add.f32 [tilespmem:s25], [sflag:$0x8], $0x40, s7, s18, $0xb8;
	[tilespmem:$0x1D000] =	vst v63  }
0x8c: {  	_ =	swait.ge [sflag:s9], $0x1000  }
0x8d: {  	[sflag:s9] =	ssyncset.done $0x0  }
0x8e: {  	s5 =	simm.s32 $0x2780;
	[sflag:s9] =	ssyncadd.s32 $0xFFFFF000  }
0x8f: {  	[tilespmem:s22], [sflag:$0x3] =	stream.indirect.gather [spmem:s2], $0x40, s5, s18, $0xb8;
	[tilespmem:$0x1D000] =	vst v63  }
0x90: {  	_ =	swait.ge [sflag:s23], $0x1000  }
0x91: {  	[sflag:s23] =	ssyncset.done $0x0  }
0x92: {  	[sflag:s23] =	ssyncadd.s32 $0xFFFFF000  }
0x93: {  	[spmem:s3] =	stream.indirect.scatter.add.f32 [tilespmem:s19], [sflag:$0x5], $0x40, s12, s18, $0xb8;
	[tilespmem:$0x1D000] =	vst v63  }
0x94: {  	_ =	swait.ge [sflag:s10], $0x1000  }
0x95: {  	[sflag:s10] =	ssyncset.done $0x0  }
0x96: {  	[sflag:s10] =	ssyncadd.s32 $0xFFFFF000  }
0x97: {  	[tilespmem:s25], [sflag:$0x4] =	stream.indirect.gather [spmem:s2], $0x40, s21, s18, $0xb8;
	[tilespmem:$0x1D000] =	vst v63  }
0x98: {  	_ =	swait.ge [sflag:s26], $0x1000  }
0x99: {  	[sflag:s26] =	ssyncset.done $0x0  }
0x9a: {  	[sflag:s26] =	ssyncadd.s32 $0xFFFFF000  }
0x9b: {  	[spmem:s3] =	stream.indirect.scatter.add.f32 [tilespmem:s20], [sflag:$0x6], $0x40, s24, s18, $0xb8;
	[tilespmem:$0x1D000] =	vst v63  }
0x9c: {  	_ =	swait.ge [sflag:s31], $0x1000  }
0x9d: {  	[sflag:s31] =	ssyncset.done $0x0  }
0x9e: {  	[sflag:s31] =	ssyncadd.s32 $0xFFFFF000  }
0x9f: {  	[spmem:s3] =	stream.indirect.scatter.add.f32 [tilespmem:s22], [sflag:$0x7], $0x40, s28, s18, $0xb8;
	[tilespmem:$0x1D000] =	vst v63  }
0xa0: {  	_ =	swait.ge [sflag:s6], $0x1000  }
0xa1: {  	[sflag:s6] =	ssyncset.done $0x0  }
0xa2: {  	[sflag:s6] =	ssyncadd.s32 $0xFFFFF000  }
0xa3: {  	[spmem:s3] =	stream.indirect.scatter.add.f32 [tilespmem:s25], [sflag:$0x8], $0x40, s30, s18, $0xb8;
	[tilespmem:$0x1D000] =	vst v63  }
0xa4: {  	_ =	swait.ge [sflag:s29], $0x1000  }
0xa5: {  	[sflag:s29] =	ssyncset.done $0x0  }
0xa6: {  	[sflag:s29] =	ssyncadd.s32 $0xFFFFF000  }
0xa7: {  	_ =	swait.ge [sflag:s1], $0x1000  }
0xa8: {  	[sflag:s1] =	ssyncset.done $0x0  }
0xa9: {  	[sflag:s1] =	ssyncadd.s32 $0xFFFFF000  }
0xaa: {  	_ =	swait.ge [sflag:s9], $0x1000  }
0xab: {  	[sflag:s9] =	ssyncset.done $0x0  }
0xac: {  	[sflag:s9] =	ssyncadd.s32 $0xFFFFF000  }
0xad: {  	_ =	swait.ge [sflag:s10], $0x1000  }
0xae: {  	[sflag:s10] =	ssyncset.done $0x0  }
0xaf: {  	[sflag:s10] =	ssyncadd.s32 $0xFFFFF000  }
0xb0: {  	[bflag:$0x0] =	sbarrier.arrive $0xFFFF  }
0xb1: {  	s11 =	rddreg [dreg:$0x8]  }
0xb2: {  	[hbm:s11], [sflag:s15] =	dma.local [spmem:s17], $0x1400  }
0xb3: {  	_ =	swait.ge [sflag:s13], $0x1400  }
0xb4: {  	[sflag:s13] =	ssyncset.done $0x0  }
0xb5: {  	[sflag:s13] =	ssyncadd.s32 $0xFFFFEC00  }
0xb6: {  	[bflag:$0x0] =	sbarrier.arrive $0xFFFF  }
0xb7: {  	s7 =	rddreg [dreg:$0x9]  }
0xb8: {  	[spmem:s16], [sflag:s15] =	dma.local [hbm:s7], $0x1400  }
0xb9: {  	_ =	swait.ge [sflag:s13], $0x1400  }
0xba: {  	[sflag:s13] =	ssyncset.done $0x0  }
0xbb: {  	[sflag:s13] =	ssyncadd.s32 $0xFFFFEC00  }
0xbc: {  	[spmem:s17], [sflag:s15] =	dma.local [hbm:s8], $0x1400  }
0xbd: {  	_ =	swait.ge [sflag:s13], $0x1400  }
0xbe: {  	[sflag:s13] =	ssyncset.done $0x0  }
0xbf: {  	[sflag:s13] =	ssyncadd.s32 $0xFFFFEC00  }
0xc0: {  	s11 =	simm.s32 $0x0;
	[bflag:$0x0] =	sbarrier.arrive $0xFFFF  }
0xc1: {  	[tilespmem:s19], [sflag:$0x1] =	stream.indirect.gather [spmem:s2], $0x40, s11, s18, $0xb8;
	[tilespmem:$0x1D000] =	vst v63  }
0xc2: {  	_ = 	snop  }
0xc3: {  	[tilespmem:s20], [sflag:$0x2] =	stream.indirect.gather [spmem:s2], $0x40, s18, s18, $0xb8;
	[tilespmem:$0x1D000] =	vst v63  }
0xc4: {  	s7 =	simm.s32 $0x80  }
0xc5: {  	[tilespmem:s22], [sflag:$0x3] =	stream.indirect.gather [spmem:s2], $0x40, s7, s18, $0xb8;
	[tilespmem:$0x1D000] =	vst v63  }
0xc6: {  	_ =	swait.ge [sflag:s23], $0x1000  }
0xc7: {  	[sflag:s23] =	ssyncset.done $0x0  }
0xc8: {  	[sflag:s23] =	ssyncadd.s32 $0xFFFFF000  }
0xc9: {  	[spmem:s3] =	stream.indirect.scatter.add.f32 [tilespmem:s19], [sflag:$0x5], $0x40, s14, s18, $0xb8;
	[tilespmem:$0x1D000] =	vst v63  }
0xca: {  	s11 =	simm.s32 $0xC0  }
0xcb: {  	[tilespmem:s25], [sflag:$0x4] =	stream.indirect.gather [spmem:s2], $0x40, s11, s18, $0xb8;
	[tilespmem:$0x1D000] =	vst v63  }
0xcc: {  	_ =	swait.ge [sflag:s26], $0x1000  }
0xcd: {  	[sflag:s26] =	ssyncset.done $0x0  }
0xce: {  	s7 =	simm.s32 $0x2840;
	[sflag:s26] =	ssyncadd.s32 $0xFFFFF000  }
0xcf: {  	[spmem:s3] =	stream.indirect.scatter.add.f32 [tilespmem:s20], [sflag:$0x6], $0x40, s7, s18, $0xb8;
	[tilespmem:$0x1D000] =	vst v63  }
0xd0: {  	_ =	swait.ge [sflag:s29], $0x1000  }
0xd1: {  	[sflag:s29] =	ssyncset.done $0x0  }
0xd2: {  	s11 =	simm.s32 $0x100;
	[sflag:s29] =	ssyncadd.s32 $0xFFFFF000  }
0xd3: {  	[tilespmem:s19], [sflag:$0x1] =	stream.indirect.gather [spmem:s2], $0x40, s11, s18, $0xb8;
	[tilespmem:$0x1D000] =	vst v63  }
0xd4: {  	_ =	swait.ge [sflag:s31], $0x1000  }
0xd5: {  	[sflag:s31] =	ssyncset.done $0x0  }
0xd6: {  	s7 =	simm.s32 $0x2880;
	[sflag:s31] =	ssyncadd.s32 $0xFFFFF000  }
0xd7: {  	[spmem:s3] =	stream.indirect.scatter.add.f32 [tilespmem:s22], [sflag:$0x7], $0x40, s7, s18, $0xb8;
	[tilespmem:$0x1D000] =	vst v63  }
0xd8: {  	_ =	swait.ge [sflag:s1], $0x1000  }
0xd9: {  	[sflag:s1] =	ssyncset.done $0x0  }
0xda: {  	s11 =	simm.s32 $0x140;
	[sflag:s1] =	ssyncadd.s32 $0xFFFFF000  }
0xdb: {  	[tilespmem:s20], [sflag:$0x2] =	stream.indirect.gather [spmem:s2], $0x40, s11, s18, $0xb8;
	[tilespmem:$0x1D000] =	vst v63  }
0xdc: {  	_ =	swait.ge [sflag:s6], $0x1000  }
0xdd: {  	[sflag:s6] =	ssyncset.done $0x0  }
0xde: {  	s7 =	simm.s32 $0x28C0;
	[sflag:s6] =	ssyncadd.s32 $0xFFFFF000  }
0xdf: {  	[spmem:s3] =	stream.indirect.scatter.add.f32 [tilespmem:s25], [sflag:$0x8], $0x40, s7, s18, $0xb8;
	[tilespmem:$0x1D000] =	vst v63  }
0xe0: {  	_ =	swait.ge [sflag:s9], $0x1000  }
0xe1: {  	[sflag:s9] =	ssyncset.done $0x0  }
0xe2: {  	s11 =	simm.s32 $0x180;
	[sflag:s9] =	ssyncadd.s32 $0xFFFFF000  }
0xe3: {  	[tilespmem:s22], [sflag:$0x3] =	stream.indirect.gather [spmem:s2], $0x40, s11, s18, $0xb8;
	[tilespmem:$0x1D000] =	vst v63  }
0xe4: {  	_ =	swait.ge [sflag:s23], $0x1000  }
0xe5: {  	[sflag:s23] =	ssyncset.done $0x0  }
0xe6: {  	s7 =	simm.s32 $0x2900;
	[sflag:s23] =	ssyncadd.s32 $0xFFFFF000  }
0xe7: {  	[spmem:s3] =	stream.indirect.scatter.add.f32 [tilespmem:s19], [sflag:$0x5], $0x40, s7, s18, $0xb8;
	[tilespmem:$0x1D000] =	vst v63  }
0xe8: {  	_ =	swait.ge [sflag:s10], $0x1000  }
0xe9: {  	[sflag:s10] =	ssyncset.done $0x0  }
0xea: {  	s11 =	simm.s32 $0x1C0;
	[sflag:s10] =	ssyncadd.s32 $0xFFFFF000  }
0xeb: {  	[tilespmem:s25], [sflag:$0x4] =	stream.indirect.gather [spmem:s2], $0x40, s11, s18, $0xb8;
	[tilespmem:$0x1D000] =	vst v63  }
0xec: {  	_ =	swait.ge [sflag:s26], $0x1000  }
0xed: {  	[sflag:s26] =	ssyncset.done $0x0  }
0xee: {  	s7 =	simm.s32 $0x2940;
	[sflag:s26] =	ssyncadd.s32 $0xFFFFF000  }
0xef: {  	[spmem:s3] =	stream.indirect.scatter.add.f32 [tilespmem:s20], [sflag:$0x6], $0x40, s7, s18, $0xb8;
	[tilespmem:$0x1D000] =	vst v63  }
0xf0: {  	_ =	swait.ge [sflag:s29], $0x1000  }
0xf1: {  	[sflag:s29] =	ssyncset.done $0x0  }
0xf2: {  	s11 =	simm.s32 $0x200;
	[sflag:s29] =	ssyncadd.s32 $0xFFFFF000  }
0xf3: {  	[tilespmem:s19], [sflag:$0x1] =	stream.indirect.gather [spmem:s2], $0x40, s11, s18, $0xb8;
	[tilespmem:$0x1D000] =	vst v63  }
0xf4: {  	_ =	swait.ge [sflag:s31], $0x1000  }
0xf5: {  	[sflag:s31] =	ssyncset.done $0x0  }
0xf6: {  	s7 =	simm.s32 $0x2980;
	[sflag:s31] =	ssyncadd.s32 $0xFFFFF000  }
0xf7: {  	[spmem:s3] =	stream.indirect.scatter.add.f32 [tilespmem:s22], [sflag:$0x7], $0x40, s7, s18, $0xb8;
	[tilespmem:$0x1D000] =	vst v63  }
0xf8: {  	_ =	swait.ge [sflag:s1], $0x1000  }
0xf9: {  	[sflag:s1] =	ssyncset.done $0x0  }
0xfa: {  	s11 =	simm.s32 $0x240;
	[sflag:s1] =	ssyncadd.s32 $0xFFFFF000  }
0xfb: {  	[tilespmem:s20], [sflag:$0x2] =	stream.indirect.gather [spmem:s2], $0x40, s11, s18, $0xb8;
	[tilespmem:$0x1D000] =	vst v63  }
0xfc: {  	_ =	swait.ge [sflag:s6], $0x1000  }
0xfd: {  	[sflag:s6] =	ssyncset.done $0x0  }
0xfe: {  	s5 =	simm.s32 $0x400;
	s7 =	simm.s32 $0x29C0;
	[sflag:s6] =	ssyncadd.s32 $0xFFFFF000  }
.LBB2_4:
0xff: {  	[spmem:s3] =	stream.indirect.scatter.add.f32 [tilespmem:s25], [sflag:$0x8], $0x40, s7, s18, $0xb8;
	[tilespmem:$0x1D000] =	vst v63  }
0x100: {  	s7 =	smov.u32 s5  }
0x101: {  	p0 =	sne.s32 s5, $0x9400;
	s5 =	sadd.s32 $0x400, s5;
	_ =	swait.ge [sflag:s9], $0x1000  }
0x102: {  	s7 =	sshra.s32 s7, $0x2;
	[sflag:s9] =	ssyncset.done $0x0  }
0x103: {  	s11 =	sadd.s32 $0x180, s7;
	[sflag:s9] =	ssyncadd.s32 $0xFFFFF000  }
0x104: {  	[tilespmem:s22], [sflag:$0x3] =	stream.indirect.gather [spmem:s2], $0x40, s11, s18, $0xb8;
	[tilespmem:$0x1D000] =	vst v63  }
0x105: {  	_ =	swait.ge [sflag:s23], $0x1000  }
0x106: {  	[sflag:s23] =	ssyncset.done $0x0  }
0x107: {  	s11 =	sadd.s32 $0x2900, s7;
	[sflag:s23] =	ssyncadd.s32 $0xFFFFF000  }
0x108: {  	[spmem:s3] =	stream.indirect.scatter.add.f32 [tilespmem:s19], [sflag:$0x5], $0x40, s11, s18, $0xb8;
	[tilespmem:$0x1D000] =	vst v63  }
0x109: {  	_ =	swait.ge [sflag:s10], $0x1000  }
0x10a: {  	[sflag:s10] =	ssyncset.done $0x0  }
0x10b: {  	s11 =	sadd.s32 $0x1C0, s7;
	[sflag:s10] =	ssyncadd.s32 $0xFFFFF000  }
0x10c: {  	[tilespmem:s25], [sflag:$0x4] =	stream.indirect.gather [spmem:s2], $0x40, s11, s18, $0xb8;
	[tilespmem:$0x1D000] =	vst v63  }
0x10d: {  	_ =	swait.ge [sflag:s26], $0x1000  }
0x10e: {  	[sflag:s26] =	ssyncset.done $0x0  }
0x10f: {  	s11 =	sadd.s32 $0x2940, s7;
	[sflag:s26] =	ssyncadd.s32 $0xFFFFF000  }
0x110: {  	[spmem:s3] =	stream.indirect.scatter.add.f32 [tilespmem:s20], [sflag:$0x6], $0x40, s11, s18, $0xb8;
	[tilespmem:$0x1D000] =	vst v63  }
0x111: {  	_ =	swait.ge [sflag:s29], $0x1000  }
0x112: {  	[sflag:s29] =	ssyncset.done $0x0  }
0x113: {  	s11 =	sadd.s32 $0x200, s7;
	[sflag:s29] =	ssyncadd.s32 $0xFFFFF000  }
0x114: {  	[tilespmem:s19], [sflag:$0x1] =	stream.indirect.gather [spmem:s2], $0x40, s11, s18, $0xb8;
	[tilespmem:$0x1D000] =	vst v63  }
0x115: {  	_ =	swait.ge [sflag:s31], $0x1000  }
0x116: {  	[sflag:s31] =	ssyncset.done $0x0  }
0x117: {  	s11 =	sadd.s32 $0x2980, s7;
	[sflag:s31] =	ssyncadd.s32 $0xFFFFF000  }
0x118: {  	[spmem:s3] =	stream.indirect.scatter.add.f32 [tilespmem:s22], [sflag:$0x7], $0x40, s11, s18, $0xb8;
	[tilespmem:$0x1D000] =	vst v63  }
0x119: {  	_ =	swait.ge [sflag:s1], $0x1000  }
0x11a: {  	[sflag:s1] =	ssyncset.done $0x0  }
.Ltmp1:
0x11b: {  	s11 =	sadd.s32 $0x240, s7;
	[sflag:s1] =	ssyncadd.s32 $0xFFFFF000;
	(pc) =	sbr.rel @p0 .LBB2_4-.Ltmp1, $4  }
0x11c: {  	[tilespmem:s20], [sflag:$0x2] =	stream.indirect.gather [spmem:s2], $0x40, s11, s18, $0xb8;
	[tilespmem:$0x1D000] =	vst v63  }
0x11d: {  	_ =	swait.ge [sflag:s6], $0x1000  }
0x11e: {  	[sflag:s6] =	ssyncset.done $0x0  }
0x11f: {  	s7 =	sadd.s32 $0x29C0, s7;
	[sflag:s6] =	ssyncadd.s32 $0xFFFFF000  }
0x120: {  	[spmem:s3] =	stream.indirect.scatter.add.f32 [tilespmem:s25], [sflag:$0x8], $0x40, s7, s18, $0xb8;
	[tilespmem:$0x1D000] =	vst v63  }
0x121: {  	_ =	swait.ge [sflag:s9], $0x1000  }
0x122: {  	[sflag:s9] =	ssyncset.done $0x0  }
0x123: {  	s5 =	simm.s32 $0x2780;
	[sflag:s9] =	ssyncadd.s32 $0xFFFFF000  }
0x124: {  	[tilespmem:s22], [sflag:$0x3] =	stream.indirect.gather [spmem:s2], $0x40, s5, s18, $0xb8;
	[tilespmem:$0x1D000] =	vst v63  }
0x125: {  	_ =	swait.ge [sflag:s23], $0x1000  }
0x126: {  	[sflag:s23] =	ssyncset.done $0x0  }
0x127: {  	[sflag:s23] =	ssyncadd.s32 $0xFFFFF000  }
0x128: {  	[spmem:s3] =	stream.indirect.scatter.add.f32 [tilespmem:s19], [sflag:$0x5], $0x40, s12, s18, $0xb8;
	[tilespmem:$0x1D000] =	vst v63  }
0x129: {  	_ =	swait.ge [sflag:s10], $0x1000  }
0x12a: {  	[sflag:s10] =	ssyncset.done $0x0  }
0x12b: {  	[sflag:s10] =	ssyncadd.s32 $0xFFFFF000  }
0x12c: {  	[tilespmem:s25], [sflag:$0x4] =	stream.indirect.gather [spmem:s2], $0x40, s21, s18, $0xb8;
	[tilespmem:$0x1D000] =	vst v63  }
0x12d: {  	_ =	swait.ge [sflag:s26], $0x1000  }
0x12e: {  	[sflag:s26] =	ssyncset.done $0x0  }
0x12f: {  	[sflag:s26] =	ssyncadd.s32 $0xFFFFF000  }
0x130: {  	[spmem:s3] =	stream.indirect.scatter.add.f32 [tilespmem:s20], [sflag:$0x6], $0x40, s24, s18, $0xb8;
	[tilespmem:$0x1D000] =	vst v63  }
0x131: {  	_ =	swait.ge [sflag:s31], $0x1000  }
0x132: {  	[sflag:s31] =	ssyncset.done $0x0  }
0x133: {  	[sflag:s31] =	ssyncadd.s32 $0xFFFFF000  }
0x134: {  	[spmem:s3] =	stream.indirect.scatter.add.f32 [tilespmem:s22], [sflag:$0x7], $0x40, s28, s18, $0xb8;
	[tilespmem:$0x1D000] =	vst v63  }
0x135: {  	_ =	swait.ge [sflag:s6], $0x1000  }
0x136: {  	[sflag:s6] =	ssyncset.done $0x0  }
0x137: {  	[sflag:s6] =	ssyncadd.s32 $0xFFFFF000  }
0x138: {  	[spmem:s3] =	stream.indirect.scatter.add.f32 [tilespmem:s25], [sflag:$0x8], $0x40, s30, s18, $0xb8;
	[tilespmem:$0x1D000] =	vst v63  }
0x139: {  	_ =	swait.ge [sflag:s29], $0x1000  }
0x13a: {  	[sflag:s29] =	ssyncset.done $0x0  }
0x13b: {  	[sflag:s29] =	ssyncadd.s32 $0xFFFFF000  }
0x13c: {  	_ =	swait.ge [sflag:s1], $0x1000  }
0x13d: {  	[sflag:s1] =	ssyncset.done $0x0  }
0x13e: {  	[sflag:s1] =	ssyncadd.s32 $0xFFFFF000  }
0x13f: {  	_ =	swait.ge [sflag:s9], $0x1000  }
0x140: {  	[sflag:s9] =	ssyncset.done $0x0  }
0x141: {  	[sflag:s9] =	ssyncadd.s32 $0xFFFFF000  }
0x142: {  	_ =	swait.ge [sflag:s10], $0x1000  }
0x143: {  	[sflag:s10] =	ssyncset.done $0x0  }
0x144: {  	[sflag:s10] =	ssyncadd.s32 $0xFFFFF000  }
0x145: {  	[bflag:$0x0] =	sbarrier.arrive $0xFFFF  }
0x146: {  	s7 =	rddreg [dreg:$0xa]  }
0x147: {  	[hbm:s7], [sflag:s15] =	dma.local [spmem:s17], $0x1400  }
0x148: {  	_ =	swait.ge [sflag:s13], $0x1400  }
0x149: {  	s0 =	sadd.s32 $0x1, s0;
	s11 =	rddreg [dreg:$0xb]  }
0x14a: {  	p0 =	sne.s32 s0, s11  }
.Ltmp2:
0x14b: {  	_ = 	snop;
	(pc) =	sbr.rel @p0 .LBB2_1-.Ltmp2, $3  }
0x14c: {  	[sflag:s13] =	ssyncset.done $0x0  }
0x14d: {  	[sflag:s13] =	ssyncadd.s32 $0xFFFFEC00  }
0x14e: {  	[bflag:$0x0] =	sbarrier.arrive $0xFFFF;
	_ =	sdelay $0x1  }
0x14f: {  	_ =	sfence.sel $0x180000  }
0x150: {  	[bflag:$0x0] =	sbarrier.arrive $0xFFFF  }
0x151: {  	_ =	strace $0x9000004D  }
0x152: {  	s0 =	stileid.u32;
	[bflag:$0x2] =	sbarrier.arrive $0xFFFF  }
0x153: {  	p0 =	sne.s32 s0, $0x0;
	s0 =	rddreg [dreg:$0x4]  }
0x154: {  	s0 =	sadd.s32 @!p0 $0x100000, s0  }
0x155: {  	[sflag:s0] =	ssyncadd.tile.s32 @!p0 $0x1;
	_ =	shalt  }
.Lfunc_end2:
_tile_overlayer_lowered:
.L_overlay_start_2:
0x156: {  	(tag) =	ssettag $0x2  }
0x157: {  	s0 =	rddreg [dreg:$0x0];
	s2 =	stileid.u32  }
0x158: {  	s1 =	rddreg [dreg:$0x1];
	p0 =	sne.s32 s2, $0x0  }
0x159: {  	s3 =	rddreg [dreg:$0x2];
	[bflag:$0x3] =	sbarrier.arrive $0xFFFF;
	s2 =	simm.s32 @!p0 $0x1C09  }
0x15a: {  	[timem:s3], [sflag:s2] =	dma.local @!p0 [hbm:s0], s1  }
0x15b: {  	s0 =	simm.s32 @!p0 $0x9  }
0x15c: {  	_ =	swait.ge @!p0 [sflag:s0], s1  }
0x15d: {  	s1 =	ssub.s32 @!p0 $0x0, s1;
	[sflag:s0] =	ssyncset.done @!p0 $0x0  }
0x15e: {  	[sflag:s0] =	ssyncadd.s32 @!p0 s1  }
0x15f: {  	[bflag:$0x3] =	sbarrier.arrive $0xFFFF  }
0x160: {  	_ =	shalt  }

// kernel: kernel.19.cloned.1.call-start
scs
__scs_entry_jumppad:
0x0: {  	(pc) =	sbr.rel $0x88, $3  }
0x1: {  	(tag) =	ssettag $0x0;
	lr =	simm.s32 $0x1  }
0x2: {  	[smem:$0x3F9C] =	sst lr;
	_ =	strace $0xD0000000  }
0x3: {  	_ = 	snop  }
0x4: {  	_ = 	snop  }
0x5: {  	_ = 	snop  }
0x6: {  	_ = 	snop  }
0x7: {  	_ = 	snop  }
__scs_overlays_trampoline_lowered:
0x8: {  	[smem:$0x3FAB] =	sst s0  }
0x9: {  	[smem:$0x3FAC] =	sst s1  }
0xa: {  	[smem:$0x3FAD] =	sst s2  }
0xb: {  	[smem:$0x3FAE] =	sst s3  }
0xc: {  	[smem:$0x3FAF] =	sst s4  }
0xd: {  	[smem:$0x3FB0] =	sst s5  }
0xe: {  	[smem:$0x3FB1] =	sst s6  }
0xf: {  	[smem:$0x3FB2] =	sst s7  }
0x10: {  	[smem:$0x3FB3] =	sst s8  }
0x11: {  	[smem:$0x3FB4] =	sst s9;
	s0 =	simm.s32 @!p0 $0x0  }
0x12: {  	s1 =	sld [smem:$0x3F9A];
	s0 =	simm.s32 @p0 $0x1  }
0x13: {  	[smem:$0x3FB5] =	sst s0;
	s0 =	simm.s32 @!p1 $0x0  }
0x14: {  	s2 =	sld [smem:$0x3F99];
	s0 =	simm.s32 @p1 $0x1  }
0x15: {  	[smem:$0x3FB6] =	sst s0;
	s0 =	simm.s32 @!p2 $0x0  }
0x16: {  	s3 =	sld [smem:$0x3FDB];
	s0 =	simm.s32 @p2 $0x1  }
0x17: {  	s4 =	simm.s32 $0x1BF5;
	[smem:$0x3FB8] =	sst s0  }
0x18: {  	s0 =	sld [smem:$0x3F9B];
	_ =	swait.ge [sflag:s4], $0x0  }
0x19: {  	s7 =	sld [smem:$0x3F9C]  }
0x1a: {  	s8 =	sadd.s32 $0xFFFFE003, lr  }
0x1b: {  	s9 =	sadd.s32 $0xFFFFFEF7, lr;
	s5 =	simm.s32 $0xFFFFFFFF;
	p2 =	slt.u32 s8, $0xFFFFF086  }
0x1c: {  	p1 =	slt.u32 s9, $0xF7A;
	s5 =	simm.s32 @!p2 $0x0  }
0x1d: {  	s5 =	simm.s32 @p1 $0x1;
	p0 =	seq.s32 s7, s2  }
0x1e: {  	s7 =	smul.u32 @!p0 $0xF7A, s2;
	p2 =	seq.s32 @!p0 s5, $0x0  }
0x1f: {  	s9 =	smul.u32 $0xF7A, s1;
	s8 =	simm.s32 @!p0 $0x1BF5;
	p2 =	por !p2, p0  }
0x20: {  	[sflag:s8] =	ssyncset.s32 @!p0 $0xFFFFF086;
	s6 =	sadd.s32 @!p0 s3, s7;
	s7 =	simm.s32 @!p0 $0x108  }
0x21: {  	s3 =	sadd.s32 s3, s9;
	s6 =	sadd.s32 @!p0 $0x88, s6;
	s7 =	simm.s32 @p2 $0x1082  }
0x22: {  	[simem:s7], [sflag:s8] =	dma.local @!p0 [hbm:s6], $0xF7A  }
0x23: {  	s9 =	sor.u32 $0xD0000000, s2;
	s6 =	simm.s32 $0x108;
	_ =	swait.ge @!p0 [sflag:s8], $0x0  }
0x24: {  	s3 =	sadd.s32 $0x88, s3;
	s6 =	simm.s32 @!p1 $0x1082;
	[sflag:s4] =	ssyncset.s32 $0xFFFFF086  }
0x25: {  	[simem:s6], [sflag:s4] =	dma.local [hbm:s3], $0xF7A  }
0x26: {  	[smem:$0x3F9C] =	sst s1;
	(tag) =	ssettag s2;
	_ =	strace s9  }
0x27: {  	s1 =	sld [smem:$0x3FAC]  }
0x28: {  	s2 =	sld [smem:$0x3FAD]  }
0x29: {  	s4 =	sld [smem:$0x3FAF]  }
0x2a: {  	p0 =	seq.s32 s5, $0x0;
	s5 =	sld [smem:$0x3FB0]  }
0x2b: {  	s6 =	sld [smem:$0x3FB1]  }
0x2c: {  	s7 =	sld [smem:$0x3FB2]  }
0x2d: {  	s3 =	simm.s32 $0x108;
	s8 =	sld [smem:$0x3FB3]  }
0x2e: {  	s3 =	simm.s32 @!p0 $0x1082;
	s9 =	sld [smem:$0x3FB4]  }
0x2f: {  	lr =	sadd.s32 s0, s3;
	s0 =	sld [smem:$0x3FAB]  }
0x30: {  	s3 =	sld [smem:$0x3FAE]  }
0x31: {  	[smem:$0x3FB7] =	sst s10  }
0x32: {  	s10 =	sld [smem:$0x3FB5];
	_ =	sdelay $0x3  }
0x33: {  	p0 =	seq.s32 s10, $0x1;
	s10 =	sld [smem:$0x3FB7];
	_ =	sdelay $0x3  }
0x34: {  	[smem:$0x3FB7] =	sst s10  }
0x35: {  	s10 =	sld [smem:$0x3FB6];
	_ =	sdelay $0x3  }
0x36: {  	p1 =	seq.s32 s10, $0x1;
	s10 =	sld [smem:$0x3FB7];
	_ =	sdelay $0x3  }
0x37: {  	[smem:$0x3FB7] =	sst s10  }
0x38: {  	s10 =	sld [smem:$0x3FB8]  }
0x39: {  	_ = 	snop;
	(pc) =	sbr.ind lr, $3  }
0x3a: {  	_ = 	snop  }
0x3b: {  	_ = 	snop  }
0x3c: {  	p2 =	seq.s32 s10, $0x1;
	s10 =	sld [smem:$0x3FB7]  }
0x3d: {  	_ =	shalt  }
0x3e: {  	_ =	shalt  }
0x3f: {  	_ =	shalt  }
0x40: {  	_ =	shalt  }
0x41: {  	_ =	shalt  }
0x42: {  	_ =	shalt  }
0x43: {  	_ =	shalt  }
0x44: {  	_ =	shalt  }
0x45: {  	_ =	shalt  }
0x46: {  	_ =	shalt  }
0x47: {  	_ =	shalt  }
0x48: {  	_ =	shalt  }
0x49: {  	_ =	shalt  }
0x4a: {  	_ =	shalt  }
0x4b: {  	_ =	shalt  }
0x4c: {  	_ =	shalt  }
0x4d: {  	_ =	shalt  }
0x4e: {  	_ =	shalt  }
0x4f: {  	_ =	shalt  }
0x50: {  	_ =	shalt  }
0x51: {  	_ =	shalt  }
0x52: {  	_ =	shalt  }
0x53: {  	_ =	shalt  }
0x54: {  	_ =	shalt  }
0x55: {  	_ =	shalt  }
0x56: {  	_ =	shalt  }
0x57: {  	_ =	shalt  }
0x58: {  	_ =	shalt  }
0x59: {  	_ =	shalt  }
0x5a: {  	_ =	shalt  }
0x5b: {  	_ =	shalt  }
0x5c: {  	_ =	shalt  }
0x5d: {  	_ =	shalt  }
0x5e: {  	_ =	shalt  }
0x5f: {  	_ =	shalt  }
0x60: {  	_ =	shalt  }
0x61: {  	_ =	shalt  }
0x62: {  	_ =	shalt  }
0x63: {  	_ =	shalt  }
0x64: {  	_ =	shalt  }
0x65: {  	_ =	shalt  }
0x66: {  	_ =	shalt  }
0x67: {  	_ =	shalt  }
0x68: {  	_ =	shalt  }
0x69: {  	_ =	shalt  }
0x6a: {  	_ =	shalt  }
0x6b: {  	_ =	shalt  }
0x6c: {  	_ =	shalt  }
0x6d: {  	_ =	shalt  }
0x6e: {  	_ =	shalt  }
0x6f: {  	_ =	shalt  }
0x70: {  	_ =	shalt  }
0x71: {  	_ =	shalt  }
0x72: {  	_ =	shalt  }
0x73: {  	_ =	shalt  }
0x74: {  	_ =	shalt  }
0x75: {  	_ =	shalt  }
0x76: {  	_ =	shalt  }
0x77: {  	_ =	shalt  }
0x78: {  	_ =	shalt  }
0x79: {  	_ =	shalt  }
0x7a: {  	_ =	shalt  }
0x7b: {  	_ =	shalt  }
0x7c: {  	_ =	shalt  }
0x7d: {  	_ =	shalt  }
0x7e: {  	_ =	shalt  }
0x7f: {  	_ =	shalt  }
0x80: {  	_ =	shalt  }
0x81: {  	_ =	shalt  }
0x82: {  	_ =	shalt  }
0x83: {  	_ =	shalt  }
0x84: {  	_ =	shalt  }
0x85: {  	_ =	shalt  }
0x86: {  	_ =	shalt  }
0x87: {  	_ =	shalt  }
.Lfunc_end0:
.L_simem_size_0:
called_computation.3_lowered:
.L_overlay_start_0:
0x88: {  	s2 =	sld [smem:$0x3FD9]  }
0x89: {  	s3 =	sld [smem:$0x3FFE];
	_ =	sdelay $0x1  }
0x8a: {  	s1 =	srdreg.scid  }
0x8b: {  	s0 =	sand.u32 $0x1, s1  }
0x8c: {  	s17 =	sshll.u32 s0, $0xA;
	s2 =	sadd.s32 s3, s2  }
0x8d: {  	s2 =	sadd.s32 s2, s17  }
0x8e: {  	[smem:$0x3FC3] =	sst s2  }
0x8f: {  	_ = 	snop  }
0x90: {  	s2 =	sld [smem:$0x3FD0];
	(tm) =	ssettm $0x1  }
0x91: {  	s18 =	sld [smem:$0x3FFB];
	_ =	sdelay $0x3  }
0x92: {  	_ =	strace s18  }
0x93: {  	s3 =	sld [smem:$0x3FFC];
	_ =	sdelay $0x3  }
0x94: {  	_ =	strace s3  }
0x95: {  	s3 =	sld [smem:$0x3FFD];
	_ =	sdelay $0x3  }
0x96: {  	_ =	strace s3  }
0x97: {  	_ =	strace $0x8FFFFFFF  }
0x98: {  	s19 =	sld [smem:$0x3FDB];
	_ =	sdelay $0x1  }
0x99: {  	s4 =	simm.s32 $_scs_section_size  }
0x9a: {  	s5 =	simm.s32 $_size__tile_overlayer_lowered;
	s6 =	simm.s32 $_tile_overlayer_lowered  }
0x9b: {  	s22 =	simm.s32 $0x1BFF;
	s21 =	sshll.u32 s6, $0x1;
	s3 =	sadd.s32 s4, s19  }
0x9c: {  	s7 =	simm.s32 $0x0;
	s20 =	sshll.u32 s5, $0x1;
	s5 =	sadd.s32 s21, s3  }
0x9d: {  	[timem:s7], [sflag:s22] =	dma.local [hbm:s5], s20  }
0x9e: {  	_ =	swait.ge [sflag:s22], s20  }
0x9f: {  	s4 =	ssub.s32 $0x0, s20;
	[sflag:s22] =	ssyncset.done $0x0  }
0xa0: {  	[sflag:s22] =	ssyncadd.s32 s4;
	_ =	sdelay $0x1  }
0xa1: {  	s23 =	simm.s32 $0x1B8B  }
0xa2: {  	_ =	swait.ge [sflag:s23], $0x1  }
0xa3: {  	[sflag:s23] =	ssyncset.done $0x0  }
0xa4: {  	s25 =	simm.s32 $0x1B8E;
	s24 =	sld [smem:$0x3FFE];
	[sflag:s23] =	ssyncadd.s32 $0xFFFFFFFF  }
0xa5: {  	s26 =	simm.s32 $execute0_lowered;
	[smem:$0x3FD2] =	sst s25  }
0xa6: {  	s5 =	sshll.u32 s26, $0x1;
	_ =	strace $0x8000004F;
	[dreg:$0x1] =	wrdreg $0xFFFFFFFF  }
0xa7: {  	s28 =	simm.s32 $_size_execute0_lowered;
	s3 =	sadd.s32 s3, s5;
	[dreg:$0x0] =	wrdreg $0x0  }
0xa8: {  	s5 =	sshll.u32 s28, $0x1;
	[dreg:$0x2] =	wrdreg s3  }
0xa9: {  	[dreg:$0x3] =	wrdreg s5  }
0xaa: {  	[dreg:$0x4] =	wrdreg $0xC0  }
0xab: {  	_ =	task [dreg:s7], $0x5FFFF  }
0xac: {  	[dreg:$0x1] =	wrdreg $0xFFFFFFFF  }
0xad: {  	[dreg:$0x0] =	wrdreg $0x60  }
0xae: {  	[dreg:$0x2] =	wrdreg s24  }
0xaf: {  	[dreg:$0x3] =	wrdreg s2  }
0xb0: {  	[dreg:$0x4] =	wrdreg $0x108000  }
0xb1: {  	[dreg:$0x5] =	wrdreg $0x68000  }
0xb2: {  	[dreg:$0x6] =	wrdreg $0x9  }
0xb3: {  	_ =	task.clear_ibuf [dreg:s7], $0x7FFFF;
	_ =	strace $0x9000004F  }
0xb4: {  	s29 =	simm.s32 $0x9;
	_ =	strace $0x80000051  }
0xb5: {  	_ =	swait.ge [sflag:s29], $0x1  }
0xb6: {  	[sflag:s29] =	ssyncadd.s32 $0xFFFFFFFF  }
0xb7: {  	_ =	strace $0x90000051  }
0xb8: {  	_ =	sfence  }
0xb9: {  	s30 =	sld [smem:$0x0];
	_ =	sdelay $0x2  }
0xba: {  	s31 =	sshll.u32 s1, $0xD;
	s1 =	sshrl.u32 s1, $0x2  }
0xbb: {  	s3 =	sand.u32 $0x4000, s31;
	s1 =	sadd.s32 s1, s30  }
0xbc: {  	s0 =	sor.u32 s3, s0;
	s1 =	sshll.u32 s1, $0x11  }
0xbd: {  	s0 =	sor.u32 s1, s0  }
0xbe: {  	s0 =	sadd.s32 $0x8F2B, s0  }
0xbf: {  	[sflag:s0] =	ssyncadd.remote.s32 $0x1  }
0xc0: {  	_ =	sfence.sel $0xFFFF  }
0xc1: {  	[dreg:$0x0] =	wrdreg $0xFFFFFFFF;
	(pc) =	sbr.abs _section_cstart, $3  }
0xc2: {  	[dreg:$0x1] =	wrdreg $0xFFFFFFFF  }
0xc3: {  	_ =	task.clear_ibuf [dreg:s7], $0x2FFFF;
	_ =	strace $0x9FFFFFFF  }
0xc4: {  	(tm) =	ssettm $0x7FFFFFFF  }
0xc5: {  	_ =	shalt  }
tec
execute0_lowered:
.L_overlay_start_1:
0x0: {  	(tag) =	ssettag $0x1  }
0x1: {  	s0 =	rddreg [dreg:$0x0]  }
0x2: {  	s1 =	rddreg [dreg:$0x1]  }
0x3: {  	s2 =	rddreg [dreg:$0x2]  }
0x4: {  	s3 =	rddreg [dreg:$0x3]  }
0x5: {  	s13 =	stileid.u32;
	s4 =	simm.s32 $0x0;
	s5 =	srdreg.scid  }
0x6: {  	s12 =	simm.s32 $0x1400;
	s16 =	simm.s32 $0x40;
	s17 =	simm.s32 $0x2800  }
0x7: {  	s18 =	simm.s32 $0x3800;
	s20 =	simm.s32 $0x4800;
	s21 =	simm.s32 $0x1  }
0x8: {  	s23 =	simm.s32 $0x5800;
	s24 =	simm.s32 $0x2;
	s29 =	simm.s32 $0x3  }
0x9: {  	s31 =	simm.s32 $0x6;
	s22 =	simm.s32 $0x7;
	s8 =	smul.u32 $0xA000, s13  }
0xa: {  	s5 =	sand.u32 $0x1, s5;
	s6 =	sshll.u32 s13, $0x1;
	s7 =	smul.u32 $0x1400, s13  }
0xb: {  	[smem:$0x7FF] =	sst s4;
	s30 =	sshll.u32 s13, $0x6;
	s6 =	sor.u32 s5, s6  }
0xc: {  	s9 =	smul.u32 $0x14000, s5;
	_ =	strace $0x80000050;
	s5 =	ssub.s32 $0x2, s5  }
0xd: {  	s13 =	sor.u32 $0x1C09, s30;
	s10 =	sshrl.u32 s8, $0x3;
	s6 =	smul.u32 $0x280, s6  }
0xe: {  	s26 =	sshrl.u32 s5, $0x1;
	s28 =	sadd.s32 s8, s2;
	s15 =	sadd.s32 s8, s3  }
0xf: {  	s10 =	sadd.s32 s10, s0;
	s7 =	sadd.s32 s7, s9;
	s11 =	ssub.s32 s5, s26  }
0x10: {  	s14 =	sshrl.u32 s28, $0x3;
	s15 =	sshrl.u32 s15, $0x3;
	s26 =	simm.s32 $0x5  }
0x11: {  	s25 =	sadd.s32 s6, s0;
	s0 =	sadd.s32 s7, s0;
	s5 =	sadd.s32 s1, s6  }
0x12: {  	s7 =	sadd.s32 $0x14800, s10;
	s8 =	sadd.s32 $0x28800, s10;
	s10 =	smax.u32 s11, $0x1  }
0x13: {  	s11 =	simm.s32 $0x9;
	s1 =	simm.s32 $0x4;
	s6 =	sadd.s32 $0x2E00, s25  }
0x14: {  	s9 =	sadd.s32 $0x3C800, s0;
	s25 =	simm.s32 $0x8;
	s0 =	simm.s32 $0x0  }
.LBB2_1:
0x15: {  	[tilespmem:s4], [sflag:$0x9] =	stream.linear.gather [hbm4b:s5+s4], $0x1400, $0x38;
	[tilespmem:$0x1A800] =	vst v63  }
0x16: {  	_ =	swait.ge [sflag:s11], $0x1400  }
0x17: {  	[sflag:s11] =	ssyncset.done $0x0  }
0x18: {  	[sflag:s11] =	ssyncadd.s32 $0xFFFFEC00  }
0x19: {  	[tilespmem:s12], [sflag:$0x9] =	stream.linear.gather [hbm4b:s6+s4], $0x1400, $0x38;
	[tilespmem:$0x1A800] =	vst v63  }
0x1a: {  	_ =	swait.ge [sflag:s11], $0x1400  }
0x1b: {  	[sflag:s11] =	ssyncset.done $0x0  }
0x1c: {  	[sflag:s11] =	ssyncadd.s32 $0xFFFFEC00  }
0x1d: {  	[spmem:s14], [sflag:s13] =	dma.local [hbm:s7], $0x1400  }
0x1e: {  	_ =	swait.ge [sflag:s11], $0x1400  }
0x1f: {  	[sflag:s11] =	ssyncset.done $0x0  }
0x20: {  	[sflag:s11] =	ssyncadd.s32 $0xFFFFEC00  }
0x21: {  	[spmem:s15], [sflag:s13] =	dma.local [hbm:s8], $0x1400  }
0x22: {  	_ =	swait.ge [sflag:s11], $0x1400  }
0x23: {  	[sflag:s11] =	ssyncset.done $0x0  }
0x24: {  	[sflag:s11] =	ssyncadd.s32 $0xFFFFEC00  }
0x25: {  	[bflag:$0x0] =	sbarrier.arrive $0xFFFF  }
0x26: {  	[tilespmem:s17], [sflag:$0x1] =	stream.indirect.gather [spmem:s3], $0x40, s4, s16, $0xb8;
	[tilespmem:$0x1A800] =	vst v63  }
0x27: {  	_ = 	snop  }
0x28: {  	[tilespmem:s18], [sflag:$0x2] =	stream.indirect.gather [spmem:s3], $0x40, s16, s16, $0xb8;
	[tilespmem:$0x1A800] =	vst v63  }
0x29: {  	s19 =	simm.s32 $0x80  }
0x2a: {  	[tilespmem:s20], [sflag:$0x3] =	stream.indirect.gather [spmem:s3], $0x40, s19, s16, $0xb8;
	[tilespmem:$0x1A800] =	vst v63  }
0x2b: {  	_ =	swait.ge [sflag:s21], $0x1000  }
0x2c: {  	[sflag:s21] =	ssyncset.done $0x0  }
0x2d: {  	[sflag:s21] =	ssyncadd.s32 $0xFFFFF000  }
0x2e: {  	[spmem:s2] =	stream.indirect.scatter.add.f32 [tilespmem:s17], [sflag:$0x5], $0x40, s12, s16, $0xb8;
	[tilespmem:$0x1A800] =	vst v63  }
0x2f: {  	s30 =	simm.s32 $0xC0  }
0x30: {  	[tilespmem:s23], [sflag:$0x4] =	stream.indirect.gather [spmem:s3], $0x40, s30, s16, $0xb8;
	[tilespmem:$0x1A800] =	vst v63  }
0x31: {  	_ =	swait.ge [sflag:s24], $0x1000  }
0x32: {  	[sflag:s24] =	ssyncset.done $0x0  }
0x33: {  	s30 =	simm.s32 $0x1440;
	[sflag:s24] =	ssyncadd.s32 $0xFFFFF000  }
0x34: {  	[spmem:s2] =	stream.indirect.scatter.add.f32 [tilespmem:s18], [sflag:$0x6], $0x40, s30, s16, $0xb8;
	[tilespmem:$0x1A800] =	vst v63  }
0x35: {  	_ =	swait.ge [sflag:s26], $0x1000  }
0x36: {  	[sflag:s26] =	ssyncset.done $0x0  }
0x37: {  	s30 =	simm.s32 $0x100;
	[sflag:s26] =	ssyncadd.s32 $0xFFFFF000  }
0x38: {  	[tilespmem:s17], [sflag:$0x1] =	stream.indirect.gather [spmem:s3], $0x40, s30, s16, $0xb8;
	[tilespmem:$0x1A800] =	vst v63  }
0x39: {  	_ =	swait.ge [sflag:s29], $0x1000  }
0x3a: {  	[sflag:s29] =	ssyncset.done $0x0  }
0x3b: {  	s30 =	simm.s32 $0x1480;
	[sflag:s29] =	ssyncadd.s32 $0xFFFFF000  }
0x3c: {  	[spmem:s2] =	stream.indirect.scatter.add.f32 [tilespmem:s20], [sflag:$0x7], $0x40, s30, s16, $0xb8;
	[tilespmem:$0x1A800] =	vst v63  }
0x3d: {  	_ =	swait.ge [sflag:s31], $0x1000  }
0x3e: {  	[sflag:s31] =	ssyncset.done $0x0  }
0x3f: {  	s30 =	simm.s32 $0x140;
	[sflag:s31] =	ssyncadd.s32 $0xFFFFF000  }
0x40: {  	[tilespmem:s18], [sflag:$0x2] =	stream.indirect.gather [spmem:s3], $0x40, s30, s16, $0xb8;
	[tilespmem:$0x1A800] =	vst v63  }
0x41: {  	_ =	swait.ge [sflag:s1], $0x1000  }
0x42: {  	[sflag:s1] =	ssyncset.done $0x0  }
0x43: {  	s30 =	simm.s32 $0x14C0;
	[sflag:s1] =	ssyncadd.s32 $0xFFFFF000  }
0x44: {  	[spmem:s2] =	stream.indirect.scatter.add.f32 [tilespmem:s23], [sflag:$0x8], $0x40, s30, s16, $0xb8;
	[tilespmem:$0x1A800] =	vst v63  }
0x45: {  	_ =	swait.ge [sflag:s22], $0x1000  }
0x46: {  	[sflag:s22] =	ssyncset.done $0x0  }
0x47: {  	s30 =	simm.s32 $0x180;
	[sflag:s22] =	ssyncadd.s32 $0xFFFFF000  }
0x48: {  	[tilespmem:s20], [sflag:$0x3] =	stream.indirect.gather [spmem:s3], $0x40, s30, s16, $0xb8;
	[tilespmem:$0x1A800] =	vst v63  }
0x49: {  	_ =	swait.ge [sflag:s21], $0x1000  }
0x4a: {  	[sflag:s21] =	ssyncset.done $0x0  }
0x4b: {  	s30 =	simm.s32 $0x1500;
	[sflag:s21] =	ssyncadd.s32 $0xFFFFF000  }
0x4c: {  	[spmem:s2] =	stream.indirect.scatter.add.f32 [tilespmem:s17], [sflag:$0x5], $0x40, s30, s16, $0xb8;
	[tilespmem:$0x1A800] =	vst v63  }
0x4d: {  	_ =	swait.ge [sflag:s25], $0x1000  }
0x4e: {  	[sflag:s25] =	ssyncset.done $0x0  }
0x4f: {  	s30 =	simm.s32 $0x1C0;
	[sflag:s25] =	ssyncadd.s32 $0xFFFFF000  }
0x50: {  	[tilespmem:s23], [sflag:$0x4] =	stream.indirect.gather [spmem:s3], $0x40, s30, s16, $0xb8;
	[tilespmem:$0x1A800] =	vst v63  }
0x51: {  	_ =	swait.ge [sflag:s24], $0x1000  }
0x52: {  	[sflag:s24] =	ssyncset.done $0x0  }
0x53: {  	s30 =	simm.s32 $0x1540;
	[sflag:s24] =	ssyncadd.s32 $0xFFFFF000  }
0x54: {  	[spmem:s2] =	stream.indirect.scatter.add.f32 [tilespmem:s18], [sflag:$0x6], $0x40, s30, s16, $0xb8;
	[tilespmem:$0x1A800] =	vst v63  }
0x55: {  	_ =	swait.ge [sflag:s26], $0x1000  }
0x56: {  	[sflag:s26] =	ssyncset.done $0x0  }
0x57: {  	s30 =	simm.s32 $0x200;
	[sflag:s26] =	ssyncadd.s32 $0xFFFFF000  }
0x58: {  	[tilespmem:s17], [sflag:$0x1] =	stream.indirect.gather [spmem:s3], $0x40, s30, s16, $0xb8;
	[tilespmem:$0x1A800] =	vst v63  }
0x59: {  	_ =	swait.ge [sflag:s29], $0x1000  }
0x5a: {  	[sflag:s29] =	ssyncset.done $0x0  }
0x5b: {  	s30 =	simm.s32 $0x1580;
	[sflag:s29] =	ssyncadd.s32 $0xFFFFF000  }
0x5c: {  	[spmem:s2] =	stream.indirect.scatter.add.f32 [tilespmem:s20], [sflag:$0x7], $0x40, s30, s16, $0xb8;
	[tilespmem:$0x1A800] =	vst v63  }
0x5d: {  	_ =	swait.ge [sflag:s31], $0x1000  }
0x5e: {  	[sflag:s31] =	ssyncset.done $0x0  }
0x5f: {  	s30 =	simm.s32 $0x240;
	[sflag:s31] =	ssyncadd.s32 $0xFFFFF000  }
0x60: {  	[tilespmem:s18], [sflag:$0x2] =	stream.indirect.gather [spmem:s3], $0x40, s30, s16, $0xb8;
	[tilespmem:$0x1A800] =	vst v63  }
0x61: {  	_ =	swait.ge [sflag:s1], $0x1000  }
0x62: {  	[sflag:s1] =	ssyncset.done $0x0  }
0x63: {  	s28 =	simm.s32 $0x15C0;
	s19 =	simm.s32 $0x400;
	[sflag:s1] =	ssyncadd.s32 $0xFFFFF000  }
.LBB2_2:
0x64: {  	[spmem:s2] =	stream.indirect.scatter.add.f32 [tilespmem:s23], [sflag:$0x8], $0x40, s28, s16, $0xb8;
	[tilespmem:$0x1A800] =	vst v63  }
0x65: {  	s28 =	smov.u32 s19  }
0x66: {  	p0 =	sne.s32 s19, $0x4400;
	s19 =	sadd.s32 $0x400, s19;
	_ =	swait.ge [sflag:s22], $0x1000  }
0x67: {  	s28 =	sshra.s32 s28, $0x2;
	[sflag:s22] =	ssyncset.done $0x0  }
0x68: {  	s30 =	sadd.s32 $0x180, s28;
	[sflag:s22] =	ssyncadd.s32 $0xFFFFF000  }
0x69: {  	[tilespmem:s20], [sflag:$0x3] =	stream.indirect.gather [spmem:s3], $0x40, s30, s16, $0xb8;
	[tilespmem:$0x1A800] =	vst v63  }
0x6a: {  	_ =	swait.ge [sflag:s21], $0x1000  }
0x6b: {  	[sflag:s21] =	ssyncset.done $0x0  }
0x6c: {  	s30 =	sadd.s32 $0x1500, s28;
	[sflag:s21] =	ssyncadd.s32 $0xFFFFF000  }
0x6d: {  	[spmem:s2] =	stream.indirect.scatter.add.f32 [tilespmem:s17], [sflag:$0x5], $0x40, s30, s16, $0xb8;
	[tilespmem:$0x1A800] =	vst v63  }
0x6e: {  	_ =	swait.ge [sflag:s25], $0x1000  }
0x6f: {  	[sflag:s25] =	ssyncset.done $0x0  }
0x70: {  	s30 =	sadd.s32 $0x1C0, s28;
	[sflag:s25] =	ssyncadd.s32 $0xFFFFF000  }
0x71: {  	[tilespmem:s23], [sflag:$0x4] =	stream.indirect.gather [spmem:s3], $0x40, s30, s16, $0xb8;
	[tilespmem:$0x1A800] =	vst v63  }
0x72: {  	_ =	swait.ge [sflag:s24], $0x1000  }
0x73: {  	[sflag:s24] =	ssyncset.done $0x0  }
0x74: {  	s30 =	sadd.s32 $0x1540, s28;
	[sflag:s24] =	ssyncadd.s32 $0xFFFFF000  }
0x75: {  	[spmem:s2] =	stream.indirect.scatter.add.f32 [tilespmem:s18], [sflag:$0x6], $0x40, s30, s16, $0xb8;
	[tilespmem:$0x1A800] =	vst v63  }
0x76: {  	_ =	swait.ge [sflag:s26], $0x1000  }
0x77: {  	[sflag:s26] =	ssyncset.done $0x0  }
0x78: {  	s30 =	sadd.s32 $0x200, s28;
	[sflag:s26] =	ssyncadd.s32 $0xFFFFF000  }
0x79: {  	[tilespmem:s17], [sflag:$0x1] =	stream.indirect.gather [spmem:s3], $0x40, s30, s16, $0xb8;
	[tilespmem:$0x1A800] =	vst v63  }
0x7a: {  	_ =	swait.ge [sflag:s29], $0x1000  }
0x7b: {  	[sflag:s29] =	ssyncset.done $0x0  }
0x7c: {  	s30 =	sadd.s32 $0x1580, s28;
	[sflag:s29] =	ssyncadd.s32 $0xFFFFF000  }
0x7d: {  	[spmem:s2] =	stream.indirect.scatter.add.f32 [tilespmem:s20], [sflag:$0x7], $0x40, s30, s16, $0xb8;
	[tilespmem:$0x1A800] =	vst v63  }
0x7e: {  	_ =	swait.ge [sflag:s31], $0x1000  }
0x7f: {  	[sflag:s31] =	ssyncset.done $0x0  }
.Ltmp0:
0x80: {  	s30 =	sadd.s32 $0x240, s28;
	[sflag:s31] =	ssyncadd.s32 $0xFFFFF000;
	(pc) =	sbr.rel @p0 .LBB2_2-.Ltmp0, $4  }
0x81: {  	[tilespmem:s18], [sflag:$0x2] =	stream.indirect.gather [spmem:s3], $0x40, s30, s16, $0xb8;
	[tilespmem:$0x1A800] =	vst v63  }
0x82: {  	_ =	swait.ge [sflag:s1], $0x1000  }
0x83: {  	[sflag:s1] =	ssyncset.done $0x0  }
0x84: {  	s28 =	sadd.s32 $0x15C0, s28;
	[sflag:s1] =	ssyncadd.s32 $0xFFFFF000  }
0x85: {  	[spmem:s2] =	stream.indirect.scatter.add.f32 [tilespmem:s23], [sflag:$0x8], $0x40, s28, s16, $0xb8;
	[tilespmem:$0x1A800] =	vst v63  }
0x86: {  	_ =	swait.ge [sflag:s22], $0x1000  }
0x87: {  	[sflag:s22] =	ssyncset.done $0x0  }
0x88: {  	s19 =	simm.s32 $0x1380;
	[sflag:s22] =	ssyncadd.s32 $0xFFFFF000  }
0x89: {  	[tilespmem:s20], [sflag:$0x3] =	stream.indirect.gather [spmem:s3], $0x40, s19, s16, $0xb8;
	[tilespmem:$0x1A800] =	vst v63  }
0x8a: {  	_ =	swait.ge [sflag:s21], $0x1000  }
0x8b: {  	[sflag:s21] =	ssyncset.done $0x0  }
0x8c: {  	s30 =	simm.s32 $0x2700;
	[sflag:s21] =	ssyncadd.s32 $0xFFFFF000  }
0x8d: {  	[spmem:s2] =	stream.indirect.scatter.add.f32 [tilespmem:s17], [sflag:$0x5], $0x40, s30, s16, $0xb8;
	[tilespmem:$0x1A800] =	vst v63  }
0x8e: {  	_ =	swait.ge [sflag:s25], $0x1000  }
0x8f: {  	[sflag:s25] =	ssyncset.done $0x0  }
0x90: {  	s28 =	simm.s32 $0x13C0;
	[sflag:s25] =	ssyncadd.s32 $0xFFFFF000  }
0x91: {  	[tilespmem:s23], [sflag:$0x4] =	stream.indirect.gather [spmem:s3], $0x40, s28, s16, $0xb8;
	[tilespmem:$0x1A800] =	vst v63  }
0x92: {  	_ =	swait.ge [sflag:s24], $0x1000  }
0x93: {  	[sflag:s24] =	ssyncset.done $0x0  }
0x94: {  	s30 =	simm.s32 $0x2740;
	[sflag:s24] =	ssyncadd.s32 $0xFFFFF000  }
0x95: {  	[spmem:s2] =	stream.indirect.scatter.add.f32 [tilespmem:s18], [sflag:$0x6], $0x40, s30, s16, $0xb8;
	[tilespmem:$0x1A800] =	vst v63  }
0x96: {  	_ =	swait.ge [sflag:s29], $0x1000  }
0x97: {  	[sflag:s29] =	ssyncset.done $0x0  }
0x98: {  	s28 =	simm.s32 $0x2780;
	[sflag:s29] =	ssyncadd.s32 $0xFFFFF000  }
0x99: {  	[spmem:s2] =	stream.indirect.scatter.add.f32 [tilespmem:s20], [sflag:$0x7], $0x40, s28, s16, $0xb8;
	[tilespmem:$0x1A800] =	vst v63  }
0x9a: {  	_ =	swait.ge [sflag:s1], $0x1000  }
0x9b: {  	[sflag:s1] =	ssyncset.done $0x0  }
0x9c: {  	s30 =	simm.s32 $0x27C0;
	[sflag:s1] =	ssyncadd.s32 $0xFFFFF000  }
0x9d: {  	[spmem:s2] =	stream.indirect.scatter.add.f32 [tilespmem:s23], [sflag:$0x8], $0x40, s30, s16, $0xb8;
	[tilespmem:$0x1A800] =	vst v63  }
0x9e: {  	_ =	swait.ge [sflag:s26], $0x1000  }
0x9f: {  	[sflag:s26] =	ssyncset.done $0x0  }
0xa0: {  	[sflag:s26] =	ssyncadd.s32 $0xFFFFF000  }
0xa1: {  	_ =	swait.ge [sflag:s31], $0x1000  }
0xa2: {  	[sflag:s31] =	ssyncset.done $0x0  }
0xa3: {  	[sflag:s31] =	ssyncadd.s32 $0xFFFFF000  }
0xa4: {  	_ =	swait.ge [sflag:s22], $0x1000  }
0xa5: {  	[sflag:s22] =	ssyncset.done $0x0  }
0xa6: {  	[sflag:s22] =	ssyncadd.s32 $0xFFFFF000  }
0xa7: {  	_ =	swait.ge [sflag:s25], $0x1000  }
0xa8: {  	s0 =	sadd.s32 $0x1, s0;
	[sflag:s25] =	ssyncset.done $0x0  }
0xa9: {  	p0 =	sne.s32 s0, s10;
	[sflag:s25] =	ssyncadd.s32 $0xFFFFF000  }
.Ltmp1:
0xaa: {  	[bflag:$0x0] =	sbarrier.arrive $0xFFFF;
	(pc) =	sbr.rel @p0 .LBB2_1-.Ltmp1, $4  }
0xab: {  	[hbm:s9], [sflag:s13] =	dma.local [spmem:s14], $0x1400  }
0xac: {  	_ =	swait.ge [sflag:s11], $0x1400  }
0xad: {  	[sflag:s11] =	ssyncset.done $0x0  }
0xae: {  	[sflag:s11] =	ssyncadd.s32 $0xFFFFEC00  }
0xaf: {  	_ =	sfence.sel $0x180000  }
0xb0: {  	[bflag:$0x0] =	sbarrier.arrive $0xFFFF  }
0xb1: {  	_ =	strace $0x90000050  }
0xb2: {  	s0 =	stileid.u32;
	[bflag:$0x2] =	sbarrier.arrive $0xFFFF  }
0xb3: {  	p0 =	sne.s32 s0, $0x0;
	s0 =	rddreg [dreg:$0x4]  }
0xb4: {  	s0 =	sadd.s32 @!p0 $0x100000, s0  }
0xb5: {  	[sflag:s0] =	ssyncadd.tile.s32 @!p0 $0x1;
	_ =	shalt  }
.Lfunc_end2:
_tile_overlayer_lowered:
.L_overlay_start_2:
0xb6: {  	(tag) =	ssettag $0x2  }
0xb7: {  	s0 =	rddreg [dreg:$0x0];
	s2 =	stileid.u32  }
0xb8: {  	s1 =	rddreg [dreg:$0x1];
	p0 =	sne.s32 s2, $0x0  }
0xb9: {  	s3 =	rddreg [dreg:$0x2];
	[bflag:$0x3] =	sbarrier.arrive $0xFFFF;
	s2 =	simm.s32 @!p0 $0x1C09  }
0xba: {  	[timem:s3], [sflag:s2] =	dma.local @!p0 [hbm:s0], s1  }
0xbb: {  	s0 =	simm.s32 @!p0 $0x9  }
0xbc: {  	_ =	swait.ge @!p0 [sflag:s0], s1  }
0xbd: {  	s1 =	ssub.s32 @!p0 $0x0, s1;
	[sflag:s0] =	ssyncset.done @!p0 $0x0  }
0xbe: {  	[sflag:s0] =	ssyncadd.s32 @!p0 s1  }
0xbf: {  	[bflag:$0x3] =	sbarrier.arrive $0xFFFF  }
0xc0: {  	_ =	shalt  }

</sc_bundles>
